<compile_context>
chip_gen: v7x
topology: tpu7x:2x2x1
jax: 0.10.2.dev20260603
libtpu: 0.0.44.dev20260713+nightly
codegen_flags: <defaults>
</compile_context>

<pallas_src>
import functools

import jax
import jax.numpy as jnp
from jax import lax
from jax.experimental import pallas as pl
from jax.experimental.pallas import tpu as pltpu
from jax.experimental.pallas import tpu_sc as plsc

_C = 4096
_F_SC = 16384
_RG = 4


def _sc_body(rows_per_w, f0, nchunks,
             white_hbm, black_hbm, l0w_hbm, out_hbm,
             wf_buf, bf_buf, w0_buf, acc_buf, sums_buf, red_buf,
             sem0, sem1):
    nc = lax.axis_index("c")
    ns = lax.axis_index("s")
    wid = ns * 2 + nc
    base = wid * rows_per_w

    zero = jnp.zeros((16,), jnp.float32)

    def _zero_body(i, _):
        acc_buf[pl.ds(i * 16, 16)] = zero
        return 0

    lax.fori_loop(0, rows_per_w * 8, _zero_body, 0)

    kiters = _C // 16
    ngroups = rows_per_w // _RG
    sems = (sem0, sem1)

    def _group_copies(c, g, slot):
        sem = sems[slot]
        col = f0 + c * _C
        row0 = base + g * _RG
        return [
            pltpu.make_async_copy(
                white_hbm.at[pl.ds(row0, _RG), pl.ds(col, _C)],
                wf_buf.at[slot], sem),
            pltpu.make_async_copy(
                black_hbm.at[pl.ds(row0, _RG), pl.ds(col, _C)],
                bf_buf.at[slot], sem),
        ]

    def _chunk_body(c, _):
        pltpu.sync_copy(l0w_hbm.at[:, pl.ds(f0 + c * _C, _C)], w0_buf)
        for cp in _group_copies(c, 0, 0):
            cp.start()
        for g in range(ngroups):
            slot = g & 1
            if g + 1 < ngroups:
                for cp in _group_copies(c, g + 1, (g + 1) & 1):
                    cp.start()
            for cp in _group_copies(c, g, slot):
                cp.wait()

            accs = [[acc_buf[pl.ds(((g * _RG + rr) * 8 + j) * 16, 16)]
                     for j in range(8)] for rr in range(_RG)]
            flat = tuple(a for row in accs for a in row)

            def _k_body(k, flat, slot=slot):
                out = [list(flat[rr * 8:(rr + 1) * 8]) for rr in range(_RG)]
                w0v = [w0_buf[m, pl.ds(k * 16, 16)] for m in range(4)]
                for rr in range(_RG):
                    wv = wf_buf[slot, rr, pl.ds(k * 16, 16)]
                    bv = bf_buf[slot, rr, pl.ds(k * 16, 16)]
                    for m in range(4):
                        out[rr][m] = out[rr][m] + wv * w0v[m]
                        out[rr][4 + m] = out[rr][4 + m] + bv * w0v[m]
                return tuple(a for row in out for a in row)

            flat = lax.fori_loop(0, kiters, _k_body, flat)
            for rr in range(_RG):
                for j in range(8):
                    acc_buf[pl.ds(((g * _RG + rr) * 8 + j) * 16, 16)] = \
                        flat[rr * 8 + j]
        return 0

    lax.fori_loop(0, nchunks, _chunk_body, 0)

    lane = lax.iota(jnp.int32, 16)
    lane0 = lane == 0

    def _red_body(i, _):
        v = acc_buf[pl.ds(i * 16, 16)]
        for sh in (8, 4, 2, 1):
            red_buf[...] = v
            v = v + plsc.load_gather(red_buf, [lane ^ sh])
        plsc.store_scatter(sums_buf, [lane * 0 + i], v, mask=lane0)
        return 0

    lax.fori_loop(0, rows_per_w * 8, _red_body, 0)

    pltpu.sync_copy(sums_buf, out_hbm.at[pl.ds(base * 8, rows_per_w * 8)])


def _tc_partial_body(wf_ref, bf_ref, l0w_ref, out_ref):
    w0 = l0w_ref[...]
    pw = jax.lax.dot_general(wf_ref[...], w0, (((1,), (1,)), ((), ())),
                             preferred_element_type=jnp.float32)
    pb = jax.lax.dot_general(bf_ref[...], w0, (((1,), (1,)), ((), ())),
                             preferred_element_type=jnp.float32)
    out_ref[...] = jnp.concatenate([pw, pb], axis=1)


def _combine_body(tcp_ref, scp_ref, turn_ref, l0b_ref, l1w_ref, l1b_ref,
                  l2w_ref, l2b_ref, out_ref):
    acc = tcp_ref[...] + scp_ref[...]
    m = acc.shape[1] // 2
    w = acc[:, :m] + l0b_ref[...]
    b = acc[:, m:] + l0b_ref[...]
    t = turn_ref[...]
    a = t * jnp.concatenate([w, b], axis=1) \
        + (1.0 - t) * jnp.concatenate([b, w], axis=1)
    l1_x = jnp.clip(a, 0.0, 1.0)
    h = jax.lax.dot_general(l1_x, l1w_ref[...], (((1,), (1,)), ((), ())),
                            preferred_element_type=jnp.float32) + l1b_ref[...]
    l2_x = jnp.clip(h, 0.0, 1.0)
    out_ref[...] = (jnp.sum(l2_x * l2w_ref[...], axis=1, keepdims=True)
                    + l2b_ref[0, 0])


def kernel(white_features, black_features, turn, score, result,
           l0_w, l0_b, l1_w, l1_b, l2_w, l2_b):
    del score, result
    B, F = white_features.shape
    M = l0_w.shape[0]
    N = l1_w.shape[0]
    K = l2_w.shape[0]

    f_sc = _F_SC if F > _F_SC else 0
    f_tc = F - f_sc

    info = plsc.get_sparse_core_info()
    nw = info.num_cores * info.num_subcores
    rows_per_w = B // nw
    mesh = plsc.VectorSubcoreMesh(core_axis_name="c", subcore_axis_name="s")
    sc_body = functools.partial(_sc_body, rows_per_w, f_tc, f_sc // _C)
    sc_flat = pl.kernel(
        sc_body,
        mesh=mesh,
        compiler_params=pltpu.CompilerParams(needs_layout_passes=False),
        out_type=jax.ShapeDtypeStruct((B * 2 * M,), jnp.float32),
        scratch_types=[
            pltpu.VMEM((2, _RG, _C), jnp.float32),
            pltpu.VMEM((2, _RG, _C), jnp.float32),
            pltpu.VMEM((M, _C), jnp.float32),
            pltpu.VMEM((rows_per_w * 8 * 16,), jnp.float32),
            pltpu.VMEM((rows_per_w * 8,), jnp.float32),
            pltpu.VMEM((16,), jnp.float32),
            pltpu.SemaphoreType.DMA,
            pltpu.SemaphoreType.DMA,
        ],
    )(white_features, black_features, l0_w)
    sc_partial = sc_flat.reshape(B, 2 * M)

    bt = 32 if B % 32 == 0 else B
    nb = B // bt
    tc_partial = pl.pallas_call(
        _tc_partial_body,
        grid=(nb,),
        in_specs=[
            pl.BlockSpec((bt, f_tc), lambda i: (i, 0)),
            pl.BlockSpec((bt, f_tc), lambda i: (i, 0)),
            pl.BlockSpec((M, f_tc), lambda i: (0, 0)),
        ],
        out_specs=pl.BlockSpec((bt, 2 * M), lambda i: (i, 0)),
        out_shape=jax.ShapeDtypeStruct((B, 2 * M), jnp.float32),
        compiler_params=pltpu.CompilerParams(
            dimension_semantics=("arbitrary",),
        ),
    )(white_features, black_features, l0_w)

    turn_b = jnp.broadcast_to(turn, (B, 2 * M))
    l0_b2 = l0_b.reshape(1, M)
    l1_b2 = l1_b.reshape(1, N)
    l2_b2 = l2_b.reshape(1, K)
    return pl.pallas_call(
        _combine_body,
        grid=(1,),
        in_specs=[
            pl.BlockSpec((B, 2 * M), lambda i: (0, 0)),
            pl.BlockSpec((B, 2 * M), lambda i: (0, 0)),
            pl.BlockSpec((B, 2 * M), lambda i: (0, 0)),
            pl.BlockSpec((1, M), lambda i: (0, 0)),
            pl.BlockSpec((N, 2 * M), lambda i: (0, 0)),
            pl.BlockSpec((1, N), lambda i: (0, 0)),
            pl.BlockSpec((K, N), lambda i: (0, 0)),
            pl.BlockSpec(memory_space=pltpu.SMEM),
        ],
        out_specs=pl.BlockSpec((B, K), lambda i: (0, 0)),
        out_shape=jax.ShapeDtypeStruct((B, K), jnp.float32),
    )(tc_partial, sc_partial, turn_b, l0_b2, l1_w, l1_b2, l2_w, l2_b2)

# --- scband reference (transcript-rebuilt; emitter-appended) ---
"""Pipeline reference for scband-nnue-17549236372205 (READ-ONLY COPY).

The authoritative reference and input builder live on the scoring server;
editing this copy changes nothing except your own understanding.
"""

import jax, jax.numpy as jnp
import numpy as np

NUM_FEATURES = 64 * 64 * 5 * 2 * 2  # 81920
M = 4
N = 8
K = 1
B = 1024


def setup_inputs(seed: int = 0) -> dict:
    key = jax.random.key(seed)
    ks = jax.random.split(key, 12)
    white_features = jax.random.uniform(ks[0], (B, NUM_FEATURES), dtype=jnp.float32)
    black_features = jax.random.uniform(ks[1], (B, NUM_FEATURES), dtype=jnp.float32)
    turn = jax.random.uniform(ks[2], (B, 1), dtype=jnp.float32)
    score = jax.random.normal(ks[3], (B, 1), dtype=jnp.float32)
    result = jax.random.uniform(ks[4], (B, 1), dtype=jnp.float32)
    # Parameters (torch.nn.Linear default init: U(-1/sqrt(fan_in), 1/sqrt(fan_in)))
    b0 = 1.0 / np.sqrt(NUM_FEATURES)
    l0_w = jax.random.uniform(ks[5], (M, NUM_FEATURES), dtype=jnp.float32, minval=-b0, maxval=b0)
    l0_b = jax.random.uniform(ks[6], (M,), dtype=jnp.float32, minval=-b0, maxval=b0)
    b1 = 1.0 / np.sqrt(2 * M)
    l1_w = jax.random.uniform(ks[7], (N, 2 * M), dtype=jnp.float32, minval=-b1, maxval=b1)
    l1_b = jax.random.uniform(ks[8], (N,), dtype=jnp.float32, minval=-b1, maxval=b1)
    b2 = 1.0 / np.sqrt(N)
    l2_w = jax.random.uniform(ks[9], (K, N), dtype=jnp.float32, minval=-b2, maxval=b2)
    l2_b = jax.random.uniform(ks[10], (K,), dtype=jnp.float32, minval=-b2, maxval=b2)
    return {
        'white_features': white_features,
        'black_features': black_features,
        'turn': turn,
        'score': score,
        'result': result,
        'l0_w': l0_w, 'l0_b': l0_b,
        'l1_w': l1_w, 'l1_b': l1_b,
        'l2_w': l2_w, 'l2_b': l2_b,
    }


def reference(white_features, black_features, turn, score, result,
              l0_w, l0_b, l1_w, l1_b, l2_w, l2_b):
    # l0 shared across white and black perspectives (the NNUE accumulator layer)
    w = white_features @ l0_w.T + l0_b
    b = black_features @ l0_w.T + l0_b
    accumulator = turn * jnp.concatenate([w, b], axis=1) + (1.0 - turn) * jnp.concatenate([b, w], axis=1)
    l1_x = jnp.clip(accumulator, 0.0, 1.0)
    l2_x = jnp.clip(l1_x @ l1_w.T + l1_b, 0.0, 1.0)
    return l2_x @ l2_w.T + l2_b

if __name__ == "__main__":
    import jax
    _d = setup_inputs()
    print(jax.jit(kernel)(*tuple(_d.values())))

</pallas_src>

<mosaic_0001>
#map = affine_map<(d0, d1) -> (0, 0)>
#map1 = affine_map<(d0, d1) -> (0)>
module attributes {stable_mosaic.version = 14 : i64} {
  func.func @_sc_body(%arg0: i32, %arg1: i32, %arg2: memref<1024x81920xf32, #tpu.memory_space<hbm>>, %arg3: memref<1024x81920xf32, #tpu.memory_space<hbm>>, %arg4: memref<4x81920xf32, #tpu.memory_space<hbm>>, %arg5: memref<8192xf32, #tpu.memory_space<hbm>>, %arg6: memref<2x4x4096xf32, #tpu.memory_space<vmem>>, %arg7: memref<2x4x4096xf32, #tpu.memory_space<vmem>>, %arg8: memref<4x4096xf32, #tpu.memory_space<vmem>>, %arg9: memref<4096xf32, #tpu.memory_space<vmem>>, %arg10: memref<256xf32, #tpu.memory_space<vmem>>, %arg11: memref<16xf32, #tpu.memory_space<vmem>>, %arg12: memref<!tpu.dma_semaphore, #tpu.memory_space<semaphore_mem>>, %arg13: memref<!tpu.dma_semaphore, #tpu.memory_space<semaphore_mem>>) attributes {dimension_semantics = [#tpu.dimension_semantics<core_parallel>, #tpu.dimension_semantics<subcore_parallel>], iteration_bounds = array<i64: 2, 16>, scalar_prefetch = 0 : i64, scratch_operands = 8 : i64, tpu.core_type = #tpu.core_type<sc_vector_subcore>, window_params = [{transform_indices = #map}, {transform_indices = #map}, {transform_indices = #map}, {transform_indices = #map1}]} {
    %mul3A = arith.constant 2 : i32
    %mul3A_0 = arith.muli %arg1, %mul3A : i32
    %add3A = arith.addi %mul3A_0, %arg0 : i32
    %mul3A_1 = arith.constant 32 : i32
    %mul3A_2 = arith.muli %add3A, %mul3A_1 : i32
    %broadcast_in_dim3A = arith.constant 0.000000e+00 : f32
    %broadcast_in_dim3A_3 = vector.broadcast %broadcast_in_dim3A : f32 to vector<16xf32>
    %scan3A = arith.constant 0 : i32
    %scan3A_4 = arith.constant 0 : i32
    %scan3A_5 = arith.constant 256 : i32
    %scan3A_6 = arith.addi %scan3A_4, %scan3A_5 : i32
    %scan3A_7 = arith.constant 1 : i32
    %scan3A_8 = scf.for %scan3A_28 = %scan3A_4 to %scan3A_6 step %scan3A_7 iter_args(%scan3A_29 = %scan3A) -> (i32)  : i32 {
      %mul3A_30 = arith.constant 16 : i32
      %mul3A_31 = arith.muli %scan3A_28, %mul3A_30 : i32
      %swap3A = arith.index_cast %mul3A_31 : i32 to index
      %swap3A_32 = tpu.vector_load %arg9[%swap3A] {strides = array<i32>} : memref<4096xf32, #tpu.memory_space<vmem>>, vector<16xf32>,
      tpu.vector_store %arg9[%swap3A], %broadcast_in_dim3A_3 {strides = array<i32>} : memref<4096xf32, #tpu.memory_space<vmem>>, vector<16xf32>,
      %scan3A_33 = arith.constant 0 : i32
      scf.yield %scan3A_33 : i32
    }
    %scan3A_9 = arith.constant 256 : i32
    %scan3A_10 = arith.constant 0 : i32
    %scan3A_11 = arith.constant 0 : i32
    %scan3A_12 = arith.constant 4 : i32
    %scan3A_13 = arith.addi %scan3A_11, %scan3A_12 : i32
    %scan3A_14 = arith.constant 1 : i32
    %scan3A_15 = scf.for %scan3A_28 = %scan3A_11 to %scan3A_13 step %scan3A_14 iter_args(%scan3A_29 = %scan3A_10) -> (i32)  : i32 {
      %mul3A_30 = arith.constant 4096 : i32
      %mul3A_31 = arith.muli %scan3A_28, %mul3A_30 : i32
      %add3A_32 = arith.constant 65536 : i32
      %add3A_33 = arith.addi %add3A_32, %mul3A_31 : i32
      "tpu.region"() ({
        %run_scoped3A = tpu.sem_alloc : memref<!tpu.dma_semaphore, #tpu.memory_space<semaphore_mem>>
        %dma_start3A_1551 = arith.constant 0 : i32
        %dma_start3A_1552 = tpu.memref_slice %arg4[%dma_start3A_1551, %add3A_33] : memref<4x81920xf32, #tpu.memory_space<hbm>> -> memref<4x4096xf32, #tpu.memory_space<hbm>>
        %dma_start3A_1553 = arith.constant 0 : i32
        %dma_start3A_1554 = tpu.memref_slice %arg4[%dma_start3A_1553, %add3A_33] : memref<4x81920xf32, #tpu.memory_space<hbm>> -> memref<4x4096xf32, #tpu.memory_space<hbm>>
        tpu.enqueue_dma source(%dma_start3A_1554 : memref<4x4096xf32, #tpu.memory_space<hbm>>) target(%arg8 : memref<4x4096xf32, #tpu.memory_space<vmem>>) target_semaphore(%run_scoped3A : memref<!tpu.dma_semaphore, #tpu.memory_space<semaphore_mem>>)
        %dma_wait3A_1555 = arith.constant 0 : i32
        %dma_wait3A_1556 = tpu.memref_slice %arg4[%dma_wait3A_1555, %add3A_33] : memref<4x81920xf32, #tpu.memory_space<hbm>> -> memref<4x4096xf32, #tpu.memory_space<hbm>>
        %dma_wait3A_1557 = arith.constant 0 : i32
        %dma_wait3A_1558 = tpu.memref_slice %arg4[%dma_wait3A_1557, %add3A_33] : memref<4x81920xf32, #tpu.memory_space<hbm>> -> memref<4x4096xf32, #tpu.memory_space<hbm>>
        tpu.wait_dma2 semaphore(%run_scoped3A : memref<!tpu.dma_semaphore, #tpu.memory_space<semaphore_mem>>) src(%dma_wait3A_1558 : memref<4x4096xf32, #tpu.memory_space<hbm>>) dst(%arg8 : memref<4x4096xf32, #tpu.memory_space<vmem>>)
        tpu.yield
      }) : () -> ()
      %mul3A_34 = arith.constant 4096 : i32
      %mul3A_35 = arith.muli %scan3A_28, %mul3A_34 : i32
      %add3A_36 = arith.constant 65536 : i32
      %add3A_37 = arith.addi %add3A_36, %mul3A_35 : i32
      %add3A_38 = arith.constant 0 : i32
      %add3A_39 = arith.addi %mul3A_2, %add3A_38 : i32
      %dma_start3A = arith.constant 0 : i32
      %dma_start3A_40 = arith.constant 0 : i32
      %dma_start3A_41 = arith.constant 0 : i32
      %dma_start3A_42 = tpu.memref_slice %arg6[%dma_start3A, %dma_start3A_40, %dma_start3A_41] : memref<2x4x4096xf32, #tpu.memory_space<vmem>> -> memref<1x4x4096xf32, #tpu.memory_space<vmem>>
      %dma_start3A_43 = tpu.memref_squeeze %dma_start3A_42 : memref<1x4x4096xf32, #tpu.memory_space<vmem>> -> memref<4x4096xf32, #tpu.memory_space<vmem>>
      %dma_start3A_44 = tpu.memref_slice %arg2[%add3A_39, %add3A_37] : memref<1024x81920xf32, #tpu.memory_space<hbm>> -> memref<4x4096xf32, #tpu.memory_space<hbm>>
      %dma_start3A_45 = arith.constant 0 : i32
      %dma_start3A_46 = arith.constant 0 : i32
      %dma_start3A_47 = tpu.memref_slice %arg6[%dma_start3A, %dma_start3A_45, %dma_start3A_46] : memref<2x4x4096xf32, #tpu.memory_space<vmem>> -> memref<1x4x4096xf32, #tpu.memory_space<vmem>>
      %dma_start3A_48 = tpu.memref_squeeze %dma_start3A_47 : memref<1x4x4096xf32, #tpu.memory_space<vmem>> -> memref<4x4096xf32, #tpu.memory_space<vmem>>
      %dma_start3A_49 = tpu.memref_slice %arg2[%add3A_39, %add3A_37] : memref<1024x81920xf32, #tpu.memory_space<hbm>> -> memref<4x4096xf32, #tpu.memory_space<hbm>>
      tpu.enqueue_dma source(%dma_start3A_49 : memref<4x4096xf32, #tpu.memory_space<hbm>>) target(%dma_start3A_48 : memref<4x4096xf32, #tpu.memory_space<vmem>>) target_semaphore(%arg12 : memref<!tpu.dma_semaphore, #tpu.memory_space<semaphore_mem>>)
      %dma_start3A_50 = arith.constant 0 : i32
      %dma_start3A_51 = arith.constant 0 : i32
      %dma_start3A_52 = arith.constant 0 : i32
      %dma_start3A_53 = tpu.memref_slice %arg7[%dma_start3A_50, %dma_start3A_51, %dma_start3A_52] : memref<2x4x4096xf32, #tpu.memory_space<vmem>> -> memref<1x4x4096xf32, #tpu.memory_space<vmem>>
      %dma_start3A_54 = tpu.memref_squeeze %dma_start3A_53 : memref<1x4x4096xf32, #tpu.memory_space<vmem>> -> memref<4x4096xf32, #tpu.memory_space<vmem>>
      %dma_start3A_55 = tpu.memref_slice %arg3[%add3A_39, %add3A_37] : memref<1024x81920xf32, #tpu.memory_space<hbm>> -> memref<4x4096xf32, #tpu.memory_space<hbm>>
      %dma_start3A_56 = arith.constant 0 : i32
      %dma_start3A_57 = arith.constant 0 : i32
      %dma_start3A_58 = tpu.memref_slice %arg7[%dma_start3A_50, %dma_start3A_56, %dma_start3A_57] : memref<2x4x4096xf32, #tpu.memory_space<vmem>> -> memref<1x4x4096xf32, #tpu.memory_space<vmem>>
      %dma_start3A_59 = tpu.memref_squeeze %dma_start3A_58 : memref<1x4x4096xf32, #tpu.memory_space<vmem>> -> memref<4x4096xf32, #tpu.memory_space<vmem>>
      %dma_start3A_60 = tpu.memref_slice %arg3[%add3A_39, %add3A_37] : memref<1024x81920xf32, #tpu.memory_space<hbm>> -> memref<4x4096xf32, #tpu.memory_space<hbm>>
      tpu.enqueue_dma source(%dma_start3A_60 : memref<4x4096xf32, #tpu.memory_space<hbm>>) target(%dma_start3A_59 : memref<4x4096xf32, #tpu.memory_space<vmem>>) target_semaphore(%arg12 : memref<!tpu.dma_semaphore, #tpu.memory_space<semaphore_mem>>)
      %mul3A_61 = arith.constant 4096 : i32
      %mul3A_62 = arith.muli %scan3A_28, %mul3A_61 : i32
      %add3A_63 = arith.constant 65536 : i32
      %add3A_64 = arith.addi %add3A_63, %mul3A_62 : i32
      %add3A_65 = arith.constant 4 : i32
      %add3A_66 = arith.addi %mul3A_2, %add3A_65 : i32
      %dma_start3A_67 = arith.constant 1 : i32
      %dma_start3A_68 = arith.constant 0 : i32
      %dma_start3A_69 = arith.constant 0 : i32
      %dma_start3A_70 = tpu.memref_slice %arg6[%dma_start3A_67, %dma_start3A_68, %dma_start3A_69] : memref<2x4x4096xf32, #tpu.memory_space<vmem>> -> memref<1x4x4096xf32, #tpu.memory_space<vmem>>
      %dma_start3A_71 = tpu.memref_squeeze %dma_start3A_70 : memref<1x4x4096xf32, #tpu.memory_space<vmem>> -> memref<4x4096xf32, #tpu.memory_space<vmem>>
      %dma_start3A_72 = tpu.memref_slice %arg2[%add3A_66, %add3A_64] : memref<1024x81920xf32, #tpu.memory_space<hbm>> -> memref<4x4096xf32, #tpu.memory_space<hbm>>
      %dma_start3A_73 = arith.constant 0 : i32
      %dma_start3A_74 = arith.constant 0 : i32
      %dma_start3A_75 = tpu.memref_slice %arg6[%dma_start3A_67, %dma_start3A_73, %dma_start3A_74] : memref<2x4x4096xf32, #tpu.memory_space<vmem>> -> memref<1x4x4096xf32, #tpu.memory_space<vmem>>
      %dma_start3A_76 = tpu.memref_squeeze %dma_start3A_75 : memref<1x4x4096xf32, #tpu.memory_space<vmem>> -> memref<4x4096xf32, #tpu.memory_space<vmem>>
      %dma_start3A_77 = tpu.memref_slice %arg2[%add3A_66, %add3A_64] : memref<1024x81920xf32, #tpu.memory_space<hbm>> -> memref<4x4096xf32, #tpu.memory_space<hbm>>
      tpu.enqueue_dma source(%dma_start3A_77 : memref<4x4096xf32, #tpu.memory_space<hbm>>) target(%dma_start3A_76 : memref<4x4096xf32, #tpu.memory_space<vmem>>) target_semaphore(%arg13 : memref<!tpu.dma_semaphore, #tpu.memory_space<semaphore_mem>>)
      %dma_start3A_78 = arith.constant 1 : i32
      %dma_start3A_79 = arith.constant 0 : i32
      %dma_start3A_80 = arith.constant 0 : i32
      %dma_start3A_81 = tpu.memref_slice %arg7[%dma_start3A_78, %dma_start3A_79, %dma_start3A_80] : memref<2x4x4096xf32, #tpu.memory_space<vmem>> -> memref<1x4x4096xf32, #tpu.memory_space<vmem>>
      %dma_start3A_82 = tpu.memref_squeeze %dma_start3A_81 : memref<1x4x4096xf32, #tpu.memory_space<vmem>> -> memref<4x4096xf32, #tpu.memory_space<vmem>>
      %dma_start3A_83 = tpu.memref_slice %arg3[%add3A_66, %add3A_64] : memref<1024x81920xf32, #tpu.memory_space<hbm>> -> memref<4x4096xf32, #tpu.memory_space<hbm>>
      %dma_start3A_84 = arith.constant 0 : i32
      %dma_start3A_85 = arith.constant 0 : i32
      %dma_start3A_86 = tpu.memref_slice %arg7[%dma_start3A_78, %dma_start3A_84, %dma_start3A_85] : memref<2x4x4096xf32, #tpu.memory_space<vmem>> -> memref<1x4x4096xf32, #tpu.memory_space<vmem>>
      %dma_start3A_87 = tpu.memref_squeeze %dma_start3A_86 : memref<1x4x4096xf32, #tpu.memory_space<vmem>> -> memref<4x4096xf32, #tpu.memory_space<vmem>>
      %dma_start3A_88 = tpu.memref_slice %arg3[%add3A_66, %add3A_64] : memref<1024x81920xf32, #tpu.memory_space<hbm>> -> memref<4x4096xf32, #tpu.memory_space<hbm>>
      tpu.enqueue_dma source(%dma_start3A_88 : memref<4x4096xf32, #tpu.memory_space<hbm>>) target(%dma_start3A_87 : memref<4x4096xf32, #tpu.memory_space<vmem>>) target_semaphore(%arg13 : memref<!tpu.dma_semaphore, #tpu.memory_space<semaphore_mem>>)
      %mul3A_89 = arith.constant 4096 : i32
      %mul3A_90 = arith.muli %scan3A_28, %mul3A_89 : i32
      %add3A_91 = arith.constant 65536 : i32
      %add3A_92 = arith.addi %add3A_91, %mul3A_90 : i32
      %add3A_93 = arith.constant 0 : i32
      %add3A_94 = arith.addi %mul3A_2, %add3A_93 : i32
      %dma_wait3A = arith.constant 0 : i32
      %dma_wait3A_95 = arith.constant 0 : i32
      %dma_wait3A_96 = arith.constant 0 : i32
      %dma_wait3A_97 = tpu.memref_slice %arg6[%dma_wait3A, %dma_wait3A_95, %dma_wait3A_96] : memref<2x4x4096xf32, #tpu.memory_space<vmem>> -> memref<1x4x4096xf32, #tpu.memory_space<vmem>>
      %dma_wait3A_98 = tpu.memref_squeeze %dma_wait3A_97 : memref<1x4x4096xf32, #tpu.memory_space<vmem>> -> memref<4x4096xf32, #tpu.memory_space<vmem>>
      %dma_wait3A_99 = tpu.memref_slice %arg2[%add3A_94, %add3A_92] : memref<1024x81920xf32, #tpu.memory_space<hbm>> -> memref<4x4096xf32, #tpu.memory_space<hbm>>
      %dma_wait3A_100 = arith.constant 0 : i32
      %dma_wait3A_101 = arith.constant 0 : i32
      %dma_wait3A_102 = tpu.memref_slice %arg6[%dma_wait3A, %dma_wait3A_100, %dma_wait3A_101] : memref<2x4x4096xf32, #tpu.memory_space<vmem>> -> memref<1x4x4096xf32, #tpu.memory_space<vmem>>
      %dma_wait3A_103 = tpu.memref_squeeze %dma_wait3A_102 : memref<1x4x4096xf32, #tpu.memory_space<vmem>> -> memref<4x4096xf32, #tpu.memory_space<vmem>>
      %dma_wait3A_104 = tpu.memref_slice %arg2[%add3A_94, %add3A_92] : memref<1024x81920xf32, #tpu.memory_space<hbm>> -> memref<4x4096xf32, #tpu.memory_space<hbm>>
      tpu.wait_dma2 semaphore(%arg12 : memref<!tpu.dma_semaphore, #tpu.memory_space<semaphore_mem>>) src(%dma_wait3A_104 : memref<4x4096xf32, #tpu.memory_space<hbm>>) dst(%dma_wait3A_103 : memref<4x4096xf32, #tpu.memory_space<vmem>>)
      %dma_wait3A_105 = arith.constant 0 : i32
      %dma_wait3A_106 = arith.constant 0 : i32
      %dma_wait3A_107 = arith.constant 0 : i32
      %dma_wait3A_108 = tpu.memref_slice %arg7[%dma_wait3A_105, %dma_wait3A_106, %dma_wait3A_107] : memref<2x4x4096xf32, #tpu.memory_space<vmem>> -> memref<1x4x4096xf32, #tpu.memory_space<vmem>>
      %dma_wait3A_109 = tpu.memref_squeeze %dma_wait3A_108 : memref<1x4x4096xf32, #tpu.memory_space<vmem>> -> memref<4x4096xf32, #tpu.memory_space<vmem>>
      %dma_wait3A_110 = tpu.memref_slice %arg3[%add3A_94, %add3A_92] : memref<1024x81920xf32, #tpu.memory_space<hbm>> -> memref<4x4096xf32, #tpu.memory_space<hbm>>
      %dma_wait3A_111 = arith.constant 0 : i32
      %dma_wait3A_112 = arith.constant 0 : i32
      %dma_wait3A_113 = tpu.memref_slice %arg7[%dma_wait3A_105, %dma_wait3A_111, %dma_wait3A_112] : memref<2x4x4096xf32, #tpu.memory_space<vmem>> -> memref<1x4x4096xf32, #tpu.memory_space<vmem>>
      %dma_wait3A_114 = tpu.memref_squeeze %dma_wait3A_113 : memref<1x4x4096xf32, #tpu.memory_space<vmem>> -> memref<4x4096xf32, #tpu.memory_space<vmem>>
      %dma_wait3A_115 = tpu.memref_slice %arg3[%add3A_94, %add3A_92] : memref<1024x81920xf32, #tpu.memory_space<hbm>> -> memref<4x4096xf32, #tpu.memory_space<hbm>>
      tpu.wait_dma2 semaphore(%arg12 : memref<!tpu.dma_semaphore, #tpu.memory_space<semaphore_mem>>) src(%dma_wait3A_115 : memref<4x4096xf32, #tpu.memory_space<hbm>>) dst(%dma_wait3A_114 : memref<4x4096xf32, #tpu.memory_space<vmem>>)
      %get3A = arith.constant 0 : index
      %get3A_116 = tpu.vector_load %arg9[%get3A] {strides = array<i32>} : memref<4096xf32, #tpu.memory_space<vmem>>, vector<16xf32>,
      %get3A_117 = arith.constant 16 : index
      %get3A_118 = tpu.vector_load %arg9[%get3A_117] {strides = array<i32>} : memref<4096xf32, #tpu.memory_space<vmem>>, vector<16xf32>,
      %get3A_119 = arith.constant 32 : index
      %get3A_120 = tpu.vector_load %arg9[%get3A_119] {strides = array<i32>} : memref<4096xf32, #tpu.memory_space<vmem>>, vector<16xf32>,
      %get3A_121 = arith.constant 48 : index
      %get3A_122 = tpu.vector_load %arg9[%get3A_121] {strides = array<i32>} : memref<4096xf32, #tpu.memory_space<vmem>>, vector<16xf32>,
      %get3A_123 = arith.constant 64 : index
      %get3A_124 = tpu.vector_load %arg9[%get3A_123] {strides = array<i32>} : memref<4096xf32, #tpu.memory_space<vmem>>, vector<16xf32>,
      %get3A_125 = arith.constant 80 : index
      %get3A_126 = tpu.vector_load %arg9[%get3A_125] {strides = array<i32>} : memref<4096xf32, #tpu.memory_space<vmem>>, vector<16xf32>,
      %get3A_127 = arith.constant 96 : index
      %get3A_128 = tpu.vector_load %arg9[%get3A_127] {strides = array<i32>} : memref<4096xf32, #tpu.memory_space<vmem>>, vector<16xf32>,
      %get3A_129 = arith.constant 112 : index
      %get3A_130 = tpu.vector_load %arg9[%get3A_129] {strides = array<i32>} : memref<4096xf32, #tpu.memory_space<vmem>>, vector<16xf32>,
      %get3A_131 = arith.constant 128 : index
      %get3A_132 = tpu.vector_load %arg9[%get3A_131] {strides = array<i32>} : memref<4096xf32, #tpu.memory_space<vmem>>, vector<16xf32>,
      %get3A_133 = arith.constant 144 : index
      %get3A_134 = tpu.vector_load %arg9[%get3A_133] {strides = array<i32>} : memref<4096xf32, #tpu.memory_space<vmem>>, vector<16xf32>,
      %get3A_135 = arith.constant 160 : index
      %get3A_136 = tpu.vector_load %arg9[%get3A_135] {strides = array<i32>} : memref<4096xf32, #tpu.memory_space<vmem>>, vector<16xf32>,
      %get3A_137 = arith.constant 176 : index
      %get3A_138 = tpu.vector_load %arg9[%get3A_137] {strides = array<i32>} : memref<4096xf32, #tpu.memory_space<vmem>>, vector<16xf32>,
      %get3A_139 = arith.constant 192 : index
      %get3A_140 = tpu.vector_load %arg9[%get3A_139] {strides = array<i32>} : memref<4096xf32, #tpu.memory_space<vmem>>, vector<16xf32>,
      %get3A_141 = arith.constant 208 : index
      %get3A_142 = tpu.vector_load %arg9[%get3A_141] {strides = array<i32>} : memref<4096xf32, #tpu.memory_space<vmem>>, vector<16xf32>,
      %get3A_143 = arith.constant 224 : index
      %get3A_144 = tpu.vector_load %arg9[%get3A_143] {strides = array<i32>} : memref<4096xf32, #tpu.memory_space<vmem>>, vector<16xf32>,
      %get3A_145 = arith.constant 240 : index
      %get3A_146 = tpu.vector_load %arg9[%get3A_145] {strides = array<i32>} : memref<4096xf32, #tpu.memory_space<vmem>>, vector<16xf32>,
      %get3A_147 = arith.constant 256 : index
      %get3A_148 = tpu.vector_load %arg9[%get3A_147] {strides = array<i32>} : memref<4096xf32, #tpu.memory_space<vmem>>, vector<16xf32>,
      %get3A_149 = arith.constant 272 : index
      %get3A_150 = tpu.vector_load %arg9[%get3A_149] {strides = array<i32>} : memref<4096xf32, #tpu.memory_space<vmem>>, vector<16xf32>,
      %get3A_151 = arith.constant 288 : index
      %get3A_152 = tpu.vector_load %arg9[%get3A_151] {strides = array<i32>} : memref<4096xf32, #tpu.memory_space<vmem>>, vector<16xf32>,
      %get3A_153 = arith.constant 304 : index
      %get3A_154 = tpu.vector_load %arg9[%get3A_153] {strides = array<i32>} : memref<4096xf32, #tpu.memory_space<vmem>>, vector<16xf32>,
      %get3A_155 = arith.constant 320 : index
      %get3A_156 = tpu.vector_load %arg9[%get3A_155] {strides = array<i32>} : memref<4096xf32, #tpu.memory_space<vmem>>, vector<16xf32>,
      %get3A_157 = arith.constant 336 : index
      %get3A_158 = tpu.vector_load %arg9[%get3A_157] {strides = array<i32>} : memref<4096xf32, #tpu.memory_space<vmem>>, vector<16xf32>,
      %get3A_159 = arith.constant 352 : index
      %get3A_160 = tpu.vector_load %arg9[%get3A_159] {strides = array<i32>} : memref<4096xf32, #tpu.memory_space<vmem>>, vector<16xf32>,
      %get3A_161 = arith.constant 368 : index
      %get3A_162 = tpu.vector_load %arg9[%get3A_161] {strides = array<i32>} : memref<4096xf32, #tpu.memory_space<vmem>>, vector<16xf32>,
      %get3A_163 = arith.constant 384 : index
      %get3A_164 = tpu.vector_load %arg9[%get3A_163] {strides = array<i32>} : memref<4096xf32, #tpu.memory_space<vmem>>, vector<16xf32>,
      %get3A_165 = arith.constant 400 : index
      %get3A_166 = tpu.vector_load %arg9[%get3A_165] {strides = array<i32>} : memref<4096xf32, #tpu.memory_space<vmem>>, vector<16xf32>,
      %get3A_167 = arith.constant 416 : index
      %get3A_168 = tpu.vector_load %arg9[%get3A_167] {strides = array<i32>} : memref<4096xf32, #tpu.memory_space<vmem>>, vector<16xf32>,
      %get3A_169 = arith.constant 432 : index
      %get3A_170 = tpu.vector_load %arg9[%get3A_169] {strides = array<i32>} : memref<4096xf32, #tpu.memory_space<vmem>>, vector<16xf32>,
      %get3A_171 = arith.constant 448 : index
      %get3A_172 = tpu.vector_load %arg9[%get3A_171] {strides = array<i32>} : memref<4096xf32, #tpu.memory_space<vmem>>, vector<16xf32>,
      %get3A_173 = arith.constant 464 : index
      %get3A_174 = tpu.vector_load %arg9[%get3A_173] {strides = array<i32>} : memref<4096xf32, #tpu.memory_space<vmem>>, vector<16xf32>,
      %get3A_175 = arith.constant 480 : index
      %get3A_176 = tpu.vector_load %arg9[%get3A_175] {strides = array<i32>} : memref<4096xf32, #tpu.memory_space<vmem>>, vector<16xf32>,
      %get3A_177 = arith.constant 496 : index
      %get3A_178 = tpu.vector_load %arg9[%get3A_177] {strides = array<i32>} : memref<4096xf32, #tpu.memory_space<vmem>>, vector<16xf32>,
      %scan3A_179 = arith.constant 0 : i32
      %scan3A_180 = arith.constant 256 : i32
      %scan3A_181 = arith.addi %scan3A_179, %scan3A_180 : i32
      %scan3A_182 = arith.constant 1 : i32
      %scan3A_183:32 = scf.for %scan3A_1551 = %scan3A_179 to %scan3A_181 step %scan3A_182 iter_args(%scan3A_1552 = %get3A_116, %scan3A_1553 = %get3A_118, %scan3A_1554 = %get3A_120, %scan3A_1555 = %get3A_122, %scan3A_1556 = %get3A_124, %scan3A_1557 = %get3A_126, %scan3A_1558 = %get3A_128, %scan3A_1559 = %get3A_130, %scan3A_1560 = %get3A_132, %scan3A_1561 = %get3A_134, %scan3A_1562 = %get3A_136, %scan3A_1563 = %get3A_138, %scan3A_1564 = %get3A_140, %scan3A_1565 = %get3A_142, %scan3A_1566 = %get3A_144, %scan3A_1567 = %get3A_146, %scan3A_1568 = %get3A_148, %scan3A_1569 = %get3A_150, %scan3A_1570 = %get3A_152, %scan3A_1571 = %get3A_154, %scan3A_1572 = %get3A_156, %scan3A_1573 = %get3A_158, %scan3A_1574 = %get3A_160, %scan3A_1575 = %get3A_162, %scan3A_1576 = %get3A_164, %scan3A_1577 = %get3A_166, %scan3A_1578 = %get3A_168, %scan3A_1579 = %get3A_170, %scan3A_1580 = %get3A_172, %scan3A_1581 = %get3A_174, %scan3A_1582 = %get3A_176, %scan3A_1583 = %get3A_178) -> (vector<16xf32>, vector<16xf32>, vector<16xf32>, vector<16xf32>, vector<16xf32>, vector<16xf32>, vector<16xf32>, vector<16xf32>, vector<16xf32>, vector<16xf32>, vector<16xf32>, vector<16xf32>, vector<16xf32>, vector<16xf32>, vector<16xf32>, vector<16xf32>, vector<16xf32>, vector<16xf32>, vector<16xf32>, vector<16xf32>, vector<16xf32>, vector<16xf32>, vector<16xf32>, vector<16xf32>, vector<16xf32>, vector<16xf32>, vector<16xf32>, vector<16xf32>, vector<16xf32>, vector<16xf32>, vector<16xf32>, vector<16xf32>)  : i32 {
        %mul3A_1584 = arith.constant 16 : i32
        %mul3A_1585 = arith.muli %scan3A_1551, %mul3A_1584 : i32
        %get3A_1586 = arith.constant 0 : i32
        %get3A_1587 = arith.index_cast %get3A_1586 : i32 to index
        %get3A_1588 = arith.index_cast %mul3A_1585 : i32 to index
        %get3A_1589 = tpu.vector_load %arg8[%get3A_1587, %get3A_1588] {strides = array<i32>} : memref<4x4096xf32, #tpu.memory_space<vmem>>, vector<16xf32>,
        %mul3A_1590 = arith.constant 16 : i32
        %mul3A_1591 = arith.muli %scan3A_1551, %mul3A_1590 : i32
        %get3A_1592 = arith.constant 1 : i32
        %get3A_1593 = arith.index_cast %get3A_1592 : i32 to index
        %get3A_1594 = arith.index_cast %mul3A_1591 : i32 to index
        %get3A_1595 = tpu.vector_load %arg8[%get3A_1593, %get3A_1594] {strides = array<i32>} : memref<4x4096xf32, #tpu.memory_space<vmem>>, vector<16xf32>,
        %mul3A_1596 = arith.constant 16 : i32
        %mul3A_1597 = arith.muli %scan3A_1551, %mul3A_1596 : i32
        %get3A_1598 = arith.constant 2 : i32
        %get3A_1599 = arith.index_cast %get3A_1598 : i32 to index
        %get3A_1600 = arith.index_cast %mul3A_1597 : i32 to index
        %get3A_1601 = tpu.vector_load %arg8[%get3A_1599, %get3A_1600] {strides = array<i32>} : memref<4x4096xf32, #tpu.memory_space<vmem>>, vector<16xf32>,
        %mul3A_1602 = arith.constant 16 : i32
        %mul3A_1603 = arith.muli %scan3A_1551, %mul3A_1602 : i32
        %get3A_1604 = arith.constant 3 : i32
        %get3A_1605 = arith.index_cast %get3A_1604 : i32 to index
        %get3A_1606 = arith.index_cast %mul3A_1603 : i32 to index
        %get3A_1607 = tpu.vector_load %arg8[%get3A_1605, %get3A_1606] {strides = array<i32>} : memref<4x4096xf32, #tpu.memory_space<vmem>>, vector<16xf32>,
        %mul3A_1608 = arith.constant 16 : i32
        %mul3A_1609 = arith.muli %scan3A_1551, %mul3A_1608 : i32
        %get3A_1610 = arith.constant 0 : i32
        %get3A_1611 = arith.constant 0 : i32
        %get3A_1612 = arith.index_cast %get3A_1610 : i32 to index
        %get3A_1613 = arith.index_cast %get3A_1611 : i32 to index
        %get3A_1614 = arith.index_cast %mul3A_1609 : i32 to index
        %get3A_1615 = tpu.vector_load %arg6[%get3A_1612, %get3A_1613, %get3A_1614] {strides = array<i32>} : memref<2x4x4096xf32, #tpu.memory_space<vmem>>, vector<16xf32>,
        %mul3A_1616 = arith.constant 16 : i32
        %mul3A_1617 = arith.muli %scan3A_1551, %mul3A_1616 : i32
        %get3A_1618 = arith.constant 0 : i32
        %get3A_1619 = arith.constant 0 : i32
        %get3A_1620 = arith.index_cast %get3A_1618 : i32 to index
        %get3A_1621 = arith.index_cast %get3A_1619 : i32 to index
        %get3A_1622 = arith.index_cast %mul3A_1617 : i32 to index
        %get3A_1623 = tpu.vector_load %arg7[%get3A_1620, %get3A_1621, %get3A_1622] {strides = array<i32>} : memref<2x4x4096xf32, #tpu.memory_space<vmem>>, vector<16xf32>,
        %mul3A_1624 = arith.mulf %get3A_1615, %get3A_1589 : vector<16xf32>
        %add3A_1625 = arith.addf %scan3A_1552, %mul3A_1624 : vector<16xf32>
        %mul3A_1626 = arith.mulf %get3A_1623, %get3A_1589 : vector<16xf32>
        %add3A_1627 = arith.addf %scan3A_1556, %mul3A_1626 : vector<16xf32>
        %mul3A_1628 = arith.mulf %get3A_1615, %get3A_1595 : vector<16xf32>
        %add3A_1629 = arith.addf %scan3A_1553, %mul3A_1628 : vector<16xf32>
        %mul3A_1630 = arith.mulf %get3A_1623, %get3A_1595 : vector<16xf32>
        %add3A_1631 = arith.addf %scan3A_1557, %mul3A_1630 : vector<16xf32>
        %mul3A_1632 = arith.mulf %get3A_1615, %get3A_1601 : vector<16xf32>
        %add3A_1633 = arith.addf %scan3A_1554, %mul3A_1632 : vector<16xf32>
        %mul3A_1634 = arith.mulf %get3A_1623, %get3A_1601 : vector<16xf32>
        %add3A_1635 = arith.addf %scan3A_1558, %mul3A_1634 : vector<16xf32>
        %mul3A_1636 = arith.mulf %get3A_1615, %get3A_1607 : vector<16xf32>
        %add3A_1637 = arith.addf %scan3A_1555, %mul3A_1636 : vector<16xf32>
        %mul3A_1638 = arith.mulf %get3A_1623, %get3A_1607 : vector<16xf32>
        %add3A_1639 = arith.addf %scan3A_1559, %mul3A_1638 : vector<16xf32>
        %mul3A_1640 = arith.constant 16 : i32
        %mul3A_1641 = arith.muli %scan3A_1551, %mul3A_1640 : i32
        %get3A_1642 = arith.constant 0 : i32
        %get3A_1643 = arith.constant 1 : i32
        %get3A_1644 = arith.index_cast %get3A_1642 : i32 to index
        %get3A_1645 = arith.index_cast %get3A_1643 : i32 to index
        %get3A_1646 = arith.index_cast %mul3A_1641 : i32 to index
        %get3A_1647 = tpu.vector_load %arg6[%get3A_1644, %get3A_1645, %get3A_1646] {strides = array<i32>} : memref<2x4x4096xf32, #tpu.memory_space<vmem>>, vector<16xf32>,
        %mul3A_1648 = arith.constant 16 : i32
        %mul3A_1649 = arith.muli %scan3A_1551, %mul3A_1648 : i32
        %get3A_1650 = arith.constant 0 : i32
        %get3A_1651 = arith.constant 1 : i32
        %get3A_1652 = arith.index_cast %get3A_1650 : i32 to index
        %get3A_1653 = arith.index_cast %get3A_1651 : i32 to index
        %get3A_1654 = arith.index_cast %mul3A_1649 : i32 to index
        %get3A_1655 = tpu.vector_load %arg7[%get3A_1652, %get3A_1653, %get3A_1654] {strides = array<i32>} : memref<2x4x4096xf32, #tpu.memory_space<vmem>>, vector<16xf32>,
        %mul3A_1656 = arith.mulf %get3A_1647, %get3A_1589 : vector<16xf32>
        %add3A_1657 = arith.addf %scan3A_1560, %mul3A_1656 : vector<16xf32>
        %mul3A_1658 = arith.mulf %get3A_1655, %get3A_1589 : vector<16xf32>
        %add3A_1659 = arith.addf %scan3A_1564, %mul3A_1658 : vector<16xf32>
        %mul3A_1660 = arith.mulf %get3A_1647, %get3A_1595 : vector<16xf32>
        %add3A_1661 = arith.addf %scan3A_1561, %mul3A_1660 : vector<16xf32>
        %mul3A_1662 = arith.mulf %get3A_1655, %get3A_1595 : vector<16xf32>
        %add3A_1663 = arith.addf %scan3A_1565, %mul3A_1662 : vector<16xf32>
        %mul3A_1664 = arith.mulf %get3A_1647, %get3A_1601 : vector<16xf32>
        %add3A_1665 = arith.addf %scan3A_1562, %mul3A_1664 : vector<16xf32>
        %mul3A_1666 = arith.mulf %get3A_1655, %get3A_1601 : vector<16xf32>
        %add3A_1667 = arith.addf %scan3A_1566, %mul3A_1666 : vector<16xf32>
        %mul3A_1668 = arith.mulf %get3A_1647, %get3A_1607 : vector<16xf32>
        %add3A_1669 = arith.addf %scan3A_1563, %mul3A_1668 : vector<16xf32>
        %mul3A_1670 = arith.mulf %get3A_1655, %get3A_1607 : vector<16xf32>
        %add3A_1671 = arith.addf %scan3A_1567, %mul3A_1670 : vector<16xf32>
        %mul3A_1672 = arith.constant 16 : i32
        %mul3A_1673 = arith.muli %scan3A_1551, %mul3A_1672 : i32
        %get3A_1674 = arith.constant 0 : i32
        %get3A_1675 = arith.constant 2 : i32
        %get3A_1676 = arith.index_cast %get3A_1674 : i32 to index
        %get3A_1677 = arith.index_cast %get3A_1675 : i32 to index
        %get3A_1678 = arith.index_cast %mul3A_1673 : i32 to index
        %get3A_1679 = tpu.vector_load %arg6[%get3A_1676, %get3A_1677, %get3A_1678] {strides = array<i32>} : memref<2x4x4096xf32, #tpu.memory_space<vmem>>, vector<16xf32>,
        %mul3A_1680 = arith.constant 16 : i32
        %mul3A_1681 = arith.muli %scan3A_1551, %mul3A_1680 : i32
        %get3A_1682 = arith.constant 0 : i32
        %get3A_1683 = arith.constant 2 : i32
        %get3A_1684 = arith.index_cast %get3A_1682 : i32 to index
        %get3A_1685 = arith.index_cast %get3A_1683 : i32 to index
        %get3A_1686 = arith.index_cast %mul3A_1681 : i32 to index
        %get3A_1687 = tpu.vector_load %arg7[%get3A_1684, %get3A_1685, %get3A_1686] {strides = array<i32>} : memref<2x4x4096xf32, #tpu.memory_space<vmem>>, vector<16xf32>,
        %mul3A_1688 = arith.mulf %get3A_1679, %get3A_1589 : vector<16xf32>
        %add3A_1689 = arith.addf %scan3A_1568, %mul3A_1688 : vector<16xf32>
        %mul3A_1690 = arith.mulf %get3A_1687, %get3A_1589 : vector<16xf32>
        %add3A_1691 = arith.addf %scan3A_1572, %mul3A_1690 : vector<16xf32>
        %mul3A_1692 = arith.mulf %get3A_1679, %get3A_1595 : vector<16xf32>
        %add3A_1693 = arith.addf %scan3A_1569, %mul3A_1692 : vector<16xf32>
        %mul3A_1694 = arith.mulf %get3A_1687, %get3A_1595 : vector<16xf32>
        %add3A_1695 = arith.addf %scan3A_1573, %mul3A_1694 : vector<16xf32>
        %mul3A_1696 = arith.mulf %get3A_1679, %get3A_1601 : vector<16xf32>
        %add3A_1697 = arith.addf %scan3A_1570, %mul3A_1696 : vector<16xf32>
        %mul3A_1698 = arith.mulf %get3A_1687, %get3A_1601 : vector<16xf32>
        %add3A_1699 = arith.addf %scan3A_1574, %mul3A_1698 : vector<16xf32>
        %mul3A_1700 = arith.mulf %get3A_1679, %get3A_1607 : vector<16xf32>
        %add3A_1701 = arith.addf %scan3A_1571, %mul3A_1700 : vector<16xf32>
        %mul3A_1702 = arith.mulf %get3A_1687, %get3A_1607 : vector<16xf32>
        %add3A_1703 = arith.addf %scan3A_1575, %mul3A_1702 : vector<16xf32>
        %mul3A_1704 = arith.constant 16 : i32
        %mul3A_1705 = arith.muli %scan3A_1551, %mul3A_1704 : i32
        %get3A_1706 = arith.constant 0 : i32
        %get3A_1707 = arith.constant 3 : i32
        %get3A_1708 = arith.index_cast %get3A_1706 : i32 to index
        %get3A_1709 = arith.index_cast %get3A_1707 : i32 to index
        %get3A_1710 = arith.index_cast %mul3A_1705 : i32 to index
        %get3A_1711 = tpu.vector_load %arg6[%get3A_1708, %get3A_1709, %get3A_1710] {strides = array<i32>} : memref<2x4x4096xf32, #tpu.memory_space<vmem>>, vector<16xf32>,
        %mul3A_1712 = arith.constant 16 : i32
        %mul3A_1713 = arith.muli %scan3A_1551, %mul3A_1712 : i32
        %get3A_1714 = arith.constant 0 : i32
        %get3A_1715 = arith.constant 3 : i32
        %get3A_1716 = arith.index_cast %get3A_1714 : i32 to index
        %get3A_1717 = arith.index_cast %get3A_1715 : i32 to index
        %get3A_1718 = arith.index_cast %mul3A_1713 : i32 to index
        %get3A_1719 = tpu.vector_load %arg7[%get3A_1716, %get3A_1717, %get3A_1718] {strides = array<i32>} : memref<2x4x4096xf32, #tpu.memory_space<vmem>>, vector<16xf32>,
        %mul3A_1720 = arith.mulf %get3A_1711, %get3A_1589 : vector<16xf32>
        %add3A_1721 = arith.addf %scan3A_1576, %mul3A_1720 : vector<16xf32>
        %mul3A_1722 = arith.mulf %get3A_1719, %get3A_1589 : vector<16xf32>
        %add3A_1723 = arith.addf %scan3A_1580, %mul3A_1722 : vector<16xf32>
        %mul3A_1724 = arith.mulf %get3A_1711, %get3A_1595 : vector<16xf32>
        %add3A_1725 = arith.addf %scan3A_1577, %mul3A_1724 : vector<16xf32>
        %mul3A_1726 = arith.mulf %get3A_1719, %get3A_1595 : vector<16xf32>
        %add3A_1727 = arith.addf %scan3A_1581, %mul3A_1726 : vector<16xf32>
        %mul3A_1728 = arith.mulf %get3A_1711, %get3A_1601 : vector<16xf32>
        %add3A_1729 = arith.addf %scan3A_1578, %mul3A_1728 : vector<16xf32>
        %mul3A_1730 = arith.mulf %get3A_1719, %get3A_1601 : vector<16xf32>
        %add3A_1731 = arith.addf %scan3A_1582, %mul3A_1730 : vector<16xf32>
        %mul3A_1732 = arith.mulf %get3A_1711, %get3A_1607 : vector<16xf32>
        %add3A_1733 = arith.addf %scan3A_1579, %mul3A_1732 : vector<16xf32>
        %mul3A_1734 = arith.mulf %get3A_1719, %get3A_1607 : vector<16xf32>
        %add3A_1735 = arith.addf %scan3A_1583, %mul3A_1734 : vector<16xf32>
        scf.yield %add3A_1625, %add3A_1629, %add3A_1633, %add3A_1637, %add3A_1627, %add3A_1631, %add3A_1635, %add3A_1639, %add3A_1657, %add3A_1661, %add3A_1665, %add3A_1669, %add3A_1659, %add3A_1663, %add3A_1667, %add3A_1671, %add3A_1689, %add3A_1693, %add3A_1697, %add3A_1701, %add3A_1691, %add3A_1695, %add3A_1699, %add3A_1703, %add3A_1721, %add3A_1725, %add3A_1729, %add3A_1733, %add3A_1723, %add3A_1727, %add3A_1731, %add3A_1735 : vector<16xf32>, vector<16xf32>, vector<16xf32>, vector<16xf32>, vector<16xf32>, vector<16xf32>, vector<16xf32>, vector<16xf32>, vector<16xf32>, vector<16xf32>, vector<16xf32>, vector<16xf32>, vector<16xf32>, vector<16xf32>, vector<16xf32>, vector<16xf32>, vector<16xf32>, vector<16xf32>, vector<16xf32>, vector<16xf32>, vector<16xf32>, vector<16xf32>, vector<16xf32>, vector<16xf32>, vector<16xf32>, vector<16xf32>, vector<16xf32>, vector<16xf32>, vector<16xf32>, vector<16xf32>, vector<16xf32>, vector<16xf32>
      }
      %scan3A_184 = arith.constant 256 : i32
      %swap3A = arith.constant 0 : index
      %swap3A_185 = tpu.vector_load %arg9[%swap3A] {strides = array<i32>} : memref<4096xf32, #tpu.memory_space<vmem>>, vector<16xf32>,
      tpu.vector_store %arg9[%swap3A], %scan3A_183#0 {strides = array<i32>} : memref<4096xf32, #tpu.memory_space<vmem>>, vector<16xf32>,
      %swap3A_186 = arith.constant 16 : index
      %swap3A_187 = tpu.vector_load %arg9[%swap3A_186] {strides = array<i32>} : memref<4096xf32, #tpu.memory_space<vmem>>, vector<16xf32>,
      tpu.vector_store %arg9[%swap3A_186], %scan3A_183#1 {strides = array<i32>} : memref<4096xf32, #tpu.memory_space<vmem>>, vector<16xf32>,
      %swap3A_188 = arith.constant 32 : index
      %swap3A_189 = tpu.vector_load %arg9[%swap3A_188] {strides = array<i32>} : memref<4096xf32, #tpu.memory_space<vmem>>, vector<16xf32>,
      tpu.vector_store %arg9[%swap3A_188], %scan3A_183#2 {strides = array<i32>} : memref<4096xf32, #tpu.memory_space<vmem>>, vector<16xf32>,
      %swap3A_190 = arith.constant 48 : index
      %swap3A_191 = tpu.vector_load %arg9[%swap3A_190] {strides = array<i32>} : memref<4096xf32, #tpu.memory_space<vmem>>, vector<16xf32>,
      tpu.vector_store %arg9[%swap3A_190], %scan3A_183#3 {strides = array<i32>} : memref<4096xf32, #tpu.memory_space<vmem>>, vector<16xf32>,
      %swap3A_192 = arith.constant 64 : index
      %swap3A_193 = tpu.vector_load %arg9[%swap3A_192] {strides = array<i32>} : memref<4096xf32, #tpu.memory_space<vmem>>, vector<16xf32>,
      tpu.vector_store %arg9[%swap3A_192], %scan3A_183#4 {strides = array<i32>} : memref<4096xf32, #tpu.memory_space<vmem>>, vector<16xf32>,
      %swap3A_194 = arith.constant 80 : index
      %swap3A_195 = tpu.vector_load %arg9[%swap3A_194] {strides = array<i32>} : memref<4096xf32, #tpu.memory_space<vmem>>, vector<16xf32>,
      tpu.vector_store %arg9[%swap3A_194], %scan3A_183#5 {strides = array<i32>} : memref<4096xf32, #tpu.memory_space<vmem>>, vector<16xf32>,
      %swap3A_196 = arith.constant 96 : index
      %swap3A_197 = tpu.vector_load %arg9[%swap3A_196] {strides = array<i32>} : memref<4096xf32, #tpu.memory_space<vmem>>, vector<16xf32>,
      tpu.vector_store %arg9[%swap3A_196], %scan3A_183#6 {strides = array<i32>} : memref<4096xf32, #tpu.memory_space<vmem>>, vector<16xf32>,
      %swap3A_198 = arith.constant 112 : index
      %swap3A_199 = tpu.vector_load %arg9[%swap3A_198] {strides = array<i32>} : memref<4096xf32, #tpu.memory_space<vmem>>, vector<16xf32>,
      tpu.vector_store %arg9[%swap3A_198], %scan3A_183#7 {strides = array<i32>} : memref<4096xf32, #tpu.memory_space<vmem>>, vector<16xf32>,
      %swap3A_200 = arith.constant 128 : index
      %swap3A_201 = tpu.vector_load %arg9[%swap3A_200] {strides = array<i32>} : memref<4096xf32, #tpu.memory_space<vmem>>, vector<16xf32>,
      tpu.vector_store %arg9[%swap3A_200], %scan3A_183#8 {strides = array<i32>} : memref<4096xf32, #tpu.memory_space<vmem>>, vector<16xf32>,
      %swap3A_202 = arith.constant 144 : index
      %swap3A_203 = tpu.vector_load %arg9[%swap3A_202] {strides = array<i32>} : memref<4096xf32, #tpu.memory_space<vmem>>, vector<16xf32>,
      tpu.vector_store %arg9[%swap3A_202], %scan3A_183#9 {strides = array<i32>} : memref<4096xf32, #tpu.memory_space<vmem>>, vector<16xf32>,
      %swap3A_204 = arith.constant 160 : index
      %swap3A_205 = tpu.vector_load %arg9[%swap3A_204] {strides = array<i32>} : memref<4096xf32, #tpu.memory_space<vmem>>, vector<16xf32>,
      tpu.vector_store %arg9[%swap3A_204], %scan3A_183#10 {strides = array<i32>} : memref<4096xf32, #tpu.memory_space<vmem>>, vector<16xf32>,
      %swap3A_206 = arith.constant 176 : index
      %swap3A_207 = tpu.vector_load %arg9[%swap3A_206] {strides = array<i32>} : memref<4096xf32, #tpu.memory_space<vmem>>, vector<16xf32>,
      tpu.vector_store %arg9[%swap3A_206], %scan3A_183#11 {strides = array<i32>} : memref<4096xf32, #tpu.memory_space<vmem>>, vector<16xf32>,
      %swap3A_208 = arith.constant 192 : index
      %swap3A_209 = tpu.vector_load %arg9[%swap3A_208] {strides = array<i32>} : memref<4096xf32, #tpu.memory_space<vmem>>, vector<16xf32>,
      tpu.vector_store %arg9[%swap3A_208], %scan3A_183#12 {strides = array<i32>} : memref<4096xf32, #tpu.memory_space<vmem>>, vector<16xf32>,
      %swap3A_210 = arith.constant 208 : index
      %swap3A_211 = tpu.vector_load %arg9[%swap3A_210] {strides = array<i32>} : memref<4096xf32, #tpu.memory_space<vmem>>, vector<16xf32>,
      tpu.vector_store %arg9[%swap3A_210], %scan3A_183#13 {strides = array<i32>} : memref<4096xf32, #tpu.memory_space<vmem>>, vector<16xf32>,
      %swap3A_212 = arith.constant 224 : index
      %swap3A_213 = tpu.vector_load %arg9[%swap3A_212] {strides = array<i32>} : memref<4096xf32, #tpu.memory_space<vmem>>, vector<16xf32>,
      tpu.vector_store %arg9[%swap3A_212], %scan3A_183#14 {strides = array<i32>} : memref<4096xf32, #tpu.memory_space<vmem>>, vector<16xf32>,
      %swap3A_214 = arith.constant 240 : index
      %swap3A_215 = tpu.vector_load %arg9[%swap3A_214] {strides = array<i32>} : memref<4096xf32, #tpu.memory_space<vmem>>, vector<16xf32>,
      tpu.vector_store %arg9[%swap3A_214], %scan3A_183#15 {strides = array<i32>} : memref<4096xf32, #tpu.memory_space<vmem>>, vector<16xf32>,
      %swap3A_216 = arith.constant 256 : index
      %swap3A_217 = tpu.vector_load %arg9[%swap3A_216] {strides = array<i32>} : memref<4096xf32, #tpu.memory_space<vmem>>, vector<16xf32>,
      tpu.vector_store %arg9[%swap3A_216], %scan3A_183#16 {strides = array<i32>} : memref<4096xf32, #tpu.memory_space<vmem>>, vector<16xf32>,
      %swap3A_218 = arith.constant 272 : index
      %swap3A_219 = tpu.vector_load %arg9[%swap3A_218] {strides = array<i32>} : memref<4096xf32, #tpu.memory_space<vmem>>, vector<16xf32>,
      tpu.vector_store %arg9[%swap3A_218], %scan3A_183#17 {strides = array<i32>} : memref<4096xf32, #tpu.memory_space<vmem>>, vector<16xf32>,
      %swap3A_220 = arith.constant 288 : index
      %swap3A_221 = tpu.vector_load %arg9[%swap3A_220] {strides = array<i32>} : memref<4096xf32, #tpu.memory_space<vmem>>, vector<16xf32>,
      tpu.vector_store %arg9[%swap3A_220], %scan3A_183#18 {strides = array<i32>} : memref<4096xf32, #tpu.memory_space<vmem>>, vector<16xf32>,
      %swap3A_222 = arith.constant 304 : index
      %swap3A_223 = tpu.vector_load %arg9[%swap3A_222] {strides = array<i32>} : memref<4096xf32, #tpu.memory_space<vmem>>, vector<16xf32>,
      tpu.vector_store %arg9[%swap3A_222], %scan3A_183#19 {strides = array<i32>} : memref<4096xf32, #tpu.memory_space<vmem>>, vector<16xf32>,
      %swap3A_224 = arith.constant 320 : index
      %swap3A_225 = tpu.vector_load %arg9[%swap3A_224] {strides = array<i32>} : memref<4096xf32, #tpu.memory_space<vmem>>, vector<16xf32>,
      tpu.vector_store %arg9[%swap3A_224], %scan3A_183#20 {strides = array<i32>} : memref<4096xf32, #tpu.memory_space<vmem>>, vector<16xf32>,
      %swap3A_226 = arith.constant 336 : index
      %swap3A_227 = tpu.vector_load %arg9[%swap3A_226] {strides = array<i32>} : memref<4096xf32, #tpu.memory_space<vmem>>, vector<16xf32>,
      tpu.vector_store %arg9[%swap3A_226], %scan3A_183#21 {strides = array<i32>} : memref<4096xf32, #tpu.memory_space<vmem>>, vector<16xf32>,
      %swap3A_228 = arith.constant 352 : index
      %swap3A_229 = tpu.vector_load %arg9[%swap3A_228] {strides = array<i32>} : memref<4096xf32, #tpu.memory_space<vmem>>, vector<16xf32>,
      tpu.vector_store %arg9[%swap3A_228], %scan3A_183#22 {strides = array<i32>} : memref<4096xf32, #tpu.memory_space<vmem>>, vector<16xf32>,
      %swap3A_230 = arith.constant 368 : index
      %swap3A_231 = tpu.vector_load %arg9[%swap3A_230] {strides = array<i32>} : memref<4096xf32, #tpu.memory_space<vmem>>, vector<16xf32>,
      tpu.vector_store %arg9[%swap3A_230], %scan3A_183#23 {strides = array<i32>} : memref<4096xf32, #tpu.memory_space<vmem>>, vector<16xf32>,
      %swap3A_232 = arith.constant 384 : index
      %swap3A_233 = tpu.vector_load %arg9[%swap3A_232] {strides = array<i32>} : memref<4096xf32, #tpu.memory_space<vmem>>, vector<16xf32>,
      tpu.vector_store %arg9[%swap3A_232], %scan3A_183#24 {strides = array<i32>} : memref<4096xf32, #tpu.memory_space<vmem>>, vector<16xf32>,
      %swap3A_234 = arith.constant 400 : index
      %swap3A_235 = tpu.vector_load %arg9[%swap3A_234] {strides = array<i32>} : memref<4096xf32, #tpu.memory_space<vmem>>, vector<16xf32>,
      tpu.vector_store %arg9[%swap3A_234], %scan3A_183#25 {strides = array<i32>} : memref<4096xf32, #tpu.memory_space<vmem>>, vector<16xf32>,
      %swap3A_236 = arith.constant 416 : index
      %swap3A_237 = tpu.vector_load %arg9[%swap3A_236] {strides = array<i32>} : memref<4096xf32, #tpu.memory_space<vmem>>, vector<16xf32>,
      tpu.vector_store %arg9[%swap3A_236], %scan3A_183#26 {strides = array<i32>} : memref<4096xf32, #tpu.memory_space<vmem>>, vector<16xf32>,
      %swap3A_238 = arith.constant 432 : index
      %swap3A_239 = tpu.vector_load %arg9[%swap3A_238] {strides = array<i32>} : memref<4096xf32, #tpu.memory_space<vmem>>, vector<16xf32>,
      tpu.vector_store %arg9[%swap3A_238], %scan3A_183#27 {strides = array<i32>} : memref<4096xf32, #tpu.memory_space<vmem>>, vector<16xf32>,
      %swap3A_240 = arith.constant 448 : index
      %swap3A_241 = tpu.vector_load %arg9[%swap3A_240] {strides = array<i32>} : memref<4096xf32, #tpu.memory_space<vmem>>, vector<16xf32>,
      tpu.vector_store %arg9[%swap3A_240], %scan3A_183#28 {strides = array<i32>} : memref<4096xf32, #tpu.memory_space<vmem>>, vector<16xf32>,
      %swap3A_242 = arith.constant 464 : index
      %swap3A_243 = tpu.vector_load %arg9[%swap3A_242] {strides = array<i32>} : memref<4096xf32, #tpu.memory_space<vmem>>, vector<16xf32>,
      tpu.vector_store %arg9[%swap3A_242], %scan3A_183#29 {strides = array<i32>} : memref<4096xf32, #tpu.memory_space<vmem>>, vector<16xf32>,
      %swap3A_244 = arith.constant 480 : index
      %swap3A_245 = tpu.vector_load %arg9[%swap3A_244] {strides = array<i32>} : memref<4096xf32, #tpu.memory_space<vmem>>, vector<16xf32>,
      tpu.vector_store %arg9[%swap3A_244], %scan3A_183#30 {strides = array<i32>} : memref<4096xf32, #tpu.memory_space<vmem>>, vector<16xf32>,
      %swap3A_246 = arith.constant 496 : index
      %swap3A_247 = tpu.vector_load %arg9[%swap3A_246] {strides = array<i32>} : memref<4096xf32, #tpu.memory_space<vmem>>, vector<16xf32>,
      tpu.vector_store %arg9[%swap3A_246], %scan3A_183#31 {strides = array<i32>} : memref<4096xf32, #tpu.memory_space<vmem>>, vector<16xf32>,
      %mul3A_248 = arith.constant 4096 : i32
      %mul3A_249 = arith.muli %scan3A_28, %mul3A_248 : i32
      %add3A_250 = arith.constant 65536 : i32
      %add3A_251 = arith.addi %add3A_250, %mul3A_249 : i32
      %add3A_252 = arith.constant 8 : i32
      %add3A_253 = arith.addi %mul3A_2, %add3A_252 : i32
      %dma_start3A_254 = arith.constant 0 : i32
      %dma_start3A_255 = arith.constant 0 : i32
      %dma_start3A_256 = arith.constant 0 : i32
      %dma_start3A_257 = tpu.memref_slice %arg6[%dma_start3A_254, %dma_start3A_255, %dma_start3A_256] : memref<2x4x4096xf32, #tpu.memory_space<vmem>> -> memref<1x4x4096xf32, #tpu.memory_space<vmem>>
      %dma_start3A_258 = tpu.memref_squeeze %dma_start3A_257 : memref<1x4x4096xf32, #tpu.memory_space<vmem>> -> memref<4x4096xf32, #tpu.memory_space<vmem>>
      %dma_start3A_259 = tpu.memref_slice %arg2[%add3A_253, %add3A_251] : memref<1024x81920xf32, #tpu.memory_space<hbm>> -> memref<4x4096xf32, #tpu.memory_space<hbm>>
      %dma_start3A_260 = arith.constant 0 : i32
      %dma_start3A_261 = arith.constant 0 : i32
      %dma_start3A_262 = tpu.memref_slice %arg6[%dma_start3A_254, %dma_start3A_260, %dma_start3A_261] : memref<2x4x4096xf32, #tpu.memory_space<vmem>> -> memref<1x4x4096xf32, #tpu.memory_space<vmem>>
      %dma_start3A_263 = tpu.memref_squeeze %dma_start3A_262 : memref<1x4x4096xf32, #tpu.memory_space<vmem>> -> memref<4x4096xf32, #tpu.memory_space<vmem>>
      %dma_start3A_264 = tpu.memref_slice %arg2[%add3A_253, %add3A_251] : memref<1024x81920xf32, #tpu.memory_space<hbm>> -> memref<4x4096xf32, #tpu.memory_space<hbm>>
      tpu.enqueue_dma source(%dma_start3A_264 : memref<4x4096xf32, #tpu.memory_space<hbm>>) target(%dma_start3A_263 : memref<4x4096xf32, #tpu.memory_space<vmem>>) target_semaphore(%arg12 : memref<!tpu.dma_semaphore, #tpu.memory_space<semaphore_mem>>)
      %dma_start3A_265 = arith.constant 0 : i32
      %dma_start3A_266 = arith.constant 0 : i32
      %dma_start3A_267 = arith.constant 0 : i32
      %dma_start3A_268 = tpu.memref_slice %arg7[%dma_start3A_265, %dma_start3A_266, %dma_start3A_267] : memref<2x4x4096xf32, #tpu.memory_space<vmem>> -> memref<1x4x4096xf32, #tpu.memory_space<vmem>>
      %dma_start3A_269 = tpu.memref_squeeze %dma_start3A_268 : memref<1x4x4096xf32, #tpu.memory_space<vmem>> -> memref<4x4096xf32, #tpu.memory_space<vmem>>
      %dma_start3A_270 = tpu.memref_slice %arg3[%add3A_253, %add3A_251] : memref<1024x81920xf32, #tpu.memory_space<hbm>> -> memref<4x4096xf32, #tpu.memory_space<hbm>>
      %dma_start3A_271 = arith.constant 0 : i32
      %dma_start3A_272 = arith.constant 0 : i32
      %dma_start3A_273 = tpu.memref_slice %arg7[%dma_start3A_265, %dma_start3A_271, %dma_start3A_272] : memref<2x4x4096xf32, #tpu.memory_space<vmem>> -> memref<1x4x4096xf32, #tpu.memory_space<vmem>>
      %dma_start3A_274 = tpu.memref_squeeze %dma_start3A_273 : memref<1x4x4096xf32, #tpu.memory_space<vmem>> -> memref<4x4096xf32, #tpu.memory_space<vmem>>
      %dma_start3A_275 = tpu.memref_slice %arg3[%add3A_253, %add3A_251] : memref<1024x81920xf32, #tpu.memory_space<hbm>> -> memref<4x4096xf32, #tpu.memory_space<hbm>>
      tpu.enqueue_dma source(%dma_start3A_275 : memref<4x4096xf32, #tpu.memory_space<hbm>>) target(%dma_start3A_274 : memref<4x4096xf32, #tpu.memory_space<vmem>>) target_semaphore(%arg12 : memref<!tpu.dma_semaphore, #tpu.memory_space<semaphore_mem>>)
      %mul3A_276 = arith.constant 4096 : i32
      %mul3A_277 = arith.muli %scan3A_28, %mul3A_276 : i32
      %add3A_278 = arith.constant 65536 : i32
      %add3A_279 = arith.addi %add3A_278, %mul3A_277 : i32
      %add3A_280 = arith.constant 4 : i32
      %add3A_281 = arith.addi %mul3A_2, %add3A_280 : i32
      %dma_wait3A_282 = arith.constant 1 : i32
      %dma_wait3A_283 = arith.constant 0 : i32
      %dma_wait3A_284 = arith.constant 0 : i32
      %dma_wait3A_285 = tpu.memref_slice %arg6[%dma_wait3A_282, %dma_wait3A_283, %dma_wait3A_284] : memref<2x4x4096xf32, #tpu.memory_space<vmem>> -> memref<1x4x4096xf32, #tpu.memory_space<vmem>>
      %dma_wait3A_286 = tpu.memref_squeeze %dma_wait3A_285 : memref<1x4x4096xf32, #tpu.memory_space<vmem>> -> memref<4x4096xf32, #tpu.memory_space<vmem>>
      %dma_wait3A_287 = tpu.memref_slice %arg2[%add3A_281, %add3A_279] : memref<1024x81920xf32, #tpu.memory_space<hbm>> -> memref<4x4096xf32, #tpu.memory_space<hbm>>
      %dma_wait3A_288 = arith.constant 0 : i32
      %dma_wait3A_289 = arith.constant 0 : i32
      %dma_wait3A_290 = tpu.memref_slice %arg6[%dma_wait3A_282, %dma_wait3A_288, %dma_wait3A_289] : memref<2x4x4096xf32, #tpu.memory_space<vmem>> -> memref<1x4x4096xf32, #tpu.memory_space<vmem>>
      %dma_wait3A_291 = tpu.memref_squeeze %dma_wait3A_290 : memref<1x4x4096xf32, #tpu.memory_space<vmem>> -> memref<4x4096xf32, #tpu.memory_space<vmem>>
      %dma_wait3A_292 = tpu.memref_slice %arg2[%add3A_281, %add3A_279] : memref<1024x81920xf32, #tpu.memory_space<hbm>> -> memref<4x4096xf32, #tpu.memory_space<hbm>>
      tpu.wait_dma2 semaphore(%arg13 : memref<!tpu.dma_semaphore, #tpu.memory_space<semaphore_mem>>) src(%dma_wait3A_292 : memref<4x4096xf32, #tpu.memory_space<hbm>>) dst(%dma_wait3A_291 : memref<4x4096xf32, #tpu.memory_space<vmem>>)
      %dma_wait3A_293 = arith.constant 1 : i32
      %dma_wait3A_294 = arith.constant 0 : i32
      %dma_wait3A_295 = arith.constant 0 : i32
      %dma_wait3A_296 = tpu.memref_slice %arg7[%dma_wait3A_293, %dma_wait3A_294, %dma_wait3A_295] : memref<2x4x4096xf32, #tpu.memory_space<vmem>> -> memref<1x4x4096xf32, #tpu.memory_space<vmem>>
      %dma_wait3A_297 = tpu.memref_squeeze %dma_wait3A_296 : memref<1x4x4096xf32, #tpu.memory_space<vmem>> -> memref<4x4096xf32, #tpu.memory_space<vmem>>
      %dma_wait3A_298 = tpu.memref_slice %arg3[%add3A_281, %add3A_279] : memref<1024x81920xf32, #tpu.memory_space<hbm>> -> memref<4x4096xf32, #tpu.memory_space<hbm>>
      %dma_wait3A_299 = arith.constant 0 : i32
      %dma_wait3A_300 = arith.constant 0 : i32
      %dma_wait3A_301 = tpu.memref_slice %arg7[%dma_wait3A_293, %dma_wait3A_299, %dma_wait3A_300] : memref<2x4x4096xf32, #tpu.memory_space<vmem>> -> memref<1x4x4096xf32, #tpu.memory_space<vmem>>
      %dma_wait3A_302 = tpu.memref_squeeze %dma_wait3A_301 : memref<1x4x4096xf32, #tpu.memory_space<vmem>> -> memref<4x4096xf32, #tpu.memory_space<vmem>>
      %dma_wait3A_303 = tpu.memref_slice %arg3[%add3A_281, %add3A_279] : memref<1024x81920xf32, #tpu.memory_space<hbm>> -> memref<4x4096xf32, #tpu.memory_space<hbm>>
      tpu.wait_dma2 semaphore(%arg13 : memref<!tpu.dma_semaphore, #tpu.memory_space<semaphore_mem>>) src(%dma_wait3A_303 : memref<4x4096xf32, #tpu.memory_space<hbm>>) dst(%dma_wait3A_302 : memref<4x4096xf32, #tpu.memory_space<vmem>>)
      %get3A_304 = arith.constant 512 : index
      %get3A_305 = tpu.vector_load %arg9[%get3A_304] {strides = array<i32>} : memref<4096xf32, #tpu.memory_space<vmem>>, vector<16xf32>,
      %get3A_306 = arith.constant 528 : index
      %get3A_307 = tpu.vector_load %arg9[%get3A_306] {strides = array<i32>} : memref<4096xf32, #tpu.memory_space<vmem>>, vector<16xf32>,
      %get3A_308 = arith.constant 544 : index
      %get3A_309 = tpu.vector_load %arg9[%get3A_308] {strides = array<i32>} : memref<4096xf32, #tpu.memory_space<vmem>>, vector<16xf32>,
      %get3A_310 = arith.constant 560 : index
      %get3A_311 = tpu.vector_load %arg9[%get3A_310] {strides = array<i32>} : memref<4096xf32, #tpu.memory_space<vmem>>, vector<16xf32>,
      %get3A_312 = arith.constant 576 : index
      %get3A_313 = tpu.vector_load %arg9[%get3A_312] {strides = array<i32>} : memref<4096xf32, #tpu.memory_space<vmem>>, vector<16xf32>,
      %get3A_314 = arith.constant 592 : index
      %get3A_315 = tpu.vector_load %arg9[%get3A_314] {strides = array<i32>} : memref<4096xf32, #tpu.memory_space<vmem>>, vector<16xf32>,
      %get3A_316 = arith.constant 608 : index
      %get3A_317 = tpu.vector_load %arg9[%get3A_316] {strides = array<i32>} : memref<4096xf32, #tpu.memory_space<vmem>>, vector<16xf32>,
      %get3A_318 = arith.constant 624 : index
      %get3A_319 = tpu.vector_load %arg9[%get3A_318] {strides = array<i32>} : memref<4096xf32, #tpu.memory_space<vmem>>, vector<16xf32>,
      %get3A_320 = arith.constant 640 : index
      %get3A_321 = tpu.vector_load %arg9[%get3A_320] {strides = array<i32>} : memref<4096xf32, #tpu.memory_space<vmem>>, vector<16xf32>,
      %get3A_322 = arith.constant 656 : index
      %get3A_323 = tpu.vector_load %arg9[%get3A_322] {strides = array<i32>} : memref<4096xf32, #tpu.memory_space<vmem>>, vector<16xf32>,
      %get3A_324 = arith.constant 672 : index
      %get3A_325 = tpu.vector_load %arg9[%get3A_324] {strides = array<i32>} : memref<4096xf32, #tpu.memory_space<vmem>>, vector<16xf32>,
      %get3A_326 = arith.constant 688 : index
      %get3A_327 = tpu.vector_load %arg9[%get3A_326] {strides = array<i32>} : memref<4096xf32, #tpu.memory_space<vmem>>, vector<16xf32>,
      %get3A_328 = arith.constant 704 : index
      %get3A_329 = tpu.vector_load %arg9[%get3A_328] {strides = array<i32>} : memref<4096xf32, #tpu.memory_space<vmem>>, vector<16xf32>,
      %get3A_330 = arith.constant 720 : index
      %get3A_331 = tpu.vector_load %arg9[%get3A_330] {strides = array<i32>} : memref<4096xf32, #tpu.memory_space<vmem>>, vector<16xf32>,
      %get3A_332 = arith.constant 736 : index
      %get3A_333 = tpu.vector_load %arg9[%get3A_332] {strides = array<i32>} : memref<4096xf32, #tpu.memory_space<vmem>>, vector<16xf32>,
      %get3A_334 = arith.constant 752 : index
      %get3A_335 = tpu.vector_load %arg9[%get3A_334] {strides = array<i32>} : memref<4096xf32, #tpu.memory_space<vmem>>, vector<16xf32>,
      %get3A_336 = arith.constant 768 : index
      %get3A_337 = tpu.vector_load %arg9[%get3A_336] {strides = array<i32>} : memref<4096xf32, #tpu.memory_space<vmem>>, vector<16xf32>,
      %get3A_338 = arith.constant 784 : index
      %get3A_339 = tpu.vector_load %arg9[%get3A_338] {strides = array<i32>} : memref<4096xf32, #tpu.memory_space<vmem>>, vector<16xf32>,
      %get3A_340 = arith.constant 800 : index
      %get3A_341 = tpu.vector_load %arg9[%get3A_340] {strides = array<i32>} : memref<4096xf32, #tpu.memory_space<vmem>>, vector<16xf32>,
      %get3A_342 = arith.constant 816 : index
      %get3A_343 = tpu.vector_load %arg9[%get3A_342] {strides = array<i32>} : memref<4096xf32, #tpu.memory_space<vmem>>, vector<16xf32>,
      %get3A_344 = arith.constant 832 : index
      %get3A_345 = tpu.vector_load %arg9[%get3A_344] {strides = array<i32>} : memref<4096xf32, #tpu.memory_space<vmem>>, vector<16xf32>,
      %get3A_346 = arith.constant 848 : index
      %get3A_347 = tpu.vector_load %arg9[%get3A_346] {strides = array<i32>} : memref<4096xf32, #tpu.memory_space<vmem>>, vector<16xf32>,
      %get3A_348 = arith.constant 864 : index
      %get3A_349 = tpu.vector_load %arg9[%get3A_348] {strides = array<i32>} : memref<4096xf32, #tpu.memory_space<vmem>>, vector<16xf32>,
      %get3A_350 = arith.constant 880 : index
      %get3A_351 = tpu.vector_load %arg9[%get3A_350] {strides = array<i32>} : memref<4096xf32, #tpu.memory_space<vmem>>, vector<16xf32>,
      %get3A_352 = arith.constant 896 : index
      %get3A_353 = tpu.vector_load %arg9[%get3A_352] {strides = array<i32>} : memref<4096xf32, #tpu.memory_space<vmem>>, vector<16xf32>,
      %get3A_354 = arith.constant 912 : index
      %get3A_355 = tpu.vector_load %arg9[%get3A_354] {strides = array<i32>} : memref<4096xf32, #tpu.memory_space<vmem>>, vector<16xf32>,
      %get3A_356 = arith.constant 928 : index
      %get3A_357 = tpu.vector_load %arg9[%get3A_356] {strides = array<i32>} : memref<4096xf32, #tpu.memory_space<vmem>>, vector<16xf32>,
      %get3A_358 = arith.constant 944 : index
      %get3A_359 = tpu.vector_load %arg9[%get3A_358] {strides = array<i32>} : memref<4096xf32, #tpu.memory_space<vmem>>, vector<16xf32>,
      %get3A_360 = arith.constant 960 : index
      %get3A_361 = tpu.vector_load %arg9[%get3A_360] {strides = array<i32>} : memref<4096xf32, #tpu.memory_space<vmem>>, vector<16xf32>,
      %get3A_362 = arith.constant 976 : index
      %get3A_363 = tpu.vector_load %arg9[%get3A_362] {strides = array<i32>} : memref<4096xf32, #tpu.memory_space<vmem>>, vector<16xf32>,
      %get3A_364 = arith.constant 992 : index
      %get3A_365 = tpu.vector_load %arg9[%get3A_364] {strides = array<i32>} : memref<4096xf32, #tpu.memory_space<vmem>>, vector<16xf32>,
      %get3A_366 = arith.constant 1008 : index
      %get3A_367 = tpu.vector_load %arg9[%get3A_366] {strides = array<i32>} : memref<4096xf32, #tpu.memory_space<vmem>>, vector<16xf32>,
      %scan3A_368 = arith.constant 0 : i32
      %scan3A_369 = arith.constant 256 : i32
      %scan3A_370 = arith.addi %scan3A_368, %scan3A_369 : i32
      %scan3A_371 = arith.constant 1 : i32
      %scan3A_372:32 = scf.for %scan3A_1551 = %scan3A_368 to %scan3A_370 step %scan3A_371 iter_args(%scan3A_1552 = %get3A_305, %scan3A_1553 = %get3A_307, %scan3A_1554 = %get3A_309, %scan3A_1555 = %get3A_311, %scan3A_1556 = %get3A_313, %scan3A_1557 = %get3A_315, %scan3A_1558 = %get3A_317, %scan3A_1559 = %get3A_319, %scan3A_1560 = %get3A_321, %scan3A_1561 = %get3A_323, %scan3A_1562 = %get3A_325, %scan3A_1563 = %get3A_327, %scan3A_1564 = %get3A_329, %scan3A_1565 = %get3A_331, %scan3A_1566 = %get3A_333, %scan3A_1567 = %get3A_335, %scan3A_1568 = %get3A_337, %scan3A_1569 = %get3A_339, %scan3A_1570 = %get3A_341, %scan3A_1571 = %get3A_343, %scan3A_1572 = %get3A_345, %scan3A_1573 = %get3A_347, %scan3A_1574 = %get3A_349, %scan3A_1575 = %get3A_351, %scan3A_1576 = %get3A_353, %scan3A_1577 = %get3A_355, %scan3A_1578 = %get3A_357, %scan3A_1579 = %get3A_359, %scan3A_1580 = %get3A_361, %scan3A_1581 = %get3A_363, %scan3A_1582 = %get3A_365, %scan3A_1583 = %get3A_367) -> (vector<16xf32>, vector<16xf32>, vector<16xf32>, vector<16xf32>, vector<16xf32>, vector<16xf32>, vector<16xf32>, vector<16xf32>, vector<16xf32>, vector<16xf32>, vector<16xf32>, vector<16xf32>, vector<16xf32>, vector<16xf32>, vector<16xf32>, vector<16xf32>, vector<16xf32>, vector<16xf32>, vector<16xf32>, vector<16xf32>, vector<16xf32>, vector<16xf32>, vector<16xf32>, vector<16xf32>, vector<16xf32>, vector<16xf32>, vector<16xf32>, vector<16xf32>, vector<16xf32>, vector<16xf32>, vector<16xf32>, vector<16xf32>)  : i32 {
        %mul3A_1584 = arith.constant 16 : i32
        %mul3A_1585 = arith.muli %scan3A_1551, %mul3A_1584 : i32
        %get3A_1586 = arith.constant 0 : i32
        %get3A_1587 = arith.index_cast %get3A_1586 : i32 to index
        %get3A_1588 = arith.index_cast %mul3A_1585 : i32 to index
        %get3A_1589 = tpu.vector_load %arg8[%get3A_1587, %get3A_1588] {strides = array<i32>} : memref<4x4096xf32, #tpu.memory_space<vmem>>, vector<16xf32>,
        %mul3A_1590 = arith.constant 16 : i32
        %mul3A_1591 = arith.muli %scan3A_1551, %mul3A_1590 : i32
        %get3A_1592 = arith.constant 1 : i32
        %get3A_1593 = arith.index_cast %get3A_1592 : i32 to index
        %get3A_1594 = arith.index_cast %mul3A_1591 : i32 to index
        %get3A_1595 = tpu.vector_load %arg8[%get3A_1593, %get3A_1594] {strides = array<i32>} : memref<4x4096xf32, #tpu.memory_space<vmem>>, vector<16xf32>,
        %mul3A_1596 = arith.constant 16 : i32
        %mul3A_1597 = arith.muli %scan3A_1551, %mul3A_1596 : i32
        %get3A_1598 = arith.constant 2 : i32
        %get3A_1599 = arith.index_cast %get3A_1598 : i32 to index
        %get3A_1600 = arith.index_cast %mul3A_1597 : i32 to index
        %get3A_1601 = tpu.vector_load %arg8[%get3A_1599, %get3A_1600] {strides = array<i32>} : memref<4x4096xf32, #tpu.memory_space<vmem>>, vector<16xf32>,
        %mul3A_1602 = arith.constant 16 : i32
        %mul3A_1603 = arith.muli %scan3A_1551, %mul3A_1602 : i32
        %get3A_1604 = arith.constant 3 : i32
        %get3A_1605 = arith.index_cast %get3A_1604 : i32 to index
        %get3A_1606 = arith.index_cast %mul3A_1603 : i32 to index
        %get3A_1607 = tpu.vector_load %arg8[%get3A_1605, %get3A_1606] {strides = array<i32>} : memref<4x4096xf32, #tpu.memory_space<vmem>>, vector<16xf32>,
        %mul3A_1608 = arith.constant 16 : i32
        %mul3A_1609 = arith.muli %scan3A_1551, %mul3A_1608 : i32
        %get3A_1610 = arith.constant 1 : i32
        %get3A_1611 = arith.constant 0 : i32
        %get3A_1612 = arith.index_cast %get3A_1610 : i32 to index
        %get3A_1613 = arith.index_cast %get3A_1611 : i32 to index
        %get3A_1614 = arith.index_cast %mul3A_1609 : i32 to index
        %get3A_1615 = tpu.vector_load %arg6[%get3A_1612, %get3A_1613, %get3A_1614] {strides = array<i32>} : memref<2x4x4096xf32, #tpu.memory_space<vmem>>, vector<16xf32>,
        %mul3A_1616 = arith.constant 16 : i32
        %mul3A_1617 = arith.muli %scan3A_1551, %mul3A_1616 : i32
        %get3A_1618 = arith.constant 1 : i32
        %get3A_1619 = arith.constant 0 : i32
        %get3A_1620 = arith.index_cast %get3A_1618 : i32 to index
        %get3A_1621 = arith.index_cast %get3A_1619 : i32 to index
        %get3A_1622 = arith.index_cast %mul3A_1617 : i32 to index
        %get3A_1623 = tpu.vector_load %arg7[%get3A_1620, %get3A_1621, %get3A_1622] {strides = array<i32>} : memref<2x4x4096xf32, #tpu.memory_space<vmem>>, vector<16xf32>,
        %mul3A_1624 = arith.mulf %get3A_1615, %get3A_1589 : vector<16xf32>
        %add3A_1625 = arith.addf %scan3A_1552, %mul3A_1624 : vector<16xf32>
        %mul3A_1626 = arith.mulf %get3A_1623, %get3A_1589 : vector<16xf32>
        %add3A_1627 = arith.addf %scan3A_1556, %mul3A_1626 : vector<16xf32>
        %mul3A_1628 = arith.mulf %get3A_1615, %get3A_1595 : vector<16xf32>
        %add3A_1629 = arith.addf %scan3A_1553, %mul3A_1628 : vector<16xf32>
        %mul3A_1630 = arith.mulf %get3A_1623, %get3A_1595 : vector<16xf32>
        %add3A_1631 = arith.addf %scan3A_1557, %mul3A_1630 : vector<16xf32>
        %mul3A_1632 = arith.mulf %get3A_1615, %get3A_1601 : vector<16xf32>
        %add3A_1633 = arith.addf %scan3A_1554, %mul3A_1632 : vector<16xf32>
        %mul3A_1634 = arith.mulf %get3A_1623, %get3A_1601 : vector<16xf32>
        %add3A_1635 = arith.addf %scan3A_1558, %mul3A_1634 : vector<16xf32>
        %mul3A_1636 = arith.mulf %get3A_1615, %get3A_1607 : vector<16xf32>
        %add3A_1637 = arith.addf %scan3A_1555, %mul3A_1636 : vector<16xf32>
        %mul3A_1638 = arith.mulf %get3A_1623, %get3A_1607 : vector<16xf32>
        %add3A_1639 = arith.addf %scan3A_1559, %mul3A_1638 : vector<16xf32>
        %mul3A_1640 = arith.constant 16 : i32
        %mul3A_1641 = arith.muli %scan3A_1551, %mul3A_1640 : i32
        %get3A_1642 = arith.constant 1 : i32
        %get3A_1643 = arith.constant 1 : i32
        %get3A_1644 = arith.index_cast %get3A_1642 : i32 to index
        %get3A_1645 = arith.index_cast %get3A_1643 : i32 to index
        %get3A_1646 = arith.index_cast %mul3A_1641 : i32 to index
        %get3A_1647 = tpu.vector_load %arg6[%get3A_1644, %get3A_1645, %get3A_1646] {strides = array<i32>} : memref<2x4x4096xf32, #tpu.memory_space<vmem>>, vector<16xf32>,
        %mul3A_1648 = arith.constant 16 : i32
        %mul3A_1649 = arith.muli %scan3A_1551, %mul3A_1648 : i32
        %get3A_1650 = arith.constant 1 : i32
        %get3A_1651 = arith.constant 1 : i32
        %get3A_1652 = arith.index_cast %get3A_1650 : i32 to index
        %get3A_1653 = arith.index_cast %get3A_1651 : i32 to index
        %get3A_1654 = arith.index_cast %mul3A_1649 : i32 to index
        %get3A_1655 = tpu.vector_load %arg7[%get3A_1652, %get3A_1653, %get3A_1654] {strides = array<i32>} : memref<2x4x4096xf32, #tpu.memory_space<vmem>>, vector<16xf32>,
        %mul3A_1656 = arith.mulf %get3A_1647, %get3A_1589 : vector<16xf32>
        %add3A_1657 = arith.addf %scan3A_1560, %mul3A_1656 : vector<16xf32>
        %mul3A_1658 = arith.mulf %get3A_1655, %get3A_1589 : vector<16xf32>
        %add3A_1659 = arith.addf %scan3A_1564, %mul3A_1658 : vector<16xf32>
        %mul3A_1660 = arith.mulf %get3A_1647, %get3A_1595 : vector<16xf32>
        %add3A_1661 = arith.addf %scan3A_1561, %mul3A_1660 : vector<16xf32>
        %mul3A_1662 = arith.mulf %get3A_1655, %get3A_1595 : vector<16xf32>
        %add3A_1663 = arith.addf %scan3A_1565, %mul3A_1662 : vector<16xf32>
        %mul3A_1664 = arith.mulf %get3A_1647, %get3A_1601 : vector<16xf32>
        %add3A_1665 = arith.addf %scan3A_1562, %mul3A_1664 : vector<16xf32>
        %mul3A_1666 = arith.mulf %get3A_1655, %get3A_1601 : vector<16xf32>
        %add3A_1667 = arith.addf %scan3A_1566, %mul3A_1666 : vector<16xf32>
        %mul3A_1668 = arith.mulf %get3A_1647, %get3A_1607 : vector<16xf32>
        %add3A_1669 = arith.addf %scan3A_1563, %mul3A_1668 : vector<16xf32>
        %mul3A_1670 = arith.mulf %get3A_1655, %get3A_1607 : vector<16xf32>
        %add3A_1671 = arith.addf %scan3A_1567, %mul3A_1670 : vector<16xf32>
        %mul3A_1672 = arith.constant 16 : i32
        %mul3A_1673 = arith.muli %scan3A_1551, %mul3A_1672 : i32
        %get3A_1674 = arith.constant 1 : i32
        %get3A_1675 = arith.constant 2 : i32
        %get3A_1676 = arith.index_cast %get3A_1674 : i32 to index
        %get3A_1677 = arith.index_cast %get3A_1675 : i32 to index
        %get3A_1678 = arith.index_cast %mul3A_1673 : i32 to index
        %get3A_1679 = tpu.vector_load %arg6[%get3A_1676, %get3A_1677, %get3A_1678] {strides = array<i32>} : memref<2x4x4096xf32, #tpu.memory_space<vmem>>, vector<16xf32>,
        %mul3A_1680 = arith.constant 16 : i32
        %mul3A_1681 = arith.muli %scan3A_1551, %mul3A_1680 : i32
        %get3A_1682 = arith.constant 1 : i32
        %get3A_1683 = arith.constant 2 : i32
        %get3A_1684 = arith.index_cast %get3A_1682 : i32 to index
        %get3A_1685 = arith.index_cast %get3A_1683 : i32 to index
        %get3A_1686 = arith.index_cast %mul3A_1681 : i32 to index
        %get3A_1687 = tpu.vector_load %arg7[%get3A_1684, %get3A_1685, %get3A_1686] {strides = array<i32>} : memref<2x4x4096xf32, #tpu.memory_space<vmem>>, vector<16xf32>,
        %mul3A_1688 = arith.mulf %get3A_1679, %get3A_1589 : vector<16xf32>
        %add3A_1689 = arith.addf %scan3A_1568, %mul3A_1688 : vector<16xf32>
        %mul3A_1690 = arith.mulf %get3A_1687, %get3A_1589 : vector<16xf32>
        %add3A_1691 = arith.addf %scan3A_1572, %mul3A_1690 : vector<16xf32>
        %mul3A_1692 = arith.mulf %get3A_1679, %get3A_1595 : vector<16xf32>
        %add3A_1693 = arith.addf %scan3A_1569, %mul3A_1692 : vector<16xf32>
        %mul3A_1694 = arith.mulf %get3A_1687, %get3A_1595 : vector<16xf32>
        %add3A_1695 = arith.addf %scan3A_1573, %mul3A_1694 : vector<16xf32>
        %mul3A_1696 = arith.mulf %get3A_1679, %get3A_1601 : vector<16xf32>
        %add3A_1697 = arith.addf %scan3A_1570, %mul3A_1696 : vector<16xf32>
        %mul3A_1698 = arith.mulf %get3A_1687, %get3A_1601 : vector<16xf32>
        %add3A_1699 = arith.addf %scan3A_1574, %mul3A_1698 : vector<16xf32>
        %mul3A_1700 = arith.mulf %get3A_1679, %get3A_1607 : vector<16xf32>
        %add3A_1701 = arith.addf %scan3A_1571, %mul3A_1700 : vector<16xf32>
        %mul3A_1702 = arith.mulf %get3A_1687, %get3A_1607 : vector<16xf32>
        %add3A_1703 = arith.addf %scan3A_1575, %mul3A_1702 : vector<16xf32>
        %mul3A_1704 = arith.constant 16 : i32
        %mul3A_1705 = arith.muli %scan3A_1551, %mul3A_1704 : i32
        %get3A_1706 = arith.constant 1 : i32
        %get3A_1707 = arith.constant 3 : i32
        %get3A_1708 = arith.index_cast %get3A_1706 : i32 to index
        %get3A_1709 = arith.index_cast %get3A_1707 : i32 to index
        %get3A_1710 = arith.index_cast %mul3A_1705 : i32 to index
        %get3A_1711 = tpu.vector_load %arg6[%get3A_1708, %get3A_1709, %get3A_1710] {strides = array<i32>} : memref<2x4x4096xf32, #tpu.memory_space<vmem>>, vector<16xf32>,
        %mul3A_1712 = arith.constant 16 : i32
        %mul3A_1713 = arith.muli %scan3A_1551, %mul3A_1712 : i32
        %get3A_1714 = arith.constant 1 : i32
        %get3A_1715 = arith.constant 3 : i32
        %get3A_1716 = arith.index_cast %get3A_1714 : i32 to index
        %get3A_1717 = arith.index_cast %get3A_1715 : i32 to index
        %get3A_1718 = arith.index_cast %mul3A_1713 : i32 to index
        %get3A_1719 = tpu.vector_load %arg7[%get3A_1716, %get3A_1717, %get3A_1718] {strides = array<i32>} : memref<2x4x4096xf32, #tpu.memory_space<vmem>>, vector<16xf32>,
        %mul3A_1720 = arith.mulf %get3A_1711, %get3A_1589 : vector<16xf32>
        %add3A_1721 = arith.addf %scan3A_1576, %mul3A_1720 : vector<16xf32>
        %mul3A_1722 = arith.mulf %get3A_1719, %get3A_1589 : vector<16xf32>
        %add3A_1723 = arith.addf %scan3A_1580, %mul3A_1722 : vector<16xf32>
        %mul3A_1724 = arith.mulf %get3A_1711, %get3A_1595 : vector<16xf32>
        %add3A_1725 = arith.addf %scan3A_1577, %mul3A_1724 : vector<16xf32>
        %mul3A_1726 = arith.mulf %get3A_1719, %get3A_1595 : vector<16xf32>
        %add3A_1727 = arith.addf %scan3A_1581, %mul3A_1726 : vector<16xf32>
        %mul3A_1728 = arith.mulf %get3A_1711, %get3A_1601 : vector<16xf32>
        %add3A_1729 = arith.addf %scan3A_1578, %mul3A_1728 : vector<16xf32>
        %mul3A_1730 = arith.mulf %get3A_1719, %get3A_1601 : vector<16xf32>
        %add3A_1731 = arith.addf %scan3A_1582, %mul3A_1730 : vector<16xf32>
        %mul3A_1732 = arith.mulf %get3A_1711, %get3A_1607 : vector<16xf32>
        %add3A_1733 = arith.addf %scan3A_1579, %mul3A_1732 : vector<16xf32>
        %mul3A_1734 = arith.mulf %get3A_1719, %get3A_1607 : vector<16xf32>
        %add3A_1735 = arith.addf %scan3A_1583, %mul3A_1734 : vector<16xf32>
        scf.yield %add3A_1625, %add3A_1629, %add3A_1633, %add3A_1637, %add3A_1627, %add3A_1631, %add3A_1635, %add3A_1639, %add3A_1657, %add3A_1661, %add3A_1665, %add3A_1669, %add3A_1659, %add3A_1663, %add3A_1667, %add3A_1671, %add3A_1689, %add3A_1693, %add3A_1697, %add3A_1701, %add3A_1691, %add3A_1695, %add3A_1699, %add3A_1703, %add3A_1721, %add3A_1725, %add3A_1729, %add3A_1733, %add3A_1723, %add3A_1727, %add3A_1731, %add3A_1735 : vector<16xf32>, vector<16xf32>, vector<16xf32>, vector<16xf32>, vector<16xf32>, vector<16xf32>, vector<16xf32>, vector<16xf32>, vector<16xf32>, vector<16xf32>, vector<16xf32>, vector<16xf32>, vector<16xf32>, vector<16xf32>, vector<16xf32>, vector<16xf32>, vector<16xf32>, vector<16xf32>, vector<16xf32>, vector<16xf32>, vector<16xf32>, vector<16xf32>, vector<16xf32>, vector<16xf32>, vector<16xf32>, vector<16xf32>, vector<16xf32>, vector<16xf32>, vector<16xf32>, vector<16xf32>, vector<16xf32>, vector<16xf32>
      }
      %scan3A_373 = arith.constant 256 : i32
      %swap3A_374 = arith.constant 512 : index
      %swap3A_375 = tpu.vector_load %arg9[%swap3A_374] {strides = array<i32>} : memref<4096xf32, #tpu.memory_space<vmem>>, vector<16xf32>,
      tpu.vector_store %arg9[%swap3A_374], %scan3A_372#0 {strides = array<i32>} : memref<4096xf32, #tpu.memory_space<vmem>>, vector<16xf32>,
      %swap3A_376 = arith.constant 528 : index
      %swap3A_377 = tpu.vector_load %arg9[%swap3A_376] {strides = array<i32>} : memref<4096xf32, #tpu.memory_space<vmem>>, vector<16xf32>,
      tpu.vector_store %arg9[%swap3A_376], %scan3A_372#1 {strides = array<i32>} : memref<4096xf32, #tpu.memory_space<vmem>>, vector<16xf32>,
      %swap3A_378 = arith.constant 544 : index
      %swap3A_379 = tpu.vector_load %arg9[%swap3A_378] {strides = array<i32>} : memref<4096xf32, #tpu.memory_space<vmem>>, vector<16xf32>,
      tpu.vector_store %arg9[%swap3A_378], %scan3A_372#2 {strides = array<i32>} : memref<4096xf32, #tpu.memory_space<vmem>>, vector<16xf32>,
      %swap3A_380 = arith.constant 560 : index
      %swap3A_381 = tpu.vector_load %arg9[%swap3A_380] {strides = array<i32>} : memref<4096xf32, #tpu.memory_space<vmem>>, vector<16xf32>,
      tpu.vector_store %arg9[%swap3A_380], %scan3A_372#3 {strides = array<i32>} : memref<4096xf32, #tpu.memory_space<vmem>>, vector<16xf32>,
      %swap3A_382 = arith.constant 576 : index
      %swap3A_383 = tpu.vector_load %arg9[%swap3A_382] {strides = array<i32>} : memref<4096xf32, #tpu.memory_space<vmem>>, vector<16xf32>,
      tpu.vector_store %arg9[%swap3A_382], %scan3A_372#4 {strides = array<i32>} : memref<4096xf32, #tpu.memory_space<vmem>>, vector<16xf32>,
      %swap3A_384 = arith.constant 592 : index
      %swap3A_385 = tpu.vector_load %arg9[%swap3A_384] {strides = array<i32>} : memref<4096xf32, #tpu.memory_space<vmem>>, vector<16xf32>,
      tpu.vector_store %arg9[%swap3A_384], %scan3A_372#5 {strides = array<i32>} : memref<4096xf32, #tpu.memory_space<vmem>>, vector<16xf32>,
      %swap3A_386 = arith.constant 608 : index
      %swap3A_387 = tpu.vector_load %arg9[%swap3A_386] {strides = array<i32>} : memref<4096xf32, #tpu.memory_space<vmem>>, vector<16xf32>,
      tpu.vector_store %arg9[%swap3A_386], %scan3A_372#6 {strides = array<i32>} : memref<4096xf32, #tpu.memory_space<vmem>>, vector<16xf32>,
      %swap3A_388 = arith.constant 624 : index
      %swap3A_389 = tpu.vector_load %arg9[%swap3A_388] {strides = array<i32>} : memref<4096xf32, #tpu.memory_space<vmem>>, vector<16xf32>,
      tpu.vector_store %arg9[%swap3A_388], %scan3A_372#7 {strides = array<i32>} : memref<4096xf32, #tpu.memory_space<vmem>>, vector<16xf32>,
      %swap3A_390 = arith.constant 640 : index
      %swap3A_391 = tpu.vector_load %arg9[%swap3A_390] {strides = array<i32>} : memref<4096xf32, #tpu.memory_space<vmem>>, vector<16xf32>,
      tpu.vector_store %arg9[%swap3A_390], %scan3A_372#8 {strides = array<i32>} : memref<4096xf32, #tpu.memory_space<vmem>>, vector<16xf32>,
      %swap3A_392 = arith.constant 656 : index
      %swap3A_393 = tpu.vector_load %arg9[%swap3A_392] {strides = array<i32>} : memref<4096xf32, #tpu.memory_space<vmem>>, vector<16xf32>,
      tpu.vector_store %arg9[%swap3A_392], %scan3A_372#9 {strides = array<i32>} : memref<4096xf32, #tpu.memory_space<vmem>>, vector<16xf32>,
      %swap3A_394 = arith.constant 672 : index
      %swap3A_395 = tpu.vector_load %arg9[%swap3A_394] {strides = array<i32>} : memref<4096xf32, #tpu.memory_space<vmem>>, vector<16xf32>,
      tpu.vector_store %arg9[%swap3A_394], %scan3A_372#10 {strides = array<i32>} : memref<4096xf32, #tpu.memory_space<vmem>>, vector<16xf32>,
      %swap3A_396 = arith.constant 688 : index
      %swap3A_397 = tpu.vector_load %arg9[%swap3A_396] {strides = array<i32>} : memref<4096xf32, #tpu.memory_space<vmem>>, vector<16xf32>,
      tpu.vector_store %arg9[%swap3A_396], %scan3A_372#11 {strides = array<i32>} : memref<4096xf32, #tpu.memory_space<vmem>>, vector<16xf32>,
      %swap3A_398 = arith.constant 704 : index
      %swap3A_399 = tpu.vector_load %arg9[%swap3A_398] {strides = array<i32>} : memref<4096xf32, #tpu.memory_space<vmem>>, vector<16xf32>,
      tpu.vector_store %arg9[%swap3A_398], %scan3A_372#12 {strides = array<i32>} : memref<4096xf32, #tpu.memory_space<vmem>>, vector<16xf32>,
      %swap3A_400 = arith.constant 720 : index
      %swap3A_401 = tpu.vector_load %arg9[%swap3A_400] {strides = array<i32>} : memref<4096xf32, #tpu.memory_space<vmem>>, vector<16xf32>,
      tpu.vector_store %arg9[%swap3A_400], %scan3A_372#13 {strides = array<i32>} : memref<4096xf32, #tpu.memory_space<vmem>>, vector<16xf32>,
      %swap3A_402 = arith.constant 736 : index
      %swap3A_403 = tpu.vector_load %arg9[%swap3A_402] {strides = array<i32>} : memref<4096xf32, #tpu.memory_space<vmem>>, vector<16xf32>,
      tpu.vector_store %arg9[%swap3A_402], %scan3A_372#14 {strides = array<i32>} : memref<4096xf32, #tpu.memory_space<vmem>>, vector<16xf32>,
      %swap3A_404 = arith.constant 752 : index
      %swap3A_405 = tpu.vector_load %arg9[%swap3A_404] {strides = array<i32>} : memref<4096xf32, #tpu.memory_space<vmem>>, vector<16xf32>,
      tpu.vector_store %arg9[%swap3A_404], %scan3A_372#15 {strides = array<i32>} : memref<4096xf32, #tpu.memory_space<vmem>>, vector<16xf32>,
      %swap3A_406 = arith.constant 768 : index
      %swap3A_407 = tpu.vector_load %arg9[%swap3A_406] {strides = array<i32>} : memref<4096xf32, #tpu.memory_space<vmem>>, vector<16xf32>,
      tpu.vector_store %arg9[%swap3A_406], %scan3A_372#16 {strides = array<i32>} : memref<4096xf32, #tpu.memory_space<vmem>>, vector<16xf32>,
      %swap3A_408 = arith.constant 784 : index
      %swap3A_409 = tpu.vector_load %arg9[%swap3A_408] {strides = array<i32>} : memref<4096xf32, #tpu.memory_space<vmem>>, vector<16xf32>,
      tpu.vector_store %arg9[%swap3A_408], %scan3A_372#17 {strides = array<i32>} : memref<4096xf32, #tpu.memory_space<vmem>>, vector<16xf32>,
      %swap3A_410 = arith.constant 800 : index
      %swap3A_411 = tpu.vector_load %arg9[%swap3A_410] {strides = array<i32>} : memref<4096xf32, #tpu.memory_space<vmem>>, vector<16xf32>,
      tpu.vector_store %arg9[%swap3A_410], %scan3A_372#18 {strides = array<i32>} : memref<4096xf32, #tpu.memory_space<vmem>>, vector<16xf32>,
      %swap3A_412 = arith.constant 816 : index
      %swap3A_413 = tpu.vector_load %arg9[%swap3A_412] {strides = array<i32>} : memref<4096xf32, #tpu.memory_space<vmem>>, vector<16xf32>,
      tpu.vector_store %arg9[%swap3A_412], %scan3A_372#19 {strides = array<i32>} : memref<4096xf32, #tpu.memory_space<vmem>>, vector<16xf32>,
      %swap3A_414 = arith.constant 832 : index
      %swap3A_415 = tpu.vector_load %arg9[%swap3A_414] {strides = array<i32>} : memref<4096xf32, #tpu.memory_space<vmem>>, vector<16xf32>,
      tpu.vector_store %arg9[%swap3A_414], %scan3A_372#20 {strides = array<i32>} : memref<4096xf32, #tpu.memory_space<vmem>>, vector<16xf32>,
      %swap3A_416 = arith.constant 848 : index
      %swap3A_417 = tpu.vector_load %arg9[%swap3A_416] {strides = array<i32>} : memref<4096xf32, #tpu.memory_space<vmem>>, vector<16xf32>,
      tpu.vector_store %arg9[%swap3A_416], %scan3A_372#21 {strides = array<i32>} : memref<4096xf32, #tpu.memory_space<vmem>>, vector<16xf32>,
      %swap3A_418 = arith.constant 864 : index
      %swap3A_419 = tpu.vector_load %arg9[%swap3A_418] {strides = array<i32>} : memref<4096xf32, #tpu.memory_space<vmem>>, vector<16xf32>,
      tpu.vector_store %arg9[%swap3A_418], %scan3A_372#22 {strides = array<i32>} : memref<4096xf32, #tpu.memory_space<vmem>>, vector<16xf32>,
      %swap3A_420 = arith.constant 880 : index
      %swap3A_421 = tpu.vector_load %arg9[%swap3A_420] {strides = array<i32>} : memref<4096xf32, #tpu.memory_space<vmem>>, vector<16xf32>,
      tpu.vector_store %arg9[%swap3A_420], %scan3A_372#23 {strides = array<i32>} : memref<4096xf32, #tpu.memory_space<vmem>>, vector<16xf32>,
      %swap3A_422 = arith.constant 896 : index
      %swap3A_423 = tpu.vector_load %arg9[%swap3A_422] {strides = array<i32>} : memref<4096xf32, #tpu.memory_space<vmem>>, vector<16xf32>,
      tpu.vector_store %arg9[%swap3A_422], %scan3A_372#24 {strides = array<i32>} : memref<4096xf32, #tpu.memory_space<vmem>>, vector<16xf32>,
      %swap3A_424 = arith.constant 912 : index
      %swap3A_425 = tpu.vector_load %arg9[%swap3A_424] {strides = array<i32>} : memref<4096xf32, #tpu.memory_space<vmem>>, vector<16xf32>,
      tpu.vector_store %arg9[%swap3A_424], %scan3A_372#25 {strides = array<i32>} : memref<4096xf32, #tpu.memory_space<vmem>>, vector<16xf32>,
      %swap3A_426 = arith.constant 928 : index
      %swap3A_427 = tpu.vector_load %arg9[%swap3A_426] {strides = array<i32>} : memref<4096xf32, #tpu.memory_space<vmem>>, vector<16xf32>,
      tpu.vector_store %arg9[%swap3A_426], %scan3A_372#26 {strides = array<i32>} : memref<4096xf32, #tpu.memory_space<vmem>>, vector<16xf32>,
      %swap3A_428 = arith.constant 944 : index
      %swap3A_429 = tpu.vector_load %arg9[%swap3A_428] {strides = array<i32>} : memref<4096xf32, #tpu.memory_space<vmem>>, vector<16xf32>,
      tpu.vector_store %arg9[%swap3A_428], %scan3A_372#27 {strides = array<i32>} : memref<4096xf32, #tpu.memory_space<vmem>>, vector<16xf32>,
      %swap3A_430 = arith.constant 960 : index
      %swap3A_431 = tpu.vector_load %arg9[%swap3A_430] {strides = array<i32>} : memref<4096xf32, #tpu.memory_space<vmem>>, vector<16xf32>,
      tpu.vector_store %arg9[%swap3A_430], %scan3A_372#28 {strides = array<i32>} : memref<4096xf32, #tpu.memory_space<vmem>>, vector<16xf32>,
      %swap3A_432 = arith.constant 976 : index
      %swap3A_433 = tpu.vector_load %arg9[%swap3A_432] {strides = array<i32>} : memref<4096xf32, #tpu.memory_space<vmem>>, vector<16xf32>,
      tpu.vector_store %arg9[%swap3A_432], %scan3A_372#29 {strides = array<i32>} : memref<4096xf32, #tpu.memory_space<vmem>>, vector<16xf32>,
      %swap3A_434 = arith.constant 992 : index
      %swap3A_435 = tpu.vector_load %arg9[%swap3A_434] {strides = array<i32>} : memref<4096xf32, #tpu.memory_space<vmem>>, vector<16xf32>,
      tpu.vector_store %arg9[%swap3A_434], %scan3A_372#30 {strides = array<i32>} : memref<4096xf32, #tpu.memory_space<vmem>>, vector<16xf32>,
      %swap3A_436 = arith.constant 1008 : index
      %swap3A_437 = tpu.vector_load %arg9[%swap3A_436] {strides = array<i32>} : memref<4096xf32, #tpu.memory_space<vmem>>, vector<16xf32>,
      tpu.vector_store %arg9[%swap3A_436], %scan3A_372#31 {strides = array<i32>} : memref<4096xf32, #tpu.memory_space<vmem>>, vector<16xf32>,
      %mul3A_438 = arith.constant 4096 : i32
      %mul3A_439 = arith.muli %scan3A_28, %mul3A_438 : i32
      %add3A_440 = arith.constant 65536 : i32
      %add3A_441 = arith.addi %add3A_440, %mul3A_439 : i32
      %add3A_442 = arith.constant 12 : i32
      %add3A_443 = arith.addi %mul3A_2, %add3A_442 : i32
      %dma_start3A_444 = arith.constant 1 : i32
      %dma_start3A_445 = arith.constant 0 : i32
      %dma_start3A_446 = arith.constant 0 : i32
      %dma_start3A_447 = tpu.memref_slice %arg6[%dma_start3A_444, %dma_start3A_445, %dma_start3A_446] : memref<2x4x4096xf32, #tpu.memory_space<vmem>> -> memref<1x4x4096xf32, #tpu.memory_space<vmem>>
      %dma_start3A_448 = tpu.memref_squeeze %dma_start3A_447 : memref<1x4x4096xf32, #tpu.memory_space<vmem>> -> memref<4x4096xf32, #tpu.memory_space<vmem>>
      %dma_start3A_449 = tpu.memref_slice %arg2[%add3A_443, %add3A_441] : memref<1024x81920xf32, #tpu.memory_space<hbm>> -> memref<4x4096xf32, #tpu.memory_space<hbm>>
      %dma_start3A_450 = arith.constant 0 : i32
      %dma_start3A_451 = arith.constant 0 : i32
      %dma_start3A_452 = tpu.memref_slice %arg6[%dma_start3A_444, %dma_start3A_450, %dma_start3A_451] : memref<2x4x4096xf32, #tpu.memory_space<vmem>> -> memref<1x4x4096xf32, #tpu.memory_space<vmem>>
      %dma_start3A_453 = tpu.memref_squeeze %dma_start3A_452 : memref<1x4x4096xf32, #tpu.memory_space<vmem>> -> memref<4x4096xf32, #tpu.memory_space<vmem>>
      %dma_start3A_454 = tpu.memref_slice %arg2[%add3A_443, %add3A_441] : memref<1024x81920xf32, #tpu.memory_space<hbm>> -> memref<4x4096xf32, #tpu.memory_space<hbm>>
      tpu.enqueue_dma source(%dma_start3A_454 : memref<4x4096xf32, #tpu.memory_space<hbm>>) target(%dma_start3A_453 : memref<4x4096xf32, #tpu.memory_space<vmem>>) target_semaphore(%arg13 : memref<!tpu.dma_semaphore, #tpu.memory_space<semaphore_mem>>)
      %dma_start3A_455 = arith.constant 1 : i32
      %dma_start3A_456 = arith.constant 0 : i32
      %dma_start3A_457 = arith.constant 0 : i32
      %dma_start3A_458 = tpu.memref_slice %arg7[%dma_start3A_455, %dma_start3A_456, %dma_start3A_457] : memref<2x4x4096xf32, #tpu.memory_space<vmem>> -> memref<1x4x4096xf32, #tpu.memory_space<vmem>>
      %dma_start3A_459 = tpu.memref_squeeze %dma_start3A_458 : memref<1x4x4096xf32, #tpu.memory_space<vmem>> -> memref<4x4096xf32, #tpu.memory_space<vmem>>
      %dma_start3A_460 = tpu.memref_slice %arg3[%add3A_443, %add3A_441] : memref<1024x81920xf32, #tpu.memory_space<hbm>> -> memref<4x4096xf32, #tpu.memory_space<hbm>>
      %dma_start3A_461 = arith.constant 0 : i32
      %dma_start3A_462 = arith.constant 0 : i32
      %dma_start3A_463 = tpu.memref_slice %arg7[%dma_start3A_455, %dma_start3A_461, %dma_start3A_462] : memref<2x4x4096xf32, #tpu.memory_space<vmem>> -> memref<1x4x4096xf32, #tpu.memory_space<vmem>>
      %dma_start3A_464 = tpu.memref_squeeze %dma_start3A_463 : memref<1x4x4096xf32, #tpu.memory_space<vmem>> -> memref<4x4096xf32, #tpu.memory_space<vmem>>
      %dma_start3A_465 = tpu.memref_slice %arg3[%add3A_443, %add3A_441] : memref<1024x81920xf32, #tpu.memory_space<hbm>> -> memref<4x4096xf32, #tpu.memory_space<hbm>>
      tpu.enqueue_dma source(%dma_start3A_465 : memref<4x4096xf32, #tpu.memory_space<hbm>>) target(%dma_start3A_464 : memref<4x4096xf32, #tpu.memory_space<vmem>>) target_semaphore(%arg13 : memref<!tpu.dma_semaphore, #tpu.memory_space<semaphore_mem>>)
      %mul3A_466 = arith.constant 4096 : i32
      %mul3A_467 = arith.muli %scan3A_28, %mul3A_466 : i32
      %add3A_468 = arith.constant 65536 : i32
      %add3A_469 = arith.addi %add3A_468, %mul3A_467 : i32
      %add3A_470 = arith.constant 8 : i32
      %add3A_471 = arith.addi %mul3A_2, %add3A_470 : i32
      %dma_wait3A_472 = arith.constant 0 : i32
      %dma_wait3A_473 = arith.constant 0 : i32
      %dma_wait3A_474 = arith.constant 0 : i32
      %dma_wait3A_475 = tpu.memref_slice %arg6[%dma_wait3A_472, %dma_wait3A_473, %dma_wait3A_474] : memref<2x4x4096xf32, #tpu.memory_space<vmem>> -> memref<1x4x4096xf32, #tpu.memory_space<vmem>>
      %dma_wait3A_476 = tpu.memref_squeeze %dma_wait3A_475 : memref<1x4x4096xf32, #tpu.memory_space<vmem>> -> memref<4x4096xf32, #tpu.memory_space<vmem>>
      %dma_wait3A_477 = tpu.memref_slice %arg2[%add3A_471, %add3A_469] : memref<1024x81920xf32, #tpu.memory_space<hbm>> -> memref<4x4096xf32, #tpu.memory_space<hbm>>
      %dma_wait3A_478 = arith.constant 0 : i32
      %dma_wait3A_479 = arith.constant 0 : i32
      %dma_wait3A_480 = tpu.memref_slice %arg6[%dma_wait3A_472, %dma_wait3A_478, %dma_wait3A_479] : memref<2x4x4096xf32, #tpu.memory_space<vmem>> -> memref<1x4x4096xf32, #tpu.memory_space<vmem>>
      %dma_wait3A_481 = tpu.memref_squeeze %dma_wait3A_480 : memref<1x4x4096xf32, #tpu.memory_space<vmem>> -> memref<4x4096xf32, #tpu.memory_space<vmem>>
      %dma_wait3A_482 = tpu.memref_slice %arg2[%add3A_471, %add3A_469] : memref<1024x81920xf32, #tpu.memory_space<hbm>> -> memref<4x4096xf32, #tpu.memory_space<hbm>>
      tpu.wait_dma2 semaphore(%arg12 : memref<!tpu.dma_semaphore, #tpu.memory_space<semaphore_mem>>) src(%dma_wait3A_482 : memref<4x4096xf32, #tpu.memory_space<hbm>>) dst(%dma_wait3A_481 : memref<4x4096xf32, #tpu.memory_space<vmem>>)
      %dma_wait3A_483 = arith.constant 0 : i32
      %dma_wait3A_484 = arith.constant 0 : i32
      %dma_wait3A_485 = arith.constant 0 : i32
      %dma_wait3A_486 = tpu.memref_slice %arg7[%dma_wait3A_483, %dma_wait3A_484, %dma_wait3A_485] : memref<2x4x4096xf32, #tpu.memory_space<vmem>> -> memref<1x4x4096xf32, #tpu.memory_space<vmem>>
      %dma_wait3A_487 = tpu.memref_squeeze %dma_wait3A_486 : memref<1x4x4096xf32, #tpu.memory_space<vmem>> -> memref<4x4096xf32, #tpu.memory_space<vmem>>
      %dma_wait3A_488 = tpu.memref_slice %arg3[%add3A_471, %add3A_469] : memref<1024x81920xf32, #tpu.memory_space<hbm>> -> memref<4x4096xf32, #tpu.memory_space<hbm>>
      %dma_wait3A_489 = arith.constant 0 : i32
      %dma_wait3A_490 = arith.constant 0 : i32
      %dma_wait3A_491 = tpu.memref_slice %arg7[%dma_wait3A_483, %dma_wait3A_489, %dma_wait3A_490] : memref<2x4x4096xf32, #tpu.memory_space<vmem>> -> memref<1x4x4096xf32, #tpu.memory_space<vmem>>
      %dma_wait3A_492 = tpu.memref_squeeze %dma_wait3A_491 : memref<1x4x4096xf32, #tpu.memory_space<vmem>> -> memref<4x4096xf32, #tpu.memory_space<vmem>>
      %dma_wait3A_493 = tpu.memref_slice %arg3[%add3A_471, %add3A_469] : memref<1024x81920xf32, #tpu.memory_space<hbm>> -> memref<4x4096xf32, #tpu.memory_space<hbm>>
      tpu.wait_dma2 semaphore(%arg12 : memref<!tpu.dma_semaphore, #tpu.memory_space<semaphore_mem>>) src(%dma_wait3A_493 : memref<4x4096xf32, #tpu.memory_space<hbm>>) dst(%dma_wait3A_492 : memref<4x4096xf32, #tpu.memory_space<vmem>>)
      %get3A_494 = arith.constant 1024 : index
      %get3A_495 = tpu.vector_load %arg9[%get3A_494] {strides = array<i32>} : memref<4096xf32, #tpu.memory_space<vmem>>, vector<16xf32>,
      %get3A_496 = arith.constant 1040 : index
      %get3A_497 = tpu.vector_load %arg9[%get3A_496] {strides = array<i32>} : memref<4096xf32, #tpu.memory_space<vmem>>, vector<16xf32>,
      %get3A_498 = arith.constant 1056 : index
      %get3A_499 = tpu.vector_load %arg9[%get3A_498] {strides = array<i32>} : memref<4096xf32, #tpu.memory_space<vmem>>, vector<16xf32>,
      %get3A_500 = arith.constant 1072 : index
      %get3A_501 = tpu.vector_load %arg9[%get3A_500] {strides = array<i32>} : memref<4096xf32, #tpu.memory_space<vmem>>, vector<16xf32>,
      %get3A_502 = arith.constant 1088 : index
      %get3A_503 = tpu.vector_load %arg9[%get3A_502] {strides = array<i32>} : memref<4096xf32, #tpu.memory_space<vmem>>, vector<16xf32>,
      %get3A_504 = arith.constant 1104 : index
      %get3A_505 = tpu.vector_load %arg9[%get3A_504] {strides = array<i32>} : memref<4096xf32, #tpu.memory_space<vmem>>, vector<16xf32>,
      %get3A_506 = arith.constant 1120 : index
      %get3A_507 = tpu.vector_load %arg9[%get3A_506] {strides = array<i32>} : memref<4096xf32, #tpu.memory_space<vmem>>, vector<16xf32>,
      %get3A_508 = arith.constant 1136 : index
      %get3A_509 = tpu.vector_load %arg9[%get3A_508] {strides = array<i32>} : memref<4096xf32, #tpu.memory_space<vmem>>, vector<16xf32>,
      %get3A_510 = arith.constant 1152 : index
      %get3A_511 = tpu.vector_load %arg9[%get3A_510] {strides = array<i32>} : memref<4096xf32, #tpu.memory_space<vmem>>, vector<16xf32>,
      %get3A_512 = arith.constant 1168 : index
      %get3A_513 = tpu.vector_load %arg9[%get3A_512] {strides = array<i32>} : memref<4096xf32, #tpu.memory_space<vmem>>, vector<16xf32>,
      %get3A_514 = arith.constant 1184 : index
      %get3A_515 = tpu.vector_load %arg9[%get3A_514] {strides = array<i32>} : memref<4096xf32, #tpu.memory_space<vmem>>, vector<16xf32>,
      %get3A_516 = arith.constant 1200 : index
      %get3A_517 = tpu.vector_load %arg9[%get3A_516] {strides = array<i32>} : memref<4096xf32, #tpu.memory_space<vmem>>, vector<16xf32>,
      %get3A_518 = arith.constant 1216 : index
      %get3A_519 = tpu.vector_load %arg9[%get3A_518] {strides = array<i32>} : memref<4096xf32, #tpu.memory_space<vmem>>, vector<16xf32>,
      %get3A_520 = arith.constant 1232 : index
      %get3A_521 = tpu.vector_load %arg9[%get3A_520] {strides = array<i32>} : memref<4096xf32, #tpu.memory_space<vmem>>, vector<16xf32>,
      %get3A_522 = arith.constant 1248 : index
      %get3A_523 = tpu.vector_load %arg9[%get3A_522] {strides = array<i32>} : memref<4096xf32, #tpu.memory_space<vmem>>, vector<16xf32>,
      %get3A_524 = arith.constant 1264 : index
      %get3A_525 = tpu.vector_load %arg9[%get3A_524] {strides = array<i32>} : memref<4096xf32, #tpu.memory_space<vmem>>, vector<16xf32>,
      %get3A_526 = arith.constant 1280 : index
      %get3A_527 = tpu.vector_load %arg9[%get3A_526] {strides = array<i32>} : memref<4096xf32, #tpu.memory_space<vmem>>, vector<16xf32>,
      %get3A_528 = arith.constant 1296 : index
      %get3A_529 = tpu.vector_load %arg9[%get3A_528] {strides = array<i32>} : memref<4096xf32, #tpu.memory_space<vmem>>, vector<16xf32>,
      %get3A_530 = arith.constant 1312 : index
      %get3A_531 = tpu.vector_load %arg9[%get3A_530] {strides = array<i32>} : memref<4096xf32, #tpu.memory_space<vmem>>, vector<16xf32>,
      %get3A_532 = arith.constant 1328 : index
      %get3A_533 = tpu.vector_load %arg9[%get3A_532] {strides = array<i32>} : memref<4096xf32, #tpu.memory_space<vmem>>, vector<16xf32>,
      %get3A_534 = arith.constant 1344 : index
      %get3A_535 = tpu.vector_load %arg9[%get3A_534] {strides = array<i32>} : memref<4096xf32, #tpu.memory_space<vmem>>, vector<16xf32>,
      %get3A_536 = arith.constant 1360 : index
      %get3A_537 = tpu.vector_load %arg9[%get3A_536] {strides = array<i32>} : memref<4096xf32, #tpu.memory_space<vmem>>, vector<16xf32>,
      %get3A_538 = arith.constant 1376 : index
      %get3A_539 = tpu.vector_load %arg9[%get3A_538] {strides = array<i32>} : memref<4096xf32, #tpu.memory_space<vmem>>, vector<16xf32>,
      %get3A_540 = arith.constant 1392 : index
      %get3A_541 = tpu.vector_load %arg9[%get3A_540] {strides = array<i32>} : memref<4096xf32, #tpu.memory_space<vmem>>, vector<16xf32>,
      %get3A_542 = arith.constant 1408 : index
      %get3A_543 = tpu.vector_load %arg9[%get3A_542] {strides = array<i32>} : memref<4096xf32, #tpu.memory_space<vmem>>, vector<16xf32>,
      %get3A_544 = arith.constant 1424 : index
      %get3A_545 = tpu.vector_load %arg9[%get3A_544] {strides = array<i32>} : memref<4096xf32, #tpu.memory_space<vmem>>, vector<16xf32>,
      %get3A_546 = arith.constant 1440 : index
      %get3A_547 = tpu.vector_load %arg9[%get3A_546] {strides = array<i32>} : memref<4096xf32, #tpu.memory_space<vmem>>, vector<16xf32>,
      %get3A_548 = arith.constant 1456 : index
      %get3A_549 = tpu.vector_load %arg9[%get3A_548] {strides = array<i32>} : memref<4096xf32, #tpu.memory_space<vmem>>, vector<16xf32>,
      %get3A_550 = arith.constant 1472 : index
      %get3A_551 = tpu.vector_load %arg9[%get3A_550] {strides = array<i32>} : memref<4096xf32, #tpu.memory_space<vmem>>, vector<16xf32>,
      %get3A_552 = arith.constant 1488 : index
      %get3A_553 = tpu.vector_load %arg9[%get3A_552] {strides = array<i32>} : memref<4096xf32, #tpu.memory_space<vmem>>, vector<16xf32>,
      %get3A_554 = arith.constant 1504 : index
      %get3A_555 = tpu.vector_load %arg9[%get3A_554] {strides = array<i32>} : memref<4096xf32, #tpu.memory_space<vmem>>, vector<16xf32>,
      %get3A_556 = arith.constant 1520 : index
      %get3A_557 = tpu.vector_load %arg9[%get3A_556] {strides = array<i32>} : memref<4096xf32, #tpu.memory_space<vmem>>, vector<16xf32>,
      %scan3A_558 = arith.constant 0 : i32
      %scan3A_559 = arith.constant 256 : i32
      %scan3A_560 = arith.addi %scan3A_558, %scan3A_559 : i32
      %scan3A_561 = arith.constant 1 : i32
      %scan3A_562:32 = scf.for %scan3A_1551 = %scan3A_558 to %scan3A_560 step %scan3A_561 iter_args(%scan3A_1552 = %get3A_495, %scan3A_1553 = %get3A_497, %scan3A_1554 = %get3A_499, %scan3A_1555 = %get3A_501, %scan3A_1556 = %get3A_503, %scan3A_1557 = %get3A_505, %scan3A_1558 = %get3A_507, %scan3A_1559 = %get3A_509, %scan3A_1560 = %get3A_511, %scan3A_1561 = %get3A_513, %scan3A_1562 = %get3A_515, %scan3A_1563 = %get3A_517, %scan3A_1564 = %get3A_519, %scan3A_1565 = %get3A_521, %scan3A_1566 = %get3A_523, %scan3A_1567 = %get3A_525, %scan3A_1568 = %get3A_527, %scan3A_1569 = %get3A_529, %scan3A_1570 = %get3A_531, %scan3A_1571 = %get3A_533, %scan3A_1572 = %get3A_535, %scan3A_1573 = %get3A_537, %scan3A_1574 = %get3A_539, %scan3A_1575 = %get3A_541, %scan3A_1576 = %get3A_543, %scan3A_1577 = %get3A_545, %scan3A_1578 = %get3A_547, %scan3A_1579 = %get3A_549, %scan3A_1580 = %get3A_551, %scan3A_1581 = %get3A_553, %scan3A_1582 = %get3A_555, %scan3A_1583 = %get3A_557) -> (vector<16xf32>, vector<16xf32>, vector<16xf32>, vector<16xf32>, vector<16xf32>, vector<16xf32>, vector<16xf32>, vector<16xf32>, vector<16xf32>, vector<16xf32>, vector<16xf32>, vector<16xf32>, vector<16xf32>, vector<16xf32>, vector<16xf32>, vector<16xf32>, vector<16xf32>, vector<16xf32>, vector<16xf32>, vector<16xf32>, vector<16xf32>, vector<16xf32>, vector<16xf32>, vector<16xf32>, vector<16xf32>, vector<16xf32>, vector<16xf32>, vector<16xf32>, vector<16xf32>, vector<16xf32>, vector<16xf32>, vector<16xf32>)  : i32 {
        %mul3A_1584 = arith.constant 16 : i32
        %mul3A_1585 = arith.muli %scan3A_1551, %mul3A_1584 : i32
        %get3A_1586 = arith.constant 0 : i32
        %get3A_1587 = arith.index_cast %get3A_1586 : i32 to index
        %get3A_1588 = arith.index_cast %mul3A_1585 : i32 to index
        %get3A_1589 = tpu.vector_load %arg8[%get3A_1587, %get3A_1588] {strides = array<i32>} : memref<4x4096xf32, #tpu.memory_space<vmem>>, vector<16xf32>,
        %mul3A_1590 = arith.constant 16 : i32
        %mul3A_1591 = arith.muli %scan3A_1551, %mul3A_1590 : i32
        %get3A_1592 = arith.constant 1 : i32
        %get3A_1593 = arith.index_cast %get3A_1592 : i32 to index
        %get3A_1594 = arith.index_cast %mul3A_1591 : i32 to index
        %get3A_1595 = tpu.vector_load %arg8[%get3A_1593, %get3A_1594] {strides = array<i32>} : memref<4x4096xf32, #tpu.memory_space<vmem>>, vector<16xf32>,
        %mul3A_1596 = arith.constant 16 : i32
        %mul3A_1597 = arith.muli %scan3A_1551, %mul3A_1596 : i32
        %get3A_1598 = arith.constant 2 : i32
        %get3A_1599 = arith.index_cast %get3A_1598 : i32 to index
        %get3A_1600 = arith.index_cast %mul3A_1597 : i32 to index
        %get3A_1601 = tpu.vector_load %arg8[%get3A_1599, %get3A_1600] {strides = array<i32>} : memref<4x4096xf32, #tpu.memory_space<vmem>>, vector<16xf32>,
        %mul3A_1602 = arith.constant 16 : i32
        %mul3A_1603 = arith.muli %scan3A_1551, %mul3A_1602 : i32
        %get3A_1604 = arith.constant 3 : i32
        %get3A_1605 = arith.index_cast %get3A_1604 : i32 to index
        %get3A_1606 = arith.index_cast %mul3A_1603 : i32 to index
        %get3A_1607 = tpu.vector_load %arg8[%get3A_1605, %get3A_1606] {strides = array<i32>} : memref<4x4096xf32, #tpu.memory_space<vmem>>, vector<16xf32>,
        %mul3A_1608 = arith.constant 16 : i32
        %mul3A_1609 = arith.muli %scan3A_1551, %mul3A_1608 : i32
        %get3A_1610 = arith.constant 0 : i32
        %get3A_1611 = arith.constant 0 : i32
        %get3A_1612 = arith.index_cast %get3A_1610 : i32 to index
        %get3A_1613 = arith.index_cast %get3A_1611 : i32 to index
        %get3A_1614 = arith.index_cast %mul3A_1609 : i32 to index
        %get3A_1615 = tpu.vector_load %arg6[%get3A_1612, %get3A_1613, %get3A_1614] {strides = array<i32>} : memref<2x4x4096xf32, #tpu.memory_space<vmem>>, vector<16xf32>,
        %mul3A_1616 = arith.constant 16 : i32
        %mul3A_1617 = arith.muli %scan3A_1551, %mul3A_1616 : i32
        %get3A_1618 = arith.constant 0 : i32
        %get3A_1619 = arith.constant 0 : i32
        %get3A_1620 = arith.index_cast %get3A_1618 : i32 to index
        %get3A_1621 = arith.index_cast %get3A_1619 : i32 to index
        %get3A_1622 = arith.index_cast %mul3A_1617 : i32 to index
        %get3A_1623 = tpu.vector_load %arg7[%get3A_1620, %get3A_1621, %get3A_1622] {strides = array<i32>} : memref<2x4x4096xf32, #tpu.memory_space<vmem>>, vector<16xf32>,
        %mul3A_1624 = arith.mulf %get3A_1615, %get3A_1589 : vector<16xf32>
        %add3A_1625 = arith.addf %scan3A_1552, %mul3A_1624 : vector<16xf32>
        %mul3A_1626 = arith.mulf %get3A_1623, %get3A_1589 : vector<16xf32>
        %add3A_1627 = arith.addf %scan3A_1556, %mul3A_1626 : vector<16xf32>
        %mul3A_1628 = arith.mulf %get3A_1615, %get3A_1595 : vector<16xf32>
        %add3A_1629 = arith.addf %scan3A_1553, %mul3A_1628 : vector<16xf32>
        %mul3A_1630 = arith.mulf %get3A_1623, %get3A_1595 : vector<16xf32>
        %add3A_1631 = arith.addf %scan3A_1557, %mul3A_1630 : vector<16xf32>
        %mul3A_1632 = arith.mulf %get3A_1615, %get3A_1601 : vector<16xf32>
        %add3A_1633 = arith.addf %scan3A_1554, %mul3A_1632 : vector<16xf32>
        %mul3A_1634 = arith.mulf %get3A_1623, %get3A_1601 : vector<16xf32>
        %add3A_1635 = arith.addf %scan3A_1558, %mul3A_1634 : vector<16xf32>
        %mul3A_1636 = arith.mulf %get3A_1615, %get3A_1607 : vector<16xf32>
        %add3A_1637 = arith.addf %scan3A_1555, %mul3A_1636 : vector<16xf32>
        %mul3A_1638 = arith.mulf %get3A_1623, %get3A_1607 : vector<16xf32>
        %add3A_1639 = arith.addf %scan3A_1559, %mul3A_1638 : vector<16xf32>
        %mul3A_1640 = arith.constant 16 : i32
        %mul3A_1641 = arith.muli %scan3A_1551, %mul3A_1640 : i32
        %get3A_1642 = arith.constant 0 : i32
        %get3A_1643 = arith.constant 1 : i32
        %get3A_1644 = arith.index_cast %get3A_1642 : i32 to index
        %get3A_1645 = arith.index_cast %get3A_1643 : i32 to index
        %get3A_1646 = arith.index_cast %mul3A_1641 : i32 to index
        %get3A_1647 = tpu.vector_load %arg6[%get3A_1644, %get3A_1645, %get3A_1646] {strides = array<i32>} : memref<2x4x4096xf32, #tpu.memory_space<vmem>>, vector<16xf32>,
        %mul3A_1648 = arith.constant 16 : i32
        %mul3A_1649 = arith.muli %scan3A_1551, %mul3A_1648 : i32
        %get3A_1650 = arith.constant 0 : i32
        %get3A_1651 = arith.constant 1 : i32
        %get3A_1652 = arith.index_cast %get3A_1650 : i32 to index
        %get3A_1653 = arith.index_cast %get3A_1651 : i32 to index
        %get3A_1654 = arith.index_cast %mul3A_1649 : i32 to index
        %get3A_1655 = tpu.vector_load %arg7[%get3A_1652, %get3A_1653, %get3A_1654] {strides = array<i32>} : memref<2x4x4096xf32, #tpu.memory_space<vmem>>, vector<16xf32>,
        %mul3A_1656 = arith.mulf %get3A_1647, %get3A_1589 : vector<16xf32>
        %add3A_1657 = arith.addf %scan3A_1560, %mul3A_1656 : vector<16xf32>
        %mul3A_1658 = arith.mulf %get3A_1655, %get3A_1589 : vector<16xf32>
        %add3A_1659 = arith.addf %scan3A_1564, %mul3A_1658 : vector<16xf32>
        %mul3A_1660 = arith.mulf %get3A_1647, %get3A_1595 : vector<16xf32>
        %add3A_1661 = arith.addf %scan3A_1561, %mul3A_1660 : vector<16xf32>
        %mul3A_1662 = arith.mulf %get3A_1655, %get3A_1595 : vector<16xf32>
        %add3A_1663 = arith.addf %scan3A_1565, %mul3A_1662 : vector<16xf32>
        %mul3A_1664 = arith.mulf %get3A_1647, %get3A_1601 : vector<16xf32>
        %add3A_1665 = arith.addf %scan3A_1562, %mul3A_1664 : vector<16xf32>
        %mul3A_1666 = arith.mulf %get3A_1655, %get3A_1601 : vector<16xf32>
        %add3A_1667 = arith.addf %scan3A_1566, %mul3A_1666 : vector<16xf32>
        %mul3A_1668 = arith.mulf %get3A_1647, %get3A_1607 : vector<16xf32>
        %add3A_1669 = arith.addf %scan3A_1563, %mul3A_1668 : vector<16xf32>
        %mul3A_1670 = arith.mulf %get3A_1655, %get3A_1607 : vector<16xf32>
        %add3A_1671 = arith.addf %scan3A_1567, %mul3A_1670 : vector<16xf32>
        %mul3A_1672 = arith.constant 16 : i32
        %mul3A_1673 = arith.muli %scan3A_1551, %mul3A_1672 : i32
        %get3A_1674 = arith.constant 0 : i32
        %get3A_1675 = arith.constant 2 : i32
        %get3A_1676 = arith.index_cast %get3A_1674 : i32 to index
        %get3A_1677 = arith.index_cast %get3A_1675 : i32 to index
        %get3A_1678 = arith.index_cast %mul3A_1673 : i32 to index
        %get3A_1679 = tpu.vector_load %arg6[%get3A_1676, %get3A_1677, %get3A_1678] {strides = array<i32>} : memref<2x4x4096xf32, #tpu.memory_space<vmem>>, vector<16xf32>,
        %mul3A_1680 = arith.constant 16 : i32
        %mul3A_1681 = arith.muli %scan3A_1551, %mul3A_1680 : i32
        %get3A_1682 = arith.constant 0 : i32
        %get3A_1683 = arith.constant 2 : i32
        %get3A_1684 = arith.index_cast %get3A_1682 : i32 to index
        %get3A_1685 = arith.index_cast %get3A_1683 : i32 to index
        %get3A_1686 = arith.index_cast %mul3A_1681 : i32 to index
        %get3A_1687 = tpu.vector_load %arg7[%get3A_1684, %get3A_1685, %get3A_1686] {strides = array<i32>} : memref<2x4x4096xf32, #tpu.memory_space<vmem>>, vector<16xf32>,
        %mul3A_1688 = arith.mulf %get3A_1679, %get3A_1589 : vector<16xf32>
        %add3A_1689 = arith.addf %scan3A_1568, %mul3A_1688 : vector<16xf32>
        %mul3A_1690 = arith.mulf %get3A_1687, %get3A_1589 : vector<16xf32>
        %add3A_1691 = arith.addf %scan3A_1572, %mul3A_1690 : vector<16xf32>
        %mul3A_1692 = arith.mulf %get3A_1679, %get3A_1595 : vector<16xf32>
        %add3A_1693 = arith.addf %scan3A_1569, %mul3A_1692 : vector<16xf32>
        %mul3A_1694 = arith.mulf %get3A_1687, %get3A_1595 : vector<16xf32>
        %add3A_1695 = arith.addf %scan3A_1573, %mul3A_1694 : vector<16xf32>
        %mul3A_1696 = arith.mulf %get3A_1679, %get3A_1601 : vector<16xf32>
        %add3A_1697 = arith.addf %scan3A_1570, %mul3A_1696 : vector<16xf32>
        %mul3A_1698 = arith.mulf %get3A_1687, %get3A_1601 : vector<16xf32>
        %add3A_1699 = arith.addf %scan3A_1574, %mul3A_1698 : vector<16xf32>
        %mul3A_1700 = arith.mulf %get3A_1679, %get3A_1607 : vector<16xf32>
        %add3A_1701 = arith.addf %scan3A_1571, %mul3A_1700 : vector<16xf32>
        %mul3A_1702 = arith.mulf %get3A_1687, %get3A_1607 : vector<16xf32>
        %add3A_1703 = arith.addf %scan3A_1575, %mul3A_1702 : vector<16xf32>
        %mul3A_1704 = arith.constant 16 : i32
        %mul3A_1705 = arith.muli %scan3A_1551, %mul3A_1704 : i32
        %get3A_1706 = arith.constant 0 : i32
        %get3A_1707 = arith.constant 3 : i32
        %get3A_1708 = arith.index_cast %get3A_1706 : i32 to index
        %get3A_1709 = arith.index_cast %get3A_1707 : i32 to index
        %get3A_1710 = arith.index_cast %mul3A_1705 : i32 to index
        %get3A_1711 = tpu.vector_load %arg6[%get3A_1708, %get3A_1709, %get3A_1710] {strides = array<i32>} : memref<2x4x4096xf32, #tpu.memory_space<vmem>>, vector<16xf32>,
        %mul3A_1712 = arith.constant 16 : i32
        %mul3A_1713 = arith.muli %scan3A_1551, %mul3A_1712 : i32
        %get3A_1714 = arith.constant 0 : i32
        %get3A_1715 = arith.constant 3 : i32
        %get3A_1716 = arith.index_cast %get3A_1714 : i32 to index
        %get3A_1717 = arith.index_cast %get3A_1715 : i32 to index
        %get3A_1718 = arith.index_cast %mul3A_1713 : i32 to index
        %get3A_1719 = tpu.vector_load %arg7[%get3A_1716, %get3A_1717, %get3A_1718] {strides = array<i32>} : memref<2x4x4096xf32, #tpu.memory_space<vmem>>, vector<16xf32>,
        %mul3A_1720 = arith.mulf %get3A_1711, %get3A_1589 : vector<16xf32>
        %add3A_1721 = arith.addf %scan3A_1576, %mul3A_1720 : vector<16xf32>
        %mul3A_1722 = arith.mulf %get3A_1719, %get3A_1589 : vector<16xf32>
        %add3A_1723 = arith.addf %scan3A_1580, %mul3A_1722 : vector<16xf32>
        %mul3A_1724 = arith.mulf %get3A_1711, %get3A_1595 : vector<16xf32>
        %add3A_1725 = arith.addf %scan3A_1577, %mul3A_1724 : vector<16xf32>
        %mul3A_1726 = arith.mulf %get3A_1719, %get3A_1595 : vector<16xf32>
        %add3A_1727 = arith.addf %scan3A_1581, %mul3A_1726 : vector<16xf32>
        %mul3A_1728 = arith.mulf %get3A_1711, %get3A_1601 : vector<16xf32>
        %add3A_1729 = arith.addf %scan3A_1578, %mul3A_1728 : vector<16xf32>
        %mul3A_1730 = arith.mulf %get3A_1719, %get3A_1601 : vector<16xf32>
        %add3A_1731 = arith.addf %scan3A_1582, %mul3A_1730 : vector<16xf32>
        %mul3A_1732 = arith.mulf %get3A_1711, %get3A_1607 : vector<16xf32>
        %add3A_1733 = arith.addf %scan3A_1579, %mul3A_1732 : vector<16xf32>
        %mul3A_1734 = arith.mulf %get3A_1719, %get3A_1607 : vector<16xf32>
        %add3A_1735 = arith.addf %scan3A_1583, %mul3A_1734 : vector<16xf32>
        scf.yield %add3A_1625, %add3A_1629, %add3A_1633, %add3A_1637, %add3A_1627, %add3A_1631, %add3A_1635, %add3A_1639, %add3A_1657, %add3A_1661, %add3A_1665, %add3A_1669, %add3A_1659, %add3A_1663, %add3A_1667, %add3A_1671, %add3A_1689, %add3A_1693, %add3A_1697, %add3A_1701, %add3A_1691, %add3A_1695, %add3A_1699, %add3A_1703, %add3A_1721, %add3A_1725, %add3A_1729, %add3A_1733, %add3A_1723, %add3A_1727, %add3A_1731, %add3A_1735 : vector<16xf32>, vector<16xf32>, vector<16xf32>, vector<16xf32>, vector<16xf32>, vector<16xf32>, vector<16xf32>, vector<16xf32>, vector<16xf32>, vector<16xf32>, vector<16xf32>, vector<16xf32>, vector<16xf32>, vector<16xf32>, vector<16xf32>, vector<16xf32>, vector<16xf32>, vector<16xf32>, vector<16xf32>, vector<16xf32>, vector<16xf32>, vector<16xf32>, vector<16xf32>, vector<16xf32>, vector<16xf32>, vector<16xf32>, vector<16xf32>, vector<16xf32>, vector<16xf32>, vector<16xf32>, vector<16xf32>, vector<16xf32>
      }
      %scan3A_563 = arith.constant 256 : i32
      %swap3A_564 = arith.constant 1024 : index
      %swap3A_565 = tpu.vector_load %arg9[%swap3A_564] {strides = array<i32>} : memref<4096xf32, #tpu.memory_space<vmem>>, vector<16xf32>,
      tpu.vector_store %arg9[%swap3A_564], %scan3A_562#0 {strides = array<i32>} : memref<4096xf32, #tpu.memory_space<vmem>>, vector<16xf32>,
      %swap3A_566 = arith.constant 1040 : index
      %swap3A_567 = tpu.vector_load %arg9[%swap3A_566] {strides = array<i32>} : memref<4096xf32, #tpu.memory_space<vmem>>, vector<16xf32>,
      tpu.vector_store %arg9[%swap3A_566], %scan3A_562#1 {strides = array<i32>} : memref<4096xf32, #tpu.memory_space<vmem>>, vector<16xf32>,
      %swap3A_568 = arith.constant 1056 : index
      %swap3A_569 = tpu.vector_load %arg9[%swap3A_568] {strides = array<i32>} : memref<4096xf32, #tpu.memory_space<vmem>>, vector<16xf32>,
      tpu.vector_store %arg9[%swap3A_568], %scan3A_562#2 {strides = array<i32>} : memref<4096xf32, #tpu.memory_space<vmem>>, vector<16xf32>,
      %swap3A_570 = arith.constant 1072 : index
      %swap3A_571 = tpu.vector_load %arg9[%swap3A_570] {strides = array<i32>} : memref<4096xf32, #tpu.memory_space<vmem>>, vector<16xf32>,
      tpu.vector_store %arg9[%swap3A_570], %scan3A_562#3 {strides = array<i32>} : memref<4096xf32, #tpu.memory_space<vmem>>, vector<16xf32>,
      %swap3A_572 = arith.constant 1088 : index
      %swap3A_573 = tpu.vector_load %arg9[%swap3A_572] {strides = array<i32>} : memref<4096xf32, #tpu.memory_space<vmem>>, vector<16xf32>,
      tpu.vector_store %arg9[%swap3A_572], %scan3A_562#4 {strides = array<i32>} : memref<4096xf32, #tpu.memory_space<vmem>>, vector<16xf32>,
      %swap3A_574 = arith.constant 1104 : index
      %swap3A_575 = tpu.vector_load %arg9[%swap3A_574] {strides = array<i32>} : memref<4096xf32, #tpu.memory_space<vmem>>, vector<16xf32>,
      tpu.vector_store %arg9[%swap3A_574], %scan3A_562#5 {strides = array<i32>} : memref<4096xf32, #tpu.memory_space<vmem>>, vector<16xf32>,
      %swap3A_576 = arith.constant 1120 : index
      %swap3A_577 = tpu.vector_load %arg9[%swap3A_576] {strides = array<i32>} : memref<4096xf32, #tpu.memory_space<vmem>>, vector<16xf32>,
      tpu.vector_store %arg9[%swap3A_576], %scan3A_562#6 {strides = array<i32>} : memref<4096xf32, #tpu.memory_space<vmem>>, vector<16xf32>,
      %swap3A_578 = arith.constant 1136 : index
      %swap3A_579 = tpu.vector_load %arg9[%swap3A_578] {strides = array<i32>} : memref<4096xf32, #tpu.memory_space<vmem>>, vector<16xf32>,
      tpu.vector_store %arg9[%swap3A_578], %scan3A_562#7 {strides = array<i32>} : memref<4096xf32, #tpu.memory_space<vmem>>, vector<16xf32>,
      %swap3A_580 = arith.constant 1152 : index
      %swap3A_581 = tpu.vector_load %arg9[%swap3A_580] {strides = array<i32>} : memref<4096xf32, #tpu.memory_space<vmem>>, vector<16xf32>,
      tpu.vector_store %arg9[%swap3A_580], %scan3A_562#8 {strides = array<i32>} : memref<4096xf32, #tpu.memory_space<vmem>>, vector<16xf32>,
      %swap3A_582 = arith.constant 1168 : index
      %swap3A_583 = tpu.vector_load %arg9[%swap3A_582] {strides = array<i32>} : memref<4096xf32, #tpu.memory_space<vmem>>, vector<16xf32>,
      tpu.vector_store %arg9[%swap3A_582], %scan3A_562#9 {strides = array<i32>} : memref<4096xf32, #tpu.memory_space<vmem>>, vector<16xf32>,
      %swap3A_584 = arith.constant 1184 : index
      %swap3A_585 = tpu.vector_load %arg9[%swap3A_584] {strides = array<i32>} : memref<4096xf32, #tpu.memory_space<vmem>>, vector<16xf32>,
      tpu.vector_store %arg9[%swap3A_584], %scan3A_562#10 {strides = array<i32>} : memref<4096xf32, #tpu.memory_space<vmem>>, vector<16xf32>,
      %swap3A_586 = arith.constant 1200 : index
      %swap3A_587 = tpu.vector_load %arg9[%swap3A_586] {strides = array<i32>} : memref<4096xf32, #tpu.memory_space<vmem>>, vector<16xf32>,
      tpu.vector_store %arg9[%swap3A_586], %scan3A_562#11 {strides = array<i32>} : memref<4096xf32, #tpu.memory_space<vmem>>, vector<16xf32>,
      %swap3A_588 = arith.constant 1216 : index
      %swap3A_589 = tpu.vector_load %arg9[%swap3A_588] {strides = array<i32>} : memref<4096xf32, #tpu.memory_space<vmem>>, vector<16xf32>,
      tpu.vector_store %arg9[%swap3A_588], %scan3A_562#12 {strides = array<i32>} : memref<4096xf32, #tpu.memory_space<vmem>>, vector<16xf32>,
      %swap3A_590 = arith.constant 1232 : index
      %swap3A_591 = tpu.vector_load %arg9[%swap3A_590] {strides = array<i32>} : memref<4096xf32, #tpu.memory_space<vmem>>, vector<16xf32>,
      tpu.vector_store %arg9[%swap3A_590], %scan3A_562#13 {strides = array<i32>} : memref<4096xf32, #tpu.memory_space<vmem>>, vector<16xf32>,
      %swap3A_592 = arith.constant 1248 : index
      %swap3A_593 = tpu.vector_load %arg9[%swap3A_592] {strides = array<i32>} : memref<4096xf32, #tpu.memory_space<vmem>>, vector<16xf32>,
      tpu.vector_store %arg9[%swap3A_592], %scan3A_562#14 {strides = array<i32>} : memref<4096xf32, #tpu.memory_space<vmem>>, vector<16xf32>,
      %swap3A_594 = arith.constant 1264 : index
      %swap3A_595 = tpu.vector_load %arg9[%swap3A_594] {strides = array<i32>} : memref<4096xf32, #tpu.memory_space<vmem>>, vector<16xf32>,
      tpu.vector_store %arg9[%swap3A_594], %scan3A_562#15 {strides = array<i32>} : memref<4096xf32, #tpu.memory_space<vmem>>, vector<16xf32>,
      %swap3A_596 = arith.constant 1280 : index
      %swap3A_597 = tpu.vector_load %arg9[%swap3A_596] {strides = array<i32>} : memref<4096xf32, #tpu.memory_space<vmem>>, vector<16xf32>,
      tpu.vector_store %arg9[%swap3A_596], %scan3A_562#16 {strides = array<i32>} : memref<4096xf32, #tpu.memory_space<vmem>>, vector<16xf32>,
      %swap3A_598 = arith.constant 1296 : index
      %swap3A_599 = tpu.vector_load %arg9[%swap3A_598] {strides = array<i32>} : memref<4096xf32, #tpu.memory_space<vmem>>, vector<16xf32>,
      tpu.vector_store %arg9[%swap3A_598], %scan3A_562#17 {strides = array<i32>} : memref<4096xf32, #tpu.memory_space<vmem>>, vector<16xf32>,
      %swap3A_600 = arith.constant 1312 : index
      %swap3A_601 = tpu.vector_load %arg9[%swap3A_600] {strides = array<i32>} : memref<4096xf32, #tpu.memory_space<vmem>>, vector<16xf32>,
      tpu.vector_store %arg9[%swap3A_600], %scan3A_562#18 {strides = array<i32>} : memref<4096xf32, #tpu.memory_space<vmem>>, vector<16xf32>,
      %swap3A_602 = arith.constant 1328 : index
      %swap3A_603 = tpu.vector_load %arg9[%swap3A_602] {strides = array<i32>} : memref<4096xf32, #tpu.memory_space<vmem>>, vector<16xf32>,
      tpu.vector_store %arg9[%swap3A_602], %scan3A_562#19 {strides = array<i32>} : memref<4096xf32, #tpu.memory_space<vmem>>, vector<16xf32>,
      %swap3A_604 = arith.constant 1344 : index
      %swap3A_605 = tpu.vector_load %arg9[%swap3A_604] {strides = array<i32>} : memref<4096xf32, #tpu.memory_space<vmem>>, vector<16xf32>,
      tpu.vector_store %arg9[%swap3A_604], %scan3A_562#20 {strides = array<i32>} : memref<4096xf32, #tpu.memory_space<vmem>>, vector<16xf32>,
      %swap3A_606 = arith.constant 1360 : index
      %swap3A_607 = tpu.vector_load %arg9[%swap3A_606] {strides = array<i32>} : memref<4096xf32, #tpu.memory_space<vmem>>, vector<16xf32>,
      tpu.vector_store %arg9[%swap3A_606], %scan3A_562#21 {strides = array<i32>} : memref<4096xf32, #tpu.memory_space<vmem>>, vector<16xf32>,
      %swap3A_608 = arith.constant 1376 : index
      %swap3A_609 = tpu.vector_load %arg9[%swap3A_608] {strides = array<i32>} : memref<4096xf32, #tpu.memory_space<vmem>>, vector<16xf32>,
      tpu.vector_store %arg9[%swap3A_608], %scan3A_562#22 {strides = array<i32>} : memref<4096xf32, #tpu.memory_space<vmem>>, vector<16xf32>,
      %swap3A_610 = arith.constant 1392 : index
      %swap3A_611 = tpu.vector_load %arg9[%swap3A_610] {strides = array<i32>} : memref<4096xf32, #tpu.memory_space<vmem>>, vector<16xf32>,
      tpu.vector_store %arg9[%swap3A_610], %scan3A_562#23 {strides = array<i32>} : memref<4096xf32, #tpu.memory_space<vmem>>, vector<16xf32>,
      %swap3A_612 = arith.constant 1408 : index
      %swap3A_613 = tpu.vector_load %arg9[%swap3A_612] {strides = array<i32>} : memref<4096xf32, #tpu.memory_space<vmem>>, vector<16xf32>,
      tpu.vector_store %arg9[%swap3A_612], %scan3A_562#24 {strides = array<i32>} : memref<4096xf32, #tpu.memory_space<vmem>>, vector<16xf32>,
      %swap3A_614 = arith.constant 1424 : index
      %swap3A_615 = tpu.vector_load %arg9[%swap3A_614] {strides = array<i32>} : memref<4096xf32, #tpu.memory_space<vmem>>, vector<16xf32>,
      tpu.vector_store %arg9[%swap3A_614], %scan3A_562#25 {strides = array<i32>} : memref<4096xf32, #tpu.memory_space<vmem>>, vector<16xf32>,
      %swap3A_616 = arith.constant 1440 : index
      %swap3A_617 = tpu.vector_load %arg9[%swap3A_616] {strides = array<i32>} : memref<4096xf32, #tpu.memory_space<vmem>>, vector<16xf32>,
      tpu.vector_store %arg9[%swap3A_616], %scan3A_562#26 {strides = array<i32>} : memref<4096xf32, #tpu.memory_space<vmem>>, vector<16xf32>,
      %swap3A_618 = arith.constant 1456 : index
      %swap3A_619 = tpu.vector_load %arg9[%swap3A_618] {strides = array<i32>} : memref<4096xf32, #tpu.memory_space<vmem>>, vector<16xf32>,
      tpu.vector_store %arg9[%swap3A_618], %scan3A_562#27 {strides = array<i32>} : memref<4096xf32, #tpu.memory_space<vmem>>, vector<16xf32>,
      %swap3A_620 = arith.constant 1472 : index
      %swap3A_621 = tpu.vector_load %arg9[%swap3A_620] {strides = array<i32>} : memref<4096xf32, #tpu.memory_space<vmem>>, vector<16xf32>,
      tpu.vector_store %arg9[%swap3A_620], %scan3A_562#28 {strides = array<i32>} : memref<4096xf32, #tpu.memory_space<vmem>>, vector<16xf32>,
      %swap3A_622 = arith.constant 1488 : index
      %swap3A_623 = tpu.vector_load %arg9[%swap3A_622] {strides = array<i32>} : memref<4096xf32, #tpu.memory_space<vmem>>, vector<16xf32>,
      tpu.vector_store %arg9[%swap3A_622], %scan3A_562#29 {strides = array<i32>} : memref<4096xf32, #tpu.memory_space<vmem>>, vector<16xf32>,
      %swap3A_624 = arith.constant 1504 : index
      %swap3A_625 = tpu.vector_load %arg9[%swap3A_624] {strides = array<i32>} : memref<4096xf32, #tpu.memory_space<vmem>>, vector<16xf32>,
      tpu.vector_store %arg9[%swap3A_624], %scan3A_562#30 {strides = array<i32>} : memref<4096xf32, #tpu.memory_space<vmem>>, vector<16xf32>,
      %swap3A_626 = arith.constant 1520 : index
      %swap3A_627 = tpu.vector_load %arg9[%swap3A_626] {strides = array<i32>} : memref<4096xf32, #tpu.memory_space<vmem>>, vector<16xf32>,
      tpu.vector_store %arg9[%swap3A_626], %scan3A_562#31 {strides = array<i32>} : memref<4096xf32, #tpu.memory_space<vmem>>, vector<16xf32>,
      %mul3A_628 = arith.constant 4096 : i32
      %mul3A_629 = arith.muli %scan3A_28, %mul3A_628 : i32
      %add3A_630 = arith.constant 65536 : i32
      %add3A_631 = arith.addi %add3A_630, %mul3A_629 : i32
      %add3A_632 = arith.constant 16 : i32
      %add3A_633 = arith.addi %mul3A_2, %add3A_632 : i32
      %dma_start3A_634 = arith.constant 0 : i32
      %dma_start3A_635 = arith.constant 0 : i32
      %dma_start3A_636 = arith.constant 0 : i32
      %dma_start3A_637 = tpu.memref_slice %arg6[%dma_start3A_634, %dma_start3A_635, %dma_start3A_636] : memref<2x4x4096xf32, #tpu.memory_space<vmem>> -> memref<1x4x4096xf32, #tpu.memory_space<vmem>>
      %dma_start3A_638 = tpu.memref_squeeze %dma_start3A_637 : memref<1x4x4096xf32, #tpu.memory_space<vmem>> -> memref<4x4096xf32, #tpu.memory_space<vmem>>
      %dma_start3A_639 = tpu.memref_slice %arg2[%add3A_633, %add3A_631] : memref<1024x81920xf32, #tpu.memory_space<hbm>> -> memref<4x4096xf32, #tpu.memory_space<hbm>>
      %dma_start3A_640 = arith.constant 0 : i32
      %dma_start3A_641 = arith.constant 0 : i32
      %dma_start3A_642 = tpu.memref_slice %arg6[%dma_start3A_634, %dma_start3A_640, %dma_start3A_641] : memref<2x4x4096xf32, #tpu.memory_space<vmem>> -> memref<1x4x4096xf32, #tpu.memory_space<vmem>>
      %dma_start3A_643 = tpu.memref_squeeze %dma_start3A_642 : memref<1x4x4096xf32, #tpu.memory_space<vmem>> -> memref<4x4096xf32, #tpu.memory_space<vmem>>
      %dma_start3A_644 = tpu.memref_slice %arg2[%add3A_633, %add3A_631] : memref<1024x81920xf32, #tpu.memory_space<hbm>> -> memref<4x4096xf32, #tpu.memory_space<hbm>>
      tpu.enqueue_dma source(%dma_start3A_644 : memref<4x4096xf32, #tpu.memory_space<hbm>>) target(%dma_start3A_643 : memref<4x4096xf32, #tpu.memory_space<vmem>>) target_semaphore(%arg12 : memref<!tpu.dma_semaphore, #tpu.memory_space<semaphore_mem>>)
      %dma_start3A_645 = arith.constant 0 : i32
      %dma_start3A_646 = arith.constant 0 : i32
      %dma_start3A_647 = arith.constant 0 : i32
      %dma_start3A_648 = tpu.memref_slice %arg7[%dma_start3A_645, %dma_start3A_646, %dma_start3A_647] : memref<2x4x4096xf32, #tpu.memory_space<vmem>> -> memref<1x4x4096xf32, #tpu.memory_space<vmem>>
      %dma_start3A_649 = tpu.memref_squeeze %dma_start3A_648 : memref<1x4x4096xf32, #tpu.memory_space<vmem>> -> memref<4x4096xf32, #tpu.memory_space<vmem>>
      %dma_start3A_650 = tpu.memref_slice %arg3[%add3A_633, %add3A_631] : memref<1024x81920xf32, #tpu.memory_space<hbm>> -> memref<4x4096xf32, #tpu.memory_space<hbm>>
      %dma_start3A_651 = arith.constant 0 : i32
      %dma_start3A_652 = arith.constant 0 : i32
      %dma_start3A_653 = tpu.memref_slice %arg7[%dma_start3A_645, %dma_start3A_651, %dma_start3A_652] : memref<2x4x4096xf32, #tpu.memory_space<vmem>> -> memref<1x4x4096xf32, #tpu.memory_space<vmem>>
      %dma_start3A_654 = tpu.memref_squeeze %dma_start3A_653 : memref<1x4x4096xf32, #tpu.memory_space<vmem>> -> memref<4x4096xf32, #tpu.memory_space<vmem>>
      %dma_start3A_655 = tpu.memref_slice %arg3[%add3A_633, %add3A_631] : memref<1024x81920xf32, #tpu.memory_space<hbm>> -> memref<4x4096xf32, #tpu.memory_space<hbm>>
      tpu.enqueue_dma source(%dma_start3A_655 : memref<4x4096xf32, #tpu.memory_space<hbm>>) target(%dma_start3A_654 : memref<4x4096xf32, #tpu.memory_space<vmem>>) target_semaphore(%arg12 : memref<!tpu.dma_semaphore, #tpu.memory_space<semaphore_mem>>)
      %mul3A_656 = arith.constant 4096 : i32
      %mul3A_657 = arith.muli %scan3A_28, %mul3A_656 : i32
      %add3A_658 = arith.constant 65536 : i32
      %add3A_659 = arith.addi %add3A_658, %mul3A_657 : i32
      %add3A_660 = arith.constant 12 : i32
      %add3A_661 = arith.addi %mul3A_2, %add3A_660 : i32
      %dma_wait3A_662 = arith.constant 1 : i32
      %dma_wait3A_663 = arith.constant 0 : i32
      %dma_wait3A_664 = arith.constant 0 : i32
      %dma_wait3A_665 = tpu.memref_slice %arg6[%dma_wait3A_662, %dma_wait3A_663, %dma_wait3A_664] : memref<2x4x4096xf32, #tpu.memory_space<vmem>> -> memref<1x4x4096xf32, #tpu.memory_space<vmem>>
      %dma_wait3A_666 = tpu.memref_squeeze %dma_wait3A_665 : memref<1x4x4096xf32, #tpu.memory_space<vmem>> -> memref<4x4096xf32, #tpu.memory_space<vmem>>
      %dma_wait3A_667 = tpu.memref_slice %arg2[%add3A_661, %add3A_659] : memref<1024x81920xf32, #tpu.memory_space<hbm>> -> memref<4x4096xf32, #tpu.memory_space<hbm>>
      %dma_wait3A_668 = arith.constant 0 : i32
      %dma_wait3A_669 = arith.constant 0 : i32
      %dma_wait3A_670 = tpu.memref_slice %arg6[%dma_wait3A_662, %dma_wait3A_668, %dma_wait3A_669] : memref<2x4x4096xf32, #tpu.memory_space<vmem>> -> memref<1x4x4096xf32, #tpu.memory_space<vmem>>
      %dma_wait3A_671 = tpu.memref_squeeze %dma_wait3A_670 : memref<1x4x4096xf32, #tpu.memory_space<vmem>> -> memref<4x4096xf32, #tpu.memory_space<vmem>>
      %dma_wait3A_672 = tpu.memref_slice %arg2[%add3A_661, %add3A_659] : memref<1024x81920xf32, #tpu.memory_space<hbm>> -> memref<4x4096xf32, #tpu.memory_space<hbm>>
      tpu.wait_dma2 semaphore(%arg13 : memref<!tpu.dma_semaphore, #tpu.memory_space<semaphore_mem>>) src(%dma_wait3A_672 : memref<4x4096xf32, #tpu.memory_space<hbm>>) dst(%dma_wait3A_671 : memref<4x4096xf32, #tpu.memory_space<vmem>>)
      %dma_wait3A_673 = arith.constant 1 : i32
      %dma_wait3A_674 = arith.constant 0 : i32
      %dma_wait3A_675 = arith.constant 0 : i32
      %dma_wait3A_676 = tpu.memref_slice %arg7[%dma_wait3A_673, %dma_wait3A_674, %dma_wait3A_675] : memref<2x4x4096xf32, #tpu.memory_space<vmem>> -> memref<1x4x4096xf32, #tpu.memory_space<vmem>>
      %dma_wait3A_677 = tpu.memref_squeeze %dma_wait3A_676 : memref<1x4x4096xf32, #tpu.memory_space<vmem>> -> memref<4x4096xf32, #tpu.memory_space<vmem>>
      %dma_wait3A_678 = tpu.memref_slice %arg3[%add3A_661, %add3A_659] : memref<1024x81920xf32, #tpu.memory_space<hbm>> -> memref<4x4096xf32, #tpu.memory_space<hbm>>
      %dma_wait3A_679 = arith.constant 0 : i32
      %dma_wait3A_680 = arith.constant 0 : i32
      %dma_wait3A_681 = tpu.memref_slice %arg7[%dma_wait3A_673, %dma_wait3A_679, %dma_wait3A_680] : memref<2x4x4096xf32, #tpu.memory_space<vmem>> -> memref<1x4x4096xf32, #tpu.memory_space<vmem>>
      %dma_wait3A_682 = tpu.memref_squeeze %dma_wait3A_681 : memref<1x4x4096xf32, #tpu.memory_space<vmem>> -> memref<4x4096xf32, #tpu.memory_space<vmem>>
      %dma_wait3A_683 = tpu.memref_slice %arg3[%add3A_661, %add3A_659] : memref<1024x81920xf32, #tpu.memory_space<hbm>> -> memref<4x4096xf32, #tpu.memory_space<hbm>>
      tpu.wait_dma2 semaphore(%arg13 : memref<!tpu.dma_semaphore, #tpu.memory_space<semaphore_mem>>) src(%dma_wait3A_683 : memref<4x4096xf32, #tpu.memory_space<hbm>>) dst(%dma_wait3A_682 : memref<4x4096xf32, #tpu.memory_space<vmem>>)
      %get3A_684 = arith.constant 1536 : index
      %get3A_685 = tpu.vector_load %arg9[%get3A_684] {strides = array<i32>} : memref<4096xf32, #tpu.memory_space<vmem>>, vector<16xf32>,
      %get3A_686 = arith.constant 1552 : index
      %get3A_687 = tpu.vector_load %arg9[%get3A_686] {strides = array<i32>} : memref<4096xf32, #tpu.memory_space<vmem>>, vector<16xf32>,
      %get3A_688 = arith.constant 1568 : index
      %get3A_689 = tpu.vector_load %arg9[%get3A_688] {strides = array<i32>} : memref<4096xf32, #tpu.memory_space<vmem>>, vector<16xf32>,
      %get3A_690 = arith.constant 1584 : index
      %get3A_691 = tpu.vector_load %arg9[%get3A_690] {strides = array<i32>} : memref<4096xf32, #tpu.memory_space<vmem>>, vector<16xf32>,
      %get3A_692 = arith.constant 1600 : index
      %get3A_693 = tpu.vector_load %arg9[%get3A_692] {strides = array<i32>} : memref<4096xf32, #tpu.memory_space<vmem>>, vector<16xf32>,
      %get3A_694 = arith.constant 1616 : index
      %get3A_695 = tpu.vector_load %arg9[%get3A_694] {strides = array<i32>} : memref<4096xf32, #tpu.memory_space<vmem>>, vector<16xf32>,
      %get3A_696 = arith.constant 1632 : index
      %get3A_697 = tpu.vector_load %arg9[%get3A_696] {strides = array<i32>} : memref<4096xf32, #tpu.memory_space<vmem>>, vector<16xf32>,
      %get3A_698 = arith.constant 1648 : index
      %get3A_699 = tpu.vector_load %arg9[%get3A_698] {strides = array<i32>} : memref<4096xf32, #tpu.memory_space<vmem>>, vector<16xf32>,
      %get3A_700 = arith.constant 1664 : index
      %get3A_701 = tpu.vector_load %arg9[%get3A_700] {strides = array<i32>} : memref<4096xf32, #tpu.memory_space<vmem>>, vector<16xf32>,
      %get3A_702 = arith.constant 1680 : index
      %get3A_703 = tpu.vector_load %arg9[%get3A_702] {strides = array<i32>} : memref<4096xf32, #tpu.memory_space<vmem>>, vector<16xf32>,
      %get3A_704 = arith.constant 1696 : index
      %get3A_705 = tpu.vector_load %arg9[%get3A_704] {strides = array<i32>} : memref<4096xf32, #tpu.memory_space<vmem>>, vector<16xf32>,
      %get3A_706 = arith.constant 1712 : index
      %get3A_707 = tpu.vector_load %arg9[%get3A_706] {strides = array<i32>} : memref<4096xf32, #tpu.memory_space<vmem>>, vector<16xf32>,
      %get3A_708 = arith.constant 1728 : index
      %get3A_709 = tpu.vector_load %arg9[%get3A_708] {strides = array<i32>} : memref<4096xf32, #tpu.memory_space<vmem>>, vector<16xf32>,
      %get3A_710 = arith.constant 1744 : index
      %get3A_711 = tpu.vector_load %arg9[%get3A_710] {strides = array<i32>} : memref<4096xf32, #tpu.memory_space<vmem>>, vector<16xf32>,
      %get3A_712 = arith.constant 1760 : index
      %get3A_713 = tpu.vector_load %arg9[%get3A_712] {strides = array<i32>} : memref<4096xf32, #tpu.memory_space<vmem>>, vector<16xf32>,
      %get3A_714 = arith.constant 1776 : index
      %get3A_715 = tpu.vector_load %arg9[%get3A_714] {strides = array<i32>} : memref<4096xf32, #tpu.memory_space<vmem>>, vector<16xf32>,
      %get3A_716 = arith.constant 1792 : index
      %get3A_717 = tpu.vector_load %arg9[%get3A_716] {strides = array<i32>} : memref<4096xf32, #tpu.memory_space<vmem>>, vector<16xf32>,
      %get3A_718 = arith.constant 1808 : index
      %get3A_719 = tpu.vector_load %arg9[%get3A_718] {strides = array<i32>} : memref<4096xf32, #tpu.memory_space<vmem>>, vector<16xf32>,
      %get3A_720 = arith.constant 1824 : index
      %get3A_721 = tpu.vector_load %arg9[%get3A_720] {strides = array<i32>} : memref<4096xf32, #tpu.memory_space<vmem>>, vector<16xf32>,
      %get3A_722 = arith.constant 1840 : index
      %get3A_723 = tpu.vector_load %arg9[%get3A_722] {strides = array<i32>} : memref<4096xf32, #tpu.memory_space<vmem>>, vector<16xf32>,
      %get3A_724 = arith.constant 1856 : index
      %get3A_725 = tpu.vector_load %arg9[%get3A_724] {strides = array<i32>} : memref<4096xf32, #tpu.memory_space<vmem>>, vector<16xf32>,
      %get3A_726 = arith.constant 1872 : index
      %get3A_727 = tpu.vector_load %arg9[%get3A_726] {strides = array<i32>} : memref<4096xf32, #tpu.memory_space<vmem>>, vector<16xf32>,
      %get3A_728 = arith.constant 1888 : index
      %get3A_729 = tpu.vector_load %arg9[%get3A_728] {strides = array<i32>} : memref<4096xf32, #tpu.memory_space<vmem>>, vector<16xf32>,
      %get3A_730 = arith.constant 1904 : index
      %get3A_731 = tpu.vector_load %arg9[%get3A_730] {strides = array<i32>} : memref<4096xf32, #tpu.memory_space<vmem>>, vector<16xf32>,
      %get3A_732 = arith.constant 1920 : index
      %get3A_733 = tpu.vector_load %arg9[%get3A_732] {strides = array<i32>} : memref<4096xf32, #tpu.memory_space<vmem>>, vector<16xf32>,
      %get3A_734 = arith.constant 1936 : index
      %get3A_735 = tpu.vector_load %arg9[%get3A_734] {strides = array<i32>} : memref<4096xf32, #tpu.memory_space<vmem>>, vector<16xf32>,
      %get3A_736 = arith.constant 1952 : index
      %get3A_737 = tpu.vector_load %arg9[%get3A_736] {strides = array<i32>} : memref<4096xf32, #tpu.memory_space<vmem>>, vector<16xf32>,
      %get3A_738 = arith.constant 1968 : index
      %get3A_739 = tpu.vector_load %arg9[%get3A_738] {strides = array<i32>} : memref<4096xf32, #tpu.memory_space<vmem>>, vector<16xf32>,
      %get3A_740 = arith.constant 1984 : index
      %get3A_741 = tpu.vector_load %arg9[%get3A_740] {strides = array<i32>} : memref<4096xf32, #tpu.memory_space<vmem>>, vector<16xf32>,
      %get3A_742 = arith.constant 2000 : index
      %get3A_743 = tpu.vector_load %arg9[%get3A_742] {strides = array<i32>} : memref<4096xf32, #tpu.memory_space<vmem>>, vector<16xf32>,
      %get3A_744 = arith.constant 2016 : index
      %get3A_745 = tpu.vector_load %arg9[%get3A_744] {strides = array<i32>} : memref<4096xf32, #tpu.memory_space<vmem>>, vector<16xf32>,
      %get3A_746 = arith.constant 2032 : index
      %get3A_747 = tpu.vector_load %arg9[%get3A_746] {strides = array<i32>} : memref<4096xf32, #tpu.memory_space<vmem>>, vector<16xf32>,
      %scan3A_748 = arith.constant 0 : i32
      %scan3A_749 = arith.constant 256 : i32
      %scan3A_750 = arith.addi %scan3A_748, %scan3A_749 : i32
      %scan3A_751 = arith.constant 1 : i32
      %scan3A_752:32 = scf.for %scan3A_1551 = %scan3A_748 to %scan3A_750 step %scan3A_751 iter_args(%scan3A_1552 = %get3A_685, %scan3A_1553 = %get3A_687, %scan3A_1554 = %get3A_689, %scan3A_1555 = %get3A_691, %scan3A_1556 = %get3A_693, %scan3A_1557 = %get3A_695, %scan3A_1558 = %get3A_697, %scan3A_1559 = %get3A_699, %scan3A_1560 = %get3A_701, %scan3A_1561 = %get3A_703, %scan3A_1562 = %get3A_705, %scan3A_1563 = %get3A_707, %scan3A_1564 = %get3A_709, %scan3A_1565 = %get3A_711, %scan3A_1566 = %get3A_713, %scan3A_1567 = %get3A_715, %scan3A_1568 = %get3A_717, %scan3A_1569 = %get3A_719, %scan3A_1570 = %get3A_721, %scan3A_1571 = %get3A_723, %scan3A_1572 = %get3A_725, %scan3A_1573 = %get3A_727, %scan3A_1574 = %get3A_729, %scan3A_1575 = %get3A_731, %scan3A_1576 = %get3A_733, %scan3A_1577 = %get3A_735, %scan3A_1578 = %get3A_737, %scan3A_1579 = %get3A_739, %scan3A_1580 = %get3A_741, %scan3A_1581 = %get3A_743, %scan3A_1582 = %get3A_745, %scan3A_1583 = %get3A_747) -> (vector<16xf32>, vector<16xf32>, vector<16xf32>, vector<16xf32>, vector<16xf32>, vector<16xf32>, vector<16xf32>, vector<16xf32>, vector<16xf32>, vector<16xf32>, vector<16xf32>, vector<16xf32>, vector<16xf32>, vector<16xf32>, vector<16xf32>, vector<16xf32>, vector<16xf32>, vector<16xf32>, vector<16xf32>, vector<16xf32>, vector<16xf32>, vector<16xf32>, vector<16xf32>, vector<16xf32>, vector<16xf32>, vector<16xf32>, vector<16xf32>, vector<16xf32>, vector<16xf32>, vector<16xf32>, vector<16xf32>, vector<16xf32>)  : i32 {
        %mul3A_1584 = arith.constant 16 : i32
        %mul3A_1585 = arith.muli %scan3A_1551, %mul3A_1584 : i32
        %get3A_1586 = arith.constant 0 : i32
        %get3A_1587 = arith.index_cast %get3A_1586 : i32 to index
        %get3A_1588 = arith.index_cast %mul3A_1585 : i32 to index
        %get3A_1589 = tpu.vector_load %arg8[%get3A_1587, %get3A_1588] {strides = array<i32>} : memref<4x4096xf32, #tpu.memory_space<vmem>>, vector<16xf32>,
        %mul3A_1590 = arith.constant 16 : i32
        %mul3A_1591 = arith.muli %scan3A_1551, %mul3A_1590 : i32
        %get3A_1592 = arith.constant 1 : i32
        %get3A_1593 = arith.index_cast %get3A_1592 : i32 to index
        %get3A_1594 = arith.index_cast %mul3A_1591 : i32 to index
        %get3A_1595 = tpu.vector_load %arg8[%get3A_1593, %get3A_1594] {strides = array<i32>} : memref<4x4096xf32, #tpu.memory_space<vmem>>, vector<16xf32>,
        %mul3A_1596 = arith.constant 16 : i32
        %mul3A_1597 = arith.muli %scan3A_1551, %mul3A_1596 : i32
        %get3A_1598 = arith.constant 2 : i32
        %get3A_1599 = arith.index_cast %get3A_1598 : i32 to index
        %get3A_1600 = arith.index_cast %mul3A_1597 : i32 to index
        %get3A_1601 = tpu.vector_load %arg8[%get3A_1599, %get3A_1600] {strides = array<i32>} : memref<4x4096xf32, #tpu.memory_space<vmem>>, vector<16xf32>,
        %mul3A_1602 = arith.constant 16 : i32
        %mul3A_1603 = arith.muli %scan3A_1551, %mul3A_1602 : i32
        %get3A_1604 = arith.constant 3 : i32
        %get3A_1605 = arith.index_cast %get3A_1604 : i32 to index
        %get3A_1606 = arith.index_cast %mul3A_1603 : i32 to index
        %get3A_1607 = tpu.vector_load %arg8[%get3A_1605, %get3A_1606] {strides = array<i32>} : memref<4x4096xf32, #tpu.memory_space<vmem>>, vector<16xf32>,
        %mul3A_1608 = arith.constant 16 : i32
        %mul3A_1609 = arith.muli %scan3A_1551, %mul3A_1608 : i32
        %get3A_1610 = arith.constant 1 : i32
        %get3A_1611 = arith.constant 0 : i32
        %get3A_1612 = arith.index_cast %get3A_1610 : i32 to index
        %get3A_1613 = arith.index_cast %get3A_1611 : i32 to index
        %get3A_1614 = arith.index_cast %mul3A_1609 : i32 to index
        %get3A_1615 = tpu.vector_load %arg6[%get3A_1612, %get3A_1613, %get3A_1614] {strides = array<i32>} : memref<2x4x4096xf32, #tpu.memory_space<vmem>>, vector<16xf32>,
        %mul3A_1616 = arith.constant 16 : i32
        %mul3A_1617 = arith.muli %scan3A_1551, %mul3A_1616 : i32
        %get3A_1618 = arith.constant 1 : i32
        %get3A_1619 = arith.constant 0 : i32
        %get3A_1620 = arith.index_cast %get3A_1618 : i32 to index
        %get3A_1621 = arith.index_cast %get3A_1619 : i32 to index
        %get3A_1622 = arith.index_cast %mul3A_1617 : i32 to index
        %get3A_1623 = tpu.vector_load %arg7[%get3A_1620, %get3A_1621, %get3A_1622] {strides = array<i32>} : memref<2x4x4096xf32, #tpu.memory_space<vmem>>, vector<16xf32>,
        %mul3A_1624 = arith.mulf %get3A_1615, %get3A_1589 : vector<16xf32>
        %add3A_1625 = arith.addf %scan3A_1552, %mul3A_1624 : vector<16xf32>
        %mul3A_1626 = arith.mulf %get3A_1623, %get3A_1589 : vector<16xf32>
        %add3A_1627 = arith.addf %scan3A_1556, %mul3A_1626 : vector<16xf32>
        %mul3A_1628 = arith.mulf %get3A_1615, %get3A_1595 : vector<16xf32>
        %add3A_1629 = arith.addf %scan3A_1553, %mul3A_1628 : vector<16xf32>
        %mul3A_1630 = arith.mulf %get3A_1623, %get3A_1595 : vector<16xf32>
        %add3A_1631 = arith.addf %scan3A_1557, %mul3A_1630 : vector<16xf32>
        %mul3A_1632 = arith.mulf %get3A_1615, %get3A_1601 : vector<16xf32>
        %add3A_1633 = arith.addf %scan3A_1554, %mul3A_1632 : vector<16xf32>
        %mul3A_1634 = arith.mulf %get3A_1623, %get3A_1601 : vector<16xf32>
        %add3A_1635 = arith.addf %scan3A_1558, %mul3A_1634 : vector<16xf32>
        %mul3A_1636 = arith.mulf %get3A_1615, %get3A_1607 : vector<16xf32>
        %add3A_1637 = arith.addf %scan3A_1555, %mul3A_1636 : vector<16xf32>
        %mul3A_1638 = arith.mulf %get3A_1623, %get3A_1607 : vector<16xf32>
        %add3A_1639 = arith.addf %scan3A_1559, %mul3A_1638 : vector<16xf32>
        %mul3A_1640 = arith.constant 16 : i32
        %mul3A_1641 = arith.muli %scan3A_1551, %mul3A_1640 : i32
        %get3A_1642 = arith.constant 1 : i32
        %get3A_1643 = arith.constant 1 : i32
        %get3A_1644 = arith.index_cast %get3A_1642 : i32 to index
        %get3A_1645 = arith.index_cast %get3A_1643 : i32 to index
        %get3A_1646 = arith.index_cast %mul3A_1641 : i32 to index
        %get3A_1647 = tpu.vector_load %arg6[%get3A_1644, %get3A_1645, %get3A_1646] {strides = array<i32>} : memref<2x4x4096xf32, #tpu.memory_space<vmem>>, vector<16xf32>,
        %mul3A_1648 = arith.constant 16 : i32
        %mul3A_1649 = arith.muli %scan3A_1551, %mul3A_1648 : i32
        %get3A_1650 = arith.constant 1 : i32
        %get3A_1651 = arith.constant 1 : i32
        %get3A_1652 = arith.index_cast %get3A_1650 : i32 to index
        %get3A_1653 = arith.index_cast %get3A_1651 : i32 to index
        %get3A_1654 = arith.index_cast %mul3A_1649 : i32 to index
        %get3A_1655 = tpu.vector_load %arg7[%get3A_1652, %get3A_1653, %get3A_1654] {strides = array<i32>} : memref<2x4x4096xf32, #tpu.memory_space<vmem>>, vector<16xf32>,
        %mul3A_1656 = arith.mulf %get3A_1647, %get3A_1589 : vector<16xf32>
        %add3A_1657 = arith.addf %scan3A_1560, %mul3A_1656 : vector<16xf32>
        %mul3A_1658 = arith.mulf %get3A_1655, %get3A_1589 : vector<16xf32>
        %add3A_1659 = arith.addf %scan3A_1564, %mul3A_1658 : vector<16xf32>
        %mul3A_1660 = arith.mulf %get3A_1647, %get3A_1595 : vector<16xf32>
        %add3A_1661 = arith.addf %scan3A_1561, %mul3A_1660 : vector<16xf32>
        %mul3A_1662 = arith.mulf %get3A_1655, %get3A_1595 : vector<16xf32>
        %add3A_1663 = arith.addf %scan3A_1565, %mul3A_1662 : vector<16xf32>
        %mul3A_1664 = arith.mulf %get3A_1647, %get3A_1601 : vector<16xf32>
        %add3A_1665 = arith.addf %scan3A_1562, %mul3A_1664 : vector<16xf32>
        %mul3A_1666 = arith.mulf %get3A_1655, %get3A_1601 : vector<16xf32>
        %add3A_1667 = arith.addf %scan3A_1566, %mul3A_1666 : vector<16xf32>
        %mul3A_1668 = arith.mulf %get3A_1647, %get3A_1607 : vector<16xf32>
        %add3A_1669 = arith.addf %scan3A_1563, %mul3A_1668 : vector<16xf32>
        %mul3A_1670 = arith.mulf %get3A_1655, %get3A_1607 : vector<16xf32>
        %add3A_1671 = arith.addf %scan3A_1567, %mul3A_1670 : vector<16xf32>
        %mul3A_1672 = arith.constant 16 : i32
        %mul3A_1673 = arith.muli %scan3A_1551, %mul3A_1672 : i32
        %get3A_1674 = arith.constant 1 : i32
        %get3A_1675 = arith.constant 2 : i32
        %get3A_1676 = arith.index_cast %get3A_1674 : i32 to index
        %get3A_1677 = arith.index_cast %get3A_1675 : i32 to index
        %get3A_1678 = arith.index_cast %mul3A_1673 : i32 to index
        %get3A_1679 = tpu.vector_load %arg6[%get3A_1676, %get3A_1677, %get3A_1678] {strides = array<i32>} : memref<2x4x4096xf32, #tpu.memory_space<vmem>>, vector<16xf32>,
        %mul3A_1680 = arith.constant 16 : i32
        %mul3A_1681 = arith.muli %scan3A_1551, %mul3A_1680 : i32
        %get3A_1682 = arith.constant 1 : i32
        %get3A_1683 = arith.constant 2 : i32
        %get3A_1684 = arith.index_cast %get3A_1682 : i32 to index
        %get3A_1685 = arith.index_cast %get3A_1683 : i32 to index
        %get3A_1686 = arith.index_cast %mul3A_1681 : i32 to index
        %get3A_1687 = tpu.vector_load %arg7[%get3A_1684, %get3A_1685, %get3A_1686] {strides = array<i32>} : memref<2x4x4096xf32, #tpu.memory_space<vmem>>, vector<16xf32>,
        %mul3A_1688 = arith.mulf %get3A_1679, %get3A_1589 : vector<16xf32>
        %add3A_1689 = arith.addf %scan3A_1568, %mul3A_1688 : vector<16xf32>
        %mul3A_1690 = arith.mulf %get3A_1687, %get3A_1589 : vector<16xf32>
        %add3A_1691 = arith.addf %scan3A_1572, %mul3A_1690 : vector<16xf32>
        %mul3A_1692 = arith.mulf %get3A_1679, %get3A_1595 : vector<16xf32>
        %add3A_1693 = arith.addf %scan3A_1569, %mul3A_1692 : vector<16xf32>
        %mul3A_1694 = arith.mulf %get3A_1687, %get3A_1595 : vector<16xf32>
        %add3A_1695 = arith.addf %scan3A_1573, %mul3A_1694 : vector<16xf32>
        %mul3A_1696 = arith.mulf %get3A_1679, %get3A_1601 : vector<16xf32>
        %add3A_1697 = arith.addf %scan3A_1570, %mul3A_1696 : vector<16xf32>
        %mul3A_1698 = arith.mulf %get3A_1687, %get3A_1601 : vector<16xf32>
        %add3A_1699 = arith.addf %scan3A_1574, %mul3A_1698 : vector<16xf32>
        %mul3A_1700 = arith.mulf %get3A_1679, %get3A_1607 : vector<16xf32>
        %add3A_1701 = arith.addf %scan3A_1571, %mul3A_1700 : vector<16xf32>
        %mul3A_1702 = arith.mulf %get3A_1687, %get3A_1607 : vector<16xf32>
        %add3A_1703 = arith.addf %scan3A_1575, %mul3A_1702 : vector<16xf32>
        %mul3A_1704 = arith.constant 16 : i32
        %mul3A_1705 = arith.muli %scan3A_1551, %mul3A_1704 : i32
        %get3A_1706 = arith.constant 1 : i32
        %get3A_1707 = arith.constant 3 : i32
        %get3A_1708 = arith.index_cast %get3A_1706 : i32 to index
        %get3A_1709 = arith.index_cast %get3A_1707 : i32 to index
        %get3A_1710 = arith.index_cast %mul3A_1705 : i32 to index
        %get3A_1711 = tpu.vector_load %arg6[%get3A_1708, %get3A_1709, %get3A_1710] {strides = array<i32>} : memref<2x4x4096xf32, #tpu.memory_space<vmem>>, vector<16xf32>,
        %mul3A_1712 = arith.constant 16 : i32
        %mul3A_1713 = arith.muli %scan3A_1551, %mul3A_1712 : i32
        %get3A_1714 = arith.constant 1 : i32
        %get3A_1715 = arith.constant 3 : i32
        %get3A_1716 = arith.index_cast %get3A_1714 : i32 to index
        %get3A_1717 = arith.index_cast %get3A_1715 : i32 to index
        %get3A_1718 = arith.index_cast %mul3A_1713 : i32 to index
        %get3A_1719 = tpu.vector_load %arg7[%get3A_1716, %get3A_1717, %get3A_1718] {strides = array<i32>} : memref<2x4x4096xf32, #tpu.memory_space<vmem>>, vector<16xf32>,
        %mul3A_1720 = arith.mulf %get3A_1711, %get3A_1589 : vector<16xf32>
        %add3A_1721 = arith.addf %scan3A_1576, %mul3A_1720 : vector<16xf32>
        %mul3A_1722 = arith.mulf %get3A_1719, %get3A_1589 : vector<16xf32>
        %add3A_1723 = arith.addf %scan3A_1580, %mul3A_1722 : vector<16xf32>
        %mul3A_1724 = arith.mulf %get3A_1711, %get3A_1595 : vector<16xf32>
        %add3A_1725 = arith.addf %scan3A_1577, %mul3A_1724 : vector<16xf32>
        %mul3A_1726 = arith.mulf %get3A_1719, %get3A_1595 : vector<16xf32>
        %add3A_1727 = arith.addf %scan3A_1581, %mul3A_1726 : vector<16xf32>
        %mul3A_1728 = arith.mulf %get3A_1711, %get3A_1601 : vector<16xf32>
        %add3A_1729 = arith.addf %scan3A_1578, %mul3A_1728 : vector<16xf32>
        %mul3A_1730 = arith.mulf %get3A_1719, %get3A_1601 : vector<16xf32>
        %add3A_1731 = arith.addf %scan3A_1582, %mul3A_1730 : vector<16xf32>
        %mul3A_1732 = arith.mulf %get3A_1711, %get3A_1607 : vector<16xf32>
        %add3A_1733 = arith.addf %scan3A_1579, %mul3A_1732 : vector<16xf32>
        %mul3A_1734 = arith.mulf %get3A_1719, %get3A_1607 : vector<16xf32>
        %add3A_1735 = arith.addf %scan3A_1583, %mul3A_1734 : vector<16xf32>
        scf.yield %add3A_1625, %add3A_1629, %add3A_1633, %add3A_1637, %add3A_1627, %add3A_1631, %add3A_1635, %add3A_1639, %add3A_1657, %add3A_1661, %add3A_1665, %add3A_1669, %add3A_1659, %add3A_1663, %add3A_1667, %add3A_1671, %add3A_1689, %add3A_1693, %add3A_1697, %add3A_1701, %add3A_1691, %add3A_1695, %add3A_1699, %add3A_1703, %add3A_1721, %add3A_1725, %add3A_1729, %add3A_1733, %add3A_1723, %add3A_1727, %add3A_1731, %add3A_1735 : vector<16xf32>, vector<16xf32>, vector<16xf32>, vector<16xf32>, vector<16xf32>, vector<16xf32>, vector<16xf32>, vector<16xf32>, vector<16xf32>, vector<16xf32>, vector<16xf32>, vector<16xf32>, vector<16xf32>, vector<16xf32>, vector<16xf32>, vector<16xf32>, vector<16xf32>, vector<16xf32>, vector<16xf32>, vector<16xf32>, vector<16xf32>, vector<16xf32>, vector<16xf32>, vector<16xf32>, vector<16xf32>, vector<16xf32>, vector<16xf32>, vector<16xf32>, vector<16xf32>, vector<16xf32>, vector<16xf32>, vector<16xf32>
      }
      %scan3A_753 = arith.constant 256 : i32
      %swap3A_754 = arith.constant 1536 : index
      %swap3A_755 = tpu.vector_load %arg9[%swap3A_754] {strides = array<i32>} : memref<4096xf32, #tpu.memory_space<vmem>>, vector<16xf32>,
      tpu.vector_store %arg9[%swap3A_754], %scan3A_752#0 {strides = array<i32>} : memref<4096xf32, #tpu.memory_space<vmem>>, vector<16xf32>,
      %swap3A_756 = arith.constant 1552 : index
      %swap3A_757 = tpu.vector_load %arg9[%swap3A_756] {strides = array<i32>} : memref<4096xf32, #tpu.memory_space<vmem>>, vector<16xf32>,
      tpu.vector_store %arg9[%swap3A_756], %scan3A_752#1 {strides = array<i32>} : memref<4096xf32, #tpu.memory_space<vmem>>, vector<16xf32>,
      %swap3A_758 = arith.constant 1568 : index
      %swap3A_759 = tpu.vector_load %arg9[%swap3A_758] {strides = array<i32>} : memref<4096xf32, #tpu.memory_space<vmem>>, vector<16xf32>,
      tpu.vector_store %arg9[%swap3A_758], %scan3A_752#2 {strides = array<i32>} : memref<4096xf32, #tpu.memory_space<vmem>>, vector<16xf32>,
      %swap3A_760 = arith.constant 1584 : index
      %swap3A_761 = tpu.vector_load %arg9[%swap3A_760] {strides = array<i32>} : memref<4096xf32, #tpu.memory_space<vmem>>, vector<16xf32>,
      tpu.vector_store %arg9[%swap3A_760], %scan3A_752#3 {strides = array<i32>} : memref<4096xf32, #tpu.memory_space<vmem>>, vector<16xf32>,
      %swap3A_762 = arith.constant 1600 : index
      %swap3A_763 = tpu.vector_load %arg9[%swap3A_762] {strides = array<i32>} : memref<4096xf32, #tpu.memory_space<vmem>>, vector<16xf32>,
      tpu.vector_store %arg9[%swap3A_762], %scan3A_752#4 {strides = array<i32>} : memref<4096xf32, #tpu.memory_space<vmem>>, vector<16xf32>,
      %swap3A_764 = arith.constant 1616 : index
      %swap3A_765 = tpu.vector_load %arg9[%swap3A_764] {strides = array<i32>} : memref<4096xf32, #tpu.memory_space<vmem>>, vector<16xf32>,
      tpu.vector_store %arg9[%swap3A_764], %scan3A_752#5 {strides = array<i32>} : memref<4096xf32, #tpu.memory_space<vmem>>, vector<16xf32>,
      %swap3A_766 = arith.constant 1632 : index
      %swap3A_767 = tpu.vector_load %arg9[%swap3A_766] {strides = array<i32>} : memref<4096xf32, #tpu.memory_space<vmem>>, vector<16xf32>,
      tpu.vector_store %arg9[%swap3A_766], %scan3A_752#6 {strides = array<i32>} : memref<4096xf32, #tpu.memory_space<vmem>>, vector<16xf32>,
      %swap3A_768 = arith.constant 1648 : index
      %swap3A_769 = tpu.vector_load %arg9[%swap3A_768] {strides = array<i32>} : memref<4096xf32, #tpu.memory_space<vmem>>, vector<16xf32>,
      tpu.vector_store %arg9[%swap3A_768], %scan3A_752#7 {strides = array<i32>} : memref<4096xf32, #tpu.memory_space<vmem>>, vector<16xf32>,
      %swap3A_770 = arith.constant 1664 : index
      %swap3A_771 = tpu.vector_load %arg9[%swap3A_770] {strides = array<i32>} : memref<4096xf32, #tpu.memory_space<vmem>>, vector<16xf32>,
      tpu.vector_store %arg9[%swap3A_770], %scan3A_752#8 {strides = array<i32>} : memref<4096xf32, #tpu.memory_space<vmem>>, vector<16xf32>,
      %swap3A_772 = arith.constant 1680 : index
      %swap3A_773 = tpu.vector_load %arg9[%swap3A_772] {strides = array<i32>} : memref<4096xf32, #tpu.memory_space<vmem>>, vector<16xf32>,
      tpu.vector_store %arg9[%swap3A_772], %scan3A_752#9 {strides = array<i32>} : memref<4096xf32, #tpu.memory_space<vmem>>, vector<16xf32>,
      %swap3A_774 = arith.constant 1696 : index
      %swap3A_775 = tpu.vector_load %arg9[%swap3A_774] {strides = array<i32>} : memref<4096xf32, #tpu.memory_space<vmem>>, vector<16xf32>,
      tpu.vector_store %arg9[%swap3A_774], %scan3A_752#10 {strides = array<i32>} : memref<4096xf32, #tpu.memory_space<vmem>>, vector<16xf32>,
      %swap3A_776 = arith.constant 1712 : index
      %swap3A_777 = tpu.vector_load %arg9[%swap3A_776] {strides = array<i32>} : memref<4096xf32, #tpu.memory_space<vmem>>, vector<16xf32>,
      tpu.vector_store %arg9[%swap3A_776], %scan3A_752#11 {strides = array<i32>} : memref<4096xf32, #tpu.memory_space<vmem>>, vector<16xf32>,
      %swap3A_778 = arith.constant 1728 : index
      %swap3A_779 = tpu.vector_load %arg9[%swap3A_778] {strides = array<i32>} : memref<4096xf32, #tpu.memory_space<vmem>>, vector<16xf32>,
      tpu.vector_store %arg9[%swap3A_778], %scan3A_752#12 {strides = array<i32>} : memref<4096xf32, #tpu.memory_space<vmem>>, vector<16xf32>,
      %swap3A_780 = arith.constant 1744 : index
      %swap3A_781 = tpu.vector_load %arg9[%swap3A_780] {strides = array<i32>} : memref<4096xf32, #tpu.memory_space<vmem>>, vector<16xf32>,
      tpu.vector_store %arg9[%swap3A_780], %scan3A_752#13 {strides = array<i32>} : memref<4096xf32, #tpu.memory_space<vmem>>, vector<16xf32>,
      %swap3A_782 = arith.constant 1760 : index
      %swap3A_783 = tpu.vector_load %arg9[%swap3A_782] {strides = array<i32>} : memref<4096xf32, #tpu.memory_space<vmem>>, vector<16xf32>,
      tpu.vector_store %arg9[%swap3A_782], %scan3A_752#14 {strides = array<i32>} : memref<4096xf32, #tpu.memory_space<vmem>>, vector<16xf32>,
      %swap3A_784 = arith.constant 1776 : index
      %swap3A_785 = tpu.vector_load %arg9[%swap3A_784] {strides = array<i32>} : memref<4096xf32, #tpu.memory_space<vmem>>, vector<16xf32>,
      tpu.vector_store %arg9[%swap3A_784], %scan3A_752#15 {strides = array<i32>} : memref<4096xf32, #tpu.memory_space<vmem>>, vector<16xf32>,
      %swap3A_786 = arith.constant 1792 : index
      %swap3A_787 = tpu.vector_load %arg9[%swap3A_786] {strides = array<i32>} : memref<4096xf32, #tpu.memory_space<vmem>>, vector<16xf32>,
      tpu.vector_store %arg9[%swap3A_786], %scan3A_752#16 {strides = array<i32>} : memref<4096xf32, #tpu.memory_space<vmem>>, vector<16xf32>,
      %swap3A_788 = arith.constant 1808 : index
      %swap3A_789 = tpu.vector_load %arg9[%swap3A_788] {strides = array<i32>} : memref<4096xf32, #tpu.memory_space<vmem>>, vector<16xf32>,
      tpu.vector_store %arg9[%swap3A_788], %scan3A_752#17 {strides = array<i32>} : memref<4096xf32, #tpu.memory_space<vmem>>, vector<16xf32>,
      %swap3A_790 = arith.constant 1824 : index
      %swap3A_791 = tpu.vector_load %arg9[%swap3A_790] {strides = array<i32>} : memref<4096xf32, #tpu.memory_space<vmem>>, vector<16xf32>,
      tpu.vector_store %arg9[%swap3A_790], %scan3A_752#18 {strides = array<i32>} : memref<4096xf32, #tpu.memory_space<vmem>>, vector<16xf32>,
      %swap3A_792 = arith.constant 1840 : index
      %swap3A_793 = tpu.vector_load %arg9[%swap3A_792] {strides = array<i32>} : memref<4096xf32, #tpu.memory_space<vmem>>, vector<16xf32>,
      tpu.vector_store %arg9[%swap3A_792], %scan3A_752#19 {strides = array<i32>} : memref<4096xf32, #tpu.memory_space<vmem>>, vector<16xf32>,
      %swap3A_794 = arith.constant 1856 : index
      %swap3A_795 = tpu.vector_load %arg9[%swap3A_794] {strides = array<i32>} : memref<4096xf32, #tpu.memory_space<vmem>>, vector<16xf32>,
      tpu.vector_store %arg9[%swap3A_794], %scan3A_752#20 {strides = array<i32>} : memref<4096xf32, #tpu.memory_space<vmem>>, vector<16xf32>,
      %swap3A_796 = arith.constant 1872 : index
      %swap3A_797 = tpu.vector_load %arg9[%swap3A_796] {strides = array<i32>} : memref<4096xf32, #tpu.memory_space<vmem>>, vector<16xf32>,
      tpu.vector_store %arg9[%swap3A_796], %scan3A_752#21 {strides = array<i32>} : memref<4096xf32, #tpu.memory_space<vmem>>, vector<16xf32>,
      %swap3A_798 = arith.constant 1888 : index
      %swap3A_799 = tpu.vector_load %arg9[%swap3A_798] {strides = array<i32>} : memref<4096xf32, #tpu.memory_space<vmem>>, vector<16xf32>,
      tpu.vector_store %arg9[%swap3A_798], %scan3A_752#22 {strides = array<i32>} : memref<4096xf32, #tpu.memory_space<vmem>>, vector<16xf32>,
      %swap3A_800 = arith.constant 1904 : index
      %swap3A_801 = tpu.vector_load %arg9[%swap3A_800] {strides = array<i32>} : memref<4096xf32, #tpu.memory_space<vmem>>, vector<16xf32>,
      tpu.vector_store %arg9[%swap3A_800], %scan3A_752#23 {strides = array<i32>} : memref<4096xf32, #tpu.memory_space<vmem>>, vector<16xf32>,
      %swap3A_802 = arith.constant 1920 : index
      %swap3A_803 = tpu.vector_load %arg9[%swap3A_802] {strides = array<i32>} : memref<4096xf32, #tpu.memory_space<vmem>>, vector<16xf32>,
      tpu.vector_store %arg9[%swap3A_802], %scan3A_752#24 {strides = array<i32>} : memref<4096xf32, #tpu.memory_space<vmem>>, vector<16xf32>,
      %swap3A_804 = arith.constant 1936 : index
      %swap3A_805 = tpu.vector_load %arg9[%swap3A_804] {strides = array<i32>} : memref<4096xf32, #tpu.memory_space<vmem>>, vector<16xf32>,
      tpu.vector_store %arg9[%swap3A_804], %scan3A_752#25 {strides = array<i32>} : memref<4096xf32, #tpu.memory_space<vmem>>, vector<16xf32>,
      %swap3A_806 = arith.constant 1952 : index
      %swap3A_807 = tpu.vector_load %arg9[%swap3A_806] {strides = array<i32>} : memref<4096xf32, #tpu.memory_space<vmem>>, vector<16xf32>,
      tpu.vector_store %arg9[%swap3A_806], %scan3A_752#26 {strides = array<i32>} : memref<4096xf32, #tpu.memory_space<vmem>>, vector<16xf32>,
      %swap3A_808 = arith.constant 1968 : index
      %swap3A_809 = tpu.vector_load %arg9[%swap3A_808] {strides = array<i32>} : memref<4096xf32, #tpu.memory_space<vmem>>, vector<16xf32>,
      tpu.vector_store %arg9[%swap3A_808], %scan3A_752#27 {strides = array<i32>} : memref<4096xf32, #tpu.memory_space<vmem>>, vector<16xf32>,
      %swap3A_810 = arith.constant 1984 : index
      %swap3A_811 = tpu.vector_load %arg9[%swap3A_810] {strides = array<i32>} : memref<4096xf32, #tpu.memory_space<vmem>>, vector<16xf32>,
      tpu.vector_store %arg9[%swap3A_810], %scan3A_752#28 {strides = array<i32>} : memref<4096xf32, #tpu.memory_space<vmem>>, vector<16xf32>,
      %swap3A_812 = arith.constant 2000 : index
      %swap3A_813 = tpu.vector_load %arg9[%swap3A_812] {strides = array<i32>} : memref<4096xf32, #tpu.memory_space<vmem>>, vector<16xf32>,
      tpu.vector_store %arg9[%swap3A_812], %scan3A_752#29 {strides = array<i32>} : memref<4096xf32, #tpu.memory_space<vmem>>, vector<16xf32>,
      %swap3A_814 = arith.constant 2016 : index
      %swap3A_815 = tpu.vector_load %arg9[%swap3A_814] {strides = array<i32>} : memref<4096xf32, #tpu.memory_space<vmem>>, vector<16xf32>,
      tpu.vector_store %arg9[%swap3A_814], %scan3A_752#30 {strides = array<i32>} : memref<4096xf32, #tpu.memory_space<vmem>>, vector<16xf32>,
      %swap3A_816 = arith.constant 2032 : index
      %swap3A_817 = tpu.vector_load %arg9[%swap3A_816] {strides = array<i32>} : memref<4096xf32, #tpu.memory_space<vmem>>, vector<16xf32>,
      tpu.vector_store %arg9[%swap3A_816], %scan3A_752#31 {strides = array<i32>} : memref<4096xf32, #tpu.memory_space<vmem>>, vector<16xf32>,
      %mul3A_818 = arith.constant 4096 : i32
      %mul3A_819 = arith.muli %scan3A_28, %mul3A_818 : i32
      %add3A_820 = arith.constant 65536 : i32
      %add3A_821 = arith.addi %add3A_820, %mul3A_819 : i32
      %add3A_822 = arith.constant 20 : i32
      %add3A_823 = arith.addi %mul3A_2, %add3A_822 : i32
      %dma_start3A_824 = arith.constant 1 : i32
      %dma_start3A_825 = arith.constant 0 : i32
      %dma_start3A_826 = arith.constant 0 : i32
      %dma_start3A_827 = tpu.memref_slice %arg6[%dma_start3A_824, %dma_start3A_825, %dma_start3A_826] : memref<2x4x4096xf32, #tpu.memory_space<vmem>> -> memref<1x4x4096xf32, #tpu.memory_space<vmem>>
      %dma_start3A_828 = tpu.memref_squeeze %dma_start3A_827 : memref<1x4x4096xf32, #tpu.memory_space<vmem>> -> memref<4x4096xf32, #tpu.memory_space<vmem>>
      %dma_start3A_829 = tpu.memref_slice %arg2[%add3A_823, %add3A_821] : memref<1024x81920xf32, #tpu.memory_space<hbm>> -> memref<4x4096xf32, #tpu.memory_space<hbm>>
      %dma_start3A_830 = arith.constant 0 : i32
      %dma_start3A_831 = arith.constant 0 : i32
      %dma_start3A_832 = tpu.memref_slice %arg6[%dma_start3A_824, %dma_start3A_830, %dma_start3A_831] : memref<2x4x4096xf32, #tpu.memory_space<vmem>> -> memref<1x4x4096xf32, #tpu.memory_space<vmem>>
      %dma_start3A_833 = tpu.memref_squeeze %dma_start3A_832 : memref<1x4x4096xf32, #tpu.memory_space<vmem>> -> memref<4x4096xf32, #tpu.memory_space<vmem>>
      %dma_start3A_834 = tpu.memref_slice %arg2[%add3A_823, %add3A_821] : memref<1024x81920xf32, #tpu.memory_space<hbm>> -> memref<4x4096xf32, #tpu.memory_space<hbm>>
      tpu.enqueue_dma source(%dma_start3A_834 : memref<4x4096xf32, #tpu.memory_space<hbm>>) target(%dma_start3A_833 : memref<4x4096xf32, #tpu.memory_space<vmem>>) target_semaphore(%arg13 : memref<!tpu.dma_semaphore, #tpu.memory_space<semaphore_mem>>)
      %dma_start3A_835 = arith.constant 1 : i32
      %dma_start3A_836 = arith.constant 0 : i32
      %dma_start3A_837 = arith.constant 0 : i32
      %dma_start3A_838 = tpu.memref_slice %arg7[%dma_start3A_835, %dma_start3A_836, %dma_start3A_837] : memref<2x4x4096xf32, #tpu.memory_space<vmem>> -> memref<1x4x4096xf32, #tpu.memory_space<vmem>>
      %dma_start3A_839 = tpu.memref_squeeze %dma_start3A_838 : memref<1x4x4096xf32, #tpu.memory_space<vmem>> -> memref<4x4096xf32, #tpu.memory_space<vmem>>
      %dma_start3A_840 = tpu.memref_slice %arg3[%add3A_823, %add3A_821] : memref<1024x81920xf32, #tpu.memory_space<hbm>> -> memref<4x4096xf32, #tpu.memory_space<hbm>>
      %dma_start3A_841 = arith.constant 0 : i32
      %dma_start3A_842 = arith.constant 0 : i32
      %dma_start3A_843 = tpu.memref_slice %arg7[%dma_start3A_835, %dma_start3A_841, %dma_start3A_842] : memref<2x4x4096xf32, #tpu.memory_space<vmem>> -> memref<1x4x4096xf32, #tpu.memory_space<vmem>>
      %dma_start3A_844 = tpu.memref_squeeze %dma_start3A_843 : memref<1x4x4096xf32, #tpu.memory_space<vmem>> -> memref<4x4096xf32, #tpu.memory_space<vmem>>
      %dma_start3A_845 = tpu.memref_slice %arg3[%add3A_823, %add3A_821] : memref<1024x81920xf32, #tpu.memory_space<hbm>> -> memref<4x4096xf32, #tpu.memory_space<hbm>>
      tpu.enqueue_dma source(%dma_start3A_845 : memref<4x4096xf32, #tpu.memory_space<hbm>>) target(%dma_start3A_844 : memref<4x4096xf32, #tpu.memory_space<vmem>>) target_semaphore(%arg13 : memref<!tpu.dma_semaphore, #tpu.memory_space<semaphore_mem>>)
      %mul3A_846 = arith.constant 4096 : i32
      %mul3A_847 = arith.muli %scan3A_28, %mul3A_846 : i32
      %add3A_848 = arith.constant 65536 : i32
      %add3A_849 = arith.addi %add3A_848, %mul3A_847 : i32
      %add3A_850 = arith.constant 16 : i32
      %add3A_851 = arith.addi %mul3A_2, %add3A_850 : i32
      %dma_wait3A_852 = arith.constant 0 : i32
      %dma_wait3A_853 = arith.constant 0 : i32
      %dma_wait3A_854 = arith.constant 0 : i32
      %dma_wait3A_855 = tpu.memref_slice %arg6[%dma_wait3A_852, %dma_wait3A_853, %dma_wait3A_854] : memref<2x4x4096xf32, #tpu.memory_space<vmem>> -> memref<1x4x4096xf32, #tpu.memory_space<vmem>>
      %dma_wait3A_856 = tpu.memref_squeeze %dma_wait3A_855 : memref<1x4x4096xf32, #tpu.memory_space<vmem>> -> memref<4x4096xf32, #tpu.memory_space<vmem>>
      %dma_wait3A_857 = tpu.memref_slice %arg2[%add3A_851, %add3A_849] : memref<1024x81920xf32, #tpu.memory_space<hbm>> -> memref<4x4096xf32, #tpu.memory_space<hbm>>
      %dma_wait3A_858 = arith.constant 0 : i32
      %dma_wait3A_859 = arith.constant 0 : i32
      %dma_wait3A_860 = tpu.memref_slice %arg6[%dma_wait3A_852, %dma_wait3A_858, %dma_wait3A_859] : memref<2x4x4096xf32, #tpu.memory_space<vmem>> -> memref<1x4x4096xf32, #tpu.memory_space<vmem>>
      %dma_wait3A_861 = tpu.memref_squeeze %dma_wait3A_860 : memref<1x4x4096xf32, #tpu.memory_space<vmem>> -> memref<4x4096xf32, #tpu.memory_space<vmem>>
      %dma_wait3A_862 = tpu.memref_slice %arg2[%add3A_851, %add3A_849] : memref<1024x81920xf32, #tpu.memory_space<hbm>> -> memref<4x4096xf32, #tpu.memory_space<hbm>>
      tpu.wait_dma2 semaphore(%arg12 : memref<!tpu.dma_semaphore, #tpu.memory_space<semaphore_mem>>) src(%dma_wait3A_862 : memref<4x4096xf32, #tpu.memory_space<hbm>>) dst(%dma_wait3A_861 : memref<4x4096xf32, #tpu.memory_space<vmem>>)
      %dma_wait3A_863 = arith.constant 0 : i32
      %dma_wait3A_864 = arith.constant 0 : i32
      %dma_wait3A_865 = arith.constant 0 : i32
      %dma_wait3A_866 = tpu.memref_slice %arg7[%dma_wait3A_863, %dma_wait3A_864, %dma_wait3A_865] : memref<2x4x4096xf32, #tpu.memory_space<vmem>> -> memref<1x4x4096xf32, #tpu.memory_space<vmem>>
      %dma_wait3A_867 = tpu.memref_squeeze %dma_wait3A_866 : memref<1x4x4096xf32, #tpu.memory_space<vmem>> -> memref<4x4096xf32, #tpu.memory_space<vmem>>
      %dma_wait3A_868 = tpu.memref_slice %arg3[%add3A_851, %add3A_849] : memref<1024x81920xf32, #tpu.memory_space<hbm>> -> memref<4x4096xf32, #tpu.memory_space<hbm>>
      %dma_wait3A_869 = arith.constant 0 : i32
      %dma_wait3A_870 = arith.constant 0 : i32
      %dma_wait3A_871 = tpu.memref_slice %arg7[%dma_wait3A_863, %dma_wait3A_869, %dma_wait3A_870] : memref<2x4x4096xf32, #tpu.memory_space<vmem>> -> memref<1x4x4096xf32, #tpu.memory_space<vmem>>
      %dma_wait3A_872 = tpu.memref_squeeze %dma_wait3A_871 : memref<1x4x4096xf32, #tpu.memory_space<vmem>> -> memref<4x4096xf32, #tpu.memory_space<vmem>>
      %dma_wait3A_873 = tpu.memref_slice %arg3[%add3A_851, %add3A_849] : memref<1024x81920xf32, #tpu.memory_space<hbm>> -> memref<4x4096xf32, #tpu.memory_space<hbm>>
      tpu.wait_dma2 semaphore(%arg12 : memref<!tpu.dma_semaphore, #tpu.memory_space<semaphore_mem>>) src(%dma_wait3A_873 : memref<4x4096xf32, #tpu.memory_space<hbm>>) dst(%dma_wait3A_872 : memref<4x4096xf32, #tpu.memory_space<vmem>>)
      %get3A_874 = arith.constant 2048 : index
      %get3A_875 = tpu.vector_load %arg9[%get3A_874] {strides = array<i32>} : memref<4096xf32, #tpu.memory_space<vmem>>, vector<16xf32>,
      %get3A_876 = arith.constant 2064 : index
      %get3A_877 = tpu.vector_load %arg9[%get3A_876] {strides = array<i32>} : memref<4096xf32, #tpu.memory_space<vmem>>, vector<16xf32>,
      %get3A_878 = arith.constant 2080 : index
      %get3A_879 = tpu.vector_load %arg9[%get3A_878] {strides = array<i32>} : memref<4096xf32, #tpu.memory_space<vmem>>, vector<16xf32>,
      %get3A_880 = arith.constant 2096 : index
      %get3A_881 = tpu.vector_load %arg9[%get3A_880] {strides = array<i32>} : memref<4096xf32, #tpu.memory_space<vmem>>, vector<16xf32>,
      %get3A_882 = arith.constant 2112 : index
      %get3A_883 = tpu.vector_load %arg9[%get3A_882] {strides = array<i32>} : memref<4096xf32, #tpu.memory_space<vmem>>, vector<16xf32>,
      %get3A_884 = arith.constant 2128 : index
      %get3A_885 = tpu.vector_load %arg9[%get3A_884] {strides = array<i32>} : memref<4096xf32, #tpu.memory_space<vmem>>, vector<16xf32>,
      %get3A_886 = arith.constant 2144 : index
      %get3A_887 = tpu.vector_load %arg9[%get3A_886] {strides = array<i32>} : memref<4096xf32, #tpu.memory_space<vmem>>, vector<16xf32>,
      %get3A_888 = arith.constant 2160 : index
      %get3A_889 = tpu.vector_load %arg9[%get3A_888] {strides = array<i32>} : memref<4096xf32, #tpu.memory_space<vmem>>, vector<16xf32>,
      %get3A_890 = arith.constant 2176 : index
      %get3A_891 = tpu.vector_load %arg9[%get3A_890] {strides = array<i32>} : memref<4096xf32, #tpu.memory_space<vmem>>, vector<16xf32>,
      %get3A_892 = arith.constant 2192 : index
      %get3A_893 = tpu.vector_load %arg9[%get3A_892] {strides = array<i32>} : memref<4096xf32, #tpu.memory_space<vmem>>, vector<16xf32>,
      %get3A_894 = arith.constant 2208 : index
      %get3A_895 = tpu.vector_load %arg9[%get3A_894] {strides = array<i32>} : memref<4096xf32, #tpu.memory_space<vmem>>, vector<16xf32>,
      %get3A_896 = arith.constant 2224 : index
      %get3A_897 = tpu.vector_load %arg9[%get3A_896] {strides = array<i32>} : memref<4096xf32, #tpu.memory_space<vmem>>, vector<16xf32>,
      %get3A_898 = arith.constant 2240 : index
      %get3A_899 = tpu.vector_load %arg9[%get3A_898] {strides = array<i32>} : memref<4096xf32, #tpu.memory_space<vmem>>, vector<16xf32>,
      %get3A_900 = arith.constant 2256 : index
      %get3A_901 = tpu.vector_load %arg9[%get3A_900] {strides = array<i32>} : memref<4096xf32, #tpu.memory_space<vmem>>, vector<16xf32>,
      %get3A_902 = arith.constant 2272 : index
      %get3A_903 = tpu.vector_load %arg9[%get3A_902] {strides = array<i32>} : memref<4096xf32, #tpu.memory_space<vmem>>, vector<16xf32>,
      %get3A_904 = arith.constant 2288 : index
      %get3A_905 = tpu.vector_load %arg9[%get3A_904] {strides = array<i32>} : memref<4096xf32, #tpu.memory_space<vmem>>, vector<16xf32>,
      %get3A_906 = arith.constant 2304 : index
      %get3A_907 = tpu.vector_load %arg9[%get3A_906] {strides = array<i32>} : memref<4096xf32, #tpu.memory_space<vmem>>, vector<16xf32>,
      %get3A_908 = arith.constant 2320 : index
      %get3A_909 = tpu.vector_load %arg9[%get3A_908] {strides = array<i32>} : memref<4096xf32, #tpu.memory_space<vmem>>, vector<16xf32>,
      %get3A_910 = arith.constant 2336 : index
      %get3A_911 = tpu.vector_load %arg9[%get3A_910] {strides = array<i32>} : memref<4096xf32, #tpu.memory_space<vmem>>, vector<16xf32>,
      %get3A_912 = arith.constant 2352 : index
      %get3A_913 = tpu.vector_load %arg9[%get3A_912] {strides = array<i32>} : memref<4096xf32, #tpu.memory_space<vmem>>, vector<16xf32>,
      %get3A_914 = arith.constant 2368 : index
      %get3A_915 = tpu.vector_load %arg9[%get3A_914] {strides = array<i32>} : memref<4096xf32, #tpu.memory_space<vmem>>, vector<16xf32>,
      %get3A_916 = arith.constant 2384 : index
      %get3A_917 = tpu.vector_load %arg9[%get3A_916] {strides = array<i32>} : memref<4096xf32, #tpu.memory_space<vmem>>, vector<16xf32>,
      %get3A_918 = arith.constant 2400 : index
      %get3A_919 = tpu.vector_load %arg9[%get3A_918] {strides = array<i32>} : memref<4096xf32, #tpu.memory_space<vmem>>, vector<16xf32>,
      %get3A_920 = arith.constant 2416 : index
      %get3A_921 = tpu.vector_load %arg9[%get3A_920] {strides = array<i32>} : memref<4096xf32, #tpu.memory_space<vmem>>, vector<16xf32>,
      %get3A_922 = arith.constant 2432 : index
      %get3A_923 = tpu.vector_load %arg9[%get3A_922] {strides = array<i32>} : memref<4096xf32, #tpu.memory_space<vmem>>, vector<16xf32>,
      %get3A_924 = arith.constant 2448 : index
      %get3A_925 = tpu.vector_load %arg9[%get3A_924] {strides = array<i32>} : memref<4096xf32, #tpu.memory_space<vmem>>, vector<16xf32>,
      %get3A_926 = arith.constant 2464 : index
      %get3A_927 = tpu.vector_load %arg9[%get3A_926] {strides = array<i32>} : memref<4096xf32, #tpu.memory_space<vmem>>, vector<16xf32>,
      %get3A_928 = arith.constant 2480 : index
      %get3A_929 = tpu.vector_load %arg9[%get3A_928] {strides = array<i32>} : memref<4096xf32, #tpu.memory_space<vmem>>, vector<16xf32>,
      %get3A_930 = arith.constant 2496 : index
      %get3A_931 = tpu.vector_load %arg9[%get3A_930] {strides = array<i32>} : memref<4096xf32, #tpu.memory_space<vmem>>, vector<16xf32>,
      %get3A_932 = arith.constant 2512 : index
      %get3A_933 = tpu.vector_load %arg9[%get3A_932] {strides = array<i32>} : memref<4096xf32, #tpu.memory_space<vmem>>, vector<16xf32>,
      %get3A_934 = arith.constant 2528 : index
      %get3A_935 = tpu.vector_load %arg9[%get3A_934] {strides = array<i32>} : memref<4096xf32, #tpu.memory_space<vmem>>, vector<16xf32>,
      %get3A_936 = arith.constant 2544 : index
      %get3A_937 = tpu.vector_load %arg9[%get3A_936] {strides = array<i32>} : memref<4096xf32, #tpu.memory_space<vmem>>, vector<16xf32>,
      %scan3A_938 = arith.constant 0 : i32
      %scan3A_939 = arith.constant 256 : i32
      %scan3A_940 = arith.addi %scan3A_938, %scan3A_939 : i32
      %scan3A_941 = arith.constant 1 : i32
      %scan3A_942:32 = scf.for %scan3A_1551 = %scan3A_938 to %scan3A_940 step %scan3A_941 iter_args(%scan3A_1552 = %get3A_875, %scan3A_1553 = %get3A_877, %scan3A_1554 = %get3A_879, %scan3A_1555 = %get3A_881, %scan3A_1556 = %get3A_883, %scan3A_1557 = %get3A_885, %scan3A_1558 = %get3A_887, %scan3A_1559 = %get3A_889, %scan3A_1560 = %get3A_891, %scan3A_1561 = %get3A_893, %scan3A_1562 = %get3A_895, %scan3A_1563 = %get3A_897, %scan3A_1564 = %get3A_899, %scan3A_1565 = %get3A_901, %scan3A_1566 = %get3A_903, %scan3A_1567 = %get3A_905, %scan3A_1568 = %get3A_907, %scan3A_1569 = %get3A_909, %scan3A_1570 = %get3A_911, %scan3A_1571 = %get3A_913, %scan3A_1572 = %get3A_915, %scan3A_1573 = %get3A_917, %scan3A_1574 = %get3A_919, %scan3A_1575 = %get3A_921, %scan3A_1576 = %get3A_923, %scan3A_1577 = %get3A_925, %scan3A_1578 = %get3A_927, %scan3A_1579 = %get3A_929, %scan3A_1580 = %get3A_931, %scan3A_1581 = %get3A_933, %scan3A_1582 = %get3A_935, %scan3A_1583 = %get3A_937) -> (vector<16xf32>, vector<16xf32>, vector<16xf32>, vector<16xf32>, vector<16xf32>, vector<16xf32>, vector<16xf32>, vector<16xf32>, vector<16xf32>, vector<16xf32>, vector<16xf32>, vector<16xf32>, vector<16xf32>, vector<16xf32>, vector<16xf32>, vector<16xf32>, vector<16xf32>, vector<16xf32>, vector<16xf32>, vector<16xf32>, vector<16xf32>, vector<16xf32>, vector<16xf32>, vector<16xf32>, vector<16xf32>, vector<16xf32>, vector<16xf32>, vector<16xf32>, vector<16xf32>, vector<16xf32>, vector<16xf32>, vector<16xf32>)  : i32 {
        %mul3A_1584 = arith.constant 16 : i32
        %mul3A_1585 = arith.muli %scan3A_1551, %mul3A_1584 : i32
        %get3A_1586 = arith.constant 0 : i32
        %get3A_1587 = arith.index_cast %get3A_1586 : i32 to index
        %get3A_1588 = arith.index_cast %mul3A_1585 : i32 to index
        %get3A_1589 = tpu.vector_load %arg8[%get3A_1587, %get3A_1588] {strides = array<i32>} : memref<4x4096xf32, #tpu.memory_space<vmem>>, vector<16xf32>,
        %mul3A_1590 = arith.constant 16 : i32
        %mul3A_1591 = arith.muli %scan3A_1551, %mul3A_1590 : i32
        %get3A_1592 = arith.constant 1 : i32
        %get3A_1593 = arith.index_cast %get3A_1592 : i32 to index
        %get3A_1594 = arith.index_cast %mul3A_1591 : i32 to index
        %get3A_1595 = tpu.vector_load %arg8[%get3A_1593, %get3A_1594] {strides = array<i32>} : memref<4x4096xf32, #tpu.memory_space<vmem>>, vector<16xf32>,
        %mul3A_1596 = arith.constant 16 : i32
        %mul3A_1597 = arith.muli %scan3A_1551, %mul3A_1596 : i32
        %get3A_1598 = arith.constant 2 : i32
        %get3A_1599 = arith.index_cast %get3A_1598 : i32 to index
        %get3A_1600 = arith.index_cast %mul3A_1597 : i32 to index
        %get3A_1601 = tpu.vector_load %arg8[%get3A_1599, %get3A_1600] {strides = array<i32>} : memref<4x4096xf32, #tpu.memory_space<vmem>>, vector<16xf32>,
        %mul3A_1602 = arith.constant 16 : i32
        %mul3A_1603 = arith.muli %scan3A_1551, %mul3A_1602 : i32
        %get3A_1604 = arith.constant 3 : i32
        %get3A_1605 = arith.index_cast %get3A_1604 : i32 to index
        %get3A_1606 = arith.index_cast %mul3A_1603 : i32 to index
        %get3A_1607 = tpu.vector_load %arg8[%get3A_1605, %get3A_1606] {strides = array<i32>} : memref<4x4096xf32, #tpu.memory_space<vmem>>, vector<16xf32>,
        %mul3A_1608 = arith.constant 16 : i32
        %mul3A_1609 = arith.muli %scan3A_1551, %mul3A_1608 : i32
        %get3A_1610 = arith.constant 0 : i32
        %get3A_1611 = arith.constant 0 : i32
        %get3A_1612 = arith.index_cast %get3A_1610 : i32 to index
        %get3A_1613 = arith.index_cast %get3A_1611 : i32 to index
        %get3A_1614 = arith.index_cast %mul3A_1609 : i32 to index
        %get3A_1615 = tpu.vector_load %arg6[%get3A_1612, %get3A_1613, %get3A_1614] {strides = array<i32>} : memref<2x4x4096xf32, #tpu.memory_space<vmem>>, vector<16xf32>,
        %mul3A_1616 = arith.constant 16 : i32
        %mul3A_1617 = arith.muli %scan3A_1551, %mul3A_1616 : i32
        %get3A_1618 = arith.constant 0 : i32
        %get3A_1619 = arith.constant 0 : i32
        %get3A_1620 = arith.index_cast %get3A_1618 : i32 to index
        %get3A_1621 = arith.index_cast %get3A_1619 : i32 to index
        %get3A_1622 = arith.index_cast %mul3A_1617 : i32 to index
        %get3A_1623 = tpu.vector_load %arg7[%get3A_1620, %get3A_1621, %get3A_1622] {strides = array<i32>} : memref<2x4x4096xf32, #tpu.memory_space<vmem>>, vector<16xf32>,
        %mul3A_1624 = arith.mulf %get3A_1615, %get3A_1589 : vector<16xf32>
        %add3A_1625 = arith.addf %scan3A_1552, %mul3A_1624 : vector<16xf32>
        %mul3A_1626 = arith.mulf %get3A_1623, %get3A_1589 : vector<16xf32>
        %add3A_1627 = arith.addf %scan3A_1556, %mul3A_1626 : vector<16xf32>
        %mul3A_1628 = arith.mulf %get3A_1615, %get3A_1595 : vector<16xf32>
        %add3A_1629 = arith.addf %scan3A_1553, %mul3A_1628 : vector<16xf32>
        %mul3A_1630 = arith.mulf %get3A_1623, %get3A_1595 : vector<16xf32>
        %add3A_1631 = arith.addf %scan3A_1557, %mul3A_1630 : vector<16xf32>
        %mul3A_1632 = arith.mulf %get3A_1615, %get3A_1601 : vector<16xf32>
        %add3A_1633 = arith.addf %scan3A_1554, %mul3A_1632 : vector<16xf32>
        %mul3A_1634 = arith.mulf %get3A_1623, %get3A_1601 : vector<16xf32>
        %add3A_1635 = arith.addf %scan3A_1558, %mul3A_1634 : vector<16xf32>
        %mul3A_1636 = arith.mulf %get3A_1615, %get3A_1607 : vector<16xf32>
        %add3A_1637 = arith.addf %scan3A_1555, %mul3A_1636 : vector<16xf32>
        %mul3A_1638 = arith.mulf %get3A_1623, %get3A_1607 : vector<16xf32>
        %add3A_1639 = arith.addf %scan3A_1559, %mul3A_1638 : vector<16xf32>
        %mul3A_1640 = arith.constant 16 : i32
        %mul3A_1641 = arith.muli %scan3A_1551, %mul3A_1640 : i32
        %get3A_1642 = arith.constant 0 : i32
        %get3A_1643 = arith.constant 1 : i32
        %get3A_1644 = arith.index_cast %get3A_1642 : i32 to index
        %get3A_1645 = arith.index_cast %get3A_1643 : i32 to index
        %get3A_1646 = arith.index_cast %mul3A_1641 : i32 to index
        %get3A_1647 = tpu.vector_load %arg6[%get3A_1644, %get3A_1645, %get3A_1646] {strides = array<i32>} : memref<2x4x4096xf32, #tpu.memory_space<vmem>>, vector<16xf32>,
        %mul3A_1648 = arith.constant 16 : i32
        %mul3A_1649 = arith.muli %scan3A_1551, %mul3A_1648 : i32
        %get3A_1650 = arith.constant 0 : i32
        %get3A_1651 = arith.constant 1 : i32
        %get3A_1652 = arith.index_cast %get3A_1650 : i32 to index
        %get3A_1653 = arith.index_cast %get3A_1651 : i32 to index
        %get3A_1654 = arith.index_cast %mul3A_1649 : i32 to index
        %get3A_1655 = tpu.vector_load %arg7[%get3A_1652, %get3A_1653, %get3A_1654] {strides = array<i32>} : memref<2x4x4096xf32, #tpu.memory_space<vmem>>, vector<16xf32>,
        %mul3A_1656 = arith.mulf %get3A_1647, %get3A_1589 : vector<16xf32>
        %add3A_1657 = arith.addf %scan3A_1560, %mul3A_1656 : vector<16xf32>
        %mul3A_1658 = arith.mulf %get3A_1655, %get3A_1589 : vector<16xf32>
        %add3A_1659 = arith.addf %scan3A_1564, %mul3A_1658 : vector<16xf32>
        %mul3A_1660 = arith.mulf %get3A_1647, %get3A_1595 : vector<16xf32>
        %add3A_1661 = arith.addf %scan3A_1561, %mul3A_1660 : vector<16xf32>
        %mul3A_1662 = arith.mulf %get3A_1655, %get3A_1595 : vector<16xf32>
        %add3A_1663 = arith.addf %scan3A_1565, %mul3A_1662 : vector<16xf32>
        %mul3A_1664 = arith.mulf %get3A_1647, %get3A_1601 : vector<16xf32>
        %add3A_1665 = arith.addf %scan3A_1562, %mul3A_1664 : vector<16xf32>
        %mul3A_1666 = arith.mulf %get3A_1655, %get3A_1601 : vector<16xf32>
        %add3A_1667 = arith.addf %scan3A_1566, %mul3A_1666 : vector<16xf32>
        %mul3A_1668 = arith.mulf %get3A_1647, %get3A_1607 : vector<16xf32>
        %add3A_1669 = arith.addf %scan3A_1563, %mul3A_1668 : vector<16xf32>
        %mul3A_1670 = arith.mulf %get3A_1655, %get3A_1607 : vector<16xf32>
        %add3A_1671 = arith.addf %scan3A_1567, %mul3A_1670 : vector<16xf32>
        %mul3A_1672 = arith.constant 16 : i32
        %mul3A_1673 = arith.muli %scan3A_1551, %mul3A_1672 : i32
        %get3A_1674 = arith.constant 0 : i32
        %get3A_1675 = arith.constant 2 : i32
        %get3A_1676 = arith.index_cast %get3A_1674 : i32 to index
        %get3A_1677 = arith.index_cast %get3A_1675 : i32 to index
        %get3A_1678 = arith.index_cast %mul3A_1673 : i32 to index
        %get3A_1679 = tpu.vector_load %arg6[%get3A_1676, %get3A_1677, %get3A_1678] {strides = array<i32>} : memref<2x4x4096xf32, #tpu.memory_space<vmem>>, vector<16xf32>,
        %mul3A_1680 = arith.constant 16 : i32
        %mul3A_1681 = arith.muli %scan3A_1551, %mul3A_1680 : i32
        %get3A_1682 = arith.constant 0 : i32
        %get3A_1683 = arith.constant 2 : i32
        %get3A_1684 = arith.index_cast %get3A_1682 : i32 to index
        %get3A_1685 = arith.index_cast %get3A_1683 : i32 to index
        %get3A_1686 = arith.index_cast %mul3A_1681 : i32 to index
        %get3A_1687 = tpu.vector_load %arg7[%get3A_1684, %get3A_1685, %get3A_1686] {strides = array<i32>} : memref<2x4x4096xf32, #tpu.memory_space<vmem>>, vector<16xf32>,
        %mul3A_1688 = arith.mulf %get3A_1679, %get3A_1589 : vector<16xf32>
        %add3A_1689 = arith.addf %scan3A_1568, %mul3A_1688 : vector<16xf32>
        %mul3A_1690 = arith.mulf %get3A_1687, %get3A_1589 : vector<16xf32>
        %add3A_1691 = arith.addf %scan3A_1572, %mul3A_1690 : vector<16xf32>
        %mul3A_1692 = arith.mulf %get3A_1679, %get3A_1595 : vector<16xf32>
        %add3A_1693 = arith.addf %scan3A_1569, %mul3A_1692 : vector<16xf32>
        %mul3A_1694 = arith.mulf %get3A_1687, %get3A_1595 : vector<16xf32>
        %add3A_1695 = arith.addf %scan3A_1573, %mul3A_1694 : vector<16xf32>
        %mul3A_1696 = arith.mulf %get3A_1679, %get3A_1601 : vector<16xf32>
        %add3A_1697 = arith.addf %scan3A_1570, %mul3A_1696 : vector<16xf32>
        %mul3A_1698 = arith.mulf %get3A_1687, %get3A_1601 : vector<16xf32>
        %add3A_1699 = arith.addf %scan3A_1574, %mul3A_1698 : vector<16xf32>
        %mul3A_1700 = arith.mulf %get3A_1679, %get3A_1607 : vector<16xf32>
        %add3A_1701 = arith.addf %scan3A_1571, %mul3A_1700 : vector<16xf32>
        %mul3A_1702 = arith.mulf %get3A_1687, %get3A_1607 : vector<16xf32>
        %add3A_1703 = arith.addf %scan3A_1575, %mul3A_1702 : vector<16xf32>
        %mul3A_1704 = arith.constant 16 : i32
        %mul3A_1705 = arith.muli %scan3A_1551, %mul3A_1704 : i32
        %get3A_1706 = arith.constant 0 : i32
        %get3A_1707 = arith.constant 3 : i32
        %get3A_1708 = arith.index_cast %get3A_1706 : i32 to index
        %get3A_1709 = arith.index_cast %get3A_1707 : i32 to index
        %get3A_1710 = arith.index_cast %mul3A_1705 : i32 to index
        %get3A_1711 = tpu.vector_load %arg6[%get3A_1708, %get3A_1709, %get3A_1710] {strides = array<i32>} : memref<2x4x4096xf32, #tpu.memory_space<vmem>>, vector<16xf32>,
        %mul3A_1712 = arith.constant 16 : i32
        %mul3A_1713 = arith.muli %scan3A_1551, %mul3A_1712 : i32
        %get3A_1714 = arith.constant 0 : i32
        %get3A_1715 = arith.constant 3 : i32
        %get3A_1716 = arith.index_cast %get3A_1714 : i32 to index
        %get3A_1717 = arith.index_cast %get3A_1715 : i32 to index
        %get3A_1718 = arith.index_cast %mul3A_1713 : i32 to index
        %get3A_1719 = tpu.vector_load %arg7[%get3A_1716, %get3A_1717, %get3A_1718] {strides = array<i32>} : memref<2x4x4096xf32, #tpu.memory_space<vmem>>, vector<16xf32>,
        %mul3A_1720 = arith.mulf %get3A_1711, %get3A_1589 : vector<16xf32>
        %add3A_1721 = arith.addf %scan3A_1576, %mul3A_1720 : vector<16xf32>
        %mul3A_1722 = arith.mulf %get3A_1719, %get3A_1589 : vector<16xf32>
        %add3A_1723 = arith.addf %scan3A_1580, %mul3A_1722 : vector<16xf32>
        %mul3A_1724 = arith.mulf %get3A_1711, %get3A_1595 : vector<16xf32>
        %add3A_1725 = arith.addf %scan3A_1577, %mul3A_1724 : vector<16xf32>
        %mul3A_1726 = arith.mulf %get3A_1719, %get3A_1595 : vector<16xf32>
        %add3A_1727 = arith.addf %scan3A_1581, %mul3A_1726 : vector<16xf32>
        %mul3A_1728 = arith.mulf %get3A_1711, %get3A_1601 : vector<16xf32>
        %add3A_1729 = arith.addf %scan3A_1578, %mul3A_1728 : vector<16xf32>
        %mul3A_1730 = arith.mulf %get3A_1719, %get3A_1601 : vector<16xf32>
        %add3A_1731 = arith.addf %scan3A_1582, %mul3A_1730 : vector<16xf32>
        %mul3A_1732 = arith.mulf %get3A_1711, %get3A_1607 : vector<16xf32>
        %add3A_1733 = arith.addf %scan3A_1579, %mul3A_1732 : vector<16xf32>
        %mul3A_1734 = arith.mulf %get3A_1719, %get3A_1607 : vector<16xf32>
        %add3A_1735 = arith.addf %scan3A_1583, %mul3A_1734 : vector<16xf32>
        scf.yield %add3A_1625, %add3A_1629, %add3A_1633, %add3A_1637, %add3A_1627, %add3A_1631, %add3A_1635, %add3A_1639, %add3A_1657, %add3A_1661, %add3A_1665, %add3A_1669, %add3A_1659, %add3A_1663, %add3A_1667, %add3A_1671, %add3A_1689, %add3A_1693, %add3A_1697, %add3A_1701, %add3A_1691, %add3A_1695, %add3A_1699, %add3A_1703, %add3A_1721, %add3A_1725, %add3A_1729, %add3A_1733, %add3A_1723, %add3A_1727, %add3A_1731, %add3A_1735 : vector<16xf32>, vector<16xf32>, vector<16xf32>, vector<16xf32>, vector<16xf32>, vector<16xf32>, vector<16xf32>, vector<16xf32>, vector<16xf32>, vector<16xf32>, vector<16xf32>, vector<16xf32>, vector<16xf32>, vector<16xf32>, vector<16xf32>, vector<16xf32>, vector<16xf32>, vector<16xf32>, vector<16xf32>, vector<16xf32>, vector<16xf32>, vector<16xf32>, vector<16xf32>, vector<16xf32>, vector<16xf32>, vector<16xf32>, vector<16xf32>, vector<16xf32>, vector<16xf32>, vector<16xf32>, vector<16xf32>, vector<16xf32>
      }
      %scan3A_943 = arith.constant 256 : i32
      %swap3A_944 = arith.constant 2048 : index
      %swap3A_945 = tpu.vector_load %arg9[%swap3A_944] {strides = array<i32>} : memref<4096xf32, #tpu.memory_space<vmem>>, vector<16xf32>,
      tpu.vector_store %arg9[%swap3A_944], %scan3A_942#0 {strides = array<i32>} : memref<4096xf32, #tpu.memory_space<vmem>>, vector<16xf32>,
      %swap3A_946 = arith.constant 2064 : index
      %swap3A_947 = tpu.vector_load %arg9[%swap3A_946] {strides = array<i32>} : memref<4096xf32, #tpu.memory_space<vmem>>, vector<16xf32>,
      tpu.vector_store %arg9[%swap3A_946], %scan3A_942#1 {strides = array<i32>} : memref<4096xf32, #tpu.memory_space<vmem>>, vector<16xf32>,
      %swap3A_948 = arith.constant 2080 : index
      %swap3A_949 = tpu.vector_load %arg9[%swap3A_948] {strides = array<i32>} : memref<4096xf32, #tpu.memory_space<vmem>>, vector<16xf32>,
      tpu.vector_store %arg9[%swap3A_948], %scan3A_942#2 {strides = array<i32>} : memref<4096xf32, #tpu.memory_space<vmem>>, vector<16xf32>,
      %swap3A_950 = arith.constant 2096 : index
      %swap3A_951 = tpu.vector_load %arg9[%swap3A_950] {strides = array<i32>} : memref<4096xf32, #tpu.memory_space<vmem>>, vector<16xf32>,
      tpu.vector_store %arg9[%swap3A_950], %scan3A_942#3 {strides = array<i32>} : memref<4096xf32, #tpu.memory_space<vmem>>, vector<16xf32>,
      %swap3A_952 = arith.constant 2112 : index
      %swap3A_953 = tpu.vector_load %arg9[%swap3A_952] {strides = array<i32>} : memref<4096xf32, #tpu.memory_space<vmem>>, vector<16xf32>,
      tpu.vector_store %arg9[%swap3A_952], %scan3A_942#4 {strides = array<i32>} : memref<4096xf32, #tpu.memory_space<vmem>>, vector<16xf32>,
      %swap3A_954 = arith.constant 2128 : index
      %swap3A_955 = tpu.vector_load %arg9[%swap3A_954] {strides = array<i32>} : memref<4096xf32, #tpu.memory_space<vmem>>, vector<16xf32>,
      tpu.vector_store %arg9[%swap3A_954], %scan3A_942#5 {strides = array<i32>} : memref<4096xf32, #tpu.memory_space<vmem>>, vector<16xf32>,
      %swap3A_956 = arith.constant 2144 : index
      %swap3A_957 = tpu.vector_load %arg9[%swap3A_956] {strides = array<i32>} : memref<4096xf32, #tpu.memory_space<vmem>>, vector<16xf32>,
      tpu.vector_store %arg9[%swap3A_956], %scan3A_942#6 {strides = array<i32>} : memref<4096xf32, #tpu.memory_space<vmem>>, vector<16xf32>,
      %swap3A_958 = arith.constant 2160 : index
      %swap3A_959 = tpu.vector_load %arg9[%swap3A_958] {strides = array<i32>} : memref<4096xf32, #tpu.memory_space<vmem>>, vector<16xf32>,
      tpu.vector_store %arg9[%swap3A_958], %scan3A_942#7 {strides = array<i32>} : memref<4096xf32, #tpu.memory_space<vmem>>, vector<16xf32>,
      %swap3A_960 = arith.constant 2176 : index
      %swap3A_961 = tpu.vector_load %arg9[%swap3A_960] {strides = array<i32>} : memref<4096xf32, #tpu.memory_space<vmem>>, vector<16xf32>,
      tpu.vector_store %arg9[%swap3A_960], %scan3A_942#8 {strides = array<i32>} : memref<4096xf32, #tpu.memory_space<vmem>>, vector<16xf32>,
      %swap3A_962 = arith.constant 2192 : index
      %swap3A_963 = tpu.vector_load %arg9[%swap3A_962] {strides = array<i32>} : memref<4096xf32, #tpu.memory_space<vmem>>, vector<16xf32>,
      tpu.vector_store %arg9[%swap3A_962], %scan3A_942#9 {strides = array<i32>} : memref<4096xf32, #tpu.memory_space<vmem>>, vector<16xf32>,
      %swap3A_964 = arith.constant 2208 : index
      %swap3A_965 = tpu.vector_load %arg9[%swap3A_964] {strides = array<i32>} : memref<4096xf32, #tpu.memory_space<vmem>>, vector<16xf32>,
      tpu.vector_store %arg9[%swap3A_964], %scan3A_942#10 {strides = array<i32>} : memref<4096xf32, #tpu.memory_space<vmem>>, vector<16xf32>,
      %swap3A_966 = arith.constant 2224 : index
      %swap3A_967 = tpu.vector_load %arg9[%swap3A_966] {strides = array<i32>} : memref<4096xf32, #tpu.memory_space<vmem>>, vector<16xf32>,
      tpu.vector_store %arg9[%swap3A_966], %scan3A_942#11 {strides = array<i32>} : memref<4096xf32, #tpu.memory_space<vmem>>, vector<16xf32>,
      %swap3A_968 = arith.constant 2240 : index
      %swap3A_969 = tpu.vector_load %arg9[%swap3A_968] {strides = array<i32>} : memref<4096xf32, #tpu.memory_space<vmem>>, vector<16xf32>,
      tpu.vector_store %arg9[%swap3A_968], %scan3A_942#12 {strides = array<i32>} : memref<4096xf32, #tpu.memory_space<vmem>>, vector<16xf32>,
      %swap3A_970 = arith.constant 2256 : index
      %swap3A_971 = tpu.vector_load %arg9[%swap3A_970] {strides = array<i32>} : memref<4096xf32, #tpu.memory_space<vmem>>, vector<16xf32>,
      tpu.vector_store %arg9[%swap3A_970], %scan3A_942#13 {strides = array<i32>} : memref<4096xf32, #tpu.memory_space<vmem>>, vector<16xf32>,
      %swap3A_972 = arith.constant 2272 : index
      %swap3A_973 = tpu.vector_load %arg9[%swap3A_972] {strides = array<i32>} : memref<4096xf32, #tpu.memory_space<vmem>>, vector<16xf32>,
      tpu.vector_store %arg9[%swap3A_972], %scan3A_942#14 {strides = array<i32>} : memref<4096xf32, #tpu.memory_space<vmem>>, vector<16xf32>,
      %swap3A_974 = arith.constant 2288 : index
      %swap3A_975 = tpu.vector_load %arg9[%swap3A_974] {strides = array<i32>} : memref<4096xf32, #tpu.memory_space<vmem>>, vector<16xf32>,
      tpu.vector_store %arg9[%swap3A_974], %scan3A_942#15 {strides = array<i32>} : memref<4096xf32, #tpu.memory_space<vmem>>, vector<16xf32>,
      %swap3A_976 = arith.constant 2304 : index
      %swap3A_977 = tpu.vector_load %arg9[%swap3A_976] {strides = array<i32>} : memref<4096xf32, #tpu.memory_space<vmem>>, vector<16xf32>,
      tpu.vector_store %arg9[%swap3A_976], %scan3A_942#16 {strides = array<i32>} : memref<4096xf32, #tpu.memory_space<vmem>>, vector<16xf32>,
      %swap3A_978 = arith.constant 2320 : index
      %swap3A_979 = tpu.vector_load %arg9[%swap3A_978] {strides = array<i32>} : memref<4096xf32, #tpu.memory_space<vmem>>, vector<16xf32>,
      tpu.vector_store %arg9[%swap3A_978], %scan3A_942#17 {strides = array<i32>} : memref<4096xf32, #tpu.memory_space<vmem>>, vector<16xf32>,
      %swap3A_980 = arith.constant 2336 : index
      %swap3A_981 = tpu.vector_load %arg9[%swap3A_980] {strides = array<i32>} : memref<4096xf32, #tpu.memory_space<vmem>>, vector<16xf32>,
      tpu.vector_store %arg9[%swap3A_980], %scan3A_942#18 {strides = array<i32>} : memref<4096xf32, #tpu.memory_space<vmem>>, vector<16xf32>,
      %swap3A_982 = arith.constant 2352 : index
      %swap3A_983 = tpu.vector_load %arg9[%swap3A_982] {strides = array<i32>} : memref<4096xf32, #tpu.memory_space<vmem>>, vector<16xf32>,
      tpu.vector_store %arg9[%swap3A_982], %scan3A_942#19 {strides = array<i32>} : memref<4096xf32, #tpu.memory_space<vmem>>, vector<16xf32>,
      %swap3A_984 = arith.constant 2368 : index
      %swap3A_985 = tpu.vector_load %arg9[%swap3A_984] {strides = array<i32>} : memref<4096xf32, #tpu.memory_space<vmem>>, vector<16xf32>,
      tpu.vector_store %arg9[%swap3A_984], %scan3A_942#20 {strides = array<i32>} : memref<4096xf32, #tpu.memory_space<vmem>>, vector<16xf32>,
      %swap3A_986 = arith.constant 2384 : index
      %swap3A_987 = tpu.vector_load %arg9[%swap3A_986] {strides = array<i32>} : memref<4096xf32, #tpu.memory_space<vmem>>, vector<16xf32>,
      tpu.vector_store %arg9[%swap3A_986], %scan3A_942#21 {strides = array<i32>} : memref<4096xf32, #tpu.memory_space<vmem>>, vector<16xf32>,
      %swap3A_988 = arith.constant 2400 : index
      %swap3A_989 = tpu.vector_load %arg9[%swap3A_988] {strides = array<i32>} : memref<4096xf32, #tpu.memory_space<vmem>>, vector<16xf32>,
      tpu.vector_store %arg9[%swap3A_988], %scan3A_942#22 {strides = array<i32>} : memref<4096xf32, #tpu.memory_space<vmem>>, vector<16xf32>,
      %swap3A_990 = arith.constant 2416 : index
      %swap3A_991 = tpu.vector_load %arg9[%swap3A_990] {strides = array<i32>} : memref<4096xf32, #tpu.memory_space<vmem>>, vector<16xf32>,
      tpu.vector_store %arg9[%swap3A_990], %scan3A_942#23 {strides = array<i32>} : memref<4096xf32, #tpu.memory_space<vmem>>, vector<16xf32>,
      %swap3A_992 = arith.constant 2432 : index
      %swap3A_993 = tpu.vector_load %arg9[%swap3A_992] {strides = array<i32>} : memref<4096xf32, #tpu.memory_space<vmem>>, vector<16xf32>,
      tpu.vector_store %arg9[%swap3A_992], %scan3A_942#24 {strides = array<i32>} : memref<4096xf32, #tpu.memory_space<vmem>>, vector<16xf32>,
      %swap3A_994 = arith.constant 2448 : index
      %swap3A_995 = tpu.vector_load %arg9[%swap3A_994] {strides = array<i32>} : memref<4096xf32, #tpu.memory_space<vmem>>, vector<16xf32>,
      tpu.vector_store %arg9[%swap3A_994], %scan3A_942#25 {strides = array<i32>} : memref<4096xf32, #tpu.memory_space<vmem>>, vector<16xf32>,
      %swap3A_996 = arith.constant 2464 : index
      %swap3A_997 = tpu.vector_load %arg9[%swap3A_996] {strides = array<i32>} : memref<4096xf32, #tpu.memory_space<vmem>>, vector<16xf32>,
      tpu.vector_store %arg9[%swap3A_996], %scan3A_942#26 {strides = array<i32>} : memref<4096xf32, #tpu.memory_space<vmem>>, vector<16xf32>,
      %swap3A_998 = arith.constant 2480 : index
      %swap3A_999 = tpu.vector_load %arg9[%swap3A_998] {strides = array<i32>} : memref<4096xf32, #tpu.memory_space<vmem>>, vector<16xf32>,
      tpu.vector_store %arg9[%swap3A_998], %scan3A_942#27 {strides = array<i32>} : memref<4096xf32, #tpu.memory_space<vmem>>, vector<16xf32>,
      %swap3A_1000 = arith.constant 2496 : index
      %swap3A_1001 = tpu.vector_load %arg9[%swap3A_1000] {strides = array<i32>} : memref<4096xf32, #tpu.memory_space<vmem>>, vector<16xf32>,
      tpu.vector_store %arg9[%swap3A_1000], %scan3A_942#28 {strides = array<i32>} : memref<4096xf32, #tpu.memory_space<vmem>>, vector<16xf32>,
      %swap3A_1002 = arith.constant 2512 : index
      %swap3A_1003 = tpu.vector_load %arg9[%swap3A_1002] {strides = array<i32>} : memref<4096xf32, #tpu.memory_space<vmem>>, vector<16xf32>,
      tpu.vector_store %arg9[%swap3A_1002], %scan3A_942#29 {strides = array<i32>} : memref<4096xf32, #tpu.memory_space<vmem>>, vector<16xf32>,
      %swap3A_1004 = arith.constant 2528 : index
      %swap3A_1005 = tpu.vector_load %arg9[%swap3A_1004] {strides = array<i32>} : memref<4096xf32, #tpu.memory_space<vmem>>, vector<16xf32>,
      tpu.vector_store %arg9[%swap3A_1004], %scan3A_942#30 {strides = array<i32>} : memref<4096xf32, #tpu.memory_space<vmem>>, vector<16xf32>,
      %swap3A_1006 = arith.constant 2544 : index
      %swap3A_1007 = tpu.vector_load %arg9[%swap3A_1006] {strides = array<i32>} : memref<4096xf32, #tpu.memory_space<vmem>>, vector<16xf32>,
      tpu.vector_store %arg9[%swap3A_1006], %scan3A_942#31 {strides = array<i32>} : memref<4096xf32, #tpu.memory_space<vmem>>, vector<16xf32>,
      %mul3A_1008 = arith.constant 4096 : i32
      %mul3A_1009 = arith.muli %scan3A_28, %mul3A_1008 : i32
      %add3A_1010 = arith.constant 65536 : i32
      %add3A_1011 = arith.addi %add3A_1010, %mul3A_1009 : i32
      %add3A_1012 = arith.constant 24 : i32
      %add3A_1013 = arith.addi %mul3A_2, %add3A_1012 : i32
      %dma_start3A_1014 = arith.constant 0 : i32
      %dma_start3A_1015 = arith.constant 0 : i32
      %dma_start3A_1016 = arith.constant 0 : i32
      %dma_start3A_1017 = tpu.memref_slice %arg6[%dma_start3A_1014, %dma_start3A_1015, %dma_start3A_1016] : memref<2x4x4096xf32, #tpu.memory_space<vmem>> -> memref<1x4x4096xf32, #tpu.memory_space<vmem>>
      %dma_start3A_1018 = tpu.memref_squeeze %dma_start3A_1017 : memref<1x4x4096xf32, #tpu.memory_space<vmem>> -> memref<4x4096xf32, #tpu.memory_space<vmem>>
      %dma_start3A_1019 = tpu.memref_slice %arg2[%add3A_1013, %add3A_1011] : memref<1024x81920xf32, #tpu.memory_space<hbm>> -> memref<4x4096xf32, #tpu.memory_space<hbm>>
      %dma_start3A_1020 = arith.constant 0 : i32
      %dma_start3A_1021 = arith.constant 0 : i32
      %dma_start3A_1022 = tpu.memref_slice %arg6[%dma_start3A_1014, %dma_start3A_1020, %dma_start3A_1021] : memref<2x4x4096xf32, #tpu.memory_space<vmem>> -> memref<1x4x4096xf32, #tpu.memory_space<vmem>>
      %dma_start3A_1023 = tpu.memref_squeeze %dma_start3A_1022 : memref<1x4x4096xf32, #tpu.memory_space<vmem>> -> memref<4x4096xf32, #tpu.memory_space<vmem>>
      %dma_start3A_1024 = tpu.memref_slice %arg2[%add3A_1013, %add3A_1011] : memref<1024x81920xf32, #tpu.memory_space<hbm>> -> memref<4x4096xf32, #tpu.memory_space<hbm>>
      tpu.enqueue_dma source(%dma_start3A_1024 : memref<4x4096xf32, #tpu.memory_space<hbm>>) target(%dma_start3A_1023 : memref<4x4096xf32, #tpu.memory_space<vmem>>) target_semaphore(%arg12 : memref<!tpu.dma_semaphore, #tpu.memory_space<semaphore_mem>>)
      %dma_start3A_1025 = arith.constant 0 : i32
      %dma_start3A_1026 = arith.constant 0 : i32
      %dma_start3A_1027 = arith.constant 0 : i32
      %dma_start3A_1028 = tpu.memref_slice %arg7[%dma_start3A_1025, %dma_start3A_1026, %dma_start3A_1027] : memref<2x4x4096xf32, #tpu.memory_space<vmem>> -> memref<1x4x4096xf32, #tpu.memory_space<vmem>>
      %dma_start3A_1029 = tpu.memref_squeeze %dma_start3A_1028 : memref<1x4x4096xf32, #tpu.memory_space<vmem>> -> memref<4x4096xf32, #tpu.memory_space<vmem>>
      %dma_start3A_1030 = tpu.memref_slice %arg3[%add3A_1013, %add3A_1011] : memref<1024x81920xf32, #tpu.memory_space<hbm>> -> memref<4x4096xf32, #tpu.memory_space<hbm>>
      %dma_start3A_1031 = arith.constant 0 : i32
      %dma_start3A_1032 = arith.constant 0 : i32
      %dma_start3A_1033 = tpu.memref_slice %arg7[%dma_start3A_1025, %dma_start3A_1031, %dma_start3A_1032] : memref<2x4x4096xf32, #tpu.memory_space<vmem>> -> memref<1x4x4096xf32, #tpu.memory_space<vmem>>
      %dma_start3A_1034 = tpu.memref_squeeze %dma_start3A_1033 : memref<1x4x4096xf32, #tpu.memory_space<vmem>> -> memref<4x4096xf32, #tpu.memory_space<vmem>>
      %dma_start3A_1035 = tpu.memref_slice %arg3[%add3A_1013, %add3A_1011] : memref<1024x81920xf32, #tpu.memory_space<hbm>> -> memref<4x4096xf32, #tpu.memory_space<hbm>>
      tpu.enqueue_dma source(%dma_start3A_1035 : memref<4x4096xf32, #tpu.memory_space<hbm>>) target(%dma_start3A_1034 : memref<4x4096xf32, #tpu.memory_space<vmem>>) target_semaphore(%arg12 : memref<!tpu.dma_semaphore, #tpu.memory_space<semaphore_mem>>)
      %mul3A_1036 = arith.constant 4096 : i32
      %mul3A_1037 = arith.muli %scan3A_28, %mul3A_1036 : i32
      %add3A_1038 = arith.constant 65536 : i32
      %add3A_1039 = arith.addi %add3A_1038, %mul3A_1037 : i32
      %add3A_1040 = arith.constant 20 : i32
      %add3A_1041 = arith.addi %mul3A_2, %add3A_1040 : i32
      %dma_wait3A_1042 = arith.constant 1 : i32
      %dma_wait3A_1043 = arith.constant 0 : i32
      %dma_wait3A_1044 = arith.constant 0 : i32
      %dma_wait3A_1045 = tpu.memref_slice %arg6[%dma_wait3A_1042, %dma_wait3A_1043, %dma_wait3A_1044] : memref<2x4x4096xf32, #tpu.memory_space<vmem>> -> memref<1x4x4096xf32, #tpu.memory_space<vmem>>
      %dma_wait3A_1046 = tpu.memref_squeeze %dma_wait3A_1045 : memref<1x4x4096xf32, #tpu.memory_space<vmem>> -> memref<4x4096xf32, #tpu.memory_space<vmem>>
      %dma_wait3A_1047 = tpu.memref_slice %arg2[%add3A_1041, %add3A_1039] : memref<1024x81920xf32, #tpu.memory_space<hbm>> -> memref<4x4096xf32, #tpu.memory_space<hbm>>
      %dma_wait3A_1048 = arith.constant 0 : i32
      %dma_wait3A_1049 = arith.constant 0 : i32
      %dma_wait3A_1050 = tpu.memref_slice %arg6[%dma_wait3A_1042, %dma_wait3A_1048, %dma_wait3A_1049] : memref<2x4x4096xf32, #tpu.memory_space<vmem>> -> memref<1x4x4096xf32, #tpu.memory_space<vmem>>
      %dma_wait3A_1051 = tpu.memref_squeeze %dma_wait3A_1050 : memref<1x4x4096xf32, #tpu.memory_space<vmem>> -> memref<4x4096xf32, #tpu.memory_space<vmem>>
      %dma_wait3A_1052 = tpu.memref_slice %arg2[%add3A_1041, %add3A_1039] : memref<1024x81920xf32, #tpu.memory_space<hbm>> -> memref<4x4096xf32, #tpu.memory_space<hbm>>
      tpu.wait_dma2 semaphore(%arg13 : memref<!tpu.dma_semaphore, #tpu.memory_space<semaphore_mem>>) src(%dma_wait3A_1052 : memref<4x4096xf32, #tpu.memory_space<hbm>>) dst(%dma_wait3A_1051 : memref<4x4096xf32, #tpu.memory_space<vmem>>)
      %dma_wait3A_1053 = arith.constant 1 : i32
      %dma_wait3A_1054 = arith.constant 0 : i32
      %dma_wait3A_1055 = arith.constant 0 : i32
      %dma_wait3A_1056 = tpu.memref_slice %arg7[%dma_wait3A_1053, %dma_wait3A_1054, %dma_wait3A_1055] : memref<2x4x4096xf32, #tpu.memory_space<vmem>> -> memref<1x4x4096xf32, #tpu.memory_space<vmem>>
      %dma_wait3A_1057 = tpu.memref_squeeze %dma_wait3A_1056 : memref<1x4x4096xf32, #tpu.memory_space<vmem>> -> memref<4x4096xf32, #tpu.memory_space<vmem>>
      %dma_wait3A_1058 = tpu.memref_slice %arg3[%add3A_1041, %add3A_1039] : memref<1024x81920xf32, #tpu.memory_space<hbm>> -> memref<4x4096xf32, #tpu.memory_space<hbm>>
      %dma_wait3A_1059 = arith.constant 0 : i32
      %dma_wait3A_1060 = arith.constant 0 : i32
      %dma_wait3A_1061 = tpu.memref_slice %arg7[%dma_wait3A_1053, %dma_wait3A_1059, %dma_wait3A_1060] : memref<2x4x4096xf32, #tpu.memory_space<vmem>> -> memref<1x4x4096xf32, #tpu.memory_space<vmem>>
      %dma_wait3A_1062 = tpu.memref_squeeze %dma_wait3A_1061 : memref<1x4x4096xf32, #tpu.memory_space<vmem>> -> memref<4x4096xf32, #tpu.memory_space<vmem>>
      %dma_wait3A_1063 = tpu.memref_slice %arg3[%add3A_1041, %add3A_1039] : memref<1024x81920xf32, #tpu.memory_space<hbm>> -> memref<4x4096xf32, #tpu.memory_space<hbm>>
      tpu.wait_dma2 semaphore(%arg13 : memref<!tpu.dma_semaphore, #tpu.memory_space<semaphore_mem>>) src(%dma_wait3A_1063 : memref<4x4096xf32, #tpu.memory_space<hbm>>) dst(%dma_wait3A_1062 : memref<4x4096xf32, #tpu.memory_space<vmem>>)
      %get3A_1064 = arith.constant 2560 : index
      %get3A_1065 = tpu.vector_load %arg9[%get3A_1064] {strides = array<i32>} : memref<4096xf32, #tpu.memory_space<vmem>>, vector<16xf32>,
      %get3A_1066 = arith.constant 2576 : index
      %get3A_1067 = tpu.vector_load %arg9[%get3A_1066] {strides = array<i32>} : memref<4096xf32, #tpu.memory_space<vmem>>, vector<16xf32>,
      %get3A_1068 = arith.constant 2592 : index
      %get3A_1069 = tpu.vector_load %arg9[%get3A_1068] {strides = array<i32>} : memref<4096xf32, #tpu.memory_space<vmem>>, vector<16xf32>,
      %get3A_1070 = arith.constant 2608 : index
      %get3A_1071 = tpu.vector_load %arg9[%get3A_1070] {strides = array<i32>} : memref<4096xf32, #tpu.memory_space<vmem>>, vector<16xf32>,
      %get3A_1072 = arith.constant 2624 : index
      %get3A_1073 = tpu.vector_load %arg9[%get3A_1072] {strides = array<i32>} : memref<4096xf32, #tpu.memory_space<vmem>>, vector<16xf32>,
      %get3A_1074 = arith.constant 2640 : index
      %get3A_1075 = tpu.vector_load %arg9[%get3A_1074] {strides = array<i32>} : memref<4096xf32, #tpu.memory_space<vmem>>, vector<16xf32>,
      %get3A_1076 = arith.constant 2656 : index
      %get3A_1077 = tpu.vector_load %arg9[%get3A_1076] {strides = array<i32>} : memref<4096xf32, #tpu.memory_space<vmem>>, vector<16xf32>,
      %get3A_1078 = arith.constant 2672 : index
      %get3A_1079 = tpu.vector_load %arg9[%get3A_1078] {strides = array<i32>} : memref<4096xf32, #tpu.memory_space<vmem>>, vector<16xf32>,
      %get3A_1080 = arith.constant 2688 : index
      %get3A_1081 = tpu.vector_load %arg9[%get3A_1080] {strides = array<i32>} : memref<4096xf32, #tpu.memory_space<vmem>>, vector<16xf32>,
      %get3A_1082 = arith.constant 2704 : index
      %get3A_1083 = tpu.vector_load %arg9[%get3A_1082] {strides = array<i32>} : memref<4096xf32, #tpu.memory_space<vmem>>, vector<16xf32>,
      %get3A_1084 = arith.constant 2720 : index
      %get3A_1085 = tpu.vector_load %arg9[%get3A_1084] {strides = array<i32>} : memref<4096xf32, #tpu.memory_space<vmem>>, vector<16xf32>,
      %get3A_1086 = arith.constant 2736 : index
      %get3A_1087 = tpu.vector_load %arg9[%get3A_1086] {strides = array<i32>} : memref<4096xf32, #tpu.memory_space<vmem>>, vector<16xf32>,
      %get3A_1088 = arith.constant 2752 : index
      %get3A_1089 = tpu.vector_load %arg9[%get3A_1088] {strides = array<i32>} : memref<4096xf32, #tpu.memory_space<vmem>>, vector<16xf32>,
      %get3A_1090 = arith.constant 2768 : index
      %get3A_1091 = tpu.vector_load %arg9[%get3A_1090] {strides = array<i32>} : memref<4096xf32, #tpu.memory_space<vmem>>, vector<16xf32>,
      %get3A_1092 = arith.constant 2784 : index
      %get3A_1093 = tpu.vector_load %arg9[%get3A_1092] {strides = array<i32>} : memref<4096xf32, #tpu.memory_space<vmem>>, vector<16xf32>,
      %get3A_1094 = arith.constant 2800 : index
      %get3A_1095 = tpu.vector_load %arg9[%get3A_1094] {strides = array<i32>} : memref<4096xf32, #tpu.memory_space<vmem>>, vector<16xf32>,
      %get3A_1096 = arith.constant 2816 : index
      %get3A_1097 = tpu.vector_load %arg9[%get3A_1096] {strides = array<i32>} : memref<4096xf32, #tpu.memory_space<vmem>>, vector<16xf32>,
      %get3A_1098 = arith.constant 2832 : index
      %get3A_1099 = tpu.vector_load %arg9[%get3A_1098] {strides = array<i32>} : memref<4096xf32, #tpu.memory_space<vmem>>, vector<16xf32>,
      %get3A_1100 = arith.constant 2848 : index
      %get3A_1101 = tpu.vector_load %arg9[%get3A_1100] {strides = array<i32>} : memref<4096xf32, #tpu.memory_space<vmem>>, vector<16xf32>,
      %get3A_1102 = arith.constant 2864 : index
      %get3A_1103 = tpu.vector_load %arg9[%get3A_1102] {strides = array<i32>} : memref<4096xf32, #tpu.memory_space<vmem>>, vector<16xf32>,
      %get3A_1104 = arith.constant 2880 : index
      %get3A_1105 = tpu.vector_load %arg9[%get3A_1104] {strides = array<i32>} : memref<4096xf32, #tpu.memory_space<vmem>>, vector<16xf32>,
      %get3A_1106 = arith.constant 2896 : index
      %get3A_1107 = tpu.vector_load %arg9[%get3A_1106] {strides = array<i32>} : memref<4096xf32, #tpu.memory_space<vmem>>, vector<16xf32>,
      %get3A_1108 = arith.constant 2912 : index
      %get3A_1109 = tpu.vector_load %arg9[%get3A_1108] {strides = array<i32>} : memref<4096xf32, #tpu.memory_space<vmem>>, vector<16xf32>,
      %get3A_1110 = arith.constant 2928 : index
      %get3A_1111 = tpu.vector_load %arg9[%get3A_1110] {strides = array<i32>} : memref<4096xf32, #tpu.memory_space<vmem>>, vector<16xf32>,
      %get3A_1112 = arith.constant 2944 : index
      %get3A_1113 = tpu.vector_load %arg9[%get3A_1112] {strides = array<i32>} : memref<4096xf32, #tpu.memory_space<vmem>>, vector<16xf32>,
      %get3A_1114 = arith.constant 2960 : index
      %get3A_1115 = tpu.vector_load %arg9[%get3A_1114] {strides = array<i32>} : memref<4096xf32, #tpu.memory_space<vmem>>, vector<16xf32>,
      %get3A_1116 = arith.constant 2976 : index
      %get3A_1117 = tpu.vector_load %arg9[%get3A_1116] {strides = array<i32>} : memref<4096xf32, #tpu.memory_space<vmem>>, vector<16xf32>,
      %get3A_1118 = arith.constant 2992 : index
      %get3A_1119 = tpu.vector_load %arg9[%get3A_1118] {strides = array<i32>} : memref<4096xf32, #tpu.memory_space<vmem>>, vector<16xf32>,
      %get3A_1120 = arith.constant 3008 : index
      %get3A_1121 = tpu.vector_load %arg9[%get3A_1120] {strides = array<i32>} : memref<4096xf32, #tpu.memory_space<vmem>>, vector<16xf32>,
      %get3A_1122 = arith.constant 3024 : index
      %get3A_1123 = tpu.vector_load %arg9[%get3A_1122] {strides = array<i32>} : memref<4096xf32, #tpu.memory_space<vmem>>, vector<16xf32>,
      %get3A_1124 = arith.constant 3040 : index
      %get3A_1125 = tpu.vector_load %arg9[%get3A_1124] {strides = array<i32>} : memref<4096xf32, #tpu.memory_space<vmem>>, vector<16xf32>,
      %get3A_1126 = arith.constant 3056 : index
      %get3A_1127 = tpu.vector_load %arg9[%get3A_1126] {strides = array<i32>} : memref<4096xf32, #tpu.memory_space<vmem>>, vector<16xf32>,
      %scan3A_1128 = arith.constant 0 : i32
      %scan3A_1129 = arith.constant 256 : i32
      %scan3A_1130 = arith.addi %scan3A_1128, %scan3A_1129 : i32
      %scan3A_1131 = arith.constant 1 : i32
      %scan3A_1132:32 = scf.for %scan3A_1551 = %scan3A_1128 to %scan3A_1130 step %scan3A_1131 iter_args(%scan3A_1552 = %get3A_1065, %scan3A_1553 = %get3A_1067, %scan3A_1554 = %get3A_1069, %scan3A_1555 = %get3A_1071, %scan3A_1556 = %get3A_1073, %scan3A_1557 = %get3A_1075, %scan3A_1558 = %get3A_1077, %scan3A_1559 = %get3A_1079, %scan3A_1560 = %get3A_1081, %scan3A_1561 = %get3A_1083, %scan3A_1562 = %get3A_1085, %scan3A_1563 = %get3A_1087, %scan3A_1564 = %get3A_1089, %scan3A_1565 = %get3A_1091, %scan3A_1566 = %get3A_1093, %scan3A_1567 = %get3A_1095, %scan3A_1568 = %get3A_1097, %scan3A_1569 = %get3A_1099, %scan3A_1570 = %get3A_1101, %scan3A_1571 = %get3A_1103, %scan3A_1572 = %get3A_1105, %scan3A_1573 = %get3A_1107, %scan3A_1574 = %get3A_1109, %scan3A_1575 = %get3A_1111, %scan3A_1576 = %get3A_1113, %scan3A_1577 = %get3A_1115, %scan3A_1578 = %get3A_1117, %scan3A_1579 = %get3A_1119, %scan3A_1580 = %get3A_1121, %scan3A_1581 = %get3A_1123, %scan3A_1582 = %get3A_1125, %scan3A_1583 = %get3A_1127) -> (vector<16xf32>, vector<16xf32>, vector<16xf32>, vector<16xf32>, vector<16xf32>, vector<16xf32>, vector<16xf32>, vector<16xf32>, vector<16xf32>, vector<16xf32>, vector<16xf32>, vector<16xf32>, vector<16xf32>, vector<16xf32>, vector<16xf32>, vector<16xf32>, vector<16xf32>, vector<16xf32>, vector<16xf32>, vector<16xf32>, vector<16xf32>, vector<16xf32>, vector<16xf32>, vector<16xf32>, vector<16xf32>, vector<16xf32>, vector<16xf32>, vector<16xf32>, vector<16xf32>, vector<16xf32>, vector<16xf32>, vector<16xf32>)  : i32 {
        %mul3A_1584 = arith.constant 16 : i32
        %mul3A_1585 = arith.muli %scan3A_1551, %mul3A_1584 : i32
        %get3A_1586 = arith.constant 0 : i32
        %get3A_1587 = arith.index_cast %get3A_1586 : i32 to index
        %get3A_1588 = arith.index_cast %mul3A_1585 : i32 to index
        %get3A_1589 = tpu.vector_load %arg8[%get3A_1587, %get3A_1588] {strides = array<i32>} : memref<4x4096xf32, #tpu.memory_space<vmem>>, vector<16xf32>,
        %mul3A_1590 = arith.constant 16 : i32
        %mul3A_1591 = arith.muli %scan3A_1551, %mul3A_1590 : i32
        %get3A_1592 = arith.constant 1 : i32
        %get3A_1593 = arith.index_cast %get3A_1592 : i32 to index
        %get3A_1594 = arith.index_cast %mul3A_1591 : i32 to index
        %get3A_1595 = tpu.vector_load %arg8[%get3A_1593, %get3A_1594] {strides = array<i32>} : memref<4x4096xf32, #tpu.memory_space<vmem>>, vector<16xf32>,
        %mul3A_1596 = arith.constant 16 : i32
        %mul3A_1597 = arith.muli %scan3A_1551, %mul3A_1596 : i32
        %get3A_1598 = arith.constant 2 : i32
        %get3A_1599 = arith.index_cast %get3A_1598 : i32 to index
        %get3A_1600 = arith.index_cast %mul3A_1597 : i32 to index
        %get3A_1601 = tpu.vector_load %arg8[%get3A_1599, %get3A_1600] {strides = array<i32>} : memref<4x4096xf32, #tpu.memory_space<vmem>>, vector<16xf32>,
        %mul3A_1602 = arith.constant 16 : i32
        %mul3A_1603 = arith.muli %scan3A_1551, %mul3A_1602 : i32
        %get3A_1604 = arith.constant 3 : i32
        %get3A_1605 = arith.index_cast %get3A_1604 : i32 to index
        %get3A_1606 = arith.index_cast %mul3A_1603 : i32 to index
        %get3A_1607 = tpu.vector_load %arg8[%get3A_1605, %get3A_1606] {strides = array<i32>} : memref<4x4096xf32, #tpu.memory_space<vmem>>, vector<16xf32>,
        %mul3A_1608 = arith.constant 16 : i32
        %mul3A_1609 = arith.muli %scan3A_1551, %mul3A_1608 : i32
        %get3A_1610 = arith.constant 1 : i32
        %get3A_1611 = arith.constant 0 : i32
        %get3A_1612 = arith.index_cast %get3A_1610 : i32 to index
        %get3A_1613 = arith.index_cast %get3A_1611 : i32 to index
        %get3A_1614 = arith.index_cast %mul3A_1609 : i32 to index
        %get3A_1615 = tpu.vector_load %arg6[%get3A_1612, %get3A_1613, %get3A_1614] {strides = array<i32>} : memref<2x4x4096xf32, #tpu.memory_space<vmem>>, vector<16xf32>,
        %mul3A_1616 = arith.constant 16 : i32
        %mul3A_1617 = arith.muli %scan3A_1551, %mul3A_1616 : i32
        %get3A_1618 = arith.constant 1 : i32
        %get3A_1619 = arith.constant 0 : i32
        %get3A_1620 = arith.index_cast %get3A_1618 : i32 to index
        %get3A_1621 = arith.index_cast %get3A_1619 : i32 to index
        %get3A_1622 = arith.index_cast %mul3A_1617 : i32 to index
        %get3A_1623 = tpu.vector_load %arg7[%get3A_1620, %get3A_1621, %get3A_1622] {strides = array<i32>} : memref<2x4x4096xf32, #tpu.memory_space<vmem>>, vector<16xf32>,
        %mul3A_1624 = arith.mulf %get3A_1615, %get3A_1589 : vector<16xf32>
        %add3A_1625 = arith.addf %scan3A_1552, %mul3A_1624 : vector<16xf32>
        %mul3A_1626 = arith.mulf %get3A_1623, %get3A_1589 : vector<16xf32>
        %add3A_1627 = arith.addf %scan3A_1556, %mul3A_1626 : vector<16xf32>
        %mul3A_1628 = arith.mulf %get3A_1615, %get3A_1595 : vector<16xf32>
        %add3A_1629 = arith.addf %scan3A_1553, %mul3A_1628 : vector<16xf32>
        %mul3A_1630 = arith.mulf %get3A_1623, %get3A_1595 : vector<16xf32>
        %add3A_1631 = arith.addf %scan3A_1557, %mul3A_1630 : vector<16xf32>
        %mul3A_1632 = arith.mulf %get3A_1615, %get3A_1601 : vector<16xf32>
        %add3A_1633 = arith.addf %scan3A_1554, %mul3A_1632 : vector<16xf32>
        %mul3A_1634 = arith.mulf %get3A_1623, %get3A_1601 : vector<16xf32>
        %add3A_1635 = arith.addf %scan3A_1558, %mul3A_1634 : vector<16xf32>
        %mul3A_1636 = arith.mulf %get3A_1615, %get3A_1607 : vector<16xf32>
        %add3A_1637 = arith.addf %scan3A_1555, %mul3A_1636 : vector<16xf32>
        %mul3A_1638 = arith.mulf %get3A_1623, %get3A_1607 : vector<16xf32>
        %add3A_1639 = arith.addf %scan3A_1559, %mul3A_1638 : vector<16xf32>
        %mul3A_1640 = arith.constant 16 : i32
        %mul3A_1641 = arith.muli %scan3A_1551, %mul3A_1640 : i32
        %get3A_1642 = arith.constant 1 : i32
        %get3A_1643 = arith.constant 1 : i32
        %get3A_1644 = arith.index_cast %get3A_1642 : i32 to index
        %get3A_1645 = arith.index_cast %get3A_1643 : i32 to index
        %get3A_1646 = arith.index_cast %mul3A_1641 : i32 to index
        %get3A_1647 = tpu.vector_load %arg6[%get3A_1644, %get3A_1645, %get3A_1646] {strides = array<i32>} : memref<2x4x4096xf32, #tpu.memory_space<vmem>>, vector<16xf32>,
        %mul3A_1648 = arith.constant 16 : i32
        %mul3A_1649 = arith.muli %scan3A_1551, %mul3A_1648 : i32
        %get3A_1650 = arith.constant 1 : i32
        %get3A_1651 = arith.constant 1 : i32
        %get3A_1652 = arith.index_cast %get3A_1650 : i32 to index
        %get3A_1653 = arith.index_cast %get3A_1651 : i32 to index
        %get3A_1654 = arith.index_cast %mul3A_1649 : i32 to index
        %get3A_1655 = tpu.vector_load %arg7[%get3A_1652, %get3A_1653, %get3A_1654] {strides = array<i32>} : memref<2x4x4096xf32, #tpu.memory_space<vmem>>, vector<16xf32>,
        %mul3A_1656 = arith.mulf %get3A_1647, %get3A_1589 : vector<16xf32>
        %add3A_1657 = arith.addf %scan3A_1560, %mul3A_1656 : vector<16xf32>
        %mul3A_1658 = arith.mulf %get3A_1655, %get3A_1589 : vector<16xf32>
        %add3A_1659 = arith.addf %scan3A_1564, %mul3A_1658 : vector<16xf32>
        %mul3A_1660 = arith.mulf %get3A_1647, %get3A_1595 : vector<16xf32>
        %add3A_1661 = arith.addf %scan3A_1561, %mul3A_1660 : vector<16xf32>
        %mul3A_1662 = arith.mulf %get3A_1655, %get3A_1595 : vector<16xf32>
        %add3A_1663 = arith.addf %scan3A_1565, %mul3A_1662 : vector<16xf32>
        %mul3A_1664 = arith.mulf %get3A_1647, %get3A_1601 : vector<16xf32>
        %add3A_1665 = arith.addf %scan3A_1562, %mul3A_1664 : vector<16xf32>
        %mul3A_1666 = arith.mulf %get3A_1655, %get3A_1601 : vector<16xf32>
        %add3A_1667 = arith.addf %scan3A_1566, %mul3A_1666 : vector<16xf32>
        %mul3A_1668 = arith.mulf %get3A_1647, %get3A_1607 : vector<16xf32>
        %add3A_1669 = arith.addf %scan3A_1563, %mul3A_1668 : vector<16xf32>
        %mul3A_1670 = arith.mulf %get3A_1655, %get3A_1607 : vector<16xf32>
        %add3A_1671 = arith.addf %scan3A_1567, %mul3A_1670 : vector<16xf32>
        %mul3A_1672 = arith.constant 16 : i32
        %mul3A_1673 = arith.muli %scan3A_1551, %mul3A_1672 : i32
        %get3A_1674 = arith.constant 1 : i32
        %get3A_1675 = arith.constant 2 : i32
        %get3A_1676 = arith.index_cast %get3A_1674 : i32 to index
        %get3A_1677 = arith.index_cast %get3A_1675 : i32 to index
        %get3A_1678 = arith.index_cast %mul3A_1673 : i32 to index
        %get3A_1679 = tpu.vector_load %arg6[%get3A_1676, %get3A_1677, %get3A_1678] {strides = array<i32>} : memref<2x4x4096xf32, #tpu.memory_space<vmem>>, vector<16xf32>,
        %mul3A_1680 = arith.constant 16 : i32
        %mul3A_1681 = arith.muli %scan3A_1551, %mul3A_1680 : i32
        %get3A_1682 = arith.constant 1 : i32
        %get3A_1683 = arith.constant 2 : i32
        %get3A_1684 = arith.index_cast %get3A_1682 : i32 to index
        %get3A_1685 = arith.index_cast %get3A_1683 : i32 to index
        %get3A_1686 = arith.index_cast %mul3A_1681 : i32 to index
        %get3A_1687 = tpu.vector_load %arg7[%get3A_1684, %get3A_1685, %get3A_1686] {strides = array<i32>} : memref<2x4x4096xf32, #tpu.memory_space<vmem>>, vector<16xf32>,
        %mul3A_1688 = arith.mulf %get3A_1679, %get3A_1589 : vector<16xf32>
        %add3A_1689 = arith.addf %scan3A_1568, %mul3A_1688 : vector<16xf32>
        %mul3A_1690 = arith.mulf %get3A_1687, %get3A_1589 : vector<16xf32>
        %add3A_1691 = arith.addf %scan3A_1572, %mul3A_1690 : vector<16xf32>
        %mul3A_1692 = arith.mulf %get3A_1679, %get3A_1595 : vector<16xf32>
        %add3A_1693 = arith.addf %scan3A_1569, %mul3A_1692 : vector<16xf32>
        %mul3A_1694 = arith.mulf %get3A_1687, %get3A_1595 : vector<16xf32>
        %add3A_1695 = arith.addf %scan3A_1573, %mul3A_1694 : vector<16xf32>
        %mul3A_1696 = arith.mulf %get3A_1679, %get3A_1601 : vector<16xf32>
        %add3A_1697 = arith.addf %scan3A_1570, %mul3A_1696 : vector<16xf32>
        %mul3A_1698 = arith.mulf %get3A_1687, %get3A_1601 : vector<16xf32>
        %add3A_1699 = arith.addf %scan3A_1574, %mul3A_1698 : vector<16xf32>
        %mul3A_1700 = arith.mulf %get3A_1679, %get3A_1607 : vector<16xf32>
        %add3A_1701 = arith.addf %scan3A_1571, %mul3A_1700 : vector<16xf32>
        %mul3A_1702 = arith.mulf %get3A_1687, %get3A_1607 : vector<16xf32>
        %add3A_1703 = arith.addf %scan3A_1575, %mul3A_1702 : vector<16xf32>
        %mul3A_1704 = arith.constant 16 : i32
        %mul3A_1705 = arith.muli %scan3A_1551, %mul3A_1704 : i32
        %get3A_1706 = arith.constant 1 : i32
        %get3A_1707 = arith.constant 3 : i32
        %get3A_1708 = arith.index_cast %get3A_1706 : i32 to index
        %get3A_1709 = arith.index_cast %get3A_1707 : i32 to index
        %get3A_1710 = arith.index_cast %mul3A_1705 : i32 to index
        %get3A_1711 = tpu.vector_load %arg6[%get3A_1708, %get3A_1709, %get3A_1710] {strides = array<i32>} : memref<2x4x4096xf32, #tpu.memory_space<vmem>>, vector<16xf32>,
        %mul3A_1712 = arith.constant 16 : i32
        %mul3A_1713 = arith.muli %scan3A_1551, %mul3A_1712 : i32
        %get3A_1714 = arith.constant 1 : i32
        %get3A_1715 = arith.constant 3 : i32
        %get3A_1716 = arith.index_cast %get3A_1714 : i32 to index
        %get3A_1717 = arith.index_cast %get3A_1715 : i32 to index
        %get3A_1718 = arith.index_cast %mul3A_1713 : i32 to index
        %get3A_1719 = tpu.vector_load %arg7[%get3A_1716, %get3A_1717, %get3A_1718] {strides = array<i32>} : memref<2x4x4096xf32, #tpu.memory_space<vmem>>, vector<16xf32>,
        %mul3A_1720 = arith.mulf %get3A_1711, %get3A_1589 : vector<16xf32>
        %add3A_1721 = arith.addf %scan3A_1576, %mul3A_1720 : vector<16xf32>
        %mul3A_1722 = arith.mulf %get3A_1719, %get3A_1589 : vector<16xf32>
        %add3A_1723 = arith.addf %scan3A_1580, %mul3A_1722 : vector<16xf32>
        %mul3A_1724 = arith.mulf %get3A_1711, %get3A_1595 : vector<16xf32>
        %add3A_1725 = arith.addf %scan3A_1577, %mul3A_1724 : vector<16xf32>
        %mul3A_1726 = arith.mulf %get3A_1719, %get3A_1595 : vector<16xf32>
        %add3A_1727 = arith.addf %scan3A_1581, %mul3A_1726 : vector<16xf32>
        %mul3A_1728 = arith.mulf %get3A_1711, %get3A_1601 : vector<16xf32>
        %add3A_1729 = arith.addf %scan3A_1578, %mul3A_1728 : vector<16xf32>
        %mul3A_1730 = arith.mulf %get3A_1719, %get3A_1601 : vector<16xf32>
        %add3A_1731 = arith.addf %scan3A_1582, %mul3A_1730 : vector<16xf32>
        %mul3A_1732 = arith.mulf %get3A_1711, %get3A_1607 : vector<16xf32>
        %add3A_1733 = arith.addf %scan3A_1579, %mul3A_1732 : vector<16xf32>
        %mul3A_1734 = arith.mulf %get3A_1719, %get3A_1607 : vector<16xf32>
        %add3A_1735 = arith.addf %scan3A_1583, %mul3A_1734 : vector<16xf32>
        scf.yield %add3A_1625, %add3A_1629, %add3A_1633, %add3A_1637, %add3A_1627, %add3A_1631, %add3A_1635, %add3A_1639, %add3A_1657, %add3A_1661, %add3A_1665, %add3A_1669, %add3A_1659, %add3A_1663, %add3A_1667, %add3A_1671, %add3A_1689, %add3A_1693, %add3A_1697, %add3A_1701, %add3A_1691, %add3A_1695, %add3A_1699, %add3A_1703, %add3A_1721, %add3A_1725, %add3A_1729, %add3A_1733, %add3A_1723, %add3A_1727, %add3A_1731, %add3A_1735 : vector<16xf32>, vector<16xf32>, vector<16xf32>, vector<16xf32>, vector<16xf32>, vector<16xf32>, vector<16xf32>, vector<16xf32>, vector<16xf32>, vector<16xf32>, vector<16xf32>, vector<16xf32>, vector<16xf32>, vector<16xf32>, vector<16xf32>, vector<16xf32>, vector<16xf32>, vector<16xf32>, vector<16xf32>, vector<16xf32>, vector<16xf32>, vector<16xf32>, vector<16xf32>, vector<16xf32>, vector<16xf32>, vector<16xf32>, vector<16xf32>, vector<16xf32>, vector<16xf32>, vector<16xf32>, vector<16xf32>, vector<16xf32>
      }
      %scan3A_1133 = arith.constant 256 : i32
      %swap3A_1134 = arith.constant 2560 : index
      %swap3A_1135 = tpu.vector_load %arg9[%swap3A_1134] {strides = array<i32>} : memref<4096xf32, #tpu.memory_space<vmem>>, vector<16xf32>,
      tpu.vector_store %arg9[%swap3A_1134], %scan3A_1132#0 {strides = array<i32>} : memref<4096xf32, #tpu.memory_space<vmem>>, vector<16xf32>,
      %swap3A_1136 = arith.constant 2576 : index
      %swap3A_1137 = tpu.vector_load %arg9[%swap3A_1136] {strides = array<i32>} : memref<4096xf32, #tpu.memory_space<vmem>>, vector<16xf32>,
      tpu.vector_store %arg9[%swap3A_1136], %scan3A_1132#1 {strides = array<i32>} : memref<4096xf32, #tpu.memory_space<vmem>>, vector<16xf32>,
      %swap3A_1138 = arith.constant 2592 : index
      %swap3A_1139 = tpu.vector_load %arg9[%swap3A_1138] {strides = array<i32>} : memref<4096xf32, #tpu.memory_space<vmem>>, vector<16xf32>,
      tpu.vector_store %arg9[%swap3A_1138], %scan3A_1132#2 {strides = array<i32>} : memref<4096xf32, #tpu.memory_space<vmem>>, vector<16xf32>,
      %swap3A_1140 = arith.constant 2608 : index
      %swap3A_1141 = tpu.vector_load %arg9[%swap3A_1140] {strides = array<i32>} : memref<4096xf32, #tpu.memory_space<vmem>>, vector<16xf32>,
      tpu.vector_store %arg9[%swap3A_1140], %scan3A_1132#3 {strides = array<i32>} : memref<4096xf32, #tpu.memory_space<vmem>>, vector<16xf32>,
      %swap3A_1142 = arith.constant 2624 : index
      %swap3A_1143 = tpu.vector_load %arg9[%swap3A_1142] {strides = array<i32>} : memref<4096xf32, #tpu.memory_space<vmem>>, vector<16xf32>,
      tpu.vector_store %arg9[%swap3A_1142], %scan3A_1132#4 {strides = array<i32>} : memref<4096xf32, #tpu.memory_space<vmem>>, vector<16xf32>,
      %swap3A_1144 = arith.constant 2640 : index
      %swap3A_1145 = tpu.vector_load %arg9[%swap3A_1144] {strides = array<i32>} : memref<4096xf32, #tpu.memory_space<vmem>>, vector<16xf32>,
      tpu.vector_store %arg9[%swap3A_1144], %scan3A_1132#5 {strides = array<i32>} : memref<4096xf32, #tpu.memory_space<vmem>>, vector<16xf32>,
      %swap3A_1146 = arith.constant 2656 : index
      %swap3A_1147 = tpu.vector_load %arg9[%swap3A_1146] {strides = array<i32>} : memref<4096xf32, #tpu.memory_space<vmem>>, vector<16xf32>,
      tpu.vector_store %arg9[%swap3A_1146], %scan3A_1132#6 {strides = array<i32>} : memref<4096xf32, #tpu.memory_space<vmem>>, vector<16xf32>,
      %swap3A_1148 = arith.constant 2672 : index
      %swap3A_1149 = tpu.vector_load %arg9[%swap3A_1148] {strides = array<i32>} : memref<4096xf32, #tpu.memory_space<vmem>>, vector<16xf32>,
      tpu.vector_store %arg9[%swap3A_1148], %scan3A_1132#7 {strides = array<i32>} : memref<4096xf32, #tpu.memory_space<vmem>>, vector<16xf32>,
      %swap3A_1150 = arith.constant 2688 : index
      %swap3A_1151 = tpu.vector_load %arg9[%swap3A_1150] {strides = array<i32>} : memref<4096xf32, #tpu.memory_space<vmem>>, vector<16xf32>,
      tpu.vector_store %arg9[%swap3A_1150], %scan3A_1132#8 {strides = array<i32>} : memref<4096xf32, #tpu.memory_space<vmem>>, vector<16xf32>,
      %swap3A_1152 = arith.constant 2704 : index
      %swap3A_1153 = tpu.vector_load %arg9[%swap3A_1152] {strides = array<i32>} : memref<4096xf32, #tpu.memory_space<vmem>>, vector<16xf32>,
      tpu.vector_store %arg9[%swap3A_1152], %scan3A_1132#9 {strides = array<i32>} : memref<4096xf32, #tpu.memory_space<vmem>>, vector<16xf32>,
      %swap3A_1154 = arith.constant 2720 : index
      %swap3A_1155 = tpu.vector_load %arg9[%swap3A_1154] {strides = array<i32>} : memref<4096xf32, #tpu.memory_space<vmem>>, vector<16xf32>,
      tpu.vector_store %arg9[%swap3A_1154], %scan3A_1132#10 {strides = array<i32>} : memref<4096xf32, #tpu.memory_space<vmem>>, vector<16xf32>,
      %swap3A_1156 = arith.constant 2736 : index
      %swap3A_1157 = tpu.vector_load %arg9[%swap3A_1156] {strides = array<i32>} : memref<4096xf32, #tpu.memory_space<vmem>>, vector<16xf32>,
      tpu.vector_store %arg9[%swap3A_1156], %scan3A_1132#11 {strides = array<i32>} : memref<4096xf32, #tpu.memory_space<vmem>>, vector<16xf32>,
      %swap3A_1158 = arith.constant 2752 : index
      %swap3A_1159 = tpu.vector_load %arg9[%swap3A_1158] {strides = array<i32>} : memref<4096xf32, #tpu.memory_space<vmem>>, vector<16xf32>,
      tpu.vector_store %arg9[%swap3A_1158], %scan3A_1132#12 {strides = array<i32>} : memref<4096xf32, #tpu.memory_space<vmem>>, vector<16xf32>,
      %swap3A_1160 = arith.constant 2768 : index
      %swap3A_1161 = tpu.vector_load %arg9[%swap3A_1160] {strides = array<i32>} : memref<4096xf32, #tpu.memory_space<vmem>>, vector<16xf32>,
      tpu.vector_store %arg9[%swap3A_1160], %scan3A_1132#13 {strides = array<i32>} : memref<4096xf32, #tpu.memory_space<vmem>>, vector<16xf32>,
      %swap3A_1162 = arith.constant 2784 : index
      %swap3A_1163 = tpu.vector_load %arg9[%swap3A_1162] {strides = array<i32>} : memref<4096xf32, #tpu.memory_space<vmem>>, vector<16xf32>,
      tpu.vector_store %arg9[%swap3A_1162], %scan3A_1132#14 {strides = array<i32>} : memref<4096xf32, #tpu.memory_space<vmem>>, vector<16xf32>,
      %swap3A_1164 = arith.constant 2800 : index
      %swap3A_1165 = tpu.vector_load %arg9[%swap3A_1164] {strides = array<i32>} : memref<4096xf32, #tpu.memory_space<vmem>>, vector<16xf32>,
      tpu.vector_store %arg9[%swap3A_1164], %scan3A_1132#15 {strides = array<i32>} : memref<4096xf32, #tpu.memory_space<vmem>>, vector<16xf32>,
      %swap3A_1166 = arith.constant 2816 : index
      %swap3A_1167 = tpu.vector_load %arg9[%swap3A_1166] {strides = array<i32>} : memref<4096xf32, #tpu.memory_space<vmem>>, vector<16xf32>,
      tpu.vector_store %arg9[%swap3A_1166], %scan3A_1132#16 {strides = array<i32>} : memref<4096xf32, #tpu.memory_space<vmem>>, vector<16xf32>,
      %swap3A_1168 = arith.constant 2832 : index
      %swap3A_1169 = tpu.vector_load %arg9[%swap3A_1168] {strides = array<i32>} : memref<4096xf32, #tpu.memory_space<vmem>>, vector<16xf32>,
      tpu.vector_store %arg9[%swap3A_1168], %scan3A_1132#17 {strides = array<i32>} : memref<4096xf32, #tpu.memory_space<vmem>>, vector<16xf32>,
      %swap3A_1170 = arith.constant 2848 : index
      %swap3A_1171 = tpu.vector_load %arg9[%swap3A_1170] {strides = array<i32>} : memref<4096xf32, #tpu.memory_space<vmem>>, vector<16xf32>,
      tpu.vector_store %arg9[%swap3A_1170], %scan3A_1132#18 {strides = array<i32>} : memref<4096xf32, #tpu.memory_space<vmem>>, vector<16xf32>,
      %swap3A_1172 = arith.constant 2864 : index
      %swap3A_1173 = tpu.vector_load %arg9[%swap3A_1172] {strides = array<i32>} : memref<4096xf32, #tpu.memory_space<vmem>>, vector<16xf32>,
      tpu.vector_store %arg9[%swap3A_1172], %scan3A_1132#19 {strides = array<i32>} : memref<4096xf32, #tpu.memory_space<vmem>>, vector<16xf32>,
      %swap3A_1174 = arith.constant 2880 : index
      %swap3A_1175 = tpu.vector_load %arg9[%swap3A_1174] {strides = array<i32>} : memref<4096xf32, #tpu.memory_space<vmem>>, vector<16xf32>,
      tpu.vector_store %arg9[%swap3A_1174], %scan3A_1132#20 {strides = array<i32>} : memref<4096xf32, #tpu.memory_space<vmem>>, vector<16xf32>,
      %swap3A_1176 = arith.constant 2896 : index
      %swap3A_1177 = tpu.vector_load %arg9[%swap3A_1176] {strides = array<i32>} : memref<4096xf32, #tpu.memory_space<vmem>>, vector<16xf32>,
      tpu.vector_store %arg9[%swap3A_1176], %scan3A_1132#21 {strides = array<i32>} : memref<4096xf32, #tpu.memory_space<vmem>>, vector<16xf32>,
      %swap3A_1178 = arith.constant 2912 : index
      %swap3A_1179 = tpu.vector_load %arg9[%swap3A_1178] {strides = array<i32>} : memref<4096xf32, #tpu.memory_space<vmem>>, vector<16xf32>,
      tpu.vector_store %arg9[%swap3A_1178], %scan3A_1132#22 {strides = array<i32>} : memref<4096xf32, #tpu.memory_space<vmem>>, vector<16xf32>,
      %swap3A_1180 = arith.constant 2928 : index
      %swap3A_1181 = tpu.vector_load %arg9[%swap3A_1180] {strides = array<i32>} : memref<4096xf32, #tpu.memory_space<vmem>>, vector<16xf32>,
      tpu.vector_store %arg9[%swap3A_1180], %scan3A_1132#23 {strides = array<i32>} : memref<4096xf32, #tpu.memory_space<vmem>>, vector<16xf32>,
      %swap3A_1182 = arith.constant 2944 : index
      %swap3A_1183 = tpu.vector_load %arg9[%swap3A_1182] {strides = array<i32>} : memref<4096xf32, #tpu.memory_space<vmem>>, vector<16xf32>,
      tpu.vector_store %arg9[%swap3A_1182], %scan3A_1132#24 {strides = array<i32>} : memref<4096xf32, #tpu.memory_space<vmem>>, vector<16xf32>,
      %swap3A_1184 = arith.constant 2960 : index
      %swap3A_1185 = tpu.vector_load %arg9[%swap3A_1184] {strides = array<i32>} : memref<4096xf32, #tpu.memory_space<vmem>>, vector<16xf32>,
      tpu.vector_store %arg9[%swap3A_1184], %scan3A_1132#25 {strides = array<i32>} : memref<4096xf32, #tpu.memory_space<vmem>>, vector<16xf32>,
      %swap3A_1186 = arith.constant 2976 : index
      %swap3A_1187 = tpu.vector_load %arg9[%swap3A_1186] {strides = array<i32>} : memref<4096xf32, #tpu.memory_space<vmem>>, vector<16xf32>,
      tpu.vector_store %arg9[%swap3A_1186], %scan3A_1132#26 {strides = array<i32>} : memref<4096xf32, #tpu.memory_space<vmem>>, vector<16xf32>,
      %swap3A_1188 = arith.constant 2992 : index
      %swap3A_1189 = tpu.vector_load %arg9[%swap3A_1188] {strides = array<i32>} : memref<4096xf32, #tpu.memory_space<vmem>>, vector<16xf32>,
      tpu.vector_store %arg9[%swap3A_1188], %scan3A_1132#27 {strides = array<i32>} : memref<4096xf32, #tpu.memory_space<vmem>>, vector<16xf32>,
      %swap3A_1190 = arith.constant 3008 : index
      %swap3A_1191 = tpu.vector_load %arg9[%swap3A_1190] {strides = array<i32>} : memref<4096xf32, #tpu.memory_space<vmem>>, vector<16xf32>,
      tpu.vector_store %arg9[%swap3A_1190], %scan3A_1132#28 {strides = array<i32>} : memref<4096xf32, #tpu.memory_space<vmem>>, vector<16xf32>,
      %swap3A_1192 = arith.constant 3024 : index
      %swap3A_1193 = tpu.vector_load %arg9[%swap3A_1192] {strides = array<i32>} : memref<4096xf32, #tpu.memory_space<vmem>>, vector<16xf32>,
      tpu.vector_store %arg9[%swap3A_1192], %scan3A_1132#29 {strides = array<i32>} : memref<4096xf32, #tpu.memory_space<vmem>>, vector<16xf32>,
      %swap3A_1194 = arith.constant 3040 : index
      %swap3A_1195 = tpu.vector_load %arg9[%swap3A_1194] {strides = array<i32>} : memref<4096xf32, #tpu.memory_space<vmem>>, vector<16xf32>,
      tpu.vector_store %arg9[%swap3A_1194], %scan3A_1132#30 {strides = array<i32>} : memref<4096xf32, #tpu.memory_space<vmem>>, vector<16xf32>,
      %swap3A_1196 = arith.constant 3056 : index
      %swap3A_1197 = tpu.vector_load %arg9[%swap3A_1196] {strides = array<i32>} : memref<4096xf32, #tpu.memory_space<vmem>>, vector<16xf32>,
      tpu.vector_store %arg9[%swap3A_1196], %scan3A_1132#31 {strides = array<i32>} : memref<4096xf32, #tpu.memory_space<vmem>>, vector<16xf32>,
      %mul3A_1198 = arith.constant 4096 : i32
      %mul3A_1199 = arith.muli %scan3A_28, %mul3A_1198 : i32
      %add3A_1200 = arith.constant 65536 : i32
      %add3A_1201 = arith.addi %add3A_1200, %mul3A_1199 : i32
      %add3A_1202 = arith.constant 28 : i32
      %add3A_1203 = arith.addi %mul3A_2, %add3A_1202 : i32
      %dma_start3A_1204 = arith.constant 1 : i32
      %dma_start3A_1205 = arith.constant 0 : i32
      %dma_start3A_1206 = arith.constant 0 : i32
      %dma_start3A_1207 = tpu.memref_slice %arg6[%dma_start3A_1204, %dma_start3A_1205, %dma_start3A_1206] : memref<2x4x4096xf32, #tpu.memory_space<vmem>> -> memref<1x4x4096xf32, #tpu.memory_space<vmem>>
      %dma_start3A_1208 = tpu.memref_squeeze %dma_start3A_1207 : memref<1x4x4096xf32, #tpu.memory_space<vmem>> -> memref<4x4096xf32, #tpu.memory_space<vmem>>
      %dma_start3A_1209 = tpu.memref_slice %arg2[%add3A_1203, %add3A_1201] : memref<1024x81920xf32, #tpu.memory_space<hbm>> -> memref<4x4096xf32, #tpu.memory_space<hbm>>
      %dma_start3A_1210 = arith.constant 0 : i32
      %dma_start3A_1211 = arith.constant 0 : i32
      %dma_start3A_1212 = tpu.memref_slice %arg6[%dma_start3A_1204, %dma_start3A_1210, %dma_start3A_1211] : memref<2x4x4096xf32, #tpu.memory_space<vmem>> -> memref<1x4x4096xf32, #tpu.memory_space<vmem>>
      %dma_start3A_1213 = tpu.memref_squeeze %dma_start3A_1212 : memref<1x4x4096xf32, #tpu.memory_space<vmem>> -> memref<4x4096xf32, #tpu.memory_space<vmem>>
      %dma_start3A_1214 = tpu.memref_slice %arg2[%add3A_1203, %add3A_1201] : memref<1024x81920xf32, #tpu.memory_space<hbm>> -> memref<4x4096xf32, #tpu.memory_space<hbm>>
      tpu.enqueue_dma source(%dma_start3A_1214 : memref<4x4096xf32, #tpu.memory_space<hbm>>) target(%dma_start3A_1213 : memref<4x4096xf32, #tpu.memory_space<vmem>>) target_semaphore(%arg13 : memref<!tpu.dma_semaphore, #tpu.memory_space<semaphore_mem>>)
      %dma_start3A_1215 = arith.constant 1 : i32
      %dma_start3A_1216 = arith.constant 0 : i32
      %dma_start3A_1217 = arith.constant 0 : i32
      %dma_start3A_1218 = tpu.memref_slice %arg7[%dma_start3A_1215, %dma_start3A_1216, %dma_start3A_1217] : memref<2x4x4096xf32, #tpu.memory_space<vmem>> -> memref<1x4x4096xf32, #tpu.memory_space<vmem>>
      %dma_start3A_1219 = tpu.memref_squeeze %dma_start3A_1218 : memref<1x4x4096xf32, #tpu.memory_space<vmem>> -> memref<4x4096xf32, #tpu.memory_space<vmem>>
      %dma_start3A_1220 = tpu.memref_slice %arg3[%add3A_1203, %add3A_1201] : memref<1024x81920xf32, #tpu.memory_space<hbm>> -> memref<4x4096xf32, #tpu.memory_space<hbm>>
      %dma_start3A_1221 = arith.constant 0 : i32
      %dma_start3A_1222 = arith.constant 0 : i32
      %dma_start3A_1223 = tpu.memref_slice %arg7[%dma_start3A_1215, %dma_start3A_1221, %dma_start3A_1222] : memref<2x4x4096xf32, #tpu.memory_space<vmem>> -> memref<1x4x4096xf32, #tpu.memory_space<vmem>>
      %dma_start3A_1224 = tpu.memref_squeeze %dma_start3A_1223 : memref<1x4x4096xf32, #tpu.memory_space<vmem>> -> memref<4x4096xf32, #tpu.memory_space<vmem>>
      %dma_start3A_1225 = tpu.memref_slice %arg3[%add3A_1203, %add3A_1201] : memref<1024x81920xf32, #tpu.memory_space<hbm>> -> memref<4x4096xf32, #tpu.memory_space<hbm>>
      tpu.enqueue_dma source(%dma_start3A_1225 : memref<4x4096xf32, #tpu.memory_space<hbm>>) target(%dma_start3A_1224 : memref<4x4096xf32, #tpu.memory_space<vmem>>) target_semaphore(%arg13 : memref<!tpu.dma_semaphore, #tpu.memory_space<semaphore_mem>>)
      %mul3A_1226 = arith.constant 4096 : i32
      %mul3A_1227 = arith.muli %scan3A_28, %mul3A_1226 : i32
      %add3A_1228 = arith.constant 65536 : i32
      %add3A_1229 = arith.addi %add3A_1228, %mul3A_1227 : i32
      %add3A_1230 = arith.constant 24 : i32
      %add3A_1231 = arith.addi %mul3A_2, %add3A_1230 : i32
      %dma_wait3A_1232 = arith.constant 0 : i32
      %dma_wait3A_1233 = arith.constant 0 : i32
      %dma_wait3A_1234 = arith.constant 0 : i32
      %dma_wait3A_1235 = tpu.memref_slice %arg6[%dma_wait3A_1232, %dma_wait3A_1233, %dma_wait3A_1234] : memref<2x4x4096xf32, #tpu.memory_space<vmem>> -> memref<1x4x4096xf32, #tpu.memory_space<vmem>>
      %dma_wait3A_1236 = tpu.memref_squeeze %dma_wait3A_1235 : memref<1x4x4096xf32, #tpu.memory_space<vmem>> -> memref<4x4096xf32, #tpu.memory_space<vmem>>
      %dma_wait3A_1237 = tpu.memref_slice %arg2[%add3A_1231, %add3A_1229] : memref<1024x81920xf32, #tpu.memory_space<hbm>> -> memref<4x4096xf32, #tpu.memory_space<hbm>>
      %dma_wait3A_1238 = arith.constant 0 : i32
      %dma_wait3A_1239 = arith.constant 0 : i32
      %dma_wait3A_1240 = tpu.memref_slice %arg6[%dma_wait3A_1232, %dma_wait3A_1238, %dma_wait3A_1239] : memref<2x4x4096xf32, #tpu.memory_space<vmem>> -> memref<1x4x4096xf32, #tpu.memory_space<vmem>>
      %dma_wait3A_1241 = tpu.memref_squeeze %dma_wait3A_1240 : memref<1x4x4096xf32, #tpu.memory_space<vmem>> -> memref<4x4096xf32, #tpu.memory_space<vmem>>
      %dma_wait3A_1242 = tpu.memref_slice %arg2[%add3A_1231, %add3A_1229] : memref<1024x81920xf32, #tpu.memory_space<hbm>> -> memref<4x4096xf32, #tpu.memory_space<hbm>>
      tpu.wait_dma2 semaphore(%arg12 : memref<!tpu.dma_semaphore, #tpu.memory_space<semaphore_mem>>) src(%dma_wait3A_1242 : memref<4x4096xf32, #tpu.memory_space<hbm>>) dst(%dma_wait3A_1241 : memref<4x4096xf32, #tpu.memory_space<vmem>>)
      %dma_wait3A_1243 = arith.constant 0 : i32
      %dma_wait3A_1244 = arith.constant 0 : i32
      %dma_wait3A_1245 = arith.constant 0 : i32
      %dma_wait3A_1246 = tpu.memref_slice %arg7[%dma_wait3A_1243, %dma_wait3A_1244, %dma_wait3A_1245] : memref<2x4x4096xf32, #tpu.memory_space<vmem>> -> memref<1x4x4096xf32, #tpu.memory_space<vmem>>
      %dma_wait3A_1247 = tpu.memref_squeeze %dma_wait3A_1246 : memref<1x4x4096xf32, #tpu.memory_space<vmem>> -> memref<4x4096xf32, #tpu.memory_space<vmem>>
      %dma_wait3A_1248 = tpu.memref_slice %arg3[%add3A_1231, %add3A_1229] : memref<1024x81920xf32, #tpu.memory_space<hbm>> -> memref<4x4096xf32, #tpu.memory_space<hbm>>
      %dma_wait3A_1249 = arith.constant 0 : i32
      %dma_wait3A_1250 = arith.constant 0 : i32
      %dma_wait3A_1251 = tpu.memref_slice %arg7[%dma_wait3A_1243, %dma_wait3A_1249, %dma_wait3A_1250] : memref<2x4x4096xf32, #tpu.memory_space<vmem>> -> memref<1x4x4096xf32, #tpu.memory_space<vmem>>
      %dma_wait3A_1252 = tpu.memref_squeeze %dma_wait3A_1251 : memref<1x4x4096xf32, #tpu.memory_space<vmem>> -> memref<4x4096xf32, #tpu.memory_space<vmem>>
      %dma_wait3A_1253 = tpu.memref_slice %arg3[%add3A_1231, %add3A_1229] : memref<1024x81920xf32, #tpu.memory_space<hbm>> -> memref<4x4096xf32, #tpu.memory_space<hbm>>
      tpu.wait_dma2 semaphore(%arg12 : memref<!tpu.dma_semaphore, #tpu.memory_space<semaphore_mem>>) src(%dma_wait3A_1253 : memref<4x4096xf32, #tpu.memory_space<hbm>>) dst(%dma_wait3A_1252 : memref<4x4096xf32, #tpu.memory_space<vmem>>)
      %get3A_1254 = arith.constant 3072 : index
      %get3A_1255 = tpu.vector_load %arg9[%get3A_1254] {strides = array<i32>} : memref<4096xf32, #tpu.memory_space<vmem>>, vector<16xf32>,
      %get3A_1256 = arith.constant 3088 : index
      %get3A_1257 = tpu.vector_load %arg9[%get3A_1256] {strides = array<i32>} : memref<4096xf32, #tpu.memory_space<vmem>>, vector<16xf32>,
      %get3A_1258 = arith.constant 3104 : index
      %get3A_1259 = tpu.vector_load %arg9[%get3A_1258] {strides = array<i32>} : memref<4096xf32, #tpu.memory_space<vmem>>, vector<16xf32>,
      %get3A_1260 = arith.constant 3120 : index
      %get3A_1261 = tpu.vector_load %arg9[%get3A_1260] {strides = array<i32>} : memref<4096xf32, #tpu.memory_space<vmem>>, vector<16xf32>,
      %get3A_1262 = arith.constant 3136 : index
      %get3A_1263 = tpu.vector_load %arg9[%get3A_1262] {strides = array<i32>} : memref<4096xf32, #tpu.memory_space<vmem>>, vector<16xf32>,
      %get3A_1264 = arith.constant 3152 : index
      %get3A_1265 = tpu.vector_load %arg9[%get3A_1264] {strides = array<i32>} : memref<4096xf32, #tpu.memory_space<vmem>>, vector<16xf32>,
      %get3A_1266 = arith.constant 3168 : index
      %get3A_1267 = tpu.vector_load %arg9[%get3A_1266] {strides = array<i32>} : memref<4096xf32, #tpu.memory_space<vmem>>, vector<16xf32>,
      %get3A_1268 = arith.constant 3184 : index
      %get3A_1269 = tpu.vector_load %arg9[%get3A_1268] {strides = array<i32>} : memref<4096xf32, #tpu.memory_space<vmem>>, vector<16xf32>,
      %get3A_1270 = arith.constant 3200 : index
      %get3A_1271 = tpu.vector_load %arg9[%get3A_1270] {strides = array<i32>} : memref<4096xf32, #tpu.memory_space<vmem>>, vector<16xf32>,
      %get3A_1272 = arith.constant 3216 : index
      %get3A_1273 = tpu.vector_load %arg9[%get3A_1272] {strides = array<i32>} : memref<4096xf32, #tpu.memory_space<vmem>>, vector<16xf32>,
      %get3A_1274 = arith.constant 3232 : index
      %get3A_1275 = tpu.vector_load %arg9[%get3A_1274] {strides = array<i32>} : memref<4096xf32, #tpu.memory_space<vmem>>, vector<16xf32>,
      %get3A_1276 = arith.constant 3248 : index
      %get3A_1277 = tpu.vector_load %arg9[%get3A_1276] {strides = array<i32>} : memref<4096xf32, #tpu.memory_space<vmem>>, vector<16xf32>,
      %get3A_1278 = arith.constant 3264 : index
      %get3A_1279 = tpu.vector_load %arg9[%get3A_1278] {strides = array<i32>} : memref<4096xf32, #tpu.memory_space<vmem>>, vector<16xf32>,
      %get3A_1280 = arith.constant 3280 : index
      %get3A_1281 = tpu.vector_load %arg9[%get3A_1280] {strides = array<i32>} : memref<4096xf32, #tpu.memory_space<vmem>>, vector<16xf32>,
      %get3A_1282 = arith.constant 3296 : index
      %get3A_1283 = tpu.vector_load %arg9[%get3A_1282] {strides = array<i32>} : memref<4096xf32, #tpu.memory_space<vmem>>, vector<16xf32>,
      %get3A_1284 = arith.constant 3312 : index
      %get3A_1285 = tpu.vector_load %arg9[%get3A_1284] {strides = array<i32>} : memref<4096xf32, #tpu.memory_space<vmem>>, vector<16xf32>,
      %get3A_1286 = arith.constant 3328 : index
      %get3A_1287 = tpu.vector_load %arg9[%get3A_1286] {strides = array<i32>} : memref<4096xf32, #tpu.memory_space<vmem>>, vector<16xf32>,
      %get3A_1288 = arith.constant 3344 : index
      %get3A_1289 = tpu.vector_load %arg9[%get3A_1288] {strides = array<i32>} : memref<4096xf32, #tpu.memory_space<vmem>>, vector<16xf32>,
      %get3A_1290 = arith.constant 3360 : index
      %get3A_1291 = tpu.vector_load %arg9[%get3A_1290] {strides = array<i32>} : memref<4096xf32, #tpu.memory_space<vmem>>, vector<16xf32>,
      %get3A_1292 = arith.constant 3376 : index
      %get3A_1293 = tpu.vector_load %arg9[%get3A_1292] {strides = array<i32>} : memref<4096xf32, #tpu.memory_space<vmem>>, vector<16xf32>,
      %get3A_1294 = arith.constant 3392 : index
      %get3A_1295 = tpu.vector_load %arg9[%get3A_1294] {strides = array<i32>} : memref<4096xf32, #tpu.memory_space<vmem>>, vector<16xf32>,
      %get3A_1296 = arith.constant 3408 : index
      %get3A_1297 = tpu.vector_load %arg9[%get3A_1296] {strides = array<i32>} : memref<4096xf32, #tpu.memory_space<vmem>>, vector<16xf32>,
      %get3A_1298 = arith.constant 3424 : index
      %get3A_1299 = tpu.vector_load %arg9[%get3A_1298] {strides = array<i32>} : memref<4096xf32, #tpu.memory_space<vmem>>, vector<16xf32>,
      %get3A_1300 = arith.constant 3440 : index
      %get3A_1301 = tpu.vector_load %arg9[%get3A_1300] {strides = array<i32>} : memref<4096xf32, #tpu.memory_space<vmem>>, vector<16xf32>,
      %get3A_1302 = arith.constant 3456 : index
      %get3A_1303 = tpu.vector_load %arg9[%get3A_1302] {strides = array<i32>} : memref<4096xf32, #tpu.memory_space<vmem>>, vector<16xf32>,
      %get3A_1304 = arith.constant 3472 : index
      %get3A_1305 = tpu.vector_load %arg9[%get3A_1304] {strides = array<i32>} : memref<4096xf32, #tpu.memory_space<vmem>>, vector<16xf32>,
      %get3A_1306 = arith.constant 3488 : index
      %get3A_1307 = tpu.vector_load %arg9[%get3A_1306] {strides = array<i32>} : memref<4096xf32, #tpu.memory_space<vmem>>, vector<16xf32>,
      %get3A_1308 = arith.constant 3504 : index
      %get3A_1309 = tpu.vector_load %arg9[%get3A_1308] {strides = array<i32>} : memref<4096xf32, #tpu.memory_space<vmem>>, vector<16xf32>,
      %get3A_1310 = arith.constant 3520 : index
      %get3A_1311 = tpu.vector_load %arg9[%get3A_1310] {strides = array<i32>} : memref<4096xf32, #tpu.memory_space<vmem>>, vector<16xf32>,
      %get3A_1312 = arith.constant 3536 : index
      %get3A_1313 = tpu.vector_load %arg9[%get3A_1312] {strides = array<i32>} : memref<4096xf32, #tpu.memory_space<vmem>>, vector<16xf32>,
      %get3A_1314 = arith.constant 3552 : index
      %get3A_1315 = tpu.vector_load %arg9[%get3A_1314] {strides = array<i32>} : memref<4096xf32, #tpu.memory_space<vmem>>, vector<16xf32>,
      %get3A_1316 = arith.constant 3568 : index
      %get3A_1317 = tpu.vector_load %arg9[%get3A_1316] {strides = array<i32>} : memref<4096xf32, #tpu.memory_space<vmem>>, vector<16xf32>,
      %scan3A_1318 = arith.constant 0 : i32
      %scan3A_1319 = arith.constant 256 : i32
      %scan3A_1320 = arith.addi %scan3A_1318, %scan3A_1319 : i32
      %scan3A_1321 = arith.constant 1 : i32
      %scan3A_1322:32 = scf.for %scan3A_1551 = %scan3A_1318 to %scan3A_1320 step %scan3A_1321 iter_args(%scan3A_1552 = %get3A_1255, %scan3A_1553 = %get3A_1257, %scan3A_1554 = %get3A_1259, %scan3A_1555 = %get3A_1261, %scan3A_1556 = %get3A_1263, %scan3A_1557 = %get3A_1265, %scan3A_1558 = %get3A_1267, %scan3A_1559 = %get3A_1269, %scan3A_1560 = %get3A_1271, %scan3A_1561 = %get3A_1273, %scan3A_1562 = %get3A_1275, %scan3A_1563 = %get3A_1277, %scan3A_1564 = %get3A_1279, %scan3A_1565 = %get3A_1281, %scan3A_1566 = %get3A_1283, %scan3A_1567 = %get3A_1285, %scan3A_1568 = %get3A_1287, %scan3A_1569 = %get3A_1289, %scan3A_1570 = %get3A_1291, %scan3A_1571 = %get3A_1293, %scan3A_1572 = %get3A_1295, %scan3A_1573 = %get3A_1297, %scan3A_1574 = %get3A_1299, %scan3A_1575 = %get3A_1301, %scan3A_1576 = %get3A_1303, %scan3A_1577 = %get3A_1305, %scan3A_1578 = %get3A_1307, %scan3A_1579 = %get3A_1309, %scan3A_1580 = %get3A_1311, %scan3A_1581 = %get3A_1313, %scan3A_1582 = %get3A_1315, %scan3A_1583 = %get3A_1317) -> (vector<16xf32>, vector<16xf32>, vector<16xf32>, vector<16xf32>, vector<16xf32>, vector<16xf32>, vector<16xf32>, vector<16xf32>, vector<16xf32>, vector<16xf32>, vector<16xf32>, vector<16xf32>, vector<16xf32>, vector<16xf32>, vector<16xf32>, vector<16xf32>, vector<16xf32>, vector<16xf32>, vector<16xf32>, vector<16xf32>, vector<16xf32>, vector<16xf32>, vector<16xf32>, vector<16xf32>, vector<16xf32>, vector<16xf32>, vector<16xf32>, vector<16xf32>, vector<16xf32>, vector<16xf32>, vector<16xf32>, vector<16xf32>)  : i32 {
        %mul3A_1584 = arith.constant 16 : i32
        %mul3A_1585 = arith.muli %scan3A_1551, %mul3A_1584 : i32
        %get3A_1586 = arith.constant 0 : i32
        %get3A_1587 = arith.index_cast %get3A_1586 : i32 to index
        %get3A_1588 = arith.index_cast %mul3A_1585 : i32 to index
        %get3A_1589 = tpu.vector_load %arg8[%get3A_1587, %get3A_1588] {strides = array<i32>} : memref<4x4096xf32, #tpu.memory_space<vmem>>, vector<16xf32>,
        %mul3A_1590 = arith.constant 16 : i32
        %mul3A_1591 = arith.muli %scan3A_1551, %mul3A_1590 : i32
        %get3A_1592 = arith.constant 1 : i32
        %get3A_1593 = arith.index_cast %get3A_1592 : i32 to index
        %get3A_1594 = arith.index_cast %mul3A_1591 : i32 to index
        %get3A_1595 = tpu.vector_load %arg8[%get3A_1593, %get3A_1594] {strides = array<i32>} : memref<4x4096xf32, #tpu.memory_space<vmem>>, vector<16xf32>,
        %mul3A_1596 = arith.constant 16 : i32
        %mul3A_1597 = arith.muli %scan3A_1551, %mul3A_1596 : i32
        %get3A_1598 = arith.constant 2 : i32
        %get3A_1599 = arith.index_cast %get3A_1598 : i32 to index
        %get3A_1600 = arith.index_cast %mul3A_1597 : i32 to index
        %get3A_1601 = tpu.vector_load %arg8[%get3A_1599, %get3A_1600] {strides = array<i32>} : memref<4x4096xf32, #tpu.memory_space<vmem>>, vector<16xf32>,
        %mul3A_1602 = arith.constant 16 : i32
        %mul3A_1603 = arith.muli %scan3A_1551, %mul3A_1602 : i32
        %get3A_1604 = arith.constant 3 : i32
        %get3A_1605 = arith.index_cast %get3A_1604 : i32 to index
        %get3A_1606 = arith.index_cast %mul3A_1603 : i32 to index
        %get3A_1607 = tpu.vector_load %arg8[%get3A_1605, %get3A_1606] {strides = array<i32>} : memref<4x4096xf32, #tpu.memory_space<vmem>>, vector<16xf32>,
        %mul3A_1608 = arith.constant 16 : i32
        %mul3A_1609 = arith.muli %scan3A_1551, %mul3A_1608 : i32
        %get3A_1610 = arith.constant 0 : i32
        %get3A_1611 = arith.constant 0 : i32
        %get3A_1612 = arith.index_cast %get3A_1610 : i32 to index
        %get3A_1613 = arith.index_cast %get3A_1611 : i32 to index
        %get3A_1614 = arith.index_cast %mul3A_1609 : i32 to index
        %get3A_1615 = tpu.vector_load %arg6[%get3A_1612, %get3A_1613, %get3A_1614] {strides = array<i32>} : memref<2x4x4096xf32, #tpu.memory_space<vmem>>, vector<16xf32>,
        %mul3A_1616 = arith.constant 16 : i32
        %mul3A_1617 = arith.muli %scan3A_1551, %mul3A_1616 : i32
        %get3A_1618 = arith.constant 0 : i32
        %get3A_1619 = arith.constant 0 : i32
        %get3A_1620 = arith.index_cast %get3A_1618 : i32 to index
        %get3A_1621 = arith.index_cast %get3A_1619 : i32 to index
        %get3A_1622 = arith.index_cast %mul3A_1617 : i32 to index
        %get3A_1623 = tpu.vector_load %arg7[%get3A_1620, %get3A_1621, %get3A_1622] {strides = array<i32>} : memref<2x4x4096xf32, #tpu.memory_space<vmem>>, vector<16xf32>,
        %mul3A_1624 = arith.mulf %get3A_1615, %get3A_1589 : vector<16xf32>
        %add3A_1625 = arith.addf %scan3A_1552, %mul3A_1624 : vector<16xf32>
        %mul3A_1626 = arith.mulf %get3A_1623, %get3A_1589 : vector<16xf32>
        %add3A_1627 = arith.addf %scan3A_1556, %mul3A_1626 : vector<16xf32>
        %mul3A_1628 = arith.mulf %get3A_1615, %get3A_1595 : vector<16xf32>
        %add3A_1629 = arith.addf %scan3A_1553, %mul3A_1628 : vector<16xf32>
        %mul3A_1630 = arith.mulf %get3A_1623, %get3A_1595 : vector<16xf32>
        %add3A_1631 = arith.addf %scan3A_1557, %mul3A_1630 : vector<16xf32>
        %mul3A_1632 = arith.mulf %get3A_1615, %get3A_1601 : vector<16xf32>
        %add3A_1633 = arith.addf %scan3A_1554, %mul3A_1632 : vector<16xf32>
        %mul3A_1634 = arith.mulf %get3A_1623, %get3A_1601 : vector<16xf32>
        %add3A_1635 = arith.addf %scan3A_1558, %mul3A_1634 : vector<16xf32>
        %mul3A_1636 = arith.mulf %get3A_1615, %get3A_1607 : vector<16xf32>
        %add3A_1637 = arith.addf %scan3A_1555, %mul3A_1636 : vector<16xf32>
        %mul3A_1638 = arith.mulf %get3A_1623, %get3A_1607 : vector<16xf32>
        %add3A_1639 = arith.addf %scan3A_1559, %mul3A_1638 : vector<16xf32>
        %mul3A_1640 = arith.constant 16 : i32
        %mul3A_1641 = arith.muli %scan3A_1551, %mul3A_1640 : i32
        %get3A_1642 = arith.constant 0 : i32
        %get3A_1643 = arith.constant 1 : i32
        %get3A_1644 = arith.index_cast %get3A_1642 : i32 to index
        %get3A_1645 = arith.index_cast %get3A_1643 : i32 to index
        %get3A_1646 = arith.index_cast %mul3A_1641 : i32 to index
        %get3A_1647 = tpu.vector_load %arg6[%get3A_1644, %get3A_1645, %get3A_1646] {strides = array<i32>} : memref<2x4x4096xf32, #tpu.memory_space<vmem>>, vector<16xf32>,
        %mul3A_1648 = arith.constant 16 : i32
        %mul3A_1649 = arith.muli %scan3A_1551, %mul3A_1648 : i32
        %get3A_1650 = arith.constant 0 : i32
        %get3A_1651 = arith.constant 1 : i32
        %get3A_1652 = arith.index_cast %get3A_1650 : i32 to index
        %get3A_1653 = arith.index_cast %get3A_1651 : i32 to index
        %get3A_1654 = arith.index_cast %mul3A_1649 : i32 to index
        %get3A_1655 = tpu.vector_load %arg7[%get3A_1652, %get3A_1653, %get3A_1654] {strides = array<i32>} : memref<2x4x4096xf32, #tpu.memory_space<vmem>>, vector<16xf32>,
        %mul3A_1656 = arith.mulf %get3A_1647, %get3A_1589 : vector<16xf32>
        %add3A_1657 = arith.addf %scan3A_1560, %mul3A_1656 : vector<16xf32>
        %mul3A_1658 = arith.mulf %get3A_1655, %get3A_1589 : vector<16xf32>
        %add3A_1659 = arith.addf %scan3A_1564, %mul3A_1658 : vector<16xf32>
        %mul3A_1660 = arith.mulf %get3A_1647, %get3A_1595 : vector<16xf32>
        %add3A_1661 = arith.addf %scan3A_1561, %mul3A_1660 : vector<16xf32>
        %mul3A_1662 = arith.mulf %get3A_1655, %get3A_1595 : vector<16xf32>
        %add3A_1663 = arith.addf %scan3A_1565, %mul3A_1662 : vector<16xf32>
        %mul3A_1664 = arith.mulf %get3A_1647, %get3A_1601 : vector<16xf32>
        %add3A_1665 = arith.addf %scan3A_1562, %mul3A_1664 : vector<16xf32>
        %mul3A_1666 = arith.mulf %get3A_1655, %get3A_1601 : vector<16xf32>
        %add3A_1667 = arith.addf %scan3A_1566, %mul3A_1666 : vector<16xf32>
        %mul3A_1668 = arith.mulf %get3A_1647, %get3A_1607 : vector<16xf32>
        %add3A_1669 = arith.addf %scan3A_1563, %mul3A_1668 : vector<16xf32>
        %mul3A_1670 = arith.mulf %get3A_1655, %get3A_1607 : vector<16xf32>
        %add3A_1671 = arith.addf %scan3A_1567, %mul3A_1670 : vector<16xf32>
        %mul3A_1672 = arith.constant 16 : i32
        %mul3A_1673 = arith.muli %scan3A_1551, %mul3A_1672 : i32
        %get3A_1674 = arith.constant 0 : i32
        %get3A_1675 = arith.constant 2 : i32
        %get3A_1676 = arith.index_cast %get3A_1674 : i32 to index
        %get3A_1677 = arith.index_cast %get3A_1675 : i32 to index
        %get3A_1678 = arith.index_cast %mul3A_1673 : i32 to index
        %get3A_1679 = tpu.vector_load %arg6[%get3A_1676, %get3A_1677, %get3A_1678] {strides = array<i32>} : memref<2x4x4096xf32, #tpu.memory_space<vmem>>, vector<16xf32>,
        %mul3A_1680 = arith.constant 16 : i32
        %mul3A_1681 = arith.muli %scan3A_1551, %mul3A_1680 : i32
        %get3A_1682 = arith.constant 0 : i32
        %get3A_1683 = arith.constant 2 : i32
        %get3A_1684 = arith.index_cast %get3A_1682 : i32 to index
        %get3A_1685 = arith.index_cast %get3A_1683 : i32 to index
        %get3A_1686 = arith.index_cast %mul3A_1681 : i32 to index
        %get3A_1687 = tpu.vector_load %arg7[%get3A_1684, %get3A_1685, %get3A_1686] {strides = array<i32>} : memref<2x4x4096xf32, #tpu.memory_space<vmem>>, vector<16xf32>,
        %mul3A_1688 = arith.mulf %get3A_1679, %get3A_1589 : vector<16xf32>
        %add3A_1689 = arith.addf %scan3A_1568, %mul3A_1688 : vector<16xf32>
        %mul3A_1690 = arith.mulf %get3A_1687, %get3A_1589 : vector<16xf32>
        %add3A_1691 = arith.addf %scan3A_1572, %mul3A_1690 : vector<16xf32>
        %mul3A_1692 = arith.mulf %get3A_1679, %get3A_1595 : vector<16xf32>
        %add3A_1693 = arith.addf %scan3A_1569, %mul3A_1692 : vector<16xf32>
        %mul3A_1694 = arith.mulf %get3A_1687, %get3A_1595 : vector<16xf32>
        %add3A_1695 = arith.addf %scan3A_1573, %mul3A_1694 : vector<16xf32>
        %mul3A_1696 = arith.mulf %get3A_1679, %get3A_1601 : vector<16xf32>
        %add3A_1697 = arith.addf %scan3A_1570, %mul3A_1696 : vector<16xf32>
        %mul3A_1698 = arith.mulf %get3A_1687, %get3A_1601 : vector<16xf32>
        %add3A_1699 = arith.addf %scan3A_1574, %mul3A_1698 : vector<16xf32>
        %mul3A_1700 = arith.mulf %get3A_1679, %get3A_1607 : vector<16xf32>
        %add3A_1701 = arith.addf %scan3A_1571, %mul3A_1700 : vector<16xf32>
        %mul3A_1702 = arith.mulf %get3A_1687, %get3A_1607 : vector<16xf32>
        %add3A_1703 = arith.addf %scan3A_1575, %mul3A_1702 : vector<16xf32>
        %mul3A_1704 = arith.constant 16 : i32
        %mul3A_1705 = arith.muli %scan3A_1551, %mul3A_1704 : i32
        %get3A_1706 = arith.constant 0 : i32
        %get3A_1707 = arith.constant 3 : i32
        %get3A_1708 = arith.index_cast %get3A_1706 : i32 to index
        %get3A_1709 = arith.index_cast %get3A_1707 : i32 to index
        %get3A_1710 = arith.index_cast %mul3A_1705 : i32 to index
        %get3A_1711 = tpu.vector_load %arg6[%get3A_1708, %get3A_1709, %get3A_1710] {strides = array<i32>} : memref<2x4x4096xf32, #tpu.memory_space<vmem>>, vector<16xf32>,
        %mul3A_1712 = arith.constant 16 : i32
        %mul3A_1713 = arith.muli %scan3A_1551, %mul3A_1712 : i32
        %get3A_1714 = arith.constant 0 : i32
        %get3A_1715 = arith.constant 3 : i32
        %get3A_1716 = arith.index_cast %get3A_1714 : i32 to index
        %get3A_1717 = arith.index_cast %get3A_1715 : i32 to index
        %get3A_1718 = arith.index_cast %mul3A_1713 : i32 to index
        %get3A_1719 = tpu.vector_load %arg7[%get3A_1716, %get3A_1717, %get3A_1718] {strides = array<i32>} : memref<2x4x4096xf32, #tpu.memory_space<vmem>>, vector<16xf32>,
        %mul3A_1720 = arith.mulf %get3A_1711, %get3A_1589 : vector<16xf32>
        %add3A_1721 = arith.addf %scan3A_1576, %mul3A_1720 : vector<16xf32>
        %mul3A_1722 = arith.mulf %get3A_1719, %get3A_1589 : vector<16xf32>
        %add3A_1723 = arith.addf %scan3A_1580, %mul3A_1722 : vector<16xf32>
        %mul3A_1724 = arith.mulf %get3A_1711, %get3A_1595 : vector<16xf32>
        %add3A_1725 = arith.addf %scan3A_1577, %mul3A_1724 : vector<16xf32>
        %mul3A_1726 = arith.mulf %get3A_1719, %get3A_1595 : vector<16xf32>
        %add3A_1727 = arith.addf %scan3A_1581, %mul3A_1726 : vector<16xf32>
        %mul3A_1728 = arith.mulf %get3A_1711, %get3A_1601 : vector<16xf32>
        %add3A_1729 = arith.addf %scan3A_1578, %mul3A_1728 : vector<16xf32>
        %mul3A_1730 = arith.mulf %get3A_1719, %get3A_1601 : vector<16xf32>
        %add3A_1731 = arith.addf %scan3A_1582, %mul3A_1730 : vector<16xf32>
        %mul3A_1732 = arith.mulf %get3A_1711, %get3A_1607 : vector<16xf32>
        %add3A_1733 = arith.addf %scan3A_1579, %mul3A_1732 : vector<16xf32>
        %mul3A_1734 = arith.mulf %get3A_1719, %get3A_1607 : vector<16xf32>
        %add3A_1735 = arith.addf %scan3A_1583, %mul3A_1734 : vector<16xf32>
        scf.yield %add3A_1625, %add3A_1629, %add3A_1633, %add3A_1637, %add3A_1627, %add3A_1631, %add3A_1635, %add3A_1639, %add3A_1657, %add3A_1661, %add3A_1665, %add3A_1669, %add3A_1659, %add3A_1663, %add3A_1667, %add3A_1671, %add3A_1689, %add3A_1693, %add3A_1697, %add3A_1701, %add3A_1691, %add3A_1695, %add3A_1699, %add3A_1703, %add3A_1721, %add3A_1725, %add3A_1729, %add3A_1733, %add3A_1723, %add3A_1727, %add3A_1731, %add3A_1735 : vector<16xf32>, vector<16xf32>, vector<16xf32>, vector<16xf32>, vector<16xf32>, vector<16xf32>, vector<16xf32>, vector<16xf32>, vector<16xf32>, vector<16xf32>, vector<16xf32>, vector<16xf32>, vector<16xf32>, vector<16xf32>, vector<16xf32>, vector<16xf32>, vector<16xf32>, vector<16xf32>, vector<16xf32>, vector<16xf32>, vector<16xf32>, vector<16xf32>, vector<16xf32>, vector<16xf32>, vector<16xf32>, vector<16xf32>, vector<16xf32>, vector<16xf32>, vector<16xf32>, vector<16xf32>, vector<16xf32>, vector<16xf32>
      }
      %scan3A_1323 = arith.constant 256 : i32
      %swap3A_1324 = arith.constant 3072 : index
      %swap3A_1325 = tpu.vector_load %arg9[%swap3A_1324] {strides = array<i32>} : memref<4096xf32, #tpu.memory_space<vmem>>, vector<16xf32>,
      tpu.vector_store %arg9[%swap3A_1324], %scan3A_1322#0 {strides = array<i32>} : memref<4096xf32, #tpu.memory_space<vmem>>, vector<16xf32>,
      %swap3A_1326 = arith.constant 3088 : index
      %swap3A_1327 = tpu.vector_load %arg9[%swap3A_1326] {strides = array<i32>} : memref<4096xf32, #tpu.memory_space<vmem>>, vector<16xf32>,
      tpu.vector_store %arg9[%swap3A_1326], %scan3A_1322#1 {strides = array<i32>} : memref<4096xf32, #tpu.memory_space<vmem>>, vector<16xf32>,
      %swap3A_1328 = arith.constant 3104 : index
      %swap3A_1329 = tpu.vector_load %arg9[%swap3A_1328] {strides = array<i32>} : memref<4096xf32, #tpu.memory_space<vmem>>, vector<16xf32>,
      tpu.vector_store %arg9[%swap3A_1328], %scan3A_1322#2 {strides = array<i32>} : memref<4096xf32, #tpu.memory_space<vmem>>, vector<16xf32>,
      %swap3A_1330 = arith.constant 3120 : index
      %swap3A_1331 = tpu.vector_load %arg9[%swap3A_1330] {strides = array<i32>} : memref<4096xf32, #tpu.memory_space<vmem>>, vector<16xf32>,
      tpu.vector_store %arg9[%swap3A_1330], %scan3A_1322#3 {strides = array<i32>} : memref<4096xf32, #tpu.memory_space<vmem>>, vector<16xf32>,
      %swap3A_1332 = arith.constant 3136 : index
      %swap3A_1333 = tpu.vector_load %arg9[%swap3A_1332] {strides = array<i32>} : memref<4096xf32, #tpu.memory_space<vmem>>, vector<16xf32>,
      tpu.vector_store %arg9[%swap3A_1332], %scan3A_1322#4 {strides = array<i32>} : memref<4096xf32, #tpu.memory_space<vmem>>, vector<16xf32>,
      %swap3A_1334 = arith.constant 3152 : index
      %swap3A_1335 = tpu.vector_load %arg9[%swap3A_1334] {strides = array<i32>} : memref<4096xf32, #tpu.memory_space<vmem>>, vector<16xf32>,
      tpu.vector_store %arg9[%swap3A_1334], %scan3A_1322#5 {strides = array<i32>} : memref<4096xf32, #tpu.memory_space<vmem>>, vector<16xf32>,
      %swap3A_1336 = arith.constant 3168 : index
      %swap3A_1337 = tpu.vector_load %arg9[%swap3A_1336] {strides = array<i32>} : memref<4096xf32, #tpu.memory_space<vmem>>, vector<16xf32>,
      tpu.vector_store %arg9[%swap3A_1336], %scan3A_1322#6 {strides = array<i32>} : memref<4096xf32, #tpu.memory_space<vmem>>, vector<16xf32>,
      %swap3A_1338 = arith.constant 3184 : index
      %swap3A_1339 = tpu.vector_load %arg9[%swap3A_1338] {strides = array<i32>} : memref<4096xf32, #tpu.memory_space<vmem>>, vector<16xf32>,
      tpu.vector_store %arg9[%swap3A_1338], %scan3A_1322#7 {strides = array<i32>} : memref<4096xf32, #tpu.memory_space<vmem>>, vector<16xf32>,
      %swap3A_1340 = arith.constant 3200 : index
      %swap3A_1341 = tpu.vector_load %arg9[%swap3A_1340] {strides = array<i32>} : memref<4096xf32, #tpu.memory_space<vmem>>, vector<16xf32>,
      tpu.vector_store %arg9[%swap3A_1340], %scan3A_1322#8 {strides = array<i32>} : memref<4096xf32, #tpu.memory_space<vmem>>, vector<16xf32>,
      %swap3A_1342 = arith.constant 3216 : index
      %swap3A_1343 = tpu.vector_load %arg9[%swap3A_1342] {strides = array<i32>} : memref<4096xf32, #tpu.memory_space<vmem>>, vector<16xf32>,
      tpu.vector_store %arg9[%swap3A_1342], %scan3A_1322#9 {strides = array<i32>} : memref<4096xf32, #tpu.memory_space<vmem>>, vector<16xf32>,
      %swap3A_1344 = arith.constant 3232 : index
      %swap3A_1345 = tpu.vector_load %arg9[%swap3A_1344] {strides = array<i32>} : memref<4096xf32, #tpu.memory_space<vmem>>, vector<16xf32>,
      tpu.vector_store %arg9[%swap3A_1344], %scan3A_1322#10 {strides = array<i32>} : memref<4096xf32, #tpu.memory_space<vmem>>, vector<16xf32>,
      %swap3A_1346 = arith.constant 3248 : index
      %swap3A_1347 = tpu.vector_load %arg9[%swap3A_1346] {strides = array<i32>} : memref<4096xf32, #tpu.memory_space<vmem>>, vector<16xf32>,
      tpu.vector_store %arg9[%swap3A_1346], %scan3A_1322#11 {strides = array<i32>} : memref<4096xf32, #tpu.memory_space<vmem>>, vector<16xf32>,
      %swap3A_1348 = arith.constant 3264 : index
      %swap3A_1349 = tpu.vector_load %arg9[%swap3A_1348] {strides = array<i32>} : memref<4096xf32, #tpu.memory_space<vmem>>, vector<16xf32>,
      tpu.vector_store %arg9[%swap3A_1348], %scan3A_1322#12 {strides = array<i32>} : memref<4096xf32, #tpu.memory_space<vmem>>, vector<16xf32>,
      %swap3A_1350 = arith.constant 3280 : index
      %swap3A_1351 = tpu.vector_load %arg9[%swap3A_1350] {strides = array<i32>} : memref<4096xf32, #tpu.memory_space<vmem>>, vector<16xf32>,
      tpu.vector_store %arg9[%swap3A_1350], %scan3A_1322#13 {strides = array<i32>} : memref<4096xf32, #tpu.memory_space<vmem>>, vector<16xf32>,
      %swap3A_1352 = arith.constant 3296 : index
      %swap3A_1353 = tpu.vector_load %arg9[%swap3A_1352] {strides = array<i32>} : memref<4096xf32, #tpu.memory_space<vmem>>, vector<16xf32>,
      tpu.vector_store %arg9[%swap3A_1352], %scan3A_1322#14 {strides = array<i32>} : memref<4096xf32, #tpu.memory_space<vmem>>, vector<16xf32>,
      %swap3A_1354 = arith.constant 3312 : index
      %swap3A_1355 = tpu.vector_load %arg9[%swap3A_1354] {strides = array<i32>} : memref<4096xf32, #tpu.memory_space<vmem>>, vector<16xf32>,
      tpu.vector_store %arg9[%swap3A_1354], %scan3A_1322#15 {strides = array<i32>} : memref<4096xf32, #tpu.memory_space<vmem>>, vector<16xf32>,
      %swap3A_1356 = arith.constant 3328 : index
      %swap3A_1357 = tpu.vector_load %arg9[%swap3A_1356] {strides = array<i32>} : memref<4096xf32, #tpu.memory_space<vmem>>, vector<16xf32>,
      tpu.vector_store %arg9[%swap3A_1356], %scan3A_1322#16 {strides = array<i32>} : memref<4096xf32, #tpu.memory_space<vmem>>, vector<16xf32>,
      %swap3A_1358 = arith.constant 3344 : index
      %swap3A_1359 = tpu.vector_load %arg9[%swap3A_1358] {strides = array<i32>} : memref<4096xf32, #tpu.memory_space<vmem>>, vector<16xf32>,
      tpu.vector_store %arg9[%swap3A_1358], %scan3A_1322#17 {strides = array<i32>} : memref<4096xf32, #tpu.memory_space<vmem>>, vector<16xf32>,
      %swap3A_1360 = arith.constant 3360 : index
      %swap3A_1361 = tpu.vector_load %arg9[%swap3A_1360] {strides = array<i32>} : memref<4096xf32, #tpu.memory_space<vmem>>, vector<16xf32>,
      tpu.vector_store %arg9[%swap3A_1360], %scan3A_1322#18 {strides = array<i32>} : memref<4096xf32, #tpu.memory_space<vmem>>, vector<16xf32>,
      %swap3A_1362 = arith.constant 3376 : index
      %swap3A_1363 = tpu.vector_load %arg9[%swap3A_1362] {strides = array<i32>} : memref<4096xf32, #tpu.memory_space<vmem>>, vector<16xf32>,
      tpu.vector_store %arg9[%swap3A_1362], %scan3A_1322#19 {strides = array<i32>} : memref<4096xf32, #tpu.memory_space<vmem>>, vector<16xf32>,
      %swap3A_1364 = arith.constant 3392 : index
      %swap3A_1365 = tpu.vector_load %arg9[%swap3A_1364] {strides = array<i32>} : memref<4096xf32, #tpu.memory_space<vmem>>, vector<16xf32>,
      tpu.vector_store %arg9[%swap3A_1364], %scan3A_1322#20 {strides = array<i32>} : memref<4096xf32, #tpu.memory_space<vmem>>, vector<16xf32>,
      %swap3A_1366 = arith.constant 3408 : index
      %swap3A_1367 = tpu.vector_load %arg9[%swap3A_1366] {strides = array<i32>} : memref<4096xf32, #tpu.memory_space<vmem>>, vector<16xf32>,
      tpu.vector_store %arg9[%swap3A_1366], %scan3A_1322#21 {strides = array<i32>} : memref<4096xf32, #tpu.memory_space<vmem>>, vector<16xf32>,
      %swap3A_1368 = arith.constant 3424 : index
      %swap3A_1369 = tpu.vector_load %arg9[%swap3A_1368] {strides = array<i32>} : memref<4096xf32, #tpu.memory_space<vmem>>, vector<16xf32>,
      tpu.vector_store %arg9[%swap3A_1368], %scan3A_1322#22 {strides = array<i32>} : memref<4096xf32, #tpu.memory_space<vmem>>, vector<16xf32>,
      %swap3A_1370 = arith.constant 3440 : index
      %swap3A_1371 = tpu.vector_load %arg9[%swap3A_1370] {strides = array<i32>} : memref<4096xf32, #tpu.memory_space<vmem>>, vector<16xf32>,
      tpu.vector_store %arg9[%swap3A_1370], %scan3A_1322#23 {strides = array<i32>} : memref<4096xf32, #tpu.memory_space<vmem>>, vector<16xf32>,
      %swap3A_1372 = arith.constant 3456 : index
      %swap3A_1373 = tpu.vector_load %arg9[%swap3A_1372] {strides = array<i32>} : memref<4096xf32, #tpu.memory_space<vmem>>, vector<16xf32>,
      tpu.vector_store %arg9[%swap3A_1372], %scan3A_1322#24 {strides = array<i32>} : memref<4096xf32, #tpu.memory_space<vmem>>, vector<16xf32>,
      %swap3A_1374 = arith.constant 3472 : index
      %swap3A_1375 = tpu.vector_load %arg9[%swap3A_1374] {strides = array<i32>} : memref<4096xf32, #tpu.memory_space<vmem>>, vector<16xf32>,
      tpu.vector_store %arg9[%swap3A_1374], %scan3A_1322#25 {strides = array<i32>} : memref<4096xf32, #tpu.memory_space<vmem>>, vector<16xf32>,
      %swap3A_1376 = arith.constant 3488 : index
      %swap3A_1377 = tpu.vector_load %arg9[%swap3A_1376] {strides = array<i32>} : memref<4096xf32, #tpu.memory_space<vmem>>, vector<16xf32>,
      tpu.vector_store %arg9[%swap3A_1376], %scan3A_1322#26 {strides = array<i32>} : memref<4096xf32, #tpu.memory_space<vmem>>, vector<16xf32>,
      %swap3A_1378 = arith.constant 3504 : index
      %swap3A_1379 = tpu.vector_load %arg9[%swap3A_1378] {strides = array<i32>} : memref<4096xf32, #tpu.memory_space<vmem>>, vector<16xf32>,
      tpu.vector_store %arg9[%swap3A_1378], %scan3A_1322#27 {strides = array<i32>} : memref<4096xf32, #tpu.memory_space<vmem>>, vector<16xf32>,
      %swap3A_1380 = arith.constant 3520 : index
      %swap3A_1381 = tpu.vector_load %arg9[%swap3A_1380] {strides = array<i32>} : memref<4096xf32, #tpu.memory_space<vmem>>, vector<16xf32>,
      tpu.vector_store %arg9[%swap3A_1380], %scan3A_1322#28 {strides = array<i32>} : memref<4096xf32, #tpu.memory_space<vmem>>, vector<16xf32>,
      %swap3A_1382 = arith.constant 3536 : index
      %swap3A_1383 = tpu.vector_load %arg9[%swap3A_1382] {strides = array<i32>} : memref<4096xf32, #tpu.memory_space<vmem>>, vector<16xf32>,
      tpu.vector_store %arg9[%swap3A_1382], %scan3A_1322#29 {strides = array<i32>} : memref<4096xf32, #tpu.memory_space<vmem>>, vector<16xf32>,
      %swap3A_1384 = arith.constant 3552 : index
      %swap3A_1385 = tpu.vector_load %arg9[%swap3A_1384] {strides = array<i32>} : memref<4096xf32, #tpu.memory_space<vmem>>, vector<16xf32>,
      tpu.vector_store %arg9[%swap3A_1384], %scan3A_1322#30 {strides = array<i32>} : memref<4096xf32, #tpu.memory_space<vmem>>, vector<16xf32>,
      %swap3A_1386 = arith.constant 3568 : index
      %swap3A_1387 = tpu.vector_load %arg9[%swap3A_1386] {strides = array<i32>} : memref<4096xf32, #tpu.memory_space<vmem>>, vector<16xf32>,
      tpu.vector_store %arg9[%swap3A_1386], %scan3A_1322#31 {strides = array<i32>} : memref<4096xf32, #tpu.memory_space<vmem>>, vector<16xf32>,
      %mul3A_1388 = arith.constant 4096 : i32
      %mul3A_1389 = arith.muli %scan3A_28, %mul3A_1388 : i32
      %add3A_1390 = arith.constant 65536 : i32
      %add3A_1391 = arith.addi %add3A_1390, %mul3A_1389 : i32
      %add3A_1392 = arith.constant 28 : i32
      %add3A_1393 = arith.addi %mul3A_2, %add3A_1392 : i32
      %dma_wait3A_1394 = arith.constant 1 : i32
      %dma_wait3A_1395 = arith.constant 0 : i32
      %dma_wait3A_1396 = arith.constant 0 : i32
      %dma_wait3A_1397 = tpu.memref_slice %arg6[%dma_wait3A_1394, %dma_wait3A_1395, %dma_wait3A_1396] : memref<2x4x4096xf32, #tpu.memory_space<vmem>> -> memref<1x4x4096xf32, #tpu.memory_space<vmem>>
      %dma_wait3A_1398 = tpu.memref_squeeze %dma_wait3A_1397 : memref<1x4x4096xf32, #tpu.memory_space<vmem>> -> memref<4x4096xf32, #tpu.memory_space<vmem>>
      %dma_wait3A_1399 = tpu.memref_slice %arg2[%add3A_1393, %add3A_1391] : memref<1024x81920xf32, #tpu.memory_space<hbm>> -> memref<4x4096xf32, #tpu.memory_space<hbm>>
      %dma_wait3A_1400 = arith.constant 0 : i32
      %dma_wait3A_1401 = arith.constant 0 : i32
      %dma_wait3A_1402 = tpu.memref_slice %arg6[%dma_wait3A_1394, %dma_wait3A_1400, %dma_wait3A_1401] : memref<2x4x4096xf32, #tpu.memory_space<vmem>> -> memref<1x4x4096xf32, #tpu.memory_space<vmem>>
      %dma_wait3A_1403 = tpu.memref_squeeze %dma_wait3A_1402 : memref<1x4x4096xf32, #tpu.memory_space<vmem>> -> memref<4x4096xf32, #tpu.memory_space<vmem>>
      %dma_wait3A_1404 = tpu.memref_slice %arg2[%add3A_1393, %add3A_1391] : memref<1024x81920xf32, #tpu.memory_space<hbm>> -> memref<4x4096xf32, #tpu.memory_space<hbm>>
      tpu.wait_dma2 semaphore(%arg13 : memref<!tpu.dma_semaphore, #tpu.memory_space<semaphore_mem>>) src(%dma_wait3A_1404 : memref<4x4096xf32, #tpu.memory_space<hbm>>) dst(%dma_wait3A_1403 : memref<4x4096xf32, #tpu.memory_space<vmem>>)
      %dma_wait3A_1405 = arith.constant 1 : i32
      %dma_wait3A_1406 = arith.constant 0 : i32
      %dma_wait3A_1407 = arith.constant 0 : i32
      %dma_wait3A_1408 = tpu.memref_slice %arg7[%dma_wait3A_1405, %dma_wait3A_1406, %dma_wait3A_1407] : memref<2x4x4096xf32, #tpu.memory_space<vmem>> -> memref<1x4x4096xf32, #tpu.memory_space<vmem>>
      %dma_wait3A_1409 = tpu.memref_squeeze %dma_wait3A_1408 : memref<1x4x4096xf32, #tpu.memory_space<vmem>> -> memref<4x4096xf32, #tpu.memory_space<vmem>>
      %dma_wait3A_1410 = tpu.memref_slice %arg3[%add3A_1393, %add3A_1391] : memref<1024x81920xf32, #tpu.memory_space<hbm>> -> memref<4x4096xf32, #tpu.memory_space<hbm>>
      %dma_wait3A_1411 = arith.constant 0 : i32
      %dma_wait3A_1412 = arith.constant 0 : i32
      %dma_wait3A_1413 = tpu.memref_slice %arg7[%dma_wait3A_1405, %dma_wait3A_1411, %dma_wait3A_1412] : memref<2x4x4096xf32, #tpu.memory_space<vmem>> -> memref<1x4x4096xf32, #tpu.memory_space<vmem>>
      %dma_wait3A_1414 = tpu.memref_squeeze %dma_wait3A_1413 : memref<1x4x4096xf32, #tpu.memory_space<vmem>> -> memref<4x4096xf32, #tpu.memory_space<vmem>>
      %dma_wait3A_1415 = tpu.memref_slice %arg3[%add3A_1393, %add3A_1391] : memref<1024x81920xf32, #tpu.memory_space<hbm>> -> memref<4x4096xf32, #tpu.memory_space<hbm>>
      tpu.wait_dma2 semaphore(%arg13 : memref<!tpu.dma_semaphore, #tpu.memory_space<semaphore_mem>>) src(%dma_wait3A_1415 : memref<4x4096xf32, #tpu.memory_space<hbm>>) dst(%dma_wait3A_1414 : memref<4x4096xf32, #tpu.memory_space<vmem>>)
      %get3A_1416 = arith.constant 3584 : index
      %get3A_1417 = tpu.vector_load %arg9[%get3A_1416] {strides = array<i32>} : memref<4096xf32, #tpu.memory_space<vmem>>, vector<16xf32>,
      %get3A_1418 = arith.constant 3600 : index
      %get3A_1419 = tpu.vector_load %arg9[%get3A_1418] {strides = array<i32>} : memref<4096xf32, #tpu.memory_space<vmem>>, vector<16xf32>,
      %get3A_1420 = arith.constant 3616 : index
      %get3A_1421 = tpu.vector_load %arg9[%get3A_1420] {strides = array<i32>} : memref<4096xf32, #tpu.memory_space<vmem>>, vector<16xf32>,
      %get3A_1422 = arith.constant 3632 : index
      %get3A_1423 = tpu.vector_load %arg9[%get3A_1422] {strides = array<i32>} : memref<4096xf32, #tpu.memory_space<vmem>>, vector<16xf32>,
      %get3A_1424 = arith.constant 3648 : index
      %get3A_1425 = tpu.vector_load %arg9[%get3A_1424] {strides = array<i32>} : memref<4096xf32, #tpu.memory_space<vmem>>, vector<16xf32>,
      %get3A_1426 = arith.constant 3664 : index
      %get3A_1427 = tpu.vector_load %arg9[%get3A_1426] {strides = array<i32>} : memref<4096xf32, #tpu.memory_space<vmem>>, vector<16xf32>,
      %get3A_1428 = arith.constant 3680 : index
      %get3A_1429 = tpu.vector_load %arg9[%get3A_1428] {strides = array<i32>} : memref<4096xf32, #tpu.memory_space<vmem>>, vector<16xf32>,
      %get3A_1430 = arith.constant 3696 : index
      %get3A_1431 = tpu.vector_load %arg9[%get3A_1430] {strides = array<i32>} : memref<4096xf32, #tpu.memory_space<vmem>>, vector<16xf32>,
      %get3A_1432 = arith.constant 3712 : index
      %get3A_1433 = tpu.vector_load %arg9[%get3A_1432] {strides = array<i32>} : memref<4096xf32, #tpu.memory_space<vmem>>, vector<16xf32>,
      %get3A_1434 = arith.constant 3728 : index
      %get3A_1435 = tpu.vector_load %arg9[%get3A_1434] {strides = array<i32>} : memref<4096xf32, #tpu.memory_space<vmem>>, vector<16xf32>,
      %get3A_1436 = arith.constant 3744 : index
      %get3A_1437 = tpu.vector_load %arg9[%get3A_1436] {strides = array<i32>} : memref<4096xf32, #tpu.memory_space<vmem>>, vector<16xf32>,
      %get3A_1438 = arith.constant 3760 : index
      %get3A_1439 = tpu.vector_load %arg9[%get3A_1438] {strides = array<i32>} : memref<4096xf32, #tpu.memory_space<vmem>>, vector<16xf32>,
      %get3A_1440 = arith.constant 3776 : index
      %get3A_1441 = tpu.vector_load %arg9[%get3A_1440] {strides = array<i32>} : memref<4096xf32, #tpu.memory_space<vmem>>, vector<16xf32>,
      %get3A_1442 = arith.constant 3792 : index
      %get3A_1443 = tpu.vector_load %arg9[%get3A_1442] {strides = array<i32>} : memref<4096xf32, #tpu.memory_space<vmem>>, vector<16xf32>,
      %get3A_1444 = arith.constant 3808 : index
      %get3A_1445 = tpu.vector_load %arg9[%get3A_1444] {strides = array<i32>} : memref<4096xf32, #tpu.memory_space<vmem>>, vector<16xf32>,
      %get3A_1446 = arith.constant 3824 : index
      %get3A_1447 = tpu.vector_load %arg9[%get3A_1446] {strides = array<i32>} : memref<4096xf32, #tpu.memory_space<vmem>>, vector<16xf32>,
      %get3A_1448 = arith.constant 3840 : index
      %get3A_1449 = tpu.vector_load %arg9[%get3A_1448] {strides = array<i32>} : memref<4096xf32, #tpu.memory_space<vmem>>, vector<16xf32>,
      %get3A_1450 = arith.constant 3856 : index
      %get3A_1451 = tpu.vector_load %arg9[%get3A_1450] {strides = array<i32>} : memref<4096xf32, #tpu.memory_space<vmem>>, vector<16xf32>,
      %get3A_1452 = arith.constant 3872 : index
      %get3A_1453 = tpu.vector_load %arg9[%get3A_1452] {strides = array<i32>} : memref<4096xf32, #tpu.memory_space<vmem>>, vector<16xf32>,
      %get3A_1454 = arith.constant 3888 : index
      %get3A_1455 = tpu.vector_load %arg9[%get3A_1454] {strides = array<i32>} : memref<4096xf32, #tpu.memory_space<vmem>>, vector<16xf32>,
      %get3A_1456 = arith.constant 3904 : index
      %get3A_1457 = tpu.vector_load %arg9[%get3A_1456] {strides = array<i32>} : memref<4096xf32, #tpu.memory_space<vmem>>, vector<16xf32>,
      %get3A_1458 = arith.constant 3920 : index
      %get3A_1459 = tpu.vector_load %arg9[%get3A_1458] {strides = array<i32>} : memref<4096xf32, #tpu.memory_space<vmem>>, vector<16xf32>,
      %get3A_1460 = arith.constant 3936 : index
      %get3A_1461 = tpu.vector_load %arg9[%get3A_1460] {strides = array<i32>} : memref<4096xf32, #tpu.memory_space<vmem>>, vector<16xf32>,
      %get3A_1462 = arith.constant 3952 : index
      %get3A_1463 = tpu.vector_load %arg9[%get3A_1462] {strides = array<i32>} : memref<4096xf32, #tpu.memory_space<vmem>>, vector<16xf32>,
      %get3A_1464 = arith.constant 3968 : index
      %get3A_1465 = tpu.vector_load %arg9[%get3A_1464] {strides = array<i32>} : memref<4096xf32, #tpu.memory_space<vmem>>, vector<16xf32>,
      %get3A_1466 = arith.constant 3984 : index
      %get3A_1467 = tpu.vector_load %arg9[%get3A_1466] {strides = array<i32>} : memref<4096xf32, #tpu.memory_space<vmem>>, vector<16xf32>,
      %get3A_1468 = arith.constant 4000 : index
      %get3A_1469 = tpu.vector_load %arg9[%get3A_1468] {strides = array<i32>} : memref<4096xf32, #tpu.memory_space<vmem>>, vector<16xf32>,
      %get3A_1470 = arith.constant 4016 : index
      %get3A_1471 = tpu.vector_load %arg9[%get3A_1470] {strides = array<i32>} : memref<4096xf32, #tpu.memory_space<vmem>>, vector<16xf32>,
      %get3A_1472 = arith.constant 4032 : index
      %get3A_1473 = tpu.vector_load %arg9[%get3A_1472] {strides = array<i32>} : memref<4096xf32, #tpu.memory_space<vmem>>, vector<16xf32>,
      %get3A_1474 = arith.constant 4048 : index
      %get3A_1475 = tpu.vector_load %arg9[%get3A_1474] {strides = array<i32>} : memref<4096xf32, #tpu.memory_space<vmem>>, vector<16xf32>,
      %get3A_1476 = arith.constant 4064 : index
      %get3A_1477 = tpu.vector_load %arg9[%get3A_1476] {strides = array<i32>} : memref<4096xf32, #tpu.memory_space<vmem>>, vector<16xf32>,
      %get3A_1478 = arith.constant 4080 : index
      %get3A_1479 = tpu.vector_load %arg9[%get3A_1478] {strides = array<i32>} : memref<4096xf32, #tpu.memory_space<vmem>>, vector<16xf32>,
      %scan3A_1480 = arith.constant 0 : i32
      %scan3A_1481 = arith.constant 256 : i32
      %scan3A_1482 = arith.addi %scan3A_1480, %scan3A_1481 : i32
      %scan3A_1483 = arith.constant 1 : i32
      %scan3A_1484:32 = scf.for %scan3A_1551 = %scan3A_1480 to %scan3A_1482 step %scan3A_1483 iter_args(%scan3A_1552 = %get3A_1417, %scan3A_1553 = %get3A_1419, %scan3A_1554 = %get3A_1421, %scan3A_1555 = %get3A_1423, %scan3A_1556 = %get3A_1425, %scan3A_1557 = %get3A_1427, %scan3A_1558 = %get3A_1429, %scan3A_1559 = %get3A_1431, %scan3A_1560 = %get3A_1433, %scan3A_1561 = %get3A_1435, %scan3A_1562 = %get3A_1437, %scan3A_1563 = %get3A_1439, %scan3A_1564 = %get3A_1441, %scan3A_1565 = %get3A_1443, %scan3A_1566 = %get3A_1445, %scan3A_1567 = %get3A_1447, %scan3A_1568 = %get3A_1449, %scan3A_1569 = %get3A_1451, %scan3A_1570 = %get3A_1453, %scan3A_1571 = %get3A_1455, %scan3A_1572 = %get3A_1457, %scan3A_1573 = %get3A_1459, %scan3A_1574 = %get3A_1461, %scan3A_1575 = %get3A_1463, %scan3A_1576 = %get3A_1465, %scan3A_1577 = %get3A_1467, %scan3A_1578 = %get3A_1469, %scan3A_1579 = %get3A_1471, %scan3A_1580 = %get3A_1473, %scan3A_1581 = %get3A_1475, %scan3A_1582 = %get3A_1477, %scan3A_1583 = %get3A_1479) -> (vector<16xf32>, vector<16xf32>, vector<16xf32>, vector<16xf32>, vector<16xf32>, vector<16xf32>, vector<16xf32>, vector<16xf32>, vector<16xf32>, vector<16xf32>, vector<16xf32>, vector<16xf32>, vector<16xf32>, vector<16xf32>, vector<16xf32>, vector<16xf32>, vector<16xf32>, vector<16xf32>, vector<16xf32>, vector<16xf32>, vector<16xf32>, vector<16xf32>, vector<16xf32>, vector<16xf32>, vector<16xf32>, vector<16xf32>, vector<16xf32>, vector<16xf32>, vector<16xf32>, vector<16xf32>, vector<16xf32>, vector<16xf32>)  : i32 {
        %mul3A_1584 = arith.constant 16 : i32
        %mul3A_1585 = arith.muli %scan3A_1551, %mul3A_1584 : i32
        %get3A_1586 = arith.constant 0 : i32
        %get3A_1587 = arith.index_cast %get3A_1586 : i32 to index
        %get3A_1588 = arith.index_cast %mul3A_1585 : i32 to index
        %get3A_1589 = tpu.vector_load %arg8[%get3A_1587, %get3A_1588] {strides = array<i32>} : memref<4x4096xf32, #tpu.memory_space<vmem>>, vector<16xf32>,
        %mul3A_1590 = arith.constant 16 : i32
        %mul3A_1591 = arith.muli %scan3A_1551, %mul3A_1590 : i32
        %get3A_1592 = arith.constant 1 : i32
        %get3A_1593 = arith.index_cast %get3A_1592 : i32 to index
        %get3A_1594 = arith.index_cast %mul3A_1591 : i32 to index
        %get3A_1595 = tpu.vector_load %arg8[%get3A_1593, %get3A_1594] {strides = array<i32>} : memref<4x4096xf32, #tpu.memory_space<vmem>>, vector<16xf32>,
        %mul3A_1596 = arith.constant 16 : i32
        %mul3A_1597 = arith.muli %scan3A_1551, %mul3A_1596 : i32
        %get3A_1598 = arith.constant 2 : i32
        %get3A_1599 = arith.index_cast %get3A_1598 : i32 to index
        %get3A_1600 = arith.index_cast %mul3A_1597 : i32 to index
        %get3A_1601 = tpu.vector_load %arg8[%get3A_1599, %get3A_1600] {strides = array<i32>} : memref<4x4096xf32, #tpu.memory_space<vmem>>, vector<16xf32>,
        %mul3A_1602 = arith.constant 16 : i32
        %mul3A_1603 = arith.muli %scan3A_1551, %mul3A_1602 : i32
        %get3A_1604 = arith.constant 3 : i32
        %get3A_1605 = arith.index_cast %get3A_1604 : i32 to index
        %get3A_1606 = arith.index_cast %mul3A_1603 : i32 to index
        %get3A_1607 = tpu.vector_load %arg8[%get3A_1605, %get3A_1606] {strides = array<i32>} : memref<4x4096xf32, #tpu.memory_space<vmem>>, vector<16xf32>,
        %mul3A_1608 = arith.constant 16 : i32
        %mul3A_1609 = arith.muli %scan3A_1551, %mul3A_1608 : i32
        %get3A_1610 = arith.constant 1 : i32
        %get3A_1611 = arith.constant 0 : i32
        %get3A_1612 = arith.index_cast %get3A_1610 : i32 to index
        %get3A_1613 = arith.index_cast %get3A_1611 : i32 to index
        %get3A_1614 = arith.index_cast %mul3A_1609 : i32 to index
        %get3A_1615 = tpu.vector_load %arg6[%get3A_1612, %get3A_1613, %get3A_1614] {strides = array<i32>} : memref<2x4x4096xf32, #tpu.memory_space<vmem>>, vector<16xf32>,
        %mul3A_1616 = arith.constant 16 : i32
        %mul3A_1617 = arith.muli %scan3A_1551, %mul3A_1616 : i32
        %get3A_1618 = arith.constant 1 : i32
        %get3A_1619 = arith.constant 0 : i32
        %get3A_1620 = arith.index_cast %get3A_1618 : i32 to index
        %get3A_1621 = arith.index_cast %get3A_1619 : i32 to index
        %get3A_1622 = arith.index_cast %mul3A_1617 : i32 to index
        %get3A_1623 = tpu.vector_load %arg7[%get3A_1620, %get3A_1621, %get3A_1622] {strides = array<i32>} : memref<2x4x4096xf32, #tpu.memory_space<vmem>>, vector<16xf32>,
        %mul3A_1624 = arith.mulf %get3A_1615, %get3A_1589 : vector<16xf32>
        %add3A_1625 = arith.addf %scan3A_1552, %mul3A_1624 : vector<16xf32>
        %mul3A_1626 = arith.mulf %get3A_1623, %get3A_1589 : vector<16xf32>
        %add3A_1627 = arith.addf %scan3A_1556, %mul3A_1626 : vector<16xf32>
        %mul3A_1628 = arith.mulf %get3A_1615, %get3A_1595 : vector<16xf32>
        %add3A_1629 = arith.addf %scan3A_1553, %mul3A_1628 : vector<16xf32>
        %mul3A_1630 = arith.mulf %get3A_1623, %get3A_1595 : vector<16xf32>
        %add3A_1631 = arith.addf %scan3A_1557, %mul3A_1630 : vector<16xf32>
        %mul3A_1632 = arith.mulf %get3A_1615, %get3A_1601 : vector<16xf32>
        %add3A_1633 = arith.addf %scan3A_1554, %mul3A_1632 : vector<16xf32>
        %mul3A_1634 = arith.mulf %get3A_1623, %get3A_1601 : vector<16xf32>
        %add3A_1635 = arith.addf %scan3A_1558, %mul3A_1634 : vector<16xf32>
        %mul3A_1636 = arith.mulf %get3A_1615, %get3A_1607 : vector<16xf32>
        %add3A_1637 = arith.addf %scan3A_1555, %mul3A_1636 : vector<16xf32>
        %mul3A_1638 = arith.mulf %get3A_1623, %get3A_1607 : vector<16xf32>
        %add3A_1639 = arith.addf %scan3A_1559, %mul3A_1638 : vector<16xf32>
        %mul3A_1640 = arith.constant 16 : i32
        %mul3A_1641 = arith.muli %scan3A_1551, %mul3A_1640 : i32
        %get3A_1642 = arith.constant 1 : i32
        %get3A_1643 = arith.constant 1 : i32
        %get3A_1644 = arith.index_cast %get3A_1642 : i32 to index
        %get3A_1645 = arith.index_cast %get3A_1643 : i32 to index
        %get3A_1646 = arith.index_cast %mul3A_1641 : i32 to index
        %get3A_1647 = tpu.vector_load %arg6[%get3A_1644, %get3A_1645, %get3A_1646] {strides = array<i32>} : memref<2x4x4096xf32, #tpu.memory_space<vmem>>, vector<16xf32>,
        %mul3A_1648 = arith.constant 16 : i32
        %mul3A_1649 = arith.muli %scan3A_1551, %mul3A_1648 : i32
        %get3A_1650 = arith.constant 1 : i32
        %get3A_1651 = arith.constant 1 : i32
        %get3A_1652 = arith.index_cast %get3A_1650 : i32 to index
        %get3A_1653 = arith.index_cast %get3A_1651 : i32 to index
        %get3A_1654 = arith.index_cast %mul3A_1649 : i32 to index
        %get3A_1655 = tpu.vector_load %arg7[%get3A_1652, %get3A_1653, %get3A_1654] {strides = array<i32>} : memref<2x4x4096xf32, #tpu.memory_space<vmem>>, vector<16xf32>,
        %mul3A_1656 = arith.mulf %get3A_1647, %get3A_1589 : vector<16xf32>
        %add3A_1657 = arith.addf %scan3A_1560, %mul3A_1656 : vector<16xf32>
        %mul3A_1658 = arith.mulf %get3A_1655, %get3A_1589 : vector<16xf32>
        %add3A_1659 = arith.addf %scan3A_1564, %mul3A_1658 : vector<16xf32>
        %mul3A_1660 = arith.mulf %get3A_1647, %get3A_1595 : vector<16xf32>
        %add3A_1661 = arith.addf %scan3A_1561, %mul3A_1660 : vector<16xf32>
        %mul3A_1662 = arith.mulf %get3A_1655, %get3A_1595 : vector<16xf32>
        %add3A_1663 = arith.addf %scan3A_1565, %mul3A_1662 : vector<16xf32>
        %mul3A_1664 = arith.mulf %get3A_1647, %get3A_1601 : vector<16xf32>
        %add3A_1665 = arith.addf %scan3A_1562, %mul3A_1664 : vector<16xf32>
        %mul3A_1666 = arith.mulf %get3A_1655, %get3A_1601 : vector<16xf32>
        %add3A_1667 = arith.addf %scan3A_1566, %mul3A_1666 : vector<16xf32>
        %mul3A_1668 = arith.mulf %get3A_1647, %get3A_1607 : vector<16xf32>
        %add3A_1669 = arith.addf %scan3A_1563, %mul3A_1668 : vector<16xf32>
        %mul3A_1670 = arith.mulf %get3A_1655, %get3A_1607 : vector<16xf32>
        %add3A_1671 = arith.addf %scan3A_1567, %mul3A_1670 : vector<16xf32>
        %mul3A_1672 = arith.constant 16 : i32
        %mul3A_1673 = arith.muli %scan3A_1551, %mul3A_1672 : i32
        %get3A_1674 = arith.constant 1 : i32
        %get3A_1675 = arith.constant 2 : i32
        %get3A_1676 = arith.index_cast %get3A_1674 : i32 to index
        %get3A_1677 = arith.index_cast %get3A_1675 : i32 to index
        %get3A_1678 = arith.index_cast %mul3A_1673 : i32 to index
        %get3A_1679 = tpu.vector_load %arg6[%get3A_1676, %get3A_1677, %get3A_1678] {strides = array<i32>} : memref<2x4x4096xf32, #tpu.memory_space<vmem>>, vector<16xf32>,
        %mul3A_1680 = arith.constant 16 : i32
        %mul3A_1681 = arith.muli %scan3A_1551, %mul3A_1680 : i32
        %get3A_1682 = arith.constant 1 : i32
        %get3A_1683 = arith.constant 2 : i32
        %get3A_1684 = arith.index_cast %get3A_1682 : i32 to index
        %get3A_1685 = arith.index_cast %get3A_1683 : i32 to index
        %get3A_1686 = arith.index_cast %mul3A_1681 : i32 to index
        %get3A_1687 = tpu.vector_load %arg7[%get3A_1684, %get3A_1685, %get3A_1686] {strides = array<i32>} : memref<2x4x4096xf32, #tpu.memory_space<vmem>>, vector<16xf32>,
        %mul3A_1688 = arith.mulf %get3A_1679, %get3A_1589 : vector<16xf32>
        %add3A_1689 = arith.addf %scan3A_1568, %mul3A_1688 : vector<16xf32>
        %mul3A_1690 = arith.mulf %get3A_1687, %get3A_1589 : vector<16xf32>
        %add3A_1691 = arith.addf %scan3A_1572, %mul3A_1690 : vector<16xf32>
        %mul3A_1692 = arith.mulf %get3A_1679, %get3A_1595 : vector<16xf32>
        %add3A_1693 = arith.addf %scan3A_1569, %mul3A_1692 : vector<16xf32>
        %mul3A_1694 = arith.mulf %get3A_1687, %get3A_1595 : vector<16xf32>
        %add3A_1695 = arith.addf %scan3A_1573, %mul3A_1694 : vector<16xf32>
        %mul3A_1696 = arith.mulf %get3A_1679, %get3A_1601 : vector<16xf32>
        %add3A_1697 = arith.addf %scan3A_1570, %mul3A_1696 : vector<16xf32>
        %mul3A_1698 = arith.mulf %get3A_1687, %get3A_1601 : vector<16xf32>
        %add3A_1699 = arith.addf %scan3A_1574, %mul3A_1698 : vector<16xf32>
        %mul3A_1700 = arith.mulf %get3A_1679, %get3A_1607 : vector<16xf32>
        %add3A_1701 = arith.addf %scan3A_1571, %mul3A_1700 : vector<16xf32>
        %mul3A_1702 = arith.mulf %get3A_1687, %get3A_1607 : vector<16xf32>
        %add3A_1703 = arith.addf %scan3A_1575, %mul3A_1702 : vector<16xf32>
        %mul3A_1704 = arith.constant 16 : i32
        %mul3A_1705 = arith.muli %scan3A_1551, %mul3A_1704 : i32
        %get3A_1706 = arith.constant 1 : i32
        %get3A_1707 = arith.constant 3 : i32
        %get3A_1708 = arith.index_cast %get3A_1706 : i32 to index
        %get3A_1709 = arith.index_cast %get3A_1707 : i32 to index
        %get3A_1710 = arith.index_cast %mul3A_1705 : i32 to index
        %get3A_1711 = tpu.vector_load %arg6[%get3A_1708, %get3A_1709, %get3A_1710] {strides = array<i32>} : memref<2x4x4096xf32, #tpu.memory_space<vmem>>, vector<16xf32>,
        %mul3A_1712 = arith.constant 16 : i32
        %mul3A_1713 = arith.muli %scan3A_1551, %mul3A_1712 : i32
        %get3A_1714 = arith.constant 1 : i32
        %get3A_1715 = arith.constant 3 : i32
        %get3A_1716 = arith.index_cast %get3A_1714 : i32 to index
        %get3A_1717 = arith.index_cast %get3A_1715 : i32 to index
        %get3A_1718 = arith.index_cast %mul3A_1713 : i32 to index
        %get3A_1719 = tpu.vector_load %arg7[%get3A_1716, %get3A_1717, %get3A_1718] {strides = array<i32>} : memref<2x4x4096xf32, #tpu.memory_space<vmem>>, vector<16xf32>,
        %mul3A_1720 = arith.mulf %get3A_1711, %get3A_1589 : vector<16xf32>
        %add3A_1721 = arith.addf %scan3A_1576, %mul3A_1720 : vector<16xf32>
        %mul3A_1722 = arith.mulf %get3A_1719, %get3A_1589 : vector<16xf32>
        %add3A_1723 = arith.addf %scan3A_1580, %mul3A_1722 : vector<16xf32>
        %mul3A_1724 = arith.mulf %get3A_1711, %get3A_1595 : vector<16xf32>
        %add3A_1725 = arith.addf %scan3A_1577, %mul3A_1724 : vector<16xf32>
        %mul3A_1726 = arith.mulf %get3A_1719, %get3A_1595 : vector<16xf32>
        %add3A_1727 = arith.addf %scan3A_1581, %mul3A_1726 : vector<16xf32>
        %mul3A_1728 = arith.mulf %get3A_1711, %get3A_1601 : vector<16xf32>
        %add3A_1729 = arith.addf %scan3A_1578, %mul3A_1728 : vector<16xf32>
        %mul3A_1730 = arith.mulf %get3A_1719, %get3A_1601 : vector<16xf32>
        %add3A_1731 = arith.addf %scan3A_1582, %mul3A_1730 : vector<16xf32>
        %mul3A_1732 = arith.mulf %get3A_1711, %get3A_1607 : vector<16xf32>
        %add3A_1733 = arith.addf %scan3A_1579, %mul3A_1732 : vector<16xf32>
        %mul3A_1734 = arith.mulf %get3A_1719, %get3A_1607 : vector<16xf32>
        %add3A_1735 = arith.addf %scan3A_1583, %mul3A_1734 : vector<16xf32>
        scf.yield %add3A_1625, %add3A_1629, %add3A_1633, %add3A_1637, %add3A_1627, %add3A_1631, %add3A_1635, %add3A_1639, %add3A_1657, %add3A_1661, %add3A_1665, %add3A_1669, %add3A_1659, %add3A_1663, %add3A_1667, %add3A_1671, %add3A_1689, %add3A_1693, %add3A_1697, %add3A_1701, %add3A_1691, %add3A_1695, %add3A_1699, %add3A_1703, %add3A_1721, %add3A_1725, %add3A_1729, %add3A_1733, %add3A_1723, %add3A_1727, %add3A_1731, %add3A_1735 : vector<16xf32>, vector<16xf32>, vector<16xf32>, vector<16xf32>, vector<16xf32>, vector<16xf32>, vector<16xf32>, vector<16xf32>, vector<16xf32>, vector<16xf32>, vector<16xf32>, vector<16xf32>, vector<16xf32>, vector<16xf32>, vector<16xf32>, vector<16xf32>, vector<16xf32>, vector<16xf32>, vector<16xf32>, vector<16xf32>, vector<16xf32>, vector<16xf32>, vector<16xf32>, vector<16xf32>, vector<16xf32>, vector<16xf32>, vector<16xf32>, vector<16xf32>, vector<16xf32>, vector<16xf32>, vector<16xf32>, vector<16xf32>
      }
      %scan3A_1485 = arith.constant 256 : i32
      %swap3A_1486 = arith.constant 3584 : index
      %swap3A_1487 = tpu.vector_load %arg9[%swap3A_1486] {strides = array<i32>} : memref<4096xf32, #tpu.memory_space<vmem>>, vector<16xf32>,
      tpu.vector_store %arg9[%swap3A_1486], %scan3A_1484#0 {strides = array<i32>} : memref<4096xf32, #tpu.memory_space<vmem>>, vector<16xf32>,
      %swap3A_1488 = arith.constant 3600 : index
      %swap3A_1489 = tpu.vector_load %arg9[%swap3A_1488] {strides = array<i32>} : memref<4096xf32, #tpu.memory_space<vmem>>, vector<16xf32>,
      tpu.vector_store %arg9[%swap3A_1488], %scan3A_1484#1 {strides = array<i32>} : memref<4096xf32, #tpu.memory_space<vmem>>, vector<16xf32>,
      %swap3A_1490 = arith.constant 3616 : index
      %swap3A_1491 = tpu.vector_load %arg9[%swap3A_1490] {strides = array<i32>} : memref<4096xf32, #tpu.memory_space<vmem>>, vector<16xf32>,
      tpu.vector_store %arg9[%swap3A_1490], %scan3A_1484#2 {strides = array<i32>} : memref<4096xf32, #tpu.memory_space<vmem>>, vector<16xf32>,
      %swap3A_1492 = arith.constant 3632 : index
      %swap3A_1493 = tpu.vector_load %arg9[%swap3A_1492] {strides = array<i32>} : memref<4096xf32, #tpu.memory_space<vmem>>, vector<16xf32>,
      tpu.vector_store %arg9[%swap3A_1492], %scan3A_1484#3 {strides = array<i32>} : memref<4096xf32, #tpu.memory_space<vmem>>, vector<16xf32>,
      %swap3A_1494 = arith.constant 3648 : index
      %swap3A_1495 = tpu.vector_load %arg9[%swap3A_1494] {strides = array<i32>} : memref<4096xf32, #tpu.memory_space<vmem>>, vector<16xf32>,
      tpu.vector_store %arg9[%swap3A_1494], %scan3A_1484#4 {strides = array<i32>} : memref<4096xf32, #tpu.memory_space<vmem>>, vector<16xf32>,
      %swap3A_1496 = arith.constant 3664 : index
      %swap3A_1497 = tpu.vector_load %arg9[%swap3A_1496] {strides = array<i32>} : memref<4096xf32, #tpu.memory_space<vmem>>, vector<16xf32>,
      tpu.vector_store %arg9[%swap3A_1496], %scan3A_1484#5 {strides = array<i32>} : memref<4096xf32, #tpu.memory_space<vmem>>, vector<16xf32>,
      %swap3A_1498 = arith.constant 3680 : index
      %swap3A_1499 = tpu.vector_load %arg9[%swap3A_1498] {strides = array<i32>} : memref<4096xf32, #tpu.memory_space<vmem>>, vector<16xf32>,
      tpu.vector_store %arg9[%swap3A_1498], %scan3A_1484#6 {strides = array<i32>} : memref<4096xf32, #tpu.memory_space<vmem>>, vector<16xf32>,
      %swap3A_1500 = arith.constant 3696 : index
      %swap3A_1501 = tpu.vector_load %arg9[%swap3A_1500] {strides = array<i32>} : memref<4096xf32, #tpu.memory_space<vmem>>, vector<16xf32>,
      tpu.vector_store %arg9[%swap3A_1500], %scan3A_1484#7 {strides = array<i32>} : memref<4096xf32, #tpu.memory_space<vmem>>, vector<16xf32>,
      %swap3A_1502 = arith.constant 3712 : index
      %swap3A_1503 = tpu.vector_load %arg9[%swap3A_1502] {strides = array<i32>} : memref<4096xf32, #tpu.memory_space<vmem>>, vector<16xf32>,
      tpu.vector_store %arg9[%swap3A_1502], %scan3A_1484#8 {strides = array<i32>} : memref<4096xf32, #tpu.memory_space<vmem>>, vector<16xf32>,
      %swap3A_1504 = arith.constant 3728 : index
      %swap3A_1505 = tpu.vector_load %arg9[%swap3A_1504] {strides = array<i32>} : memref<4096xf32, #tpu.memory_space<vmem>>, vector<16xf32>,
      tpu.vector_store %arg9[%swap3A_1504], %scan3A_1484#9 {strides = array<i32>} : memref<4096xf32, #tpu.memory_space<vmem>>, vector<16xf32>,
      %swap3A_1506 = arith.constant 3744 : index
      %swap3A_1507 = tpu.vector_load %arg9[%swap3A_1506] {strides = array<i32>} : memref<4096xf32, #tpu.memory_space<vmem>>, vector<16xf32>,
      tpu.vector_store %arg9[%swap3A_1506], %scan3A_1484#10 {strides = array<i32>} : memref<4096xf32, #tpu.memory_space<vmem>>, vector<16xf32>,
      %swap3A_1508 = arith.constant 3760 : index
      %swap3A_1509 = tpu.vector_load %arg9[%swap3A_1508] {strides = array<i32>} : memref<4096xf32, #tpu.memory_space<vmem>>, vector<16xf32>,
      tpu.vector_store %arg9[%swap3A_1508], %scan3A_1484#11 {strides = array<i32>} : memref<4096xf32, #tpu.memory_space<vmem>>, vector<16xf32>,
      %swap3A_1510 = arith.constant 3776 : index
      %swap3A_1511 = tpu.vector_load %arg9[%swap3A_1510] {strides = array<i32>} : memref<4096xf32, #tpu.memory_space<vmem>>, vector<16xf32>,
      tpu.vector_store %arg9[%swap3A_1510], %scan3A_1484#12 {strides = array<i32>} : memref<4096xf32, #tpu.memory_space<vmem>>, vector<16xf32>,
      %swap3A_1512 = arith.constant 3792 : index
      %swap3A_1513 = tpu.vector_load %arg9[%swap3A_1512] {strides = array<i32>} : memref<4096xf32, #tpu.memory_space<vmem>>, vector<16xf32>,
      tpu.vector_store %arg9[%swap3A_1512], %scan3A_1484#13 {strides = array<i32>} : memref<4096xf32, #tpu.memory_space<vmem>>, vector<16xf32>,
      %swap3A_1514 = arith.constant 3808 : index
      %swap3A_1515 = tpu.vector_load %arg9[%swap3A_1514] {strides = array<i32>} : memref<4096xf32, #tpu.memory_space<vmem>>, vector<16xf32>,
      tpu.vector_store %arg9[%swap3A_1514], %scan3A_1484#14 {strides = array<i32>} : memref<4096xf32, #tpu.memory_space<vmem>>, vector<16xf32>,
      %swap3A_1516 = arith.constant 3824 : index
      %swap3A_1517 = tpu.vector_load %arg9[%swap3A_1516] {strides = array<i32>} : memref<4096xf32, #tpu.memory_space<vmem>>, vector<16xf32>,
      tpu.vector_store %arg9[%swap3A_1516], %scan3A_1484#15 {strides = array<i32>} : memref<4096xf32, #tpu.memory_space<vmem>>, vector<16xf32>,
      %swap3A_1518 = arith.constant 3840 : index
      %swap3A_1519 = tpu.vector_load %arg9[%swap3A_1518] {strides = array<i32>} : memref<4096xf32, #tpu.memory_space<vmem>>, vector<16xf32>,
      tpu.vector_store %arg9[%swap3A_1518], %scan3A_1484#16 {strides = array<i32>} : memref<4096xf32, #tpu.memory_space<vmem>>, vector<16xf32>,
      %swap3A_1520 = arith.constant 3856 : index
      %swap3A_1521 = tpu.vector_load %arg9[%swap3A_1520] {strides = array<i32>} : memref<4096xf32, #tpu.memory_space<vmem>>, vector<16xf32>,
      tpu.vector_store %arg9[%swap3A_1520], %scan3A_1484#17 {strides = array<i32>} : memref<4096xf32, #tpu.memory_space<vmem>>, vector<16xf32>,
      %swap3A_1522 = arith.constant 3872 : index
      %swap3A_1523 = tpu.vector_load %arg9[%swap3A_1522] {strides = array<i32>} : memref<4096xf32, #tpu.memory_space<vmem>>, vector<16xf32>,
      tpu.vector_store %arg9[%swap3A_1522], %scan3A_1484#18 {strides = array<i32>} : memref<4096xf32, #tpu.memory_space<vmem>>, vector<16xf32>,
      %swap3A_1524 = arith.constant 3888 : index
      %swap3A_1525 = tpu.vector_load %arg9[%swap3A_1524] {strides = array<i32>} : memref<4096xf32, #tpu.memory_space<vmem>>, vector<16xf32>,
      tpu.vector_store %arg9[%swap3A_1524], %scan3A_1484#19 {strides = array<i32>} : memref<4096xf32, #tpu.memory_space<vmem>>, vector<16xf32>,
      %swap3A_1526 = arith.constant 3904 : index
      %swap3A_1527 = tpu.vector_load %arg9[%swap3A_1526] {strides = array<i32>} : memref<4096xf32, #tpu.memory_space<vmem>>, vector<16xf32>,
      tpu.vector_store %arg9[%swap3A_1526], %scan3A_1484#20 {strides = array<i32>} : memref<4096xf32, #tpu.memory_space<vmem>>, vector<16xf32>,
      %swap3A_1528 = arith.constant 3920 : index
      %swap3A_1529 = tpu.vector_load %arg9[%swap3A_1528] {strides = array<i32>} : memref<4096xf32, #tpu.memory_space<vmem>>, vector<16xf32>,
      tpu.vector_store %arg9[%swap3A_1528], %scan3A_1484#21 {strides = array<i32>} : memref<4096xf32, #tpu.memory_space<vmem>>, vector<16xf32>,
      %swap3A_1530 = arith.constant 3936 : index
      %swap3A_1531 = tpu.vector_load %arg9[%swap3A_1530] {strides = array<i32>} : memref<4096xf32, #tpu.memory_space<vmem>>, vector<16xf32>,
      tpu.vector_store %arg9[%swap3A_1530], %scan3A_1484#22 {strides = array<i32>} : memref<4096xf32, #tpu.memory_space<vmem>>, vector<16xf32>,
      %swap3A_1532 = arith.constant 3952 : index
      %swap3A_1533 = tpu.vector_load %arg9[%swap3A_1532] {strides = array<i32>} : memref<4096xf32, #tpu.memory_space<vmem>>, vector<16xf32>,
      tpu.vector_store %arg9[%swap3A_1532], %scan3A_1484#23 {strides = array<i32>} : memref<4096xf32, #tpu.memory_space<vmem>>, vector<16xf32>,
      %swap3A_1534 = arith.constant 3968 : index
      %swap3A_1535 = tpu.vector_load %arg9[%swap3A_1534] {strides = array<i32>} : memref<4096xf32, #tpu.memory_space<vmem>>, vector<16xf32>,
      tpu.vector_store %arg9[%swap3A_1534], %scan3A_1484#24 {strides = array<i32>} : memref<4096xf32, #tpu.memory_space<vmem>>, vector<16xf32>,
      %swap3A_1536 = arith.constant 3984 : index
      %swap3A_1537 = tpu.vector_load %arg9[%swap3A_1536] {strides = array<i32>} : memref<4096xf32, #tpu.memory_space<vmem>>, vector<16xf32>,
      tpu.vector_store %arg9[%swap3A_1536], %scan3A_1484#25 {strides = array<i32>} : memref<4096xf32, #tpu.memory_space<vmem>>, vector<16xf32>,
      %swap3A_1538 = arith.constant 4000 : index
      %swap3A_1539 = tpu.vector_load %arg9[%swap3A_1538] {strides = array<i32>} : memref<4096xf32, #tpu.memory_space<vmem>>, vector<16xf32>,
      tpu.vector_store %arg9[%swap3A_1538], %scan3A_1484#26 {strides = array<i32>} : memref<4096xf32, #tpu.memory_space<vmem>>, vector<16xf32>,
      %swap3A_1540 = arith.constant 4016 : index
      %swap3A_1541 = tpu.vector_load %arg9[%swap3A_1540] {strides = array<i32>} : memref<4096xf32, #tpu.memory_space<vmem>>, vector<16xf32>,
      tpu.vector_store %arg9[%swap3A_1540], %scan3A_1484#27 {strides = array<i32>} : memref<4096xf32, #tpu.memory_space<vmem>>, vector<16xf32>,
      %swap3A_1542 = arith.constant 4032 : index
      %swap3A_1543 = tpu.vector_load %arg9[%swap3A_1542] {strides = array<i32>} : memref<4096xf32, #tpu.memory_space<vmem>>, vector<16xf32>,
      tpu.vector_store %arg9[%swap3A_1542], %scan3A_1484#28 {strides = array<i32>} : memref<4096xf32, #tpu.memory_space<vmem>>, vector<16xf32>,
      %swap3A_1544 = arith.constant 4048 : index
      %swap3A_1545 = tpu.vector_load %arg9[%swap3A_1544] {strides = array<i32>} : memref<4096xf32, #tpu.memory_space<vmem>>, vector<16xf32>,
      tpu.vector_store %arg9[%swap3A_1544], %scan3A_1484#29 {strides = array<i32>} : memref<4096xf32, #tpu.memory_space<vmem>>, vector<16xf32>,
      %swap3A_1546 = arith.constant 4064 : index
      %swap3A_1547 = tpu.vector_load %arg9[%swap3A_1546] {strides = array<i32>} : memref<4096xf32, #tpu.memory_space<vmem>>, vector<16xf32>,
      tpu.vector_store %arg9[%swap3A_1546], %scan3A_1484#30 {strides = array<i32>} : memref<4096xf32, #tpu.memory_space<vmem>>, vector<16xf32>,
      %swap3A_1548 = arith.constant 4080 : index
      %swap3A_1549 = tpu.vector_load %arg9[%swap3A_1548] {strides = array<i32>} : memref<4096xf32, #tpu.memory_space<vmem>>, vector<16xf32>,
      tpu.vector_store %arg9[%swap3A_1548], %scan3A_1484#31 {strides = array<i32>} : memref<4096xf32, #tpu.memory_space<vmem>>, vector<16xf32>,
      %scan3A_1550 = arith.constant 0 : i32
      scf.yield %scan3A_1550 : i32
    }
    %scan3A_16 = arith.constant 4 : i32
    %iota3A = tpu.iota {dimensions = array<i32: 0>} : vector<16xi32>
    %eq3A = arith.constant 0 : i32
    %eq3A_17 = vector.broadcast %eq3A : i32 to vector<16xi32>
    %eq3A_18 = arith.cmpi eq, %iota3A, %eq3A_17 : vector<16xi32>
    %scan3A_19 = arith.constant 0 : i32
    %scan3A_20 = arith.constant 0 : i32
    %scan3A_21 = arith.constant 256 : i32
    %scan3A_22 = arith.addi %scan3A_20, %scan3A_21 : i32
    %scan3A_23 = arith.constant 1 : i32
    %scan3A_24 = scf.for %scan3A_28 = %scan3A_20 to %scan3A_22 step %scan3A_23 iter_args(%scan3A_29 = %scan3A_19) -> (i32)  : i32 {
      %mul3A_30 = arith.constant 16 : i32
      %mul3A_31 = arith.muli %scan3A_28, %mul3A_30 : i32
      %get3A = arith.index_cast %mul3A_31 : i32 to index
      %get3A_32 = tpu.vector_load %arg9[%get3A] {strides = array<i32>} : memref<4096xf32, #tpu.memory_space<vmem>>, vector<16xf32>,
      %swap3A = arith.constant 0 : index
      %swap3A_33 = tpu.vector_load %arg11[%swap3A] {strides = array<i32>} : memref<16xf32, #tpu.memory_space<vmem>>, vector<16xf32>,
      tpu.vector_store %arg11[%swap3A], %get3A_32 {strides = array<i32>} : memref<16xf32, #tpu.memory_space<vmem>>, vector<16xf32>,
      %xor3A = arith.constant 8 : i32
      %xor3A_34 = vector.broadcast %xor3A : i32 to vector<16xi32>
      %xor3A_35 = arith.xori %iota3A, %xor3A_34 : vector<16xi32>
      %gather3A = tpu.vector_load_idx %arg11[%xor3A_35] : memref<16xf32, #tpu.memory_space<vmem>>[vector<16xi32>], vector<16xf32>,
      %add3A_36 = arith.addf %get3A_32, %gather3A : vector<16xf32>
      %swap3A_37 = arith.constant 0 : index
      %swap3A_38 = tpu.vector_load %arg11[%swap3A_37] {strides = array<i32>} : memref<16xf32, #tpu.memory_space<vmem>>, vector<16xf32>,
      tpu.vector_store %arg11[%swap3A_37], %add3A_36 {strides = array<i32>} : memref<16xf32, #tpu.memory_space<vmem>>, vector<16xf32>,
      %xor3A_39 = arith.constant 4 : i32
      %xor3A_40 = vector.broadcast %xor3A_39 : i32 to vector<16xi32>
      %xor3A_41 = arith.xori %iota3A, %xor3A_40 : vector<16xi32>
      %gather3A_42 = tpu.vector_load_idx %arg11[%xor3A_41] : memref<16xf32, #tpu.memory_space<vmem>>[vector<16xi32>], vector<16xf32>,
      %add3A_43 = arith.addf %add3A_36, %gather3A_42 : vector<16xf32>
      %swap3A_44 = arith.constant 0 : index
      %swap3A_45 = tpu.vector_load %arg11[%swap3A_44] {strides = array<i32>} : memref<16xf32, #tpu.memory_space<vmem>>, vector<16xf32>,
      tpu.vector_store %arg11[%swap3A_44], %add3A_43 {strides = array<i32>} : memref<16xf32, #tpu.memory_space<vmem>>, vector<16xf32>,
      %xor3A_46 = arith.constant 2 : i32
      %xor3A_47 = vector.broadcast %xor3A_46 : i32 to vector<16xi32>
      %xor3A_48 = arith.xori %iota3A, %xor3A_47 : vector<16xi32>
      %gather3A_49 = tpu.vector_load_idx %arg11[%xor3A_48] : memref<16xf32, #tpu.memory_space<vmem>>[vector<16xi32>], vector<16xf32>,
      %add3A_50 = arith.addf %add3A_43, %gather3A_49 : vector<16xf32>
      %swap3A_51 = arith.constant 0 : index
      %swap3A_52 = tpu.vector_load %arg11[%swap3A_51] {strides = array<i32>} : memref<16xf32, #tpu.memory_space<vmem>>, vector<16xf32>,
      tpu.vector_store %arg11[%swap3A_51], %add3A_50 {strides = array<i32>} : memref<16xf32, #tpu.memory_space<vmem>>, vector<16xf32>,
      %xor3A_53 = arith.constant 1 : i32
      %xor3A_54 = vector.broadcast %xor3A_53 : i32 to vector<16xi32>
      %xor3A_55 = arith.xori %iota3A, %xor3A_54 : vector<16xi32>
      %gather3A_56 = tpu.vector_load_idx %arg11[%xor3A_55] : memref<16xf32, #tpu.memory_space<vmem>>[vector<16xi32>], vector<16xf32>,
      %add3A_57 = arith.addf %add3A_50, %gather3A_56 : vector<16xf32>
      %mul3A_58 = arith.constant 0 : i32
      %mul3A_59 = vector.broadcast %mul3A_58 : i32 to vector<16xi32>
      %mul3A_60 = arith.muli %iota3A, %mul3A_59 : vector<16xi32>
      %add3A_61 = vector.broadcast %scan3A_28 : i32 to vector<16xi32>
      %add3A_62 = arith.addi %mul3A_60, %add3A_61 : vector<16xi32>
      tpu.vector_store_idx %arg10[%add3A_62], %add3A_57 masked %eq3A_18 : memref<256xf32, #tpu.memory_space<vmem>>[vector<16xi32>], vector<16xf32>, vector<16xi1>
      %scan3A_63 = arith.constant 0 : i32
      scf.yield %scan3A_63 : i32
    }
    %scan3A_25 = arith.constant 256 : i32
    %mul3A_26 = arith.constant 8 : i32
    %mul3A_27 = arith.muli %mul3A_2, %mul3A_26 : i32
    "tpu.region"() ({
      %run_scoped3A = tpu.sem_alloc : memref<!tpu.dma_semaphore, #tpu.memory_space<semaphore_mem>>
      %dma_start3A = tpu.memref_slice %arg5[%mul3A_27] : memref<8192xf32, #tpu.memory_space<hbm>> -> memref<256xf32, #tpu.memory_space<hbm>>
      %dma_start3A_28 = tpu.memref_slice %arg5[%mul3A_27] : memref<8192xf32, #tpu.memory_space<hbm>> -> memref<256xf32, #tpu.memory_space<hbm>>
      tpu.enqueue_dma source(%arg10 : memref<256xf32, #tpu.memory_space<vmem>>) target(%dma_start3A_28 : memref<256xf32, #tpu.memory_space<hbm>>) target_semaphore(%run_scoped3A : memref<!tpu.dma_semaphore, #tpu.memory_space<semaphore_mem>>)
      %dma_wait3A = tpu.memref_slice %arg5[%mul3A_27] : memref<8192xf32, #tpu.memory_space<hbm>> -> memref<256xf32, #tpu.memory_space<hbm>>
      %dma_wait3A_29 = tpu.memref_slice %arg5[%mul3A_27] : memref<8192xf32, #tpu.memory_space<hbm>> -> memref<256xf32, #tpu.memory_space<hbm>>
      tpu.wait_dma2 semaphore(%run_scoped3A : memref<!tpu.dma_semaphore, #tpu.memory_space<semaphore_mem>>) src(%arg10 : memref<256xf32, #tpu.memory_space<vmem>>) dst(%dma_wait3A_29 : memref<256xf32, #tpu.memory_space<hbm>>)
      tpu.yield
    }) : () -> ()
    return
  }
}

module attributes {stable_mosaic.version = 14 : i64} {
  func.func @_tc_partial_body(%arg0: i32, %arg1: memref<32x65536xf32, #tpu.memory_space<vmem>>, %arg2: memref<32x65536xf32, #tpu.memory_space<vmem>>, %arg3: memref<4x65536xf32, #tpu.memory_space<vmem>>, %arg4: memref<32x8xf32, #tpu.memory_space<vmem>>) attributes {dimension_semantics = [#tpu.dimension_semantics<arbitrary>], iteration_bounds = array<i64: 32>, scalar_prefetch = 0 : i64, scratch_operands = 0 : i64, tpu.core_type = #tpu.core_type<tc>, window_params = [{transform_indices = @transform_0, window_bounds = array<i64: 32, 65536>}, {transform_indices = @transform_1, window_bounds = array<i64: 32, 65536>}, {transform_indices = @transform_2, window_bounds = array<i64: 4, 65536>}, {transform_indices = @transform_3, window_bounds = array<i64: 32, 8>}]} {
    %get3A = arith.constant 0 : index
    %get3A_0 = arith.constant 0 : index
    %get3A_1 = vector.load %arg3[%get3A, %get3A_0] : memref<4x65536xf32, #tpu.memory_space<vmem>>, vector<4x65536xf32>
    %get3A_2 = arith.constant 0 : index
    %get3A_3 = arith.constant 0 : index
    %get3A_4 = vector.load %arg1[%get3A_2, %get3A_3] : memref<32x65536xf32, #tpu.memory_space<vmem>>, vector<32x65536xf32>
    %dot_general3A = arith.constant dense<0.000000e+00> : vector<32x4xf32>
    %dot_general3A_5 = tpu.matmul %get3A_4, %get3A_1, %dot_general3A {dimension_numbers = #tpu.dot_dimension_numbers<[1], [1], [0], [0], [0, 0, 1, 0], [], []>, transpose_lhs_hint = false} : vector<32x65536xf32>, vector<4x65536xf32>, vector<32x4xf32> -> vector<32x4xf32>
    %get3A_6 = arith.constant 0 : index
    %get3A_7 = arith.constant 0 : index
    %get3A_8 = vector.load %arg2[%get3A_6, %get3A_7] : memref<32x65536xf32, #tpu.memory_space<vmem>>, vector<32x65536xf32>
    %dot_general3A_9 = arith.constant dense<0.000000e+00> : vector<32x4xf32>
    %dot_general3A_10 = tpu.matmul %get3A_8, %get3A_1, %dot_general3A_9 {dimension_numbers = #tpu.dot_dimension_numbers<[1], [1], [0], [0], [0, 0, 1, 0], [], []>, transpose_lhs_hint = false} : vector<32x65536xf32>, vector<4x65536xf32>, vector<32x4xf32> -> vector<32x4xf32>
    %concatenate3A = tpu.concatenate %dot_general3A_5, %dot_general3A_10 in 1 : vector<32x4xf32>, vector<32x4xf32> -> vector<32x8xf32>
    %swap3A = arith.constant 0 : index
    %swap3A_11 = arith.constant 0 : index
    %swap3A_12 = vector.load %arg4[%swap3A, %swap3A_11] : memref<32x8xf32, #tpu.memory_space<vmem>>, vector<32x8xf32>
    tpu.vector_store %arg4[%swap3A, %swap3A_11], %concatenate3A {strides = array<i32>} : memref<32x8xf32, #tpu.memory_space<vmem>>, vector<32x8xf32>,
    return
  }
  func.func @transform_0(%arg0: i32) -> (i32, i32) {
    %c0_i32 = arith.constant 0 : i32
    %c0_i32_0 = arith.constant 0 : i32
    return %arg0, %c0_i32 : i32, i32
  }
  func.func @transform_1(%arg0: i32) -> (i32, i32) {
    %c0_i32 = arith.constant 0 : i32
    %c0_i32_0 = arith.constant 0 : i32
    return %arg0, %c0_i32 : i32, i32
  }
  func.func @transform_2(%arg0: i32) -> (i32, i32) {
    %c0_i32 = arith.constant 0 : i32
    %c0_i32_0 = arith.constant 0 : i32
    %c0_i32_1 = arith.constant 0 : i32
    return %c0_i32, %c0_i32_0 : i32, i32
  }
  func.func @transform_3(%arg0: i32) -> (i32, i32) {
    %c0_i32 = arith.constant 0 : i32
    %c0_i32_0 = arith.constant 0 : i32
    return %arg0, %c0_i32 : i32, i32
  }
}

module attributes {stable_mosaic.version = 14 : i64} {
  func.func @_combine_body(%arg0: i32, %arg1: memref<1024x8xf32, #tpu.memory_space<vmem>>, %arg2: memref<1024x8xf32, #tpu.memory_space<vmem>>, %arg3: memref<1024x8xf32, #tpu.memory_space<vmem>>, %arg4: memref<1x4xf32, #tpu.memory_space<vmem>>, %arg5: memref<8x8xf32, #tpu.memory_space<vmem>>, %arg6: memref<1x8xf32, #tpu.memory_space<vmem>>, %arg7: memref<1x8xf32, #tpu.memory_space<vmem>>, %arg8: memref<1x1xf32, #tpu.memory_space<smem>>, %arg9: memref<1024x1xf32, #tpu.memory_space<vmem>>) attributes {dimension_semantics = [#tpu.dimension_semantics<arbitrary>], iteration_bounds = array<i64: 1>, scalar_prefetch = 0 : i64, scratch_operands = 0 : i64, tpu.core_type = #tpu.core_type<tc>, window_params = [{pipeline_mode = #tpu.pipeline_mode<synchronous>, transform_indices = @transform_0, window_bounds = array<i64: 1024, 8>}, {pipeline_mode = #tpu.pipeline_mode<synchronous>, transform_indices = @transform_1, window_bounds = array<i64: 1024, 8>}, {pipeline_mode = #tpu.pipeline_mode<synchronous>, transform_indices = @transform_2, window_bounds = array<i64: 1024, 8>}, {pipeline_mode = #tpu.pipeline_mode<synchronous>, transform_indices = @transform_3, window_bounds = array<i64: 1, 4>}, {pipeline_mode = #tpu.pipeline_mode<synchronous>, transform_indices = @transform_4, window_bounds = array<i64: 8, 8>}, {pipeline_mode = #tpu.pipeline_mode<synchronous>, transform_indices = @transform_5, window_bounds = array<i64: 1, 8>}, {pipeline_mode = #tpu.pipeline_mode<synchronous>, transform_indices = @transform_6, window_bounds = array<i64: 1, 8>}, {transform_indices = @transform_7, window_bounds = array<i64: 1, 1>}, {pipeline_mode = #tpu.pipeline_mode<synchronous>, transform_indices = @transform_8, window_bounds = array<i64: 1024, 1>}]} {
    %get3A = arith.constant 0 : index
    %get3A_0 = arith.constant 0 : index
    %get3A_1 = vector.load %arg1[%get3A, %get3A_0] : memref<1024x8xf32, #tpu.memory_space<vmem>>, vector<1024x8xf32>
    %get3A_2 = arith.constant 0 : index
    %get3A_3 = arith.constant 0 : index
    %get3A_4 = vector.load %arg2[%get3A_2, %get3A_3] : memref<1024x8xf32, #tpu.memory_space<vmem>>, vector<1024x8xf32>
    %add3A = arith.addf %get3A_1, %get3A_4 : vector<1024x8xf32>
    %slice3A = vector.extract_strided_slice %add3A {offsets = [0, 0], sizes = [1024, 4], strides = [1, 1]} : vector<1024x8xf32> to vector<1024x4xf32>
    %get3A_5 = arith.constant 0 : index
    %get3A_6 = arith.constant 0 : index
    %get3A_7 = vector.load %arg4[%get3A_5, %get3A_6] : memref<1x4xf32, #tpu.memory_space<vmem>>, vector<1x4xf32>
    %add3A_8 = vector.broadcast %get3A_7 : vector<1x4xf32> to vector<1024x4xf32>
    %add3A_9 = arith.addf %slice3A, %add3A_8 : vector<1024x4xf32>
    %slice3A_10 = vector.extract_strided_slice %add3A {offsets = [0, 4], sizes = [1024, 4], strides = [1, 1]} : vector<1024x8xf32> to vector<1024x4xf32>
    %get3A_11 = arith.constant 0 : index
    %get3A_12 = arith.constant 0 : index
    %get3A_13 = vector.load %arg4[%get3A_11, %get3A_12] : memref<1x4xf32, #tpu.memory_space<vmem>>, vector<1x4xf32>
    %add3A_14 = vector.broadcast %get3A_13 : vector<1x4xf32> to vector<1024x4xf32>
    %add3A_15 = arith.addf %slice3A_10, %add3A_14 : vector<1024x4xf32>
    %get3A_16 = arith.constant 0 : index
    %get3A_17 = arith.constant 0 : index
    %get3A_18 = vector.load %arg3[%get3A_16, %get3A_17] : memref<1024x8xf32, #tpu.memory_space<vmem>>, vector<1024x8xf32>
    %concatenate3A = tpu.concatenate %add3A_9, %add3A_15 in 1 : vector<1024x4xf32>, vector<1024x4xf32> -> vector<1024x8xf32>
    %mul3A = arith.mulf %get3A_18, %concatenate3A : vector<1024x8xf32>
    %sub3A = arith.constant 1.000000e+00 : f32
    %sub3A_19 = vector.broadcast %sub3A : f32 to vector<1024x8xf32>
    %sub3A_20 = arith.subf %sub3A_19, %get3A_18 : vector<1024x8xf32>
    %concatenate3A_21 = tpu.concatenate %add3A_15, %add3A_9 in 1 : vector<1024x4xf32>, vector<1024x4xf32> -> vector<1024x8xf32>
    %mul3A_22 = arith.mulf %sub3A_20, %concatenate3A_21 : vector<1024x8xf32>
    %add3A_23 = arith.addf %mul3A, %mul3A_22 : vector<1024x8xf32>
    %jit3A = arith.constant 0.000000e+00 : f32
    %jit3A_24 = arith.constant 1.000000e+00 : f32
    %max3A = vector.broadcast %jit3A : f32 to vector<1024x8xf32>
    %max3A_25 = arith.maximumf %max3A, %add3A_23 : vector<1024x8xf32>
    %min3A = vector.broadcast %jit3A_24 : f32 to vector<1024x8xf32>
    %min3A_26 = arith.minimumf %min3A, %max3A_25 : vector<1024x8xf32>
    %get3A_27 = arith.constant 0 : index
    %get3A_28 = arith.constant 0 : index
    %get3A_29 = vector.load %arg5[%get3A_27, %get3A_28] : memref<8x8xf32, #tpu.memory_space<vmem>>, vector<8x8xf32>
    %dot_general3A = arith.constant dense<0.000000e+00> : vector<1024x8xf32>
    %dot_general3A_30 = tpu.matmul %min3A_26, %get3A_29, %dot_general3A {dimension_numbers = #tpu.dot_dimension_numbers<[1], [1], [0], [0], [0, 0, 1, 0], [], []>, transpose_lhs_hint = false} : vector<1024x8xf32>, vector<8x8xf32>, vector<1024x8xf32> -> vector<1024x8xf32>
    %get3A_31 = arith.constant 0 : index
    %get3A_32 = arith.constant 0 : index
    %get3A_33 = vector.load %arg6[%get3A_31, %get3A_32] : memref<1x8xf32, #tpu.memory_space<vmem>>, vector<1x8xf32>
    %add3A_34 = vector.broadcast %get3A_33 : vector<1x8xf32> to vector<1024x8xf32>
    %add3A_35 = arith.addf %dot_general3A_30, %add3A_34 : vector<1024x8xf32>
    %jit3A_36 = arith.constant 0.000000e+00 : f32
    %jit3A_37 = arith.constant 1.000000e+00 : f32
    %max3A_38 = vector.broadcast %jit3A_36 : f32 to vector<1024x8xf32>
    %max3A_39 = arith.maximumf %max3A_38, %add3A_35 : vector<1024x8xf32>
    %min3A_40 = vector.broadcast %jit3A_37 : f32 to vector<1024x8xf32>
    %min3A_41 = arith.minimumf %min3A_40, %max3A_39 : vector<1024x8xf32>
    %get3A_42 = arith.constant 0 : index
    %get3A_43 = arith.constant 0 : index
    %get3A_44 = vector.load %arg7[%get3A_42, %get3A_43] : memref<1x8xf32, #tpu.memory_space<vmem>>, vector<1x8xf32>
    %mul3A_45 = vector.broadcast %get3A_44 : vector<1x8xf32> to vector<1024x8xf32>
    %mul3A_46 = arith.mulf %min3A_41, %mul3A_45 : vector<1024x8xf32>
    %reduce_sum3A = arith.constant dense<0.000000e+00> : vector<1024xf32>
    %reduce_sum3A_47 = vector.multi_reduction <add>, %mul3A_46, %reduce_sum3A [1] : vector<1024x8xf32> to vector<1024xf32>
    %broadcast_in_dim3A = vector.shape_cast %reduce_sum3A_47 : vector<1024xf32> to vector<1024x1xf32>
    %get3A_48 = arith.constant 0 : index
    %get3A_49 = arith.constant 0 : index
    %get3A_50 = memref.load %arg8[%get3A_48, %get3A_49] : memref<1x1xf32, #tpu.memory_space<smem>>
    %add3A_51 = vector.broadcast %get3A_50 : f32 to vector<1024x1xf32>
    %add3A_52 = arith.addf %broadcast_in_dim3A, %add3A_51 : vector<1024x1xf32>
    %swap3A = arith.constant 0 : index
    %swap3A_53 = arith.constant 0 : index
    %swap3A_54 = vector.load %arg9[%swap3A, %swap3A_53] : memref<1024x1xf32, #tpu.memory_space<vmem>>, vector<1024x1xf32>
    tpu.vector_store %arg9[%swap3A, %swap3A_53], %add3A_52 {strides = array<i32>} : memref<1024x1xf32, #tpu.memory_space<vmem>>, vector<1024x1xf32>,
    return
  }
  func.func @transform_0(%arg0: i32) -> (i32, i32) {
    %c0_i32 = arith.constant 0 : i32
    %c0_i32_0 = arith.constant 0 : i32
    %c0_i32_1 = arith.constant 0 : i32
    return %c0_i32, %c0_i32_0 : i32, i32
  }
  func.func @transform_1(%arg0: i32) -> (i32, i32) {
    %c0_i32 = arith.constant 0 : i32
    %c0_i32_0 = arith.constant 0 : i32
    %c0_i32_1 = arith.constant 0 : i32
    return %c0_i32, %c0_i32_0 : i32, i32
  }
  func.func @transform_2(%arg0: i32) -> (i32, i32) {
    %c0_i32 = arith.constant 0 : i32
    %c0_i32_0 = arith.constant 0 : i32
    %c0_i32_1 = arith.constant 0 : i32
    return %c0_i32, %c0_i32_0 : i32, i32
  }
  func.func @transform_3(%arg0: i32) -> (i32, i32) {
    %c0_i32 = arith.constant 0 : i32
    %c0_i32_0 = arith.constant 0 : i32
    %c0_i32_1 = arith.constant 0 : i32
    return %c0_i32, %c0_i32_0 : i32, i32
  }
  func.func @transform_4(%arg0: i32) -> (i32, i32) {
    %c0_i32 = arith.constant 0 : i32
    %c0_i32_0 = arith.constant 0 : i32
    %c0_i32_1 = arith.constant 0 : i32
    return %c0_i32, %c0_i32_0 : i32, i32
  }
  func.func @transform_5(%arg0: i32) -> (i32, i32) {
    %c0_i32 = arith.constant 0 : i32
    %c0_i32_0 = arith.constant 0 : i32
    %c0_i32_1 = arith.constant 0 : i32
    return %c0_i32, %c0_i32_0 : i32, i32
  }
  func.func @transform_6(%arg0: i32) -> (i32, i32) {
    %c0_i32 = arith.constant 0 : i32
    %c0_i32_0 = arith.constant 0 : i32
    %c0_i32_1 = arith.constant 0 : i32
    return %c0_i32, %c0_i32_0 : i32, i32
  }
  func.func @transform_7(%arg0: i32) -> (i32, i32) {
    %c0_i32 = arith.constant 0 : i32
    %c0_i32_0 = arith.constant 0 : i32
    %c0_i32_1 = arith.constant 0 : i32
    return %c0_i32, %c0_i32_0 : i32, i32
  }
  func.func @transform_8(%arg0: i32) -> (i32, i32) {
    %c0_i32 = arith.constant 0 : i32
    %c0_i32_0 = arith.constant 0 : i32
    %c0_i32_1 = arith.constant 0 : i32
    return %c0_i32, %c0_i32_0 : i32, i32
  }
}

</mosaic_0001>

<sc_bundles>
// kernel: kernel.5.cloned.1.call-start
scs
__scs_entry_jumppad:
0x0: {  	(pc) =	sbr.rel $0x88, $3  }
0x1: {  	(tag) =	ssettag $0x0;
	lr =	simm.s32 $0x1  }
0x2: {  	[smem:$0x3F98] =	sst lr;
	_ =	strace $0xD0000000  }
0x3: {  	_ = 	snop  }
0x4: {  	_ = 	snop  }
0x5: {  	_ = 	snop  }
0x6: {  	_ = 	snop  }
0x7: {  	_ = 	snop  }
__scs_overlays_trampoline_lowered:
0x8: {  	[smem:$0x3FA7] =	sst s0  }
0x9: {  	[smem:$0x3FA8] =	sst s1  }
0xa: {  	[smem:$0x3FA9] =	sst s2  }
0xb: {  	[smem:$0x3FAA] =	sst s3  }
0xc: {  	[smem:$0x3FAB] =	sst s4  }
0xd: {  	[smem:$0x3FAC] =	sst s5  }
0xe: {  	[smem:$0x3FAD] =	sst s6  }
0xf: {  	[smem:$0x3FAE] =	sst s7  }
0x10: {  	[smem:$0x3FAF] =	sst s8  }
0x11: {  	[smem:$0x3FB0] =	sst s9;
	s0 =	simm.s32 @!p0 $0x0  }
0x12: {  	s1 =	sld [smem:$0x3F96];
	s0 =	simm.s32 @p0 $0x1  }
0x13: {  	[smem:$0x3FB1] =	sst s0;
	s0 =	simm.s32 @!p1 $0x0  }
0x14: {  	s2 =	sld [smem:$0x3F95];
	s0 =	simm.s32 @p1 $0x1  }
0x15: {  	[smem:$0x3FB2] =	sst s0;
	s0 =	simm.s32 @!p2 $0x0  }
0x16: {  	s3 =	sld [smem:$0x3FDB];
	s0 =	simm.s32 @p2 $0x1  }
0x17: {  	s4 =	simm.s32 $0x1BF5;
	[smem:$0x3FB4] =	sst s0  }
0x18: {  	s0 =	sld [smem:$0x3F97];
	_ =	swait.ge [sflag:s4], $0x0  }
0x19: {  	s7 =	sld [smem:$0x3F98]  }
0x1a: {  	s8 =	sadd.s32 $0xFFFFE003, lr  }
0x1b: {  	s9 =	sadd.s32 $0xFFFFFEF7, lr;
	s5 =	simm.s32 $0xFFFFFFFF;
	p2 =	slt.u32 s8, $0xFFFFF086  }
0x1c: {  	p1 =	slt.u32 s9, $0xF7A;
	s5 =	simm.s32 @!p2 $0x0  }
0x1d: {  	s5 =	simm.s32 @p1 $0x1;
	p0 =	seq.s32 s7, s2  }
0x1e: {  	s7 =	smul.u32 @!p0 $0xF7A, s2;
	p2 =	seq.s32 @!p0 s5, $0x0  }
0x1f: {  	s9 =	smul.u32 $0xF7A, s1;
	s8 =	simm.s32 @!p0 $0x1BF5;
	p2 =	por !p2, p0  }
0x20: {  	[sflag:s8] =	ssyncset.s32 @!p0 $0xFFFFF086;
	s6 =	sadd.s32 @!p0 s3, s7;
	s7 =	simm.s32 @!p0 $0x108  }
0x21: {  	s3 =	sadd.s32 s3, s9;
	s6 =	sadd.s32 @!p0 $0x88, s6;
	s7 =	simm.s32 @p2 $0x1082  }
0x22: {  	[simem:s7], [sflag:s8] =	dma.local @!p0 [hbm:s6], $0xF7A  }
0x23: {  	s9 =	sor.u32 $0xD0000000, s2;
	s6 =	simm.s32 $0x108;
	_ =	swait.ge @!p0 [sflag:s8], $0x0  }
0x24: {  	s3 =	sadd.s32 $0x88, s3;
	s6 =	simm.s32 @!p1 $0x1082;
	[sflag:s4] =	ssyncset.s32 $0xFFFFF086  }
0x25: {  	[simem:s6], [sflag:s4] =	dma.local [hbm:s3], $0xF7A  }
0x26: {  	[smem:$0x3F98] =	sst s1;
	(tag) =	ssettag s2;
	_ =	strace s9  }
0x27: {  	s1 =	sld [smem:$0x3FA8]  }
0x28: {  	s2 =	sld [smem:$0x3FA9]  }
0x29: {  	s4 =	sld [smem:$0x3FAB]  }
0x2a: {  	p0 =	seq.s32 s5, $0x0;
	s5 =	sld [smem:$0x3FAC]  }
0x2b: {  	s6 =	sld [smem:$0x3FAD]  }
0x2c: {  	s7 =	sld [smem:$0x3FAE]  }
0x2d: {  	s3 =	simm.s32 $0x108;
	s8 =	sld [smem:$0x3FAF]  }
0x2e: {  	s3 =	simm.s32 @!p0 $0x1082;
	s9 =	sld [smem:$0x3FB0]  }
0x2f: {  	lr =	sadd.s32 s0, s3;
	s0 =	sld [smem:$0x3FA7]  }
0x30: {  	s3 =	sld [smem:$0x3FAA]  }
0x31: {  	[smem:$0x3FB3] =	sst s10  }
0x32: {  	s10 =	sld [smem:$0x3FB1];
	_ =	sdelay $0x3  }
0x33: {  	p0 =	seq.s32 s10, $0x1;
	s10 =	sld [smem:$0x3FB3];
	_ =	sdelay $0x3  }
0x34: {  	[smem:$0x3FB3] =	sst s10  }
0x35: {  	s10 =	sld [smem:$0x3FB2];
	_ =	sdelay $0x3  }
0x36: {  	p1 =	seq.s32 s10, $0x1;
	s10 =	sld [smem:$0x3FB3];
	_ =	sdelay $0x3  }
0x37: {  	[smem:$0x3FB3] =	sst s10  }
0x38: {  	s10 =	sld [smem:$0x3FB4]  }
0x39: {  	_ = 	snop;
	(pc) =	sbr.ind lr, $3  }
0x3a: {  	_ = 	snop  }
0x3b: {  	_ = 	snop  }
0x3c: {  	p2 =	seq.s32 s10, $0x1;
	s10 =	sld [smem:$0x3FB3]  }
0x3d: {  	_ =	shalt  }
0x3e: {  	_ =	shalt  }
0x3f: {  	_ =	shalt  }
0x40: {  	_ =	shalt  }
0x41: {  	_ =	shalt  }
0x42: {  	_ =	shalt  }
0x43: {  	_ =	shalt  }
0x44: {  	_ =	shalt  }
0x45: {  	_ =	shalt  }
0x46: {  	_ =	shalt  }
0x47: {  	_ =	shalt  }
0x48: {  	_ =	shalt  }
0x49: {  	_ =	shalt  }
0x4a: {  	_ =	shalt  }
0x4b: {  	_ =	shalt  }
0x4c: {  	_ =	shalt  }
0x4d: {  	_ =	shalt  }
0x4e: {  	_ =	shalt  }
0x4f: {  	_ =	shalt  }
0x50: {  	_ =	shalt  }
0x51: {  	_ =	shalt  }
0x52: {  	_ =	shalt  }
0x53: {  	_ =	shalt  }
0x54: {  	_ =	shalt  }
0x55: {  	_ =	shalt  }
0x56: {  	_ =	shalt  }
0x57: {  	_ =	shalt  }
0x58: {  	_ =	shalt  }
0x59: {  	_ =	shalt  }
0x5a: {  	_ =	shalt  }
0x5b: {  	_ =	shalt  }
0x5c: {  	_ =	shalt  }
0x5d: {  	_ =	shalt  }
0x5e: {  	_ =	shalt  }
0x5f: {  	_ =	shalt  }
0x60: {  	_ =	shalt  }
0x61: {  	_ =	shalt  }
0x62: {  	_ =	shalt  }
0x63: {  	_ =	shalt  }
0x64: {  	_ =	shalt  }
0x65: {  	_ =	shalt  }
0x66: {  	_ =	shalt  }
0x67: {  	_ =	shalt  }
0x68: {  	_ =	shalt  }
0x69: {  	_ =	shalt  }
0x6a: {  	_ =	shalt  }
0x6b: {  	_ =	shalt  }
0x6c: {  	_ =	shalt  }
0x6d: {  	_ =	shalt  }
0x6e: {  	_ =	shalt  }
0x6f: {  	_ =	shalt  }
0x70: {  	_ =	shalt  }
0x71: {  	_ =	shalt  }
0x72: {  	_ =	shalt  }
0x73: {  	_ =	shalt  }
0x74: {  	_ =	shalt  }
0x75: {  	_ =	shalt  }
0x76: {  	_ =	shalt  }
0x77: {  	_ =	shalt  }
0x78: {  	_ =	shalt  }
0x79: {  	_ =	shalt  }
0x7a: {  	_ =	shalt  }
0x7b: {  	_ =	shalt  }
0x7c: {  	_ =	shalt  }
0x7d: {  	_ =	shalt  }
0x7e: {  	_ =	shalt  }
0x7f: {  	_ =	shalt  }
0x80: {  	_ =	shalt  }
0x81: {  	_ =	shalt  }
0x82: {  	_ =	shalt  }
0x83: {  	_ =	shalt  }
0x84: {  	_ =	shalt  }
0x85: {  	_ =	shalt  }
0x86: {  	_ =	shalt  }
0x87: {  	_ =	shalt  }
.Lfunc_end0:
.L_simem_size_0:
called_computation_lowered:
.L_overlay_start_0:
0x88: {  	s2 =	sld [smem:$0x3FD9]  }
0x89: {  	s3 =	sld [smem:$0x3FFE];
	_ =	sdelay $0x1  }
0x8a: {  	s1 =	srdreg.scid  }
0x8b: {  	s0 =	sand.u32 $0x1, s1  }
0x8c: {  	s17 =	sshll.u32 s0, $0xA;
	s2 =	sadd.s32 s3, s2  }
0x8d: {  	s2 =	sadd.s32 s2, s17  }
0x8e: {  	[smem:$0x3FBF] =	sst s2  }
0x8f: {  	_ = 	snop  }
0x90: {  	s2 =	sld [smem:$0x3FC9]  }
0x91: {  	s18 =	sld [smem:$0x3FC8]  }
0x92: {  	s4 =	sld [smem:$0x3FC6];
	(tm) =	ssettm $0x1  }
0x93: {  	s5 =	sld [smem:$0x3FFB];
	_ =	sdelay $0x3  }
0x94: {  	_ =	strace s5  }
0x95: {  	s5 =	sld [smem:$0x3FFC];
	_ =	sdelay $0x3  }
0x96: {  	_ =	strace s5  }
0x97: {  	s5 =	sld [smem:$0x3FFD];
	_ =	sdelay $0x3  }
0x98: {  	_ =	strace s5  }
0x99: {  	_ =	strace $0x8FFFFFFF  }
0x9a: {  	s19 =	sld [smem:$0x3FDB];
	_ =	sdelay $0x1  }
0x9b: {  	s6 =	simm.s32 $_scs_section_size  }
0x9c: {  	s7 =	simm.s32 $_size__tile_overlayer_lowered;
	s8 =	simm.s32 $_tile_overlayer_lowered  }
0x9d: {  	s22 =	simm.s32 $0x1BFF;
	s21 =	sshll.u32 s8, $0x1;
	s5 =	sadd.s32 s6, s19  }
0x9e: {  	s9 =	simm.s32 $0x0;
	s20 =	sshll.u32 s7, $0x1;
	s7 =	sadd.s32 s21, s5  }
0x9f: {  	[timem:s9], [sflag:s22] =	dma.local [hbm:s7], s20  }
0xa0: {  	_ =	swait.ge [sflag:s22], s20  }
0xa1: {  	s6 =	ssub.s32 $0x0, s20;
	[sflag:s22] =	ssyncset.done $0x0  }
0xa2: {  	[sflag:s22] =	ssyncadd.s32 s6;
	_ =	sdelay $0x1  }
0xa3: {  	s23 =	simm.s32 $0x1B8B  }
0xa4: {  	_ =	swait.ge [sflag:s23], $0x1  }
0xa5: {  	[sflag:s23] =	ssyncset.done $0x0  }
0xa6: {  	s25 =	simm.s32 $0x1B8E;
	s24 =	sld [smem:$0x3FFE];
	[sflag:s23] =	ssyncadd.s32 $0xFFFFFFFF  }
0xa7: {  	s26 =	simm.s32 $execute0_lowered;
	[smem:$0x3FD2] =	sst s25  }
0xa8: {  	s7 =	sshll.u32 s26, $0x1;
	_ =	strace $0x80000046;
	[dreg:$0x1] =	wrdreg $0xFFFFFFFF  }
0xa9: {  	s28 =	simm.s32 $_size_execute0_lowered;
	s5 =	sadd.s32 s5, s7;
	[dreg:$0x0] =	wrdreg $0x0  }
0xaa: {  	s7 =	sshll.u32 s28, $0x1;
	[dreg:$0x2] =	wrdreg s5  }
0xab: {  	[dreg:$0x3] =	wrdreg s7  }
0xac: {  	[dreg:$0x4] =	wrdreg $0xC0  }
0xad: {  	_ =	task [dreg:s9], $0x5FFFF  }
0xae: {  	[dreg:$0x1] =	wrdreg $0xFFFFFFFF  }
0xaf: {  	[dreg:$0x0] =	wrdreg $0x60  }
0xb0: {  	[dreg:$0x2] =	wrdreg s2  }
0xb1: {  	[dreg:$0x3] =	wrdreg s18  }
0xb2: {  	[dreg:$0x4] =	wrdreg s4  }
0xb3: {  	[dreg:$0x5] =	wrdreg s24  }
0xb4: {  	[dreg:$0x6] =	wrdreg $0x9  }
0xb5: {  	_ =	task.clear_ibuf [dreg:s9], $0x7FFFF;
	_ =	strace $0x90000046  }
0xb6: {  	s29 =	simm.s32 $0x9;
	_ =	strace $0x80000048  }
0xb7: {  	_ =	swait.ge [sflag:s29], $0x1  }
0xb8: {  	[sflag:s29] =	ssyncadd.s32 $0xFFFFFFFF  }
0xb9: {  	_ =	strace $0x90000048  }
0xba: {  	_ =	sfence  }
0xbb: {  	s30 =	sld [smem:$0x0];
	_ =	sdelay $0x2  }
0xbc: {  	s31 =	sshll.u32 s1, $0xD;
	s1 =	sshrl.u32 s1, $0x2  }
0xbd: {  	s3 =	sand.u32 $0x4000, s31;
	s1 =	sadd.s32 s1, s30  }
0xbe: {  	s0 =	sor.u32 s3, s0;
	s1 =	sshll.u32 s1, $0x11  }
0xbf: {  	s0 =	sor.u32 s1, s0  }
0xc0: {  	s0 =	sadd.s32 $0x8F2B, s0  }
0xc1: {  	[sflag:s0] =	ssyncadd.remote.s32 $0x1  }
0xc2: {  	_ =	sfence.sel $0xFFFF  }
0xc3: {  	[dreg:$0x0] =	wrdreg $0xFFFFFFFF;
	(pc) =	sbr.abs _section_cstart, $3  }
0xc4: {  	[dreg:$0x1] =	wrdreg $0xFFFFFFFF  }
0xc5: {  	_ =	task.clear_ibuf [dreg:s9], $0x2FFFF;
	_ =	strace $0x9FFFFFFF  }
0xc6: {  	(tm) =	ssettm $0x7FFFFFFF  }
0xc7: {  	_ =	shalt  }
tec
execute0_lowered:
.L_overlay_start_1:
0x0: {  	(tag) =	ssettag $0x1  }
0x1: {  	s0 =	rddreg [dreg:$0x0]  }
0x2: {  	s1 =	rddreg [dreg:$0x1]  }
0x3: {  	s2 =	rddreg [dreg:$0x2]  }
0x4: {  	v0 =	vimm.s32 $0xFEDCBA98;
	s6 =	rddreg [dreg:$0x3];
	v1 =	vimm.s32 $0x76543210;
	v2 =	vimm.s32 $0xBA98FEDC  }
0x5: {  	s4 =	simm.s32 $0x0;
	s5 =	srdreg.scid;
	s3 =	stileid.u32;
	v3 =	vimm.s32 $0x32107654;
	v4 =	vimm.s32 $0xDCFE98BA;
	v5 =	vimm.s32 $0x54761032  }
0x6: {  	v6 =	vimm.s32 $0xEFCDAB89;
	v7 =	vimm.s32 $0x67452301;
	s12 =	simm.s32 $0x10000;
	s13 =	simm.s32 $0x3;
	s14 =	simm.s32 $0x200  }
0x7: {  	s15 =	simm.s32 $0x400;
	s16 =	simm.s32 $0x8000;
	s17 =	simm.s32 $0x4000;
	v0 =	vunpack.c.l.s4.s8 v0;
	v1 =	vunpack.c.l.s4.s8 v1;
	v2 =	vunpack.c.l.s4.s8 v2  }
0x8: {  	s18 =	simm.s32 $0xC000;
	s19 =	simm.s32 $0x1;
	s20 =	simm.s32 $0x2;
	v3 =	vunpack.c.l.s4.s8 v3;
	v4 =	vunpack.c.l.s4.s8 v4;
	v5 =	vunpack.c.l.s4.s8 v5  }
0x9: {  	s21 =	simm.s32 $0x15100;
	s22 =	simm.s32 $0x15000;
	s23 =	simm.s32 $0x0;
	v6 =	vunpack.c.l.s4.s8 v6;
	v7 =	vunpack.c.l.s4.s8 v7;
	v0 =	vunpack.c.0.s8.s32 v0  }
0xa: {  	[smem:$0x7FF] =	sst s4;
	s7 =	sand.u32 $0x1, s5;
	s8 =	sshll.u32 s3, $0x1;
	v2 =	vunpack.c.0.s8.s32 v2;
	v3 =	vunpack.c.0.s8.s32 v3;
	v4 =	vunpack.c.0.s8.s32 v4  }
0xb: {  	s8 =	sor.u32 s7, s8;
	_ =	strace $0x80000047;
	s7 =	ssub.s32 $0x2, s7;
	v5 =	vunpack.c.0.s8.s32 v5;
	v6 =	vunpack.c.0.s8.s32 v6;
	v7 =	vunpack.c.0.s8.s32 v7  }
0xc: {  	s9 =	smul.u32 $0x280000, s8;
	s10 =	sshll.u32 s8, $0x5;
	s11 =	sshrl.u32 s7, $0x1;
	v1 =	vunpack.c.0.s8.s32 v1;
	v2 =	vcombine.low v3, v2  }
0xd: {  	s10 =	sadd.s32 s10, s6;
	s11 =	ssub.s32 s7, s11;
	s6 =	smul.u32 $0x50000, s8;
	v3 =	vcombine.low v5, v4;
	v4 =	vand.u32 $0xF, v0;
	v5 =	vcombine.low v7, v6  }
0xe: {  	s9 =	sshrl.u32 s9, $0x3;
	s10 =	sadd.s32 $0x1000, s10;
	s11 =	smax.u32 s11, $0x1;
	v0 =	vimm.f32 $0.0e+00;
	v1 =	vcombine.low v4, v1  }
0xf: {  	s7 =	sadd.s32 $0x14000, s9;
	s8 =	sadd.s32 $0x28000, s9;
	s9 =	sadd.s32 $0x3C000, s9;
	v2 =	vand.u32 $0xF, v2;
	v3 =	vand.u32 $0xF, v3;
	v4 =	vand.u32 $0xF, v5  }
.LBB2_1:
0x10: {  	s24 =	simm.s32 $0x40;
	s25 =	simm.s32 $0x0  }
.LBB2_2:
0x11: {  	p0 =	sne.s32 s24, $0x3FC0;
	[tilespmem:s25+$0x14000] =	vst v0;
	s25 =	smov.u32 s24;
	s24 =	sadd.s32 $0x40, s24  }
.Ltmp0:
0x12: {  	(pc) =	sbr.rel @p0 .LBB2_2-.Ltmp0, $2  }
0x13: {  	_ =	sdelay $0x2  }
0x14: {  	s25 =	sshra.s32 s25, $0x2  }
0x15: {  	[tilespmem:s25+$0x14000] =	vst v0;
	s24 =	simm.s32 $0x0;
	s25 =	simm.s32 $0x0  }
.LBB2_4:
0x16: {  	s26 =	sshll.u32 s25, $0xC  }
0x17: {  	s26 =	sadd.s32 $0x10000, s26  }
0x18: {  	s28 =	sshrl.u32 s26, $0x1  }
0x19: {  	s28 =	sadd.s32 s2, s28  }
0x1a: {  	[tilespmem:s12], [sflag:$0x3] =	stream.linear.gather [hbm4b:s28+s24], $0x4000, $0x38;
	[tilespmem:$0x15180] =	vst v63  }
0x1b: {  	_ =	swait.ge [sflag:s13], $0x4000  }
0x1c: {  	s28 =	sadd.s32 s6, s26;
	[sflag:s13] =	ssyncset.done $0x0  }
0x1d: {  	s29 =	sadd.s32 s0, s28;
	[sflag:s13] =	ssyncadd.s32 $0xFFFFC000  }
0x1e: {  	[tilespmem:s24], [sflag:$0x1] =	stream.strided.gather [hbm4b:s29+s14], $0x4000, s15, s14, $0x38;
	[tilespmem:$0x15180] =	vst v63  }
0x1f: {  	s3 =	sadd.s32 s1, s28;
	s28 =	sor.u32 $0x40, s28  }
0x20: {  	[tilespmem:s16], [sflag:$0x1] =	stream.strided.gather [hbm4b:s3+s14], $0x4000, s15, s14, $0x38;
	[tilespmem:$0x15180] =	vst v63  }
0x21: {  	s5 =	sadd.s32 s0, s28  }
0x22: {  	[tilespmem:s17], [sflag:$0x2] =	stream.strided.gather [hbm4b:s5+s14], $0x4000, s15, s14, $0x38;
	[tilespmem:$0x15180] =	vst v63  }
0x23: {  	s28 =	sadd.s32 s1, s28  }
0x24: {  	[tilespmem:s18], [sflag:$0x2] =	stream.strided.gather [hbm4b:s28+s14], $0x4000, s15, s14, $0x38;
	[tilespmem:$0x15180] =	vst v63  }
0x25: {  	_ =	swait.ge [sflag:s19], $0x4000  }
0x26: {  	[sflag:s19] =	ssyncset.done $0x0  }
0x27: {  	[sflag:s19] =	ssyncadd.s32 $0xFFFFC000  }
0x28: {  	_ =	swait.ge [sflag:s19], $0x4000  }
0x29: {  	[sflag:s19] =	ssyncset.done $0x0  }
0x2a: {  	[sflag:s19] =	ssyncadd.s32 $0xFFFFC000  }
0x2b: {  	v28 =	vld [tilespmem:$0x14000]  }
0x2c: {  	v25 =	vld [tilespmem:$0x14010]  }
0x2d: {  	v26 =	vld [tilespmem:$0x14020]  }
0x2e: {  	v23 =	vld [tilespmem:$0x14030]  }
0x2f: {  	v22 =	vld [tilespmem:$0x14040]  }
0x30: {  	v37 =	vld [tilespmem:$0x14050]  }
0x31: {  	v41 =	vld [tilespmem:$0x14060]  }
0x32: {  	v20 =	vld [tilespmem:$0x14070]  }
0x33: {  	v19 =	vld [tilespmem:$0x14080]  }
0x34: {  	v18 =	vld [tilespmem:$0x14090]  }
0x35: {  	v17 =	vld [tilespmem:$0x140A0]  }
0x36: {  	v12 =	vld [tilespmem:$0x140B0]  }
0x37: {  	v16 =	vld [tilespmem:$0x140C0]  }
0x38: {  	v15 =	vld [tilespmem:$0x140D0]  }
0x39: {  	v13 =	vld [tilespmem:$0x140E0]  }
0x3a: {  	v24 =	vld [tilespmem:$0x140F0]  }
0x3b: {  	v10 =	vld [tilespmem:$0x14100]  }
0x3c: {  	v9 =	vld [tilespmem:$0x14110]  }
0x3d: {  	v7 =	vld [tilespmem:$0x14120]  }
0x3e: {  	v6 =	vld [tilespmem:$0x14130]  }
0x3f: {  	v5 =	vld [tilespmem:$0x14140]  }
0x40: {  	s31 =	sand.u32 $0x3E00, s24;
	s28 =	sand.u32 $0x70, s24;
	v21 =	vld [tilespmem:$0x14170]  }
0x41: {  	s28 =	sor.u32 s28, s31;
	v27 =	vld [tilespmem:$0x141A0]  }
0x42: {  	v11 =	vld [tilespmem:s28+$0x180]  }
0x43: {  	v8 =	vld [tilespmem:s28+$0x8180]  }
0x44: {  	v36 =	vld [tilespmem:s28+$0x8100]  }
0x45: {  	v47 =	vld [tilespmem:s28+$0x80]  }
0x46: {  	v34 =	vld [tilespmem:s28+$0x10180]  }
0x47: {  	v40 =	vld [tilespmem:s28+$0x8080]  }
0x48: {  	v31 =	vld [tilespmem:s28+$0x10100]  }
0x49: {  	v48 =	vld [tilespmem:s28+$0x8000]  }
0x4a: {  	v14 =	vld [tilespmem:s28+$0x10000]  }
0x4b: {  	v42 =	vld [tilespmem:s28+$0x10080];
	v29 =	vmul.f32 v47, v34  }
0x4c: {  	v32 =	vld [tilespmem:$0x141F0];
	v33 =	vmul.f32 v8, v34;
	v38 =	vmul.f32 v40, v34  }
0x4d: {  	v52 =	vld [tilespmem:s28+$0x0];
	v30 =	vmul.f32 v36, v34;
	v44 =	vmul.f32 v11, v31  }
0x4e: {  	v35 =	vld [tilespmem:$0x141E0];
	v43 =	vmul.f32 v11, v34;
	v53 =	vmul.f32 v47, v31  }
0x4f: {  	v59 =	vld [tilespmem:$0x14150];
	v49 =	vmul.f32 v48, v14;
	v45 =	vmul.f32 v8, v31  }
0x50: {  	v55 =	vmul.f32 v47, v42;
	v54 =	vmul.f32 v47, v14;
	v47 =	vld [tilespmem:s28+$0x100]  }
0x51: {  	v46 =	vmul.f32 v48, v42;
	v51 =	vmul.f32 v48, v31;
	v39 =	vadd.f32 v29, v12;
	v29 =	vld [tilespmem:$0x14160]  }
0x52: {  	v50 =	vmul.f32 v52, v31;
	v56 =	vmul.f32 v40, v31;
	v21 =	vadd.f32 v30, v21;
	v30 =	vld [tilespmem:$0x14180]  }
0x53: {  	v60 =	vmul.f32 v36, v42;
	v58 =	vmul.f32 v52, v14;
	v12 =	vadd.f32 v33, v32;
	v33 =	vld [tilespmem:$0x14190]  }
0x54: {  	v57 =	vmul.f32 v52, v42;
	v38 =	vadd.f32 v38, v24;
	v27 =	vadd.f32 v44, v27;
	v32 =	vld [tilespmem:$0x141B0]  }
0x55: {  	v44 =	vmul.f32 v11, v42;
	v24 =	vadd.f32 v45, v35;
	v35 =	vld [tilespmem:$0x141C0];
	v45 =	vadd.f32 v46, v37  }
0x56: {  	s30 =	simm.s32 $0x10;
	s28 =	simm.s32 $0x40;
	v37 =	vld [tilespmem:$0x141D0];
	v46 =	vadd.f32 v51, v41;
	v51 =	vmul.f32 v8, v42;
	v41 =	vadd.f32 v60, v59  }
.LBB2_5:
0x57: {  	s29 =	smov.u32 s30  }
0x58: {  	s31 =	sand.u32 $0x70, s30;
	s5 =	sand.u32 $0x3E00, s28;
	v59 =	vmul.f32 v40, v14;
	v13 =	vadd.f32 v56, v13;
	v56 =	vmul.f32 v47, v42;
	s29 =	sadd.s32 $0x10, s30  }
0x59: {  	p0 =	sne.s32 s30, $0xFF0;
	v48 =	vmul.f32 v48, v34;
	v17 =	vadd.f32 v53, v17;
	v53 =	vmul.f32 v47, v31;
	s5 =	sor.u32 s31, s5  }
0x5a: {  	v18 =	vadd.f32 v55, v18;
	v55 =	vmul.f32 v36, v14;
	v32 =	vadd.f32 v43, v32;
	v60 =	vld [tilespmem:s5+$0x180]  }
0x5b: {  	v52 =	vmul.f32 v52, v34;
	v28 =	vadd.f32 v58, v28;
	v20 =	vadd.f32 v48, v20;
	v43 =	vld [tilespmem:s5+$0x8180]  }
0x5c: {  	v42 =	vmul.f32 v40, v42;
	v40 =	vmul.f32 v47, v34;
	v37 =	vadd.f32 v51, v37;
	v58 =	vld [tilespmem:s5+$0x8100]  }
0x5d: {  	v31 =	vmul.f32 v36, v31;
	v25 =	vadd.f32 v57, v25;
	v5 =	vadd.f32 v55, v5;
	v51 =	vld [tilespmem:s5+$0x80]  }
0x5e: {  	v23 =	vadd.f32 v52, v23;
	v6 =	vadd.f32 v40, v6;
	v55 =	vmul.f32 v11, v14;
	v34 =	vld [tilespmem:s5+$0x10180]  }
0x5f: {  	v7 =	vadd.f32 v53, v7;
	v29 =	vadd.f32 v31, v29;
	v52 =	vmul.f32 v8, v14;
	v40 =	vld [tilespmem:s5+$0x8080];
	v11 =	vmovc v60  }
0x60: {  	v22 =	vadd.f32 v49, v22;
	v57 =	vmul.f32 v47, v14;
	v15 =	vadd.f32 v42, v15;
	v31 =	vld [tilespmem:s5+$0x10100];
	v8 =	vmovc v43  }
0x61: {  	v19 =	vadd.f32 v54, v19;
	v33 =	vadd.f32 v44, v33;
	v48 =	vld [tilespmem:s5+$0x8000];
	v36 =	vmov v58  }
0x62: {  	v9 =	vadd.f32 v56, v9;
	v35 =	vadd.f32 v52, v35;
	v14 =	vld [tilespmem:s5+$0x10000]  }
0x63: {  	v16 =	vadd.f32 v59, v16;
	v42 =	vld [tilespmem:s5+$0x10080];
	v44 =	vmul.f32 v51, v34;
	v54 =	vmul.f32 v8, v34  }
0x64: {  	v26 =	vadd.f32 v50, v26;
	v49 =	vmul.f32 v36, v34;
	v56 =	vmul.f32 v40, v34;
	v47 =	vld [tilespmem:s5+$0x100]  }
0x65: {  	v30 =	vadd.f32 v55, v30;
	v43 =	vmul.f32 v11, v34;
	v52 =	vld [tilespmem:s5+$0x0];
	v50 =	vmul.f32 v11, v31  }
0x66: {  	v53 =	vmul.f32 v51, v31;
	v39 =	vadd.f32 v44, v39;
	v21 =	vadd.f32 v49, v21  }
0x67: {  	v58 =	vmul.f32 v8, v31;
	v12 =	vadd.f32 v54, v12;
	v49 =	vmul.f32 v48, v14  }
0x68: {  	v59 =	vmul.f32 v48, v31;
	v38 =	vadd.f32 v56, v38;
	v54 =	vmul.f32 v48, v42  }
.Ltmp1:
0x69: {  	v10 =	vadd.f32 v57, v10;
	v27 =	vadd.f32 v50, v27;
	v55 =	vmul.f32 v51, v42;
	(pc) =	sbr.rel @p0 .LBB2_5-.Ltmp1, $4  }
0x6a: {  	v24 =	vadd.f32 v58, v24;
	v44 =	vmul.f32 v11, v42;
	v50 =	vmul.f32 v52, v31  }
0x6b: {  	v56 =	vmul.f32 v40, v31;
	v60 =	vmul.f32 v36, v42;
	v45 =	vadd.f32 v54, v45  }
0x6c: {  	v46 =	vadd.f32 v59, v46;
	v54 =	vmul.f32 v51, v14;
	v51 =	vmul.f32 v8, v42  }
0x6d: {  	s28 =	sadd.s32 $0x40, s28;
	s30 =	smov.u32 s29;
	v58 =	vmul.f32 v52, v14;
	v57 =	vmul.f32 v52, v42;
	v41 =	vadd.f32 v60, v41  }
0x6e: {  	[tilespmem:$0x14050] =	vst v45  }
0x6f: {  	[tilespmem:$0x14060] =	vst v46  }
0x70: {  	[tilespmem:$0x140B0] =	vst v39  }
0x71: {  	[tilespmem:$0x140F0] =	vst v38  }
0x72: {  	[tilespmem:$0x14170] =	vst v21  }
0x73: {  	[tilespmem:$0x141A0] =	vst v27  }
0x74: {  	[tilespmem:$0x141E0] =	vst v24  }
0x75: {  	v26 =	vadd.f32 v50, v26;
	[tilespmem:$0x141F0] =	vst v12  }
0x76: {  	v25 =	vadd.f32 v57, v25;
	[tilespmem:$0x14150] =	vst v41  }
0x77: {  	v22 =	vadd.f32 v49, v22;
	[tilespmem:$0x14020] =	vst v26  }
0x78: {  	v19 =	vadd.f32 v54, v19;
	[tilespmem:$0x14010] =	vst v25;
	v25 =	vmul.f32 v48, v34  }
0x79: {  	v18 =	vadd.f32 v55, v18;
	[tilespmem:$0x14040] =	vst v22  }
0x7a: {  	[tilespmem:$0x14080] =	vst v19;
	v20 =	vadd.f32 v25, v20  }
0x7b: {  	v17 =	vadd.f32 v53, v17;
	[tilespmem:$0x14090] =	vst v18  }
0x7c: {  	v13 =	vadd.f32 v56, v13;
	[tilespmem:$0x14070] =	vst v20;
	v20 =	vmul.f32 v40, v14  }
0x7d: {  	v52 =	vmul.f32 v52, v34;
	v28 =	vadd.f32 v58, v28;
	[tilespmem:$0x140A0] =	vst v17  }
0x7e: {  	v19 =	vmul.f32 v40, v42;
	[tilespmem:$0x140E0] =	vst v13;
	v16 =	vadd.f32 v20, v16  }
0x7f: {  	v23 =	vadd.f32 v52, v23;
	v17 =	vmul.f32 v47, v14;
	[tilespmem:$0x14000] =	vst v28  }
0x80: {  	v15 =	vadd.f32 v19, v15;
	[tilespmem:$0x140C0] =	vst v16;
	v16 =	vmul.f32 v47, v42  }
0x81: {  	v13 =	vmul.f32 v47, v34;
	[tilespmem:$0x14030] =	vst v23;
	v10 =	vadd.f32 v17, v10  }
0x82: {  	[tilespmem:$0x140D0] =	vst v15;
	v15 =	vmul.f32 v47, v31;
	v9 =	vadd.f32 v16, v9  }
0x83: {  	v6 =	vadd.f32 v13, v6;
	[tilespmem:$0x14100] =	vst v10;
	v16 =	vmul.f32 v36, v14  }
0x84: {  	v7 =	vadd.f32 v15, v7;
	[tilespmem:$0x14110] =	vst v9;
	v9 =	vmul.f32 v36, v31  }
0x85: {  	[tilespmem:$0x14130] =	vst v6;
	v6 =	vmul.f32 v11, v14;
	v5 =	vadd.f32 v16, v5  }
0x86: {  	[tilespmem:$0x14120] =	vst v7;
	v7 =	vadd.f32 v9, v29  }
0x87: {  	[tilespmem:$0x14140] =	vst v5;
	v5 =	vadd.f32 v6, v30  }
0x88: {  	v6 =	vadd.f32 v44, v33;
	[tilespmem:$0x14160] =	vst v7;
	v7 =	vmul.f32 v8, v14  }
0x89: {  	[tilespmem:$0x14180] =	vst v5;
	v5 =	vadd.f32 v43, v32  }
0x8a: {  	[tilespmem:$0x14190] =	vst v6;
	v6 =	vadd.f32 v7, v35  }
0x8b: {  	v7 =	vadd.f32 v51, v37;
	[tilespmem:$0x141B0] =	vst v5  }
0x8c: {  	s28 =	sadd.s32 s7, s26;
	[tilespmem:$0x141C0] =	vst v6  }
0x8d: {  	s29 =	simm.s32 $0x0;
	s5 =	sadd.s32 s0, s28;
	[tilespmem:$0x141D0] =	vst v7  }
0x8e: {  	[tilespmem:s29], [sflag:$0x1] =	stream.strided.gather [hbm4b:s5+s14], $0x4000, s15, s14, $0x38;
	[tilespmem:$0x15180] =	vst v63  }
0x8f: {  	s3 =	sadd.s32 s1, s28  }
0x90: {  	[tilespmem:s16], [sflag:$0x1] =	stream.strided.gather [hbm4b:s3+s14], $0x4000, s15, s14, $0x38;
	[tilespmem:$0x15180] =	vst v63  }
0x91: {  	_ =	swait.ge [sflag:s20], $0x4000  }
0x92: {  	[sflag:s20] =	ssyncset.done $0x0  }
0x93: {  	[sflag:s20] =	ssyncadd.s32 $0xFFFFC000  }
0x94: {  	_ =	swait.ge [sflag:s20], $0x4000  }
0x95: {  	[sflag:s20] =	ssyncset.done $0x0  }
0x96: {  	[sflag:s20] =	ssyncadd.s32 $0xFFFFC000  }
0x97: {  	v28 =	vld [tilespmem:$0x14200]  }
0x98: {  	v25 =	vld [tilespmem:$0x14210]  }
0x99: {  	v26 =	vld [tilespmem:$0x14220]  }
0x9a: {  	v23 =	vld [tilespmem:$0x14230]  }
0x9b: {  	v22 =	vld [tilespmem:$0x14240]  }
0x9c: {  	v37 =	vld [tilespmem:$0x14250]  }
0x9d: {  	v41 =	vld [tilespmem:$0x14260]  }
0x9e: {  	v20 =	vld [tilespmem:$0x14270]  }
0x9f: {  	v19 =	vld [tilespmem:$0x14280]  }
0xa0: {  	v18 =	vld [tilespmem:$0x14290]  }
0xa1: {  	v17 =	vld [tilespmem:$0x142A0]  }
0xa2: {  	v12 =	vld [tilespmem:$0x142B0]  }
0xa3: {  	v16 =	vld [tilespmem:$0x142C0]  }
0xa4: {  	v15 =	vld [tilespmem:$0x142D0]  }
0xa5: {  	v13 =	vld [tilespmem:$0x142E0]  }
0xa6: {  	v24 =	vld [tilespmem:$0x142F0]  }
0xa7: {  	v10 =	vld [tilespmem:$0x14300]  }
0xa8: {  	v9 =	vld [tilespmem:$0x14310]  }
0xa9: {  	v7 =	vld [tilespmem:$0x14320]  }
0xaa: {  	v6 =	vld [tilespmem:$0x14330]  }
0xab: {  	s30 =	sand.u32 $0x70, s29;
	s29 =	sand.u32 $0x3E00, s29;
	v5 =	vld [tilespmem:$0x14340]  }
0xac: {  	s5 =	sor.u32 s30, s29;
	v21 =	vld [tilespmem:$0x14370]  }
0xad: {  	v11 =	vld [tilespmem:s5+$0x4180]  }
0xae: {  	v8 =	vld [tilespmem:s5+$0xC180]  }
0xaf: {  	v36 =	vld [tilespmem:s5+$0xC100]  }
0xb0: {  	v47 =	vld [tilespmem:s5+$0x4080]  }
0xb1: {  	v34 =	vld [tilespmem:s5+$0x10180]  }
0xb2: {  	v40 =	vld [tilespmem:s5+$0xC080]  }
0xb3: {  	v31 =	vld [tilespmem:s5+$0x10100]  }
0xb4: {  	v48 =	vld [tilespmem:s5+$0xC000]  }
0xb5: {  	v14 =	vld [tilespmem:s5+$0x10000]  }
0xb6: {  	v42 =	vld [tilespmem:s5+$0x10080]  }
0xb7: {  	v52 =	vld [tilespmem:s5+$0x4000];
	v29 =	vmul.f32 v47, v34;
	v63 =	vmul.f32 v8, v34  }
0xb8: {  	v27 =	vld [tilespmem:$0x143A0];
	v60 =	vmul.f32 v40, v34;
	v30 =	vmul.f32 v36, v34  }
0xb9: {  	v32 =	vld [tilespmem:$0x143F0];
	v61 =	vmul.f32 v11, v31;
	v43 =	vmul.f32 v11, v34  }
0xba: {  	v35 =	vld [tilespmem:$0x143E0];
	v53 =	vmul.f32 v47, v31;
	v49 =	vmul.f32 v48, v14  }
0xbb: {  	v59 =	vld [tilespmem:$0x14350];
	v62 =	vmul.f32 v8, v31;
	v51 =	vmul.f32 v48, v31  }
0xbc: {  	v33 =	vld [tilespmem:$0x14390];
	v55 =	vmul.f32 v47, v42;
	v50 =	vmul.f32 v52, v31  }
0xbd: {  	v44 =	vmul.f32 v11, v42;
	v54 =	vmul.f32 v47, v14;
	v47 =	vld [tilespmem:s5+$0x4100]  }
0xbe: {  	v56 =	vmul.f32 v40, v31;
	v58 =	vmul.f32 v52, v14;
	v39 =	vadd.f32 v29, v12;
	v29 =	vld [tilespmem:$0x14360]  }
0xbf: {  	v21 =	vadd.f32 v30, v21;
	v30 =	vld [tilespmem:$0x14380];
	v12 =	vadd.f32 v63, v32;
	v63 =	vmul.f32 v48, v42  }
0xc0: {  	v38 =	vadd.f32 v60, v24;
	v27 =	vadd.f32 v61, v27;
	v32 =	vld [tilespmem:$0x143B0];
	v60 =	vmul.f32 v36, v42  }
0xc1: {  	v57 =	vmul.f32 v52, v42;
	v24 =	vadd.f32 v62, v35;
	v35 =	vld [tilespmem:$0x143C0];
	v46 =	vadd.f32 v51, v41  }
0xc2: {  	s31 =	simm.s32 $0x10;
	s29 =	simm.s32 $0x40;
	v51 =	vmul.f32 v8, v42;
	v45 =	vadd.f32 v63, v37;
	v37 =	vld [tilespmem:$0x143D0];
	v41 =	vadd.f32 v60, v59  }
.LBB2_7:
0xc3: {  	s30 =	smov.u32 s31  }
0xc4: {  	s5 =	sand.u32 $0x70, s31;
	s3 =	sand.u32 $0x3E00, s29;
	v59 =	vmul.f32 v40, v14;
	v13 =	vadd.f32 v56, v13;
	v56 =	vmul.f32 v47, v42;
	s30 =	sadd.s32 $0x10, s31  }
0xc5: {  	p0 =	sne.s32 s31, $0xFF0;
	v48 =	vmul.f32 v48, v34;
	v17 =	vadd.f32 v53, v17;
	v53 =	vmul.f32 v47, v31;
	s3 =	sor.u32 s5, s3  }
0xc6: {  	v18 =	vadd.f32 v55, v18;
	v55 =	vmul.f32 v36, v14;
	v32 =	vadd.f32 v43, v32;
	v60 =	vld [tilespmem:s3+$0x4180]  }
0xc7: {  	v52 =	vmul.f32 v52, v34;
	v28 =	vadd.f32 v58, v28;
	v20 =	vadd.f32 v48, v20;
	v43 =	vld [tilespmem:s3+$0xC180]  }
0xc8: {  	v42 =	vmul.f32 v40, v42;
	v40 =	vmul.f32 v47, v34;
	v37 =	vadd.f32 v51, v37;
	v58 =	vld [tilespmem:s3+$0xC100]  }
0xc9: {  	v31 =	vmul.f32 v36, v31;
	v25 =	vadd.f32 v57, v25;
	v5 =	vadd.f32 v55, v5;
	v51 =	vld [tilespmem:s3+$0x4080]  }
0xca: {  	v23 =	vadd.f32 v52, v23;
	v6 =	vadd.f32 v40, v6;
	v55 =	vmul.f32 v11, v14;
	v34 =	vld [tilespmem:s3+$0x10180]  }
0xcb: {  	v7 =	vadd.f32 v53, v7;
	v29 =	vadd.f32 v31, v29;
	v52 =	vmul.f32 v8, v14;
	v40 =	vld [tilespmem:s3+$0xC080];
	v11 =	vmovc v60  }
0xcc: {  	v22 =	vadd.f32 v49, v22;
	v57 =	vmul.f32 v47, v14;
	v15 =	vadd.f32 v42, v15;
	v31 =	vld [tilespmem:s3+$0x10100];
	v8 =	vmovc v43  }
0xcd: {  	v19 =	vadd.f32 v54, v19;
	v33 =	vadd.f32 v44, v33;
	v48 =	vld [tilespmem:s3+$0xC000];
	v36 =	vmov v58  }
0xce: {  	v9 =	vadd.f32 v56, v9;
	v35 =	vadd.f32 v52, v35;
	v14 =	vld [tilespmem:s3+$0x10000]  }
0xcf: {  	v16 =	vadd.f32 v59, v16;
	v42 =	vld [tilespmem:s3+$0x10080];
	v44 =	vmul.f32 v51, v34;
	v54 =	vmul.f32 v8, v34  }
0xd0: {  	v26 =	vadd.f32 v50, v26;
	v49 =	vmul.f32 v36, v34;
	v56 =	vmul.f32 v40, v34;
	v47 =	vld [tilespmem:s3+$0x4100]  }
0xd1: {  	v30 =	vadd.f32 v55, v30;
	v43 =	vmul.f32 v11, v34;
	v52 =	vld [tilespmem:s3+$0x4000];
	v50 =	vmul.f32 v11, v31  }
0xd2: {  	v53 =	vmul.f32 v51, v31;
	v39 =	vadd.f32 v44, v39;
	v21 =	vadd.f32 v49, v21  }
0xd3: {  	v58 =	vmul.f32 v8, v31;
	v12 =	vadd.f32 v54, v12;
	v49 =	vmul.f32 v48, v14  }
0xd4: {  	v59 =	vmul.f32 v48, v31;
	v38 =	vadd.f32 v56, v38;
	v54 =	vmul.f32 v48, v42  }
.Ltmp2:
0xd5: {  	v10 =	vadd.f32 v57, v10;
	v27 =	vadd.f32 v50, v27;
	v55 =	vmul.f32 v51, v42;
	(pc) =	sbr.rel @p0 .LBB2_7-.Ltmp2, $4  }
0xd6: {  	v24 =	vadd.f32 v58, v24;
	v44 =	vmul.f32 v11, v42;
	v50 =	vmul.f32 v52, v31  }
0xd7: {  	v56 =	vmul.f32 v40, v31;
	v60 =	vmul.f32 v36, v42;
	v45 =	vadd.f32 v54, v45  }
0xd8: {  	v46 =	vadd.f32 v59, v46;
	v54 =	vmul.f32 v51, v14;
	v51 =	vmul.f32 v8, v42  }
0xd9: {  	s29 =	sadd.s32 $0x40, s29;
	s31 =	smov.u32 s30;
	v58 =	vmul.f32 v52, v14;
	v57 =	vmul.f32 v52, v42;
	v41 =	vadd.f32 v60, v41  }
0xda: {  	[tilespmem:$0x14250] =	vst v45  }
0xdb: {  	[tilespmem:$0x14260] =	vst v46  }
0xdc: {  	[tilespmem:$0x142B0] =	vst v39  }
0xdd: {  	[tilespmem:$0x142F0] =	vst v38  }
0xde: {  	[tilespmem:$0x14370] =	vst v21  }
0xdf: {  	[tilespmem:$0x143A0] =	vst v27  }
0xe0: {  	[tilespmem:$0x143E0] =	vst v24  }
0xe1: {  	v26 =	vadd.f32 v50, v26;
	[tilespmem:$0x143F0] =	vst v12  }
0xe2: {  	v25 =	vadd.f32 v57, v25;
	[tilespmem:$0x14350] =	vst v41  }
0xe3: {  	v22 =	vadd.f32 v49, v22;
	[tilespmem:$0x14220] =	vst v26  }
0xe4: {  	v19 =	vadd.f32 v54, v19;
	[tilespmem:$0x14210] =	vst v25;
	v25 =	vmul.f32 v48, v34  }
0xe5: {  	v18 =	vadd.f32 v55, v18;
	[tilespmem:$0x14240] =	vst v22  }
0xe6: {  	[tilespmem:$0x14280] =	vst v19;
	v20 =	vadd.f32 v25, v20  }
0xe7: {  	v17 =	vadd.f32 v53, v17;
	[tilespmem:$0x14290] =	vst v18  }
0xe8: {  	v13 =	vadd.f32 v56, v13;
	[tilespmem:$0x14270] =	vst v20;
	v20 =	vmul.f32 v40, v14  }
0xe9: {  	v52 =	vmul.f32 v52, v34;
	v28 =	vadd.f32 v58, v28;
	[tilespmem:$0x142A0] =	vst v17  }
0xea: {  	v19 =	vmul.f32 v40, v42;
	[tilespmem:$0x142E0] =	vst v13;
	v16 =	vadd.f32 v20, v16  }
0xeb: {  	v23 =	vadd.f32 v52, v23;
	v17 =	vmul.f32 v47, v14;
	[tilespmem:$0x14200] =	vst v28  }
0xec: {  	v15 =	vadd.f32 v19, v15;
	[tilespmem:$0x142C0] =	vst v16;
	v16 =	vmul.f32 v47, v42  }
0xed: {  	v13 =	vmul.f32 v47, v34;
	[tilespmem:$0x14230] =	vst v23;
	v10 =	vadd.f32 v17, v10  }
0xee: {  	[tilespmem:$0x142D0] =	vst v15;
	v15 =	vmul.f32 v47, v31;
	v9 =	vadd.f32 v16, v9  }
0xef: {  	v6 =	vadd.f32 v13, v6;
	[tilespmem:$0x14300] =	vst v10;
	v16 =	vmul.f32 v36, v14  }
0xf0: {  	v7 =	vadd.f32 v15, v7;
	[tilespmem:$0x14310] =	vst v9;
	v9 =	vmul.f32 v36, v31  }
0xf1: {  	[tilespmem:$0x14330] =	vst v6;
	v6 =	vmul.f32 v11, v14;
	v5 =	vadd.f32 v16, v5  }
0xf2: {  	[tilespmem:$0x14320] =	vst v7;
	v7 =	vadd.f32 v9, v29  }
0xf3: {  	[tilespmem:$0x14340] =	vst v5;
	v5 =	vadd.f32 v6, v30  }
0xf4: {  	v6 =	vadd.f32 v44, v33;
	[tilespmem:$0x14360] =	vst v7;
	v7 =	vmul.f32 v8, v14  }
0xf5: {  	[tilespmem:$0x14380] =	vst v5;
	v5 =	vadd.f32 v43, v32  }
0xf6: {  	[tilespmem:$0x14390] =	vst v6;
	v6 =	vadd.f32 v7, v35  }
0xf7: {  	v7 =	vadd.f32 v51, v37;
	[tilespmem:$0x143B0] =	vst v5  }
0xf8: {  	s3 =	sor.u32 $0x40, s28;
	[tilespmem:$0x143C0] =	vst v6  }
0xf9: {  	s5 =	sadd.s32 s0, s3;
	[tilespmem:$0x143D0] =	vst v7  }
0xfa: {  	[tilespmem:s17], [sflag:$0x2] =	stream.strided.gather [hbm4b:s5+s14], $0x4000, s15, s14, $0x38;
	[tilespmem:$0x15180] =	vst v63  }
0xfb: {  	s3 =	sadd.s32 s1, s3  }
0xfc: {  	[tilespmem:s18], [sflag:$0x2] =	stream.strided.gather [hbm4b:s3+s14], $0x4000, s15, s14, $0x38;
	[tilespmem:$0x15180] =	vst v63  }
0xfd: {  	_ =	swait.ge [sflag:s19], $0x4000  }
0xfe: {  	[sflag:s19] =	ssyncset.done $0x0  }
0xff: {  	[sflag:s19] =	ssyncadd.s32 $0xFFFFC000  }
0x100: {  	_ =	swait.ge [sflag:s19], $0x4000  }
0x101: {  	[sflag:s19] =	ssyncset.done $0x0  }
0x102: {  	[sflag:s19] =	ssyncadd.s32 $0xFFFFC000  }
0x103: {  	v27 =	vld [tilespmem:$0x14400]  }
0x104: {  	v24 =	vld [tilespmem:$0x14410]  }
0x105: {  	v25 =	vld [tilespmem:$0x14420]  }
0x106: {  	v23 =	vld [tilespmem:$0x14430]  }
0x107: {  	v22 =	vld [tilespmem:$0x14440]  }
0x108: {  	v37 =	vld [tilespmem:$0x14450]  }
0x109: {  	v41 =	vld [tilespmem:$0x14460]  }
0x10a: {  	v20 =	vld [tilespmem:$0x14470]  }
0x10b: {  	v19 =	vld [tilespmem:$0x14480]  }
0x10c: {  	v18 =	vld [tilespmem:$0x14490]  }
0x10d: {  	v17 =	vld [tilespmem:$0x144A0]  }
0x10e: {  	v13 =	vld [tilespmem:$0x144B0]  }
0x10f: {  	v16 =	vld [tilespmem:$0x144C0]  }
0x110: {  	v14 =	vld [tilespmem:$0x144D0]  }
0x111: {  	v12 =	vld [tilespmem:$0x144E0]  }
0x112: {  	v26 =	vld [tilespmem:$0x144F0]  }
0x113: {  	v10 =	vld [tilespmem:$0x14500]  }
0x114: {  	v9 =	vld [tilespmem:$0x14510]  }
0x115: {  	v7 =	vld [tilespmem:$0x14520]  }
0x116: {  	s29 =	simm.s32 $0x0;
	v6 =	vld [tilespmem:$0x14530]  }
0x117: {  	s31 =	sand.u32 $0x70, s29;
	s3 =	sand.u32 $0x3E00, s29;
	v5 =	vld [tilespmem:$0x14540]  }
0x118: {  	s3 =	sor.u32 s31, s3;
	v21 =	vld [tilespmem:$0x14570]  }
0x119: {  	v11 =	vld [tilespmem:s3+$0x180]  }
0x11a: {  	v8 =	vld [tilespmem:s3+$0x8180]  }
0x11b: {  	v36 =	vld [tilespmem:s3+$0x8100]  }
0x11c: {  	v47 =	vld [tilespmem:s3+$0x80]  }
0x11d: {  	v34 =	vld [tilespmem:s3+$0x10180]  }
0x11e: {  	v40 =	vld [tilespmem:s3+$0x8080]  }
0x11f: {  	v31 =	vld [tilespmem:s3+$0x10100]  }
0x120: {  	v48 =	vld [tilespmem:s3+$0x8000]  }
0x121: {  	v15 =	vld [tilespmem:s3+$0x10000]  }
0x122: {  	v42 =	vld [tilespmem:s3+$0x10080]  }
0x123: {  	v52 =	vld [tilespmem:s3+$0x0];
	v29 =	vmul.f32 v47, v34;
	v63 =	vmul.f32 v8, v34  }
0x124: {  	v28 =	vld [tilespmem:$0x145A0];
	v60 =	vmul.f32 v40, v34;
	v30 =	vmul.f32 v36, v34  }
0x125: {  	v32 =	vld [tilespmem:$0x145F0];
	v61 =	vmul.f32 v11, v31;
	v43 =	vmul.f32 v11, v34  }
0x126: {  	v35 =	vld [tilespmem:$0x145E0];
	v53 =	vmul.f32 v47, v31;
	v49 =	vmul.f32 v48, v15  }
0x127: {  	v59 =	vld [tilespmem:$0x14550];
	v62 =	vmul.f32 v8, v31;
	v51 =	vmul.f32 v48, v31  }
0x128: {  	v33 =	vld [tilespmem:$0x14590];
	v55 =	vmul.f32 v47, v42;
	v50 =	vmul.f32 v52, v31  }
0x129: {  	v44 =	vmul.f32 v11, v42;
	v54 =	vmul.f32 v47, v15;
	v47 =	vld [tilespmem:s3+$0x100]  }
0x12a: {  	v56 =	vmul.f32 v40, v31;
	v58 =	vmul.f32 v52, v15;
	v39 =	vadd.f32 v29, v13;
	v29 =	vld [tilespmem:$0x14560]  }
0x12b: {  	v21 =	vadd.f32 v30, v21;
	v30 =	vld [tilespmem:$0x14580];
	v13 =	vadd.f32 v63, v32;
	v63 =	vmul.f32 v48, v42  }
0x12c: {  	v38 =	vadd.f32 v60, v26;
	v28 =	vadd.f32 v61, v28;
	v32 =	vld [tilespmem:$0x145B0];
	v60 =	vmul.f32 v36, v42  }
0x12d: {  	v57 =	vmul.f32 v52, v42;
	v26 =	vadd.f32 v62, v35;
	v35 =	vld [tilespmem:$0x145C0];
	v46 =	vadd.f32 v51, v41  }
0x12e: {  	s30 =	simm.s32 $0x10;
	s28 =	simm.s32 $0x40;
	v51 =	vmul.f32 v8, v42;
	v45 =	vadd.f32 v63, v37;
	v37 =	vld [tilespmem:$0x145D0];
	v41 =	vadd.f32 v60, v59  }
.LBB2_9:
0x12f: {  	s29 =	smov.u32 s30  }
0x130: {  	s3 =	sand.u32 $0x70, s30;
	s5 =	sand.u32 $0x3E00, s28;
	v59 =	vmul.f32 v40, v15;
	v12 =	vadd.f32 v56, v12;
	v56 =	vmul.f32 v47, v42;
	s29 =	sadd.s32 $0x10, s30  }
0x131: {  	p0 =	sne.s32 s30, $0xFF0;
	v48 =	vmul.f32 v48, v34;
	v17 =	vadd.f32 v53, v17;
	v53 =	vmul.f32 v47, v31;
	s3 =	sor.u32 s3, s5  }
0x132: {  	v18 =	vadd.f32 v55, v18;
	v55 =	vmul.f32 v36, v15;
	v32 =	vadd.f32 v43, v32;
	v60 =	vld [tilespmem:s3+$0x180]  }
0x133: {  	v52 =	vmul.f32 v52, v34;
	v27 =	vadd.f32 v58, v27;
	v20 =	vadd.f32 v48, v20;
	v43 =	vld [tilespmem:s3+$0x8180]  }
0x134: {  	v42 =	vmul.f32 v40, v42;
	v40 =	vmul.f32 v47, v34;
	v37 =	vadd.f32 v51, v37;
	v58 =	vld [tilespmem:s3+$0x8100]  }
0x135: {  	v31 =	vmul.f32 v36, v31;
	v24 =	vadd.f32 v57, v24;
	v5 =	vadd.f32 v55, v5;
	v51 =	vld [tilespmem:s3+$0x80]  }
0x136: {  	v23 =	vadd.f32 v52, v23;
	v6 =	vadd.f32 v40, v6;
	v55 =	vmul.f32 v11, v15;
	v34 =	vld [tilespmem:s3+$0x10180]  }
0x137: {  	v7 =	vadd.f32 v53, v7;
	v29 =	vadd.f32 v31, v29;
	v52 =	vmul.f32 v8, v15;
	v40 =	vld [tilespmem:s3+$0x8080];
	v11 =	vmovc v60  }
0x138: {  	v22 =	vadd.f32 v49, v22;
	v57 =	vmul.f32 v47, v15;
	v14 =	vadd.f32 v42, v14;
	v31 =	vld [tilespmem:s3+$0x10100];
	v8 =	vmovc v43  }
0x139: {  	v19 =	vadd.f32 v54, v19;
	v33 =	vadd.f32 v44, v33;
	v48 =	vld [tilespmem:s3+$0x8000];
	v36 =	vmov v58  }
0x13a: {  	v9 =	vadd.f32 v56, v9;
	v35 =	vadd.f32 v52, v35;
	v15 =	vld [tilespmem:s3+$0x10000]  }
0x13b: {  	v16 =	vadd.f32 v59, v16;
	v42 =	vld [tilespmem:s3+$0x10080];
	v44 =	vmul.f32 v51, v34;
	v54 =	vmul.f32 v8, v34  }
0x13c: {  	v25 =	vadd.f32 v50, v25;
	v49 =	vmul.f32 v36, v34;
	v56 =	vmul.f32 v40, v34;
	v47 =	vld [tilespmem:s3+$0x100]  }
0x13d: {  	v30 =	vadd.f32 v55, v30;
	v43 =	vmul.f32 v11, v34;
	v52 =	vld [tilespmem:s3+$0x0];
	v50 =	vmul.f32 v11, v31  }
0x13e: {  	v53 =	vmul.f32 v51, v31;
	v39 =	vadd.f32 v44, v39;
	v21 =	vadd.f32 v49, v21  }
0x13f: {  	v58 =	vmul.f32 v8, v31;
	v13 =	vadd.f32 v54, v13;
	v49 =	vmul.f32 v48, v15  }
0x140: {  	v59 =	vmul.f32 v48, v31;
	v38 =	vadd.f32 v56, v38;
	v54 =	vmul.f32 v48, v42  }
.Ltmp3:
0x141: {  	v10 =	vadd.f32 v57, v10;
	v28 =	vadd.f32 v50, v28;
	v55 =	vmul.f32 v51, v42;
	(pc) =	sbr.rel @p0 .LBB2_9-.Ltmp3, $4  }
0x142: {  	v26 =	vadd.f32 v58, v26;
	v44 =	vmul.f32 v11, v42;
	v50 =	vmul.f32 v52, v31  }
0x143: {  	v56 =	vmul.f32 v40, v31;
	v60 =	vmul.f32 v36, v42;
	v45 =	vadd.f32 v54, v45  }
0x144: {  	v46 =	vadd.f32 v59, v46;
	v54 =	vmul.f32 v51, v15;
	v51 =	vmul.f32 v8, v42  }
0x145: {  	s28 =	sadd.s32 $0x40, s28;
	s30 =	smov.u32 s29;
	v58 =	vmul.f32 v52, v15;
	v57 =	vmul.f32 v52, v42;
	v41 =	vadd.f32 v60, v41  }
0x146: {  	[tilespmem:$0x14450] =	vst v45  }
0x147: {  	[tilespmem:$0x14460] =	vst v46  }
0x148: {  	[tilespmem:$0x144B0] =	vst v39  }
0x149: {  	[tilespmem:$0x144F0] =	vst v38  }
0x14a: {  	[tilespmem:$0x14570] =	vst v21  }
0x14b: {  	[tilespmem:$0x145A0] =	vst v28  }
0x14c: {  	[tilespmem:$0x145E0] =	vst v26  }
0x14d: {  	v25 =	vadd.f32 v50, v25;
	[tilespmem:$0x145F0] =	vst v13  }
0x14e: {  	v24 =	vadd.f32 v57, v24;
	[tilespmem:$0x14550] =	vst v41  }
0x14f: {  	v22 =	vadd.f32 v49, v22;
	[tilespmem:$0x14420] =	vst v25  }
0x150: {  	v19 =	vadd.f32 v54, v19;
	[tilespmem:$0x14410] =	vst v24;
	v24 =	vmul.f32 v48, v34  }
0x151: {  	v18 =	vadd.f32 v55, v18;
	[tilespmem:$0x14440] =	vst v22  }
0x152: {  	[tilespmem:$0x14480] =	vst v19;
	v20 =	vadd.f32 v24, v20  }
0x153: {  	v17 =	vadd.f32 v53, v17;
	[tilespmem:$0x14490] =	vst v18  }
0x154: {  	v12 =	vadd.f32 v56, v12;
	[tilespmem:$0x14470] =	vst v20;
	v20 =	vmul.f32 v40, v15  }
0x155: {  	v52 =	vmul.f32 v52, v34;
	v27 =	vadd.f32 v58, v27;
	[tilespmem:$0x144A0] =	vst v17  }
0x156: {  	v19 =	vmul.f32 v40, v42;
	[tilespmem:$0x144E0] =	vst v12;
	v16 =	vadd.f32 v20, v16  }
0x157: {  	v23 =	vadd.f32 v52, v23;
	v17 =	vmul.f32 v47, v15;
	[tilespmem:$0x14400] =	vst v27  }
0x158: {  	v14 =	vadd.f32 v19, v14;
	[tilespmem:$0x144C0] =	vst v16;
	v16 =	vmul.f32 v47, v42  }
0x159: {  	v12 =	vmul.f32 v47, v34;
	[tilespmem:$0x14430] =	vst v23;
	v10 =	vadd.f32 v17, v10  }
0x15a: {  	[tilespmem:$0x144D0] =	vst v14;
	v14 =	vmul.f32 v47, v31;
	v9 =	vadd.f32 v16, v9  }
0x15b: {  	v6 =	vadd.f32 v12, v6;
	[tilespmem:$0x14500] =	vst v10;
	v16 =	vmul.f32 v36, v15  }
0x15c: {  	v7 =	vadd.f32 v14, v7;
	[tilespmem:$0x14510] =	vst v9;
	v9 =	vmul.f32 v36, v31  }
0x15d: {  	[tilespmem:$0x14530] =	vst v6;
	v6 =	vmul.f32 v11, v15;
	v5 =	vadd.f32 v16, v5  }
0x15e: {  	[tilespmem:$0x14520] =	vst v7;
	v7 =	vadd.f32 v9, v29  }
0x15f: {  	[tilespmem:$0x14540] =	vst v5;
	v5 =	vadd.f32 v6, v30  }
0x160: {  	v6 =	vadd.f32 v44, v33;
	[tilespmem:$0x14560] =	vst v7;
	v7 =	vmul.f32 v8, v15  }
0x161: {  	[tilespmem:$0x14580] =	vst v5;
	v5 =	vadd.f32 v43, v32  }
0x162: {  	[tilespmem:$0x14590] =	vst v6;
	v6 =	vadd.f32 v7, v35  }
0x163: {  	v7 =	vadd.f32 v51, v37;
	[tilespmem:$0x145B0] =	vst v5  }
0x164: {  	s28 =	sadd.s32 s8, s26;
	[tilespmem:$0x145C0] =	vst v6  }
0x165: {  	s5 =	simm.s32 $0x0;
	s3 =	sadd.s32 s0, s28;
	[tilespmem:$0x145D0] =	vst v7  }
0x166: {  	[tilespmem:s5], [sflag:$0x1] =	stream.strided.gather [hbm4b:s3+s14], $0x4000, s15, s14, $0x38;
	[tilespmem:$0x15180] =	vst v63  }
0x167: {  	s30 =	sadd.s32 s1, s28  }
0x168: {  	[tilespmem:s16], [sflag:$0x1] =	stream.strided.gather [hbm4b:s30+s14], $0x4000, s15, s14, $0x38;
	[tilespmem:$0x15180] =	vst v63  }
0x169: {  	_ =	swait.ge [sflag:s20], $0x4000  }
0x16a: {  	[sflag:s20] =	ssyncset.done $0x0  }
0x16b: {  	[sflag:s20] =	ssyncadd.s32 $0xFFFFC000  }
0x16c: {  	_ =	swait.ge [sflag:s20], $0x4000  }
0x16d: {  	[sflag:s20] =	ssyncset.done $0x0  }
0x16e: {  	[sflag:s20] =	ssyncadd.s32 $0xFFFFC000  }
0x16f: {  	v28 =	vld [tilespmem:$0x14600]  }
0x170: {  	v25 =	vld [tilespmem:$0x14610]  }
0x171: {  	v26 =	vld [tilespmem:$0x14620]  }
0x172: {  	v23 =	vld [tilespmem:$0x14630]  }
0x173: {  	v22 =	vld [tilespmem:$0x14640]  }
0x174: {  	v37 =	vld [tilespmem:$0x14650]  }
0x175: {  	v41 =	vld [tilespmem:$0x14660]  }
0x176: {  	v20 =	vld [tilespmem:$0x14670]  }
0x177: {  	v19 =	vld [tilespmem:$0x14680]  }
0x178: {  	v18 =	vld [tilespmem:$0x14690]  }
0x179: {  	v17 =	vld [tilespmem:$0x146A0]  }
0x17a: {  	v12 =	vld [tilespmem:$0x146B0]  }
0x17b: {  	v16 =	vld [tilespmem:$0x146C0]  }
0x17c: {  	v15 =	vld [tilespmem:$0x146D0]  }
0x17d: {  	v13 =	vld [tilespmem:$0x146E0]  }
0x17e: {  	v24 =	vld [tilespmem:$0x146F0]  }
0x17f: {  	v10 =	vld [tilespmem:$0x14700]  }
0x180: {  	v9 =	vld [tilespmem:$0x14710]  }
0x181: {  	v7 =	vld [tilespmem:$0x14720]  }
0x182: {  	v6 =	vld [tilespmem:$0x14730]  }
0x183: {  	s30 =	sand.u32 $0x70, s5;
	s5 =	sand.u32 $0x3E00, s5;
	v5 =	vld [tilespmem:$0x14740]  }
0x184: {  	s3 =	sor.u32 s30, s5;
	v21 =	vld [tilespmem:$0x14770]  }
0x185: {  	v11 =	vld [tilespmem:s3+$0x4180]  }
0x186: {  	v8 =	vld [tilespmem:s3+$0xC180]  }
0x187: {  	v36 =	vld [tilespmem:s3+$0xC100]  }
0x188: {  	v47 =	vld [tilespmem:s3+$0x4080]  }
0x189: {  	v34 =	vld [tilespmem:s3+$0x10180]  }
0x18a: {  	v40 =	vld [tilespmem:s3+$0xC080]  }
0x18b: {  	v31 =	vld [tilespmem:s3+$0x10100]  }
0x18c: {  	v48 =	vld [tilespmem:s3+$0xC000]  }
0x18d: {  	v14 =	vld [tilespmem:s3+$0x10000]  }
0x18e: {  	v42 =	vld [tilespmem:s3+$0x10080]  }
0x18f: {  	v52 =	vld [tilespmem:s3+$0x4000];
	v29 =	vmul.f32 v47, v34;
	v63 =	vmul.f32 v8, v34  }
0x190: {  	v27 =	vld [tilespmem:$0x147A0];
	v60 =	vmul.f32 v40, v34;
	v30 =	vmul.f32 v36, v34  }
0x191: {  	v32 =	vld [tilespmem:$0x147F0];
	v61 =	vmul.f32 v11, v31;
	v43 =	vmul.f32 v11, v34  }
0x192: {  	v35 =	vld [tilespmem:$0x147E0];
	v53 =	vmul.f32 v47, v31;
	v49 =	vmul.f32 v48, v14  }
0x193: {  	v59 =	vld [tilespmem:$0x14750];
	v62 =	vmul.f32 v8, v31;
	v51 =	vmul.f32 v48, v31  }
0x194: {  	v33 =	vld [tilespmem:$0x14790];
	v55 =	vmul.f32 v47, v42;
	v50 =	vmul.f32 v52, v31  }
0x195: {  	v44 =	vmul.f32 v11, v42;
	v54 =	vmul.f32 v47, v14;
	v47 =	vld [tilespmem:s3+$0x4100]  }
0x196: {  	v56 =	vmul.f32 v40, v31;
	v58 =	vmul.f32 v52, v14;
	v39 =	vadd.f32 v29, v12;
	v29 =	vld [tilespmem:$0x14760]  }
0x197: {  	v21 =	vadd.f32 v30, v21;
	v30 =	vld [tilespmem:$0x14780];
	v12 =	vadd.f32 v63, v32;
	v63 =	vmul.f32 v48, v42  }
0x198: {  	v38 =	vadd.f32 v60, v24;
	v27 =	vadd.f32 v61, v27;
	v32 =	vld [tilespmem:$0x147B0];
	v60 =	vmul.f32 v36, v42  }
0x199: {  	v57 =	vmul.f32 v52, v42;
	v24 =	vadd.f32 v62, v35;
	v35 =	vld [tilespmem:$0x147C0];
	v46 =	vadd.f32 v51, v41  }
0x19a: {  	s31 =	simm.s32 $0x10;
	s29 =	simm.s32 $0x40;
	v51 =	vmul.f32 v8, v42;
	v45 =	vadd.f32 v63, v37;
	v37 =	vld [tilespmem:$0x147D0];
	v41 =	vadd.f32 v60, v59  }
.LBB2_11:
0x19b: {  	s30 =	smov.u32 s31  }
0x19c: {  	s3 =	sand.u32 $0x70, s31;
	s5 =	sand.u32 $0x3E00, s29;
	v59 =	vmul.f32 v40, v14;
	v13 =	vadd.f32 v56, v13;
	v56 =	vmul.f32 v47, v42;
	s30 =	sadd.s32 $0x10, s31  }
0x19d: {  	p0 =	sne.s32 s31, $0xFF0;
	v48 =	vmul.f32 v48, v34;
	v17 =	vadd.f32 v53, v17;
	v53 =	vmul.f32 v47, v31;
	s3 =	sor.u32 s3, s5  }
0x19e: {  	v18 =	vadd.f32 v55, v18;
	v55 =	vmul.f32 v36, v14;
	v32 =	vadd.f32 v43, v32;
	v60 =	vld [tilespmem:s3+$0x4180]  }
0x19f: {  	v52 =	vmul.f32 v52, v34;
	v28 =	vadd.f32 v58, v28;
	v20 =	vadd.f32 v48, v20;
	v43 =	vld [tilespmem:s3+$0xC180]  }
0x1a0: {  	v42 =	vmul.f32 v40, v42;
	v40 =	vmul.f32 v47, v34;
	v37 =	vadd.f32 v51, v37;
	v58 =	vld [tilespmem:s3+$0xC100]  }
0x1a1: {  	v31 =	vmul.f32 v36, v31;
	v25 =	vadd.f32 v57, v25;
	v5 =	vadd.f32 v55, v5;
	v51 =	vld [tilespmem:s3+$0x4080]  }
0x1a2: {  	v23 =	vadd.f32 v52, v23;
	v6 =	vadd.f32 v40, v6;
	v55 =	vmul.f32 v11, v14;
	v34 =	vld [tilespmem:s3+$0x10180]  }
0x1a3: {  	v7 =	vadd.f32 v53, v7;
	v29 =	vadd.f32 v31, v29;
	v52 =	vmul.f32 v8, v14;
	v40 =	vld [tilespmem:s3+$0xC080];
	v11 =	vmovc v60  }
0x1a4: {  	v22 =	vadd.f32 v49, v22;
	v57 =	vmul.f32 v47, v14;
	v15 =	vadd.f32 v42, v15;
	v31 =	vld [tilespmem:s3+$0x10100];
	v8 =	vmovc v43  }
0x1a5: {  	v19 =	vadd.f32 v54, v19;
	v33 =	vadd.f32 v44, v33;
	v48 =	vld [tilespmem:s3+$0xC000];
	v36 =	vmov v58  }
0x1a6: {  	v9 =	vadd.f32 v56, v9;
	v35 =	vadd.f32 v52, v35;
	v14 =	vld [tilespmem:s3+$0x10000]  }
0x1a7: {  	v16 =	vadd.f32 v59, v16;
	v42 =	vld [tilespmem:s3+$0x10080];
	v44 =	vmul.f32 v51, v34;
	v54 =	vmul.f32 v8, v34  }
0x1a8: {  	v26 =	vadd.f32 v50, v26;
	v49 =	vmul.f32 v36, v34;
	v56 =	vmul.f32 v40, v34;
	v47 =	vld [tilespmem:s3+$0x4100]  }
0x1a9: {  	v30 =	vadd.f32 v55, v30;
	v43 =	vmul.f32 v11, v34;
	v52 =	vld [tilespmem:s3+$0x4000];
	v50 =	vmul.f32 v11, v31  }
0x1aa: {  	v53 =	vmul.f32 v51, v31;
	v39 =	vadd.f32 v44, v39;
	v21 =	vadd.f32 v49, v21  }
0x1ab: {  	v58 =	vmul.f32 v8, v31;
	v12 =	vadd.f32 v54, v12;
	v49 =	vmul.f32 v48, v14  }
0x1ac: {  	v59 =	vmul.f32 v48, v31;
	v38 =	vadd.f32 v56, v38;
	v54 =	vmul.f32 v48, v42  }
.Ltmp4:
0x1ad: {  	v10 =	vadd.f32 v57, v10;
	v27 =	vadd.f32 v50, v27;
	v55 =	vmul.f32 v51, v42;
	(pc) =	sbr.rel @p0 .LBB2_11-.Ltmp4, $4  }
0x1ae: {  	v24 =	vadd.f32 v58, v24;
	v44 =	vmul.f32 v11, v42;
	v50 =	vmul.f32 v52, v31  }
0x1af: {  	v56 =	vmul.f32 v40, v31;
	v60 =	vmul.f32 v36, v42;
	v45 =	vadd.f32 v54, v45  }
0x1b0: {  	v46 =	vadd.f32 v59, v46;
	v54 =	vmul.f32 v51, v14;
	v51 =	vmul.f32 v8, v42  }
0x1b1: {  	s29 =	sadd.s32 $0x40, s29;
	s31 =	smov.u32 s30;
	v58 =	vmul.f32 v52, v14;
	v57 =	vmul.f32 v52, v42;
	v41 =	vadd.f32 v60, v41  }
0x1b2: {  	[tilespmem:$0x14650] =	vst v45  }
0x1b3: {  	[tilespmem:$0x14660] =	vst v46  }
0x1b4: {  	[tilespmem:$0x146B0] =	vst v39  }
0x1b5: {  	[tilespmem:$0x146F0] =	vst v38  }
0x1b6: {  	[tilespmem:$0x14770] =	vst v21  }
0x1b7: {  	[tilespmem:$0x147A0] =	vst v27  }
0x1b8: {  	[tilespmem:$0x147E0] =	vst v24  }
0x1b9: {  	v26 =	vadd.f32 v50, v26;
	[tilespmem:$0x147F0] =	vst v12  }
0x1ba: {  	v25 =	vadd.f32 v57, v25;
	[tilespmem:$0x14750] =	vst v41  }
0x1bb: {  	v22 =	vadd.f32 v49, v22;
	[tilespmem:$0x14620] =	vst v26  }
0x1bc: {  	v19 =	vadd.f32 v54, v19;
	[tilespmem:$0x14610] =	vst v25;
	v25 =	vmul.f32 v48, v34  }
0x1bd: {  	v18 =	vadd.f32 v55, v18;
	[tilespmem:$0x14640] =	vst v22  }
0x1be: {  	[tilespmem:$0x14680] =	vst v19;
	v20 =	vadd.f32 v25, v20  }
0x1bf: {  	v17 =	vadd.f32 v53, v17;
	[tilespmem:$0x14690] =	vst v18  }
0x1c0: {  	v13 =	vadd.f32 v56, v13;
	[tilespmem:$0x14670] =	vst v20;
	v20 =	vmul.f32 v40, v14  }
0x1c1: {  	v52 =	vmul.f32 v52, v34;
	v28 =	vadd.f32 v58, v28;
	[tilespmem:$0x146A0] =	vst v17  }
0x1c2: {  	v19 =	vmul.f32 v40, v42;
	[tilespmem:$0x146E0] =	vst v13;
	v16 =	vadd.f32 v20, v16  }
0x1c3: {  	v23 =	vadd.f32 v52, v23;
	v17 =	vmul.f32 v47, v14;
	[tilespmem:$0x14600] =	vst v28  }
0x1c4: {  	v15 =	vadd.f32 v19, v15;
	[tilespmem:$0x146C0] =	vst v16;
	v16 =	vmul.f32 v47, v42  }
0x1c5: {  	v13 =	vmul.f32 v47, v34;
	[tilespmem:$0x14630] =	vst v23;
	v10 =	vadd.f32 v17, v10  }
0x1c6: {  	[tilespmem:$0x146D0] =	vst v15;
	v15 =	vmul.f32 v47, v31;
	v9 =	vadd.f32 v16, v9  }
0x1c7: {  	v6 =	vadd.f32 v13, v6;
	[tilespmem:$0x14700] =	vst v10;
	v16 =	vmul.f32 v36, v14  }
0x1c8: {  	v7 =	vadd.f32 v15, v7;
	[tilespmem:$0x14710] =	vst v9;
	v9 =	vmul.f32 v36, v31  }
0x1c9: {  	[tilespmem:$0x14730] =	vst v6;
	v6 =	vmul.f32 v11, v14;
	v5 =	vadd.f32 v16, v5  }
0x1ca: {  	[tilespmem:$0x14720] =	vst v7;
	v7 =	vadd.f32 v9, v29  }
0x1cb: {  	[tilespmem:$0x14740] =	vst v5;
	v5 =	vadd.f32 v6, v30  }
0x1cc: {  	v6 =	vadd.f32 v44, v33;
	[tilespmem:$0x14760] =	vst v7;
	v7 =	vmul.f32 v8, v14  }
0x1cd: {  	[tilespmem:$0x14780] =	vst v5;
	v5 =	vadd.f32 v43, v32  }
0x1ce: {  	[tilespmem:$0x14790] =	vst v6;
	v6 =	vadd.f32 v7, v35  }
0x1cf: {  	v7 =	vadd.f32 v51, v37;
	[tilespmem:$0x147B0] =	vst v5  }
0x1d0: {  	s3 =	sor.u32 $0x40, s28;
	[tilespmem:$0x147C0] =	vst v6  }
0x1d1: {  	s5 =	sadd.s32 s0, s3;
	[tilespmem:$0x147D0] =	vst v7  }
0x1d2: {  	[tilespmem:s17], [sflag:$0x2] =	stream.strided.gather [hbm4b:s5+s14], $0x4000, s15, s14, $0x38;
	[tilespmem:$0x15180] =	vst v63  }
0x1d3: {  	s3 =	sadd.s32 s1, s3  }
0x1d4: {  	[tilespmem:s18], [sflag:$0x2] =	stream.strided.gather [hbm4b:s3+s14], $0x4000, s15, s14, $0x38;
	[tilespmem:$0x15180] =	vst v63  }
0x1d5: {  	_ =	swait.ge [sflag:s19], $0x4000  }
0x1d6: {  	[sflag:s19] =	ssyncset.done $0x0  }
0x1d7: {  	[sflag:s19] =	ssyncadd.s32 $0xFFFFC000  }
0x1d8: {  	_ =	swait.ge [sflag:s19], $0x4000  }
0x1d9: {  	[sflag:s19] =	ssyncset.done $0x0  }
0x1da: {  	[sflag:s19] =	ssyncadd.s32 $0xFFFFC000  }
0x1db: {  	v27 =	vld [tilespmem:$0x14800]  }
0x1dc: {  	v24 =	vld [tilespmem:$0x14810]  }
0x1dd: {  	v25 =	vld [tilespmem:$0x14820]  }
0x1de: {  	v23 =	vld [tilespmem:$0x14830]  }
0x1df: {  	v22 =	vld [tilespmem:$0x14840]  }
0x1e0: {  	v37 =	vld [tilespmem:$0x14850]  }
0x1e1: {  	v41 =	vld [tilespmem:$0x14860]  }
0x1e2: {  	v20 =	vld [tilespmem:$0x14870]  }
0x1e3: {  	v19 =	vld [tilespmem:$0x14880]  }
0x1e4: {  	v18 =	vld [tilespmem:$0x14890]  }
0x1e5: {  	v17 =	vld [tilespmem:$0x148A0]  }
0x1e6: {  	v13 =	vld [tilespmem:$0x148B0]  }
0x1e7: {  	v16 =	vld [tilespmem:$0x148C0]  }
0x1e8: {  	v14 =	vld [tilespmem:$0x148D0]  }
0x1e9: {  	v12 =	vld [tilespmem:$0x148E0]  }
0x1ea: {  	v26 =	vld [tilespmem:$0x148F0]  }
0x1eb: {  	v10 =	vld [tilespmem:$0x14900]  }
0x1ec: {  	v9 =	vld [tilespmem:$0x14910]  }
0x1ed: {  	v7 =	vld [tilespmem:$0x14920]  }
0x1ee: {  	s29 =	simm.s32 $0x0;
	v6 =	vld [tilespmem:$0x14930]  }
0x1ef: {  	s31 =	sand.u32 $0x70, s29;
	s3 =	sand.u32 $0x3E00, s29;
	v5 =	vld [tilespmem:$0x14940]  }
0x1f0: {  	s3 =	sor.u32 s31, s3;
	v21 =	vld [tilespmem:$0x14970]  }
0x1f1: {  	v11 =	vld [tilespmem:s3+$0x180]  }
0x1f2: {  	v8 =	vld [tilespmem:s3+$0x8180]  }
0x1f3: {  	v36 =	vld [tilespmem:s3+$0x8100]  }
0x1f4: {  	v47 =	vld [tilespmem:s3+$0x80]  }
0x1f5: {  	v34 =	vld [tilespmem:s3+$0x10180]  }
0x1f6: {  	v40 =	vld [tilespmem:s3+$0x8080]  }
0x1f7: {  	v31 =	vld [tilespmem:s3+$0x10100]  }
0x1f8: {  	v48 =	vld [tilespmem:s3+$0x8000]  }
0x1f9: {  	v15 =	vld [tilespmem:s3+$0x10000]  }
0x1fa: {  	v42 =	vld [tilespmem:s3+$0x10080]  }
0x1fb: {  	v52 =	vld [tilespmem:s3+$0x0];
	v29 =	vmul.f32 v47, v34;
	v63 =	vmul.f32 v8, v34  }
0x1fc: {  	v28 =	vld [tilespmem:$0x149A0];
	v60 =	vmul.f32 v40, v34;
	v30 =	vmul.f32 v36, v34  }
0x1fd: {  	v32 =	vld [tilespmem:$0x149F0];
	v61 =	vmul.f32 v11, v31;
	v43 =	vmul.f32 v11, v34  }
0x1fe: {  	v35 =	vld [tilespmem:$0x149E0];
	v53 =	vmul.f32 v47, v31;
	v49 =	vmul.f32 v48, v15  }
0x1ff: {  	v59 =	vld [tilespmem:$0x14950];
	v62 =	vmul.f32 v8, v31;
	v51 =	vmul.f32 v48, v31  }
0x200: {  	v33 =	vld [tilespmem:$0x14990];
	v55 =	vmul.f32 v47, v42;
	v50 =	vmul.f32 v52, v31  }
0x201: {  	v44 =	vmul.f32 v11, v42;
	v54 =	vmul.f32 v47, v15;
	v47 =	vld [tilespmem:s3+$0x100]  }
0x202: {  	v56 =	vmul.f32 v40, v31;
	v58 =	vmul.f32 v52, v15;
	v39 =	vadd.f32 v29, v13;
	v29 =	vld [tilespmem:$0x14960]  }
0x203: {  	v21 =	vadd.f32 v30, v21;
	v30 =	vld [tilespmem:$0x14980];
	v13 =	vadd.f32 v63, v32;
	v63 =	vmul.f32 v48, v42  }
0x204: {  	v38 =	vadd.f32 v60, v26;
	v28 =	vadd.f32 v61, v28;
	v32 =	vld [tilespmem:$0x149B0];
	v60 =	vmul.f32 v36, v42  }
0x205: {  	v57 =	vmul.f32 v52, v42;
	v26 =	vadd.f32 v62, v35;
	v35 =	vld [tilespmem:$0x149C0];
	v46 =	vadd.f32 v51, v41  }
0x206: {  	s30 =	simm.s32 $0x10;
	s28 =	simm.s32 $0x40;
	v51 =	vmul.f32 v8, v42;
	v45 =	vadd.f32 v63, v37;
	v37 =	vld [tilespmem:$0x149D0];
	v41 =	vadd.f32 v60, v59  }
.LBB2_13:
0x207: {  	s29 =	smov.u32 s30  }
0x208: {  	s3 =	sand.u32 $0x70, s30;
	s5 =	sand.u32 $0x3E00, s28;
	v59 =	vmul.f32 v40, v15;
	v12 =	vadd.f32 v56, v12;
	v56 =	vmul.f32 v47, v42;
	s29 =	sadd.s32 $0x10, s30  }
0x209: {  	p0 =	sne.s32 s30, $0xFF0;
	v48 =	vmul.f32 v48, v34;
	v17 =	vadd.f32 v53, v17;
	v53 =	vmul.f32 v47, v31;
	s3 =	sor.u32 s3, s5  }
0x20a: {  	v18 =	vadd.f32 v55, v18;
	v55 =	vmul.f32 v36, v15;
	v32 =	vadd.f32 v43, v32;
	v60 =	vld [tilespmem:s3+$0x180]  }
0x20b: {  	v52 =	vmul.f32 v52, v34;
	v27 =	vadd.f32 v58, v27;
	v20 =	vadd.f32 v48, v20;
	v43 =	vld [tilespmem:s3+$0x8180]  }
0x20c: {  	v42 =	vmul.f32 v40, v42;
	v40 =	vmul.f32 v47, v34;
	v37 =	vadd.f32 v51, v37;
	v58 =	vld [tilespmem:s3+$0x8100]  }
0x20d: {  	v31 =	vmul.f32 v36, v31;
	v24 =	vadd.f32 v57, v24;
	v5 =	vadd.f32 v55, v5;
	v51 =	vld [tilespmem:s3+$0x80]  }
0x20e: {  	v23 =	vadd.f32 v52, v23;
	v6 =	vadd.f32 v40, v6;
	v55 =	vmul.f32 v11, v15;
	v34 =	vld [tilespmem:s3+$0x10180]  }
0x20f: {  	v7 =	vadd.f32 v53, v7;
	v29 =	vadd.f32 v31, v29;
	v52 =	vmul.f32 v8, v15;
	v40 =	vld [tilespmem:s3+$0x8080];
	v11 =	vmovc v60  }
0x210: {  	v22 =	vadd.f32 v49, v22;
	v57 =	vmul.f32 v47, v15;
	v14 =	vadd.f32 v42, v14;
	v31 =	vld [tilespmem:s3+$0x10100];
	v8 =	vmovc v43  }
0x211: {  	v19 =	vadd.f32 v54, v19;
	v33 =	vadd.f32 v44, v33;
	v48 =	vld [tilespmem:s3+$0x8000];
	v36 =	vmov v58  }
0x212: {  	v9 =	vadd.f32 v56, v9;
	v35 =	vadd.f32 v52, v35;
	v15 =	vld [tilespmem:s3+$0x10000]  }
0x213: {  	v16 =	vadd.f32 v59, v16;
	v42 =	vld [tilespmem:s3+$0x10080];
	v44 =	vmul.f32 v51, v34;
	v54 =	vmul.f32 v8, v34  }
0x214: {  	v25 =	vadd.f32 v50, v25;
	v49 =	vmul.f32 v36, v34;
	v56 =	vmul.f32 v40, v34;
	v47 =	vld [tilespmem:s3+$0x100]  }
0x215: {  	v30 =	vadd.f32 v55, v30;
	v43 =	vmul.f32 v11, v34;
	v52 =	vld [tilespmem:s3+$0x0];
	v50 =	vmul.f32 v11, v31  }
0x216: {  	v53 =	vmul.f32 v51, v31;
	v39 =	vadd.f32 v44, v39;
	v21 =	vadd.f32 v49, v21  }
0x217: {  	v58 =	vmul.f32 v8, v31;
	v13 =	vadd.f32 v54, v13;
	v49 =	vmul.f32 v48, v15  }
0x218: {  	v59 =	vmul.f32 v48, v31;
	v38 =	vadd.f32 v56, v38;
	v54 =	vmul.f32 v48, v42  }
.Ltmp5:
0x219: {  	v10 =	vadd.f32 v57, v10;
	v28 =	vadd.f32 v50, v28;
	v55 =	vmul.f32 v51, v42;
	(pc) =	sbr.rel @p0 .LBB2_13-.Ltmp5, $4  }
0x21a: {  	v26 =	vadd.f32 v58, v26;
	v44 =	vmul.f32 v11, v42;
	v50 =	vmul.f32 v52, v31  }
0x21b: {  	v56 =	vmul.f32 v40, v31;
	v60 =	vmul.f32 v36, v42;
	v45 =	vadd.f32 v54, v45  }
0x21c: {  	v46 =	vadd.f32 v59, v46;
	v54 =	vmul.f32 v51, v15;
	v51 =	vmul.f32 v8, v42  }
0x21d: {  	s28 =	sadd.s32 $0x40, s28;
	s30 =	smov.u32 s29;
	v58 =	vmul.f32 v52, v15;
	v57 =	vmul.f32 v52, v42;
	v41 =	vadd.f32 v60, v41  }
0x21e: {  	[tilespmem:$0x14850] =	vst v45  }
0x21f: {  	[tilespmem:$0x14860] =	vst v46  }
0x220: {  	[tilespmem:$0x148B0] =	vst v39  }
0x221: {  	[tilespmem:$0x148F0] =	vst v38  }
0x222: {  	[tilespmem:$0x14970] =	vst v21  }
0x223: {  	[tilespmem:$0x149A0] =	vst v28  }
0x224: {  	[tilespmem:$0x149E0] =	vst v26  }
0x225: {  	v25 =	vadd.f32 v50, v25;
	[tilespmem:$0x149F0] =	vst v13  }
0x226: {  	v24 =	vadd.f32 v57, v24;
	[tilespmem:$0x14950] =	vst v41  }
0x227: {  	v22 =	vadd.f32 v49, v22;
	[tilespmem:$0x14820] =	vst v25  }
0x228: {  	v19 =	vadd.f32 v54, v19;
	[tilespmem:$0x14810] =	vst v24;
	v24 =	vmul.f32 v48, v34  }
0x229: {  	v18 =	vadd.f32 v55, v18;
	[tilespmem:$0x14840] =	vst v22  }
0x22a: {  	[tilespmem:$0x14880] =	vst v19;
	v20 =	vadd.f32 v24, v20  }
0x22b: {  	v17 =	vadd.f32 v53, v17;
	[tilespmem:$0x14890] =	vst v18  }
0x22c: {  	v12 =	vadd.f32 v56, v12;
	[tilespmem:$0x14870] =	vst v20;
	v20 =	vmul.f32 v40, v15  }
0x22d: {  	v52 =	vmul.f32 v52, v34;
	v27 =	vadd.f32 v58, v27;
	[tilespmem:$0x148A0] =	vst v17  }
0x22e: {  	v19 =	vmul.f32 v40, v42;
	[tilespmem:$0x148E0] =	vst v12;
	v16 =	vadd.f32 v20, v16  }
0x22f: {  	v23 =	vadd.f32 v52, v23;
	v17 =	vmul.f32 v47, v15;
	[tilespmem:$0x14800] =	vst v27  }
0x230: {  	v14 =	vadd.f32 v19, v14;
	[tilespmem:$0x148C0] =	vst v16;
	v16 =	vmul.f32 v47, v42  }
0x231: {  	v12 =	vmul.f32 v47, v34;
	[tilespmem:$0x14830] =	vst v23;
	v10 =	vadd.f32 v17, v10  }
0x232: {  	[tilespmem:$0x148D0] =	vst v14;
	v14 =	vmul.f32 v47, v31;
	v9 =	vadd.f32 v16, v9  }
0x233: {  	v6 =	vadd.f32 v12, v6;
	[tilespmem:$0x14900] =	vst v10;
	v16 =	vmul.f32 v36, v15  }
0x234: {  	v7 =	vadd.f32 v14, v7;
	[tilespmem:$0x14910] =	vst v9;
	v9 =	vmul.f32 v36, v31  }
0x235: {  	[tilespmem:$0x14930] =	vst v6;
	v6 =	vmul.f32 v11, v15;
	v5 =	vadd.f32 v16, v5  }
0x236: {  	[tilespmem:$0x14920] =	vst v7;
	v7 =	vadd.f32 v9, v29  }
0x237: {  	[tilespmem:$0x14940] =	vst v5;
	v5 =	vadd.f32 v6, v30  }
0x238: {  	v6 =	vadd.f32 v44, v33;
	[tilespmem:$0x14960] =	vst v7;
	v7 =	vmul.f32 v8, v15  }
0x239: {  	[tilespmem:$0x14980] =	vst v5;
	v5 =	vadd.f32 v43, v32  }
0x23a: {  	[tilespmem:$0x14990] =	vst v6;
	v6 =	vadd.f32 v7, v35  }
0x23b: {  	v7 =	vadd.f32 v51, v37;
	[tilespmem:$0x149B0] =	vst v5  }
0x23c: {  	s26 =	sadd.s32 s9, s26;
	[tilespmem:$0x149C0] =	vst v6  }
0x23d: {  	s5 =	simm.s32 $0x0;
	s3 =	sadd.s32 s0, s26;
	[tilespmem:$0x149D0] =	vst v7  }
0x23e: {  	[tilespmem:s5], [sflag:$0x1] =	stream.strided.gather [hbm4b:s3+s14], $0x4000, s15, s14, $0x38;
	[tilespmem:$0x15180] =	vst v63  }
0x23f: {  	s29 =	sadd.s32 s1, s26  }
0x240: {  	[tilespmem:s16], [sflag:$0x1] =	stream.strided.gather [hbm4b:s29+s14], $0x4000, s15, s14, $0x38;
	[tilespmem:$0x15180] =	vst v63  }
0x241: {  	_ =	swait.ge [sflag:s20], $0x4000  }
0x242: {  	[sflag:s20] =	ssyncset.done $0x0  }
0x243: {  	[sflag:s20] =	ssyncadd.s32 $0xFFFFC000  }
0x244: {  	_ =	swait.ge [sflag:s20], $0x4000  }
0x245: {  	[sflag:s20] =	ssyncset.done $0x0  }
0x246: {  	[sflag:s20] =	ssyncadd.s32 $0xFFFFC000  }
0x247: {  	v28 =	vld [tilespmem:$0x14A00]  }
0x248: {  	v25 =	vld [tilespmem:$0x14A10]  }
0x249: {  	v26 =	vld [tilespmem:$0x14A20]  }
0x24a: {  	v23 =	vld [tilespmem:$0x14A30]  }
0x24b: {  	v22 =	vld [tilespmem:$0x14A40]  }
0x24c: {  	v37 =	vld [tilespmem:$0x14A50]  }
0x24d: {  	v41 =	vld [tilespmem:$0x14A60]  }
0x24e: {  	v20 =	vld [tilespmem:$0x14A70]  }
0x24f: {  	v19 =	vld [tilespmem:$0x14A80]  }
0x250: {  	v18 =	vld [tilespmem:$0x14A90]  }
0x251: {  	v17 =	vld [tilespmem:$0x14AA0]  }
0x252: {  	v12 =	vld [tilespmem:$0x14AB0]  }
0x253: {  	v16 =	vld [tilespmem:$0x14AC0]  }
0x254: {  	v15 =	vld [tilespmem:$0x14AD0]  }
0x255: {  	v13 =	vld [tilespmem:$0x14AE0]  }
0x256: {  	v24 =	vld [tilespmem:$0x14AF0]  }
0x257: {  	v10 =	vld [tilespmem:$0x14B00]  }
0x258: {  	v9 =	vld [tilespmem:$0x14B10]  }
0x259: {  	v7 =	vld [tilespmem:$0x14B20]  }
0x25a: {  	v6 =	vld [tilespmem:$0x14B30]  }
0x25b: {  	s31 =	sand.u32 $0x70, s5;
	s5 =	sand.u32 $0x3E00, s5;
	v5 =	vld [tilespmem:$0x14B40]  }
0x25c: {  	s3 =	sor.u32 s31, s5;
	v21 =	vld [tilespmem:$0x14B70]  }
0x25d: {  	v11 =	vld [tilespmem:s3+$0x4180]  }
0x25e: {  	v8 =	vld [tilespmem:s3+$0xC180]  }
0x25f: {  	v36 =	vld [tilespmem:s3+$0xC100]  }
0x260: {  	v47 =	vld [tilespmem:s3+$0x4080]  }
0x261: {  	v34 =	vld [tilespmem:s3+$0x10180]  }
0x262: {  	v40 =	vld [tilespmem:s3+$0xC080]  }
0x263: {  	v31 =	vld [tilespmem:s3+$0x10100]  }
0x264: {  	v48 =	vld [tilespmem:s3+$0xC000]  }
0x265: {  	v14 =	vld [tilespmem:s3+$0x10000]  }
0x266: {  	v42 =	vld [tilespmem:s3+$0x10080]  }
0x267: {  	v52 =	vld [tilespmem:s3+$0x4000];
	v29 =	vmul.f32 v47, v34;
	v63 =	vmul.f32 v8, v34  }
0x268: {  	v27 =	vld [tilespmem:$0x14BA0];
	v60 =	vmul.f32 v40, v34;
	v30 =	vmul.f32 v36, v34  }
0x269: {  	v32 =	vld [tilespmem:$0x14BF0];
	v61 =	vmul.f32 v11, v31;
	v43 =	vmul.f32 v11, v34  }
0x26a: {  	v35 =	vld [tilespmem:$0x14BE0];
	v53 =	vmul.f32 v47, v31;
	v49 =	vmul.f32 v48, v14  }
0x26b: {  	v59 =	vld [tilespmem:$0x14B50];
	v62 =	vmul.f32 v8, v31;
	v51 =	vmul.f32 v48, v31  }
0x26c: {  	v33 =	vld [tilespmem:$0x14B90];
	v55 =	vmul.f32 v47, v42;
	v50 =	vmul.f32 v52, v31  }
0x26d: {  	v44 =	vmul.f32 v11, v42;
	v54 =	vmul.f32 v47, v14;
	v47 =	vld [tilespmem:s3+$0x4100]  }
0x26e: {  	v56 =	vmul.f32 v40, v31;
	v58 =	vmul.f32 v52, v14;
	v39 =	vadd.f32 v29, v12;
	v29 =	vld [tilespmem:$0x14B60]  }
0x26f: {  	v21 =	vadd.f32 v30, v21;
	v30 =	vld [tilespmem:$0x14B80];
	v12 =	vadd.f32 v63, v32;
	v63 =	vmul.f32 v48, v42  }
0x270: {  	v38 =	vadd.f32 v60, v24;
	v27 =	vadd.f32 v61, v27;
	v32 =	vld [tilespmem:$0x14BB0];
	v60 =	vmul.f32 v36, v42  }
0x271: {  	v57 =	vmul.f32 v52, v42;
	v24 =	vadd.f32 v62, v35;
	v35 =	vld [tilespmem:$0x14BC0];
	v46 =	vadd.f32 v51, v41  }
0x272: {  	s30 =	simm.s32 $0x10;
	s28 =	simm.s32 $0x40;
	v51 =	vmul.f32 v8, v42;
	v45 =	vadd.f32 v63, v37;
	v37 =	vld [tilespmem:$0x14BD0];
	v41 =	vadd.f32 v60, v59  }
.LBB2_15:
0x273: {  	s29 =	smov.u32 s30  }
0x274: {  	s3 =	sand.u32 $0x70, s30;
	s5 =	sand.u32 $0x3E00, s28;
	v59 =	vmul.f32 v40, v14;
	v13 =	vadd.f32 v56, v13;
	v56 =	vmul.f32 v47, v42;
	s29 =	sadd.s32 $0x10, s30  }
0x275: {  	p0 =	sne.s32 s30, $0xFF0;
	v48 =	vmul.f32 v48, v34;
	v17 =	vadd.f32 v53, v17;
	v53 =	vmul.f32 v47, v31;
	s3 =	sor.u32 s3, s5  }
0x276: {  	v18 =	vadd.f32 v55, v18;
	v55 =	vmul.f32 v36, v14;
	v32 =	vadd.f32 v43, v32;
	v60 =	vld [tilespmem:s3+$0x4180]  }
0x277: {  	v52 =	vmul.f32 v52, v34;
	v28 =	vadd.f32 v58, v28;
	v20 =	vadd.f32 v48, v20;
	v43 =	vld [tilespmem:s3+$0xC180]  }
0x278: {  	v42 =	vmul.f32 v40, v42;
	v40 =	vmul.f32 v47, v34;
	v37 =	vadd.f32 v51, v37;
	v58 =	vld [tilespmem:s3+$0xC100]  }
0x279: {  	v31 =	vmul.f32 v36, v31;
	v25 =	vadd.f32 v57, v25;
	v5 =	vadd.f32 v55, v5;
	v51 =	vld [tilespmem:s3+$0x4080]  }
0x27a: {  	v23 =	vadd.f32 v52, v23;
	v6 =	vadd.f32 v40, v6;
	v55 =	vmul.f32 v11, v14;
	v34 =	vld [tilespmem:s3+$0x10180]  }
0x27b: {  	v7 =	vadd.f32 v53, v7;
	v29 =	vadd.f32 v31, v29;
	v52 =	vmul.f32 v8, v14;
	v40 =	vld [tilespmem:s3+$0xC080];
	v11 =	vmovc v60  }
0x27c: {  	v22 =	vadd.f32 v49, v22;
	v57 =	vmul.f32 v47, v14;
	v15 =	vadd.f32 v42, v15;
	v31 =	vld [tilespmem:s3+$0x10100];
	v8 =	vmovc v43  }
0x27d: {  	v19 =	vadd.f32 v54, v19;
	v33 =	vadd.f32 v44, v33;
	v48 =	vld [tilespmem:s3+$0xC000];
	v36 =	vmov v58  }
0x27e: {  	v9 =	vadd.f32 v56, v9;
	v35 =	vadd.f32 v52, v35;
	v14 =	vld [tilespmem:s3+$0x10000]  }
0x27f: {  	v16 =	vadd.f32 v59, v16;
	v42 =	vld [tilespmem:s3+$0x10080];
	v44 =	vmul.f32 v51, v34;
	v54 =	vmul.f32 v8, v34  }
0x280: {  	v26 =	vadd.f32 v50, v26;
	v49 =	vmul.f32 v36, v34;
	v56 =	vmul.f32 v40, v34;
	v47 =	vld [tilespmem:s3+$0x4100]  }
0x281: {  	v30 =	vadd.f32 v55, v30;
	v43 =	vmul.f32 v11, v34;
	v52 =	vld [tilespmem:s3+$0x4000];
	v50 =	vmul.f32 v11, v31  }
0x282: {  	v53 =	vmul.f32 v51, v31;
	v39 =	vadd.f32 v44, v39;
	v21 =	vadd.f32 v49, v21  }
0x283: {  	v58 =	vmul.f32 v8, v31;
	v12 =	vadd.f32 v54, v12;
	v49 =	vmul.f32 v48, v14  }
0x284: {  	v59 =	vmul.f32 v48, v31;
	v38 =	vadd.f32 v56, v38;
	v54 =	vmul.f32 v48, v42  }
.Ltmp6:
0x285: {  	v10 =	vadd.f32 v57, v10;
	v27 =	vadd.f32 v50, v27;
	v55 =	vmul.f32 v51, v42;
	(pc) =	sbr.rel @p0 .LBB2_15-.Ltmp6, $4  }
0x286: {  	v24 =	vadd.f32 v58, v24;
	v44 =	vmul.f32 v11, v42;
	v50 =	vmul.f32 v52, v31  }
0x287: {  	v56 =	vmul.f32 v40, v31;
	v60 =	vmul.f32 v36, v42;
	v45 =	vadd.f32 v54, v45  }
0x288: {  	v46 =	vadd.f32 v59, v46;
	v54 =	vmul.f32 v51, v14;
	v51 =	vmul.f32 v8, v42  }
0x289: {  	s28 =	sadd.s32 $0x40, s28;
	s30 =	smov.u32 s29;
	v58 =	vmul.f32 v52, v14;
	v57 =	vmul.f32 v52, v42;
	v41 =	vadd.f32 v60, v41  }
0x28a: {  	[tilespmem:$0x14A50] =	vst v45  }
0x28b: {  	[tilespmem:$0x14A60] =	vst v46  }
0x28c: {  	[tilespmem:$0x14AB0] =	vst v39  }
0x28d: {  	[tilespmem:$0x14AF0] =	vst v38  }
0x28e: {  	[tilespmem:$0x14B70] =	vst v21  }
0x28f: {  	[tilespmem:$0x14BA0] =	vst v27  }
0x290: {  	[tilespmem:$0x14BE0] =	vst v24  }
0x291: {  	v26 =	vadd.f32 v50, v26;
	[tilespmem:$0x14BF0] =	vst v12  }
0x292: {  	v25 =	vadd.f32 v57, v25;
	[tilespmem:$0x14B50] =	vst v41  }
0x293: {  	v22 =	vadd.f32 v49, v22;
	[tilespmem:$0x14A20] =	vst v26  }
0x294: {  	v19 =	vadd.f32 v54, v19;
	[tilespmem:$0x14A10] =	vst v25;
	v25 =	vmul.f32 v48, v34  }
0x295: {  	v18 =	vadd.f32 v55, v18;
	[tilespmem:$0x14A40] =	vst v22  }
0x296: {  	[tilespmem:$0x14A80] =	vst v19;
	v20 =	vadd.f32 v25, v20  }
0x297: {  	v17 =	vadd.f32 v53, v17;
	[tilespmem:$0x14A90] =	vst v18  }
0x298: {  	v13 =	vadd.f32 v56, v13;
	[tilespmem:$0x14A70] =	vst v20;
	v20 =	vmul.f32 v40, v14  }
0x299: {  	v52 =	vmul.f32 v52, v34;
	v28 =	vadd.f32 v58, v28;
	[tilespmem:$0x14AA0] =	vst v17  }
0x29a: {  	v19 =	vmul.f32 v40, v42;
	[tilespmem:$0x14AE0] =	vst v13;
	v16 =	vadd.f32 v20, v16  }
0x29b: {  	v23 =	vadd.f32 v52, v23;
	v17 =	vmul.f32 v47, v14;
	[tilespmem:$0x14A00] =	vst v28  }
0x29c: {  	v15 =	vadd.f32 v19, v15;
	[tilespmem:$0x14AC0] =	vst v16;
	v16 =	vmul.f32 v47, v42  }
0x29d: {  	v13 =	vmul.f32 v47, v34;
	[tilespmem:$0x14A30] =	vst v23;
	v10 =	vadd.f32 v17, v10  }
0x29e: {  	[tilespmem:$0x14AD0] =	vst v15;
	v15 =	vmul.f32 v47, v31;
	v9 =	vadd.f32 v16, v9  }
0x29f: {  	v6 =	vadd.f32 v13, v6;
	[tilespmem:$0x14B00] =	vst v10;
	v16 =	vmul.f32 v36, v14  }
0x2a0: {  	v7 =	vadd.f32 v15, v7;
	[tilespmem:$0x14B10] =	vst v9;
	v9 =	vmul.f32 v36, v31  }
0x2a1: {  	[tilespmem:$0x14B30] =	vst v6;
	v6 =	vmul.f32 v11, v14;
	v5 =	vadd.f32 v16, v5  }
0x2a2: {  	[tilespmem:$0x14B20] =	vst v7;
	v7 =	vadd.f32 v9, v29  }
0x2a3: {  	[tilespmem:$0x14B40] =	vst v5;
	v5 =	vadd.f32 v6, v30  }
0x2a4: {  	v6 =	vadd.f32 v44, v33;
	[tilespmem:$0x14B60] =	vst v7;
	v7 =	vmul.f32 v8, v14  }
0x2a5: {  	[tilespmem:$0x14B80] =	vst v5;
	v5 =	vadd.f32 v43, v32  }
0x2a6: {  	[tilespmem:$0x14B90] =	vst v6;
	v6 =	vadd.f32 v7, v35  }
0x2a7: {  	v7 =	vadd.f32 v51, v37;
	[tilespmem:$0x14BB0] =	vst v5  }
0x2a8: {  	s3 =	sor.u32 $0x40, s26;
	[tilespmem:$0x14BC0] =	vst v6  }
0x2a9: {  	s5 =	sadd.s32 s0, s3;
	[tilespmem:$0x14BD0] =	vst v7  }
0x2aa: {  	[tilespmem:s17], [sflag:$0x2] =	stream.strided.gather [hbm4b:s5+s14], $0x4000, s15, s14, $0x38;
	[tilespmem:$0x15180] =	vst v63  }
0x2ab: {  	s3 =	sadd.s32 s1, s3  }
0x2ac: {  	[tilespmem:s18], [sflag:$0x2] =	stream.strided.gather [hbm4b:s3+s14], $0x4000, s15, s14, $0x38;
	[tilespmem:$0x15180] =	vst v63  }
0x2ad: {  	_ =	swait.ge [sflag:s19], $0x4000  }
0x2ae: {  	[sflag:s19] =	ssyncset.done $0x0  }
0x2af: {  	[sflag:s19] =	ssyncadd.s32 $0xFFFFC000  }
0x2b0: {  	_ =	swait.ge [sflag:s19], $0x4000  }
0x2b1: {  	[sflag:s19] =	ssyncset.done $0x0  }
0x2b2: {  	[sflag:s19] =	ssyncadd.s32 $0xFFFFC000  }
0x2b3: {  	v27 =	vld [tilespmem:$0x14C00]  }
0x2b4: {  	v24 =	vld [tilespmem:$0x14C10]  }
0x2b5: {  	v25 =	vld [tilespmem:$0x14C20]  }
0x2b6: {  	v23 =	vld [tilespmem:$0x14C30]  }
0x2b7: {  	v22 =	vld [tilespmem:$0x14C40]  }
0x2b8: {  	v37 =	vld [tilespmem:$0x14C50]  }
0x2b9: {  	v41 =	vld [tilespmem:$0x14C60]  }
0x2ba: {  	v20 =	vld [tilespmem:$0x14C70]  }
0x2bb: {  	v19 =	vld [tilespmem:$0x14C80]  }
0x2bc: {  	v18 =	vld [tilespmem:$0x14C90]  }
0x2bd: {  	v17 =	vld [tilespmem:$0x14CA0]  }
0x2be: {  	v14 =	vld [tilespmem:$0x14CB0]  }
0x2bf: {  	v16 =	vld [tilespmem:$0x14CC0]  }
0x2c0: {  	v13 =	vld [tilespmem:$0x14CD0]  }
0x2c1: {  	v12 =	vld [tilespmem:$0x14CE0]  }
0x2c2: {  	v26 =	vld [tilespmem:$0x14CF0]  }
0x2c3: {  	v10 =	vld [tilespmem:$0x14D00]  }
0x2c4: {  	v9 =	vld [tilespmem:$0x14D10]  }
0x2c5: {  	v7 =	vld [tilespmem:$0x14D20]  }
0x2c6: {  	s30 =	simm.s32 $0x0;
	v6 =	vld [tilespmem:$0x14D30]  }
0x2c7: {  	s31 =	sand.u32 $0x70, s30;
	s3 =	sand.u32 $0x3E00, s30;
	v5 =	vld [tilespmem:$0x14D40]  }
0x2c8: {  	s3 =	sor.u32 s31, s3;
	v21 =	vld [tilespmem:$0x14D70]  }
0x2c9: {  	v11 =	vld [tilespmem:s3+$0x180]  }
0x2ca: {  	v8 =	vld [tilespmem:s3+$0x8180]  }
0x2cb: {  	v36 =	vld [tilespmem:s3+$0x8100]  }
0x2cc: {  	v47 =	vld [tilespmem:s3+$0x80]  }
0x2cd: {  	v34 =	vld [tilespmem:s3+$0x10180]  }
0x2ce: {  	v40 =	vld [tilespmem:s3+$0x8080]  }
0x2cf: {  	v31 =	vld [tilespmem:s3+$0x10100]  }
0x2d0: {  	v48 =	vld [tilespmem:s3+$0x8000]  }
0x2d1: {  	v15 =	vld [tilespmem:s3+$0x10000]  }
0x2d2: {  	v42 =	vld [tilespmem:s3+$0x10080]  }
0x2d3: {  	v52 =	vld [tilespmem:s3+$0x0];
	v29 =	vmul.f32 v47, v34;
	v63 =	vmul.f32 v8, v34  }
0x2d4: {  	v28 =	vld [tilespmem:$0x14DA0];
	v60 =	vmul.f32 v40, v34;
	v30 =	vmul.f32 v36, v34  }
0x2d5: {  	v32 =	vld [tilespmem:$0x14DF0];
	v61 =	vmul.f32 v11, v31;
	v43 =	vmul.f32 v11, v34  }
0x2d6: {  	v35 =	vld [tilespmem:$0x14DE0];
	v53 =	vmul.f32 v47, v31;
	v49 =	vmul.f32 v48, v15  }
0x2d7: {  	v59 =	vld [tilespmem:$0x14D50];
	v62 =	vmul.f32 v8, v31;
	v51 =	vmul.f32 v48, v31  }
0x2d8: {  	v33 =	vld [tilespmem:$0x14D90];
	v55 =	vmul.f32 v47, v42;
	v50 =	vmul.f32 v52, v31  }
0x2d9: {  	v44 =	vmul.f32 v11, v42;
	v54 =	vmul.f32 v47, v15;
	v47 =	vld [tilespmem:s3+$0x100]  }
0x2da: {  	v56 =	vmul.f32 v40, v31;
	v58 =	vmul.f32 v52, v15;
	v39 =	vadd.f32 v29, v14;
	v29 =	vld [tilespmem:$0x14D60]  }
0x2db: {  	v21 =	vadd.f32 v30, v21;
	v30 =	vld [tilespmem:$0x14D80];
	v14 =	vadd.f32 v63, v32;
	v63 =	vmul.f32 v48, v42  }
0x2dc: {  	v38 =	vadd.f32 v60, v26;
	v28 =	vadd.f32 v61, v28;
	v32 =	vld [tilespmem:$0x14DB0];
	v60 =	vmul.f32 v36, v42  }
0x2dd: {  	v57 =	vmul.f32 v52, v42;
	v26 =	vadd.f32 v62, v35;
	v35 =	vld [tilespmem:$0x14DC0];
	v46 =	vadd.f32 v51, v41  }
0x2de: {  	s29 =	simm.s32 $0x10;
	s26 =	simm.s32 $0x40;
	v51 =	vmul.f32 v8, v42;
	v45 =	vadd.f32 v63, v37;
	v37 =	vld [tilespmem:$0x14DD0];
	v41 =	vadd.f32 v60, v59  }
.LBB2_17:
0x2df: {  	s28 =	smov.u32 s29  }
0x2e0: {  	s3 =	sand.u32 $0x70, s29;
	s5 =	sand.u32 $0x3E00, s26;
	v59 =	vmul.f32 v40, v15;
	v12 =	vadd.f32 v56, v12;
	v56 =	vmul.f32 v47, v42;
	s28 =	sadd.s32 $0x10, s29  }
0x2e1: {  	p0 =	sne.s32 s29, $0xFF0;
	v48 =	vmul.f32 v48, v34;
	v17 =	vadd.f32 v53, v17;
	v53 =	vmul.f32 v47, v31;
	s3 =	sor.u32 s3, s5  }
0x2e2: {  	v18 =	vadd.f32 v55, v18;
	v55 =	vmul.f32 v36, v15;
	v32 =	vadd.f32 v43, v32;
	v60 =	vld [tilespmem:s3+$0x180]  }
0x2e3: {  	v52 =	vmul.f32 v52, v34;
	v27 =	vadd.f32 v58, v27;
	v20 =	vadd.f32 v48, v20;
	v43 =	vld [tilespmem:s3+$0x8180]  }
0x2e4: {  	v42 =	vmul.f32 v40, v42;
	v40 =	vmul.f32 v47, v34;
	v37 =	vadd.f32 v51, v37;
	v58 =	vld [tilespmem:s3+$0x8100]  }
0x2e5: {  	v31 =	vmul.f32 v36, v31;
	v24 =	vadd.f32 v57, v24;
	v5 =	vadd.f32 v55, v5;
	v51 =	vld [tilespmem:s3+$0x80]  }
0x2e6: {  	v23 =	vadd.f32 v52, v23;
	v6 =	vadd.f32 v40, v6;
	v55 =	vmul.f32 v11, v15;
	v34 =	vld [tilespmem:s3+$0x10180]  }
0x2e7: {  	v7 =	vadd.f32 v53, v7;
	v29 =	vadd.f32 v31, v29;
	v52 =	vmul.f32 v8, v15;
	v40 =	vld [tilespmem:s3+$0x8080];
	v11 =	vmovc v60  }
0x2e8: {  	v22 =	vadd.f32 v49, v22;
	v57 =	vmul.f32 v47, v15;
	v13 =	vadd.f32 v42, v13;
	v31 =	vld [tilespmem:s3+$0x10100];
	v8 =	vmovc v43  }
0x2e9: {  	v19 =	vadd.f32 v54, v19;
	v33 =	vadd.f32 v44, v33;
	v48 =	vld [tilespmem:s3+$0x8000];
	v36 =	vmov v58  }
0x2ea: {  	v9 =	vadd.f32 v56, v9;
	v35 =	vadd.f32 v52, v35;
	v15 =	vld [tilespmem:s3+$0x10000]  }
0x2eb: {  	v16 =	vadd.f32 v59, v16;
	v42 =	vld [tilespmem:s3+$0x10080];
	v44 =	vmul.f32 v51, v34;
	v54 =	vmul.f32 v8, v34  }
0x2ec: {  	v25 =	vadd.f32 v50, v25;
	v49 =	vmul.f32 v36, v34;
	v56 =	vmul.f32 v40, v34;
	v47 =	vld [tilespmem:s3+$0x100]  }
0x2ed: {  	v30 =	vadd.f32 v55, v30;
	v43 =	vmul.f32 v11, v34;
	v52 =	vld [tilespmem:s3+$0x0];
	v50 =	vmul.f32 v11, v31  }
0x2ee: {  	v53 =	vmul.f32 v51, v31;
	v39 =	vadd.f32 v44, v39;
	v21 =	vadd.f32 v49, v21  }
0x2ef: {  	v58 =	vmul.f32 v8, v31;
	v14 =	vadd.f32 v54, v14;
	v49 =	vmul.f32 v48, v15  }
0x2f0: {  	v59 =	vmul.f32 v48, v31;
	v38 =	vadd.f32 v56, v38;
	v54 =	vmul.f32 v48, v42  }
.Ltmp7:
0x2f1: {  	v10 =	vadd.f32 v57, v10;
	v28 =	vadd.f32 v50, v28;
	v55 =	vmul.f32 v51, v42;
	(pc) =	sbr.rel @p0 .LBB2_17-.Ltmp7, $4  }
0x2f2: {  	v26 =	vadd.f32 v58, v26;
	v44 =	vmul.f32 v11, v42;
	v50 =	vmul.f32 v52, v31  }
0x2f3: {  	v56 =	vmul.f32 v40, v31;
	v60 =	vmul.f32 v36, v42;
	v45 =	vadd.f32 v54, v45  }
0x2f4: {  	v46 =	vadd.f32 v59, v46;
	v54 =	vmul.f32 v51, v15;
	v51 =	vmul.f32 v8, v42  }
0x2f5: {  	s26 =	sadd.s32 $0x40, s26;
	s29 =	smov.u32 s28;
	v58 =	vmul.f32 v52, v15;
	v57 =	vmul.f32 v52, v42;
	v41 =	vadd.f32 v60, v41  }
0x2f6: {  	[tilespmem:$0x14C50] =	vst v45  }
0x2f7: {  	[tilespmem:$0x14C60] =	vst v46  }
0x2f8: {  	[tilespmem:$0x14CB0] =	vst v39  }
0x2f9: {  	[tilespmem:$0x14CF0] =	vst v38  }
0x2fa: {  	[tilespmem:$0x14D70] =	vst v21  }
0x2fb: {  	[tilespmem:$0x14DA0] =	vst v28  }
0x2fc: {  	[tilespmem:$0x14DE0] =	vst v26  }
0x2fd: {  	v25 =	vadd.f32 v50, v25;
	[tilespmem:$0x14DF0] =	vst v14  }
0x2fe: {  	v24 =	vadd.f32 v57, v24;
	[tilespmem:$0x14D50] =	vst v41  }
0x2ff: {  	v22 =	vadd.f32 v49, v22;
	[tilespmem:$0x14C20] =	vst v25  }
0x300: {  	v19 =	vadd.f32 v54, v19;
	[tilespmem:$0x14C10] =	vst v24;
	v24 =	vmul.f32 v48, v34  }
0x301: {  	v18 =	vadd.f32 v55, v18;
	[tilespmem:$0x14C40] =	vst v22  }
0x302: {  	[tilespmem:$0x14C80] =	vst v19;
	v20 =	vadd.f32 v24, v20  }
0x303: {  	v17 =	vadd.f32 v53, v17;
	[tilespmem:$0x14C90] =	vst v18  }
0x304: {  	v12 =	vadd.f32 v56, v12;
	[tilespmem:$0x14C70] =	vst v20;
	v20 =	vmul.f32 v40, v15  }
0x305: {  	v52 =	vmul.f32 v52, v34;
	v27 =	vadd.f32 v58, v27;
	[tilespmem:$0x14CA0] =	vst v17  }
0x306: {  	v19 =	vmul.f32 v40, v42;
	[tilespmem:$0x14CE0] =	vst v12;
	v16 =	vadd.f32 v20, v16  }
0x307: {  	v23 =	vadd.f32 v52, v23;
	v17 =	vmul.f32 v47, v15;
	[tilespmem:$0x14C00] =	vst v27  }
0x308: {  	v13 =	vadd.f32 v19, v13;
	[tilespmem:$0x14CC0] =	vst v16;
	v16 =	vmul.f32 v47, v42  }
0x309: {  	v12 =	vmul.f32 v47, v34;
	[tilespmem:$0x14C30] =	vst v23;
	v10 =	vadd.f32 v17, v10  }
0x30a: {  	[tilespmem:$0x14CD0] =	vst v13;
	v13 =	vmul.f32 v47, v31;
	v9 =	vadd.f32 v16, v9  }
0x30b: {  	v6 =	vadd.f32 v12, v6;
	[tilespmem:$0x14D00] =	vst v10;
	v16 =	vmul.f32 v36, v15  }
0x30c: {  	v7 =	vadd.f32 v13, v7;
	[tilespmem:$0x14D10] =	vst v9;
	v9 =	vmul.f32 v36, v31  }
0x30d: {  	[tilespmem:$0x14D30] =	vst v6;
	v6 =	vmul.f32 v11, v15;
	v5 =	vadd.f32 v16, v5  }
0x30e: {  	[tilespmem:$0x14D20] =	vst v7;
	v7 =	vadd.f32 v9, v29  }
0x30f: {  	[tilespmem:$0x14D40] =	vst v5;
	v5 =	vadd.f32 v6, v30  }
0x310: {  	v6 =	vadd.f32 v44, v33;
	[tilespmem:$0x14D60] =	vst v7;
	v7 =	vmul.f32 v8, v15  }
0x311: {  	[tilespmem:$0x14D80] =	vst v5;
	v5 =	vadd.f32 v43, v32  }
0x312: {  	[tilespmem:$0x14D90] =	vst v6;
	v6 =	vadd.f32 v7, v35  }
0x313: {  	v7 =	vadd.f32 v51, v37;
	[tilespmem:$0x14DB0] =	vst v5  }
0x314: {  	[tilespmem:$0x14DC0] =	vst v6  }
0x315: {  	[tilespmem:$0x14DD0] =	vst v7  }
0x316: {  	_ =	swait.ge [sflag:s20], $0x4000  }
0x317: {  	[sflag:s20] =	ssyncset.done $0x0  }
0x318: {  	[sflag:s20] =	ssyncadd.s32 $0xFFFFC000  }
0x319: {  	_ =	swait.ge [sflag:s20], $0x4000  }
0x31a: {  	[sflag:s20] =	ssyncset.done $0x0  }
0x31b: {  	[sflag:s20] =	ssyncadd.s32 $0xFFFFC000  }
0x31c: {  	v27 =	vld [tilespmem:$0x14E00]  }
0x31d: {  	v25 =	vld [tilespmem:$0x14E10]  }
0x31e: {  	v26 =	vld [tilespmem:$0x14E20]  }
0x31f: {  	v23 =	vld [tilespmem:$0x14E30]  }
0x320: {  	v22 =	vld [tilespmem:$0x14E40]  }
0x321: {  	v37 =	vld [tilespmem:$0x14E50]  }
0x322: {  	v41 =	vld [tilespmem:$0x14E60]  }
0x323: {  	v20 =	vld [tilespmem:$0x14E70]  }
0x324: {  	v19 =	vld [tilespmem:$0x14E80]  }
0x325: {  	v18 =	vld [tilespmem:$0x14E90]  }
0x326: {  	v17 =	vld [tilespmem:$0x14EA0]  }
0x327: {  	v11 =	vld [tilespmem:$0x14EB0]  }
0x328: {  	v16 =	vld [tilespmem:$0x14EC0]  }
0x329: {  	v14 =	vld [tilespmem:$0x14ED0]  }
0x32a: {  	v13 =	vld [tilespmem:$0x14EE0]  }
0x32b: {  	v24 =	vld [tilespmem:$0x14EF0]  }
0x32c: {  	v10 =	vld [tilespmem:$0x14F00]  }
0x32d: {  	v9 =	vld [tilespmem:$0x14F10]  }
0x32e: {  	v7 =	vld [tilespmem:$0x14F20]  }
0x32f: {  	s3 =	simm.s32 $0x0;
	v6 =	vld [tilespmem:$0x14F30]  }
0x330: {  	s5 =	sand.u32 $0x70, s3;
	s3 =	sand.u32 $0x3E00, s3;
	v5 =	vld [tilespmem:$0x14F40]  }
0x331: {  	s3 =	sor.u32 s5, s3;
	v21 =	vld [tilespmem:$0x14F70]  }
0x332: {  	v12 =	vld [tilespmem:s3+$0x4180]  }
0x333: {  	v8 =	vld [tilespmem:s3+$0xC180]  }
0x334: {  	v36 =	vld [tilespmem:s3+$0xC100]  }
0x335: {  	v47 =	vld [tilespmem:s3+$0x4080]  }
0x336: {  	v34 =	vld [tilespmem:s3+$0x10180]  }
0x337: {  	v40 =	vld [tilespmem:s3+$0xC080]  }
0x338: {  	v31 =	vld [tilespmem:s3+$0x10100]  }
0x339: {  	v48 =	vld [tilespmem:s3+$0xC000]  }
0x33a: {  	v15 =	vld [tilespmem:s3+$0x10000]  }
0x33b: {  	v42 =	vld [tilespmem:s3+$0x10080]  }
0x33c: {  	v52 =	vld [tilespmem:s3+$0x4000];
	v29 =	vmul.f32 v47, v34;
	v63 =	vmul.f32 v8, v34  }
0x33d: {  	v28 =	vld [tilespmem:$0x14FA0];
	v60 =	vmul.f32 v40, v34;
	v30 =	vmul.f32 v36, v34  }
0x33e: {  	v32 =	vld [tilespmem:$0x14FF0];
	v61 =	vmul.f32 v12, v31;
	v43 =	vmul.f32 v12, v34  }
0x33f: {  	v35 =	vld [tilespmem:$0x14FE0];
	v53 =	vmul.f32 v47, v31;
	v49 =	vmul.f32 v48, v15  }
0x340: {  	v59 =	vld [tilespmem:$0x14F50];
	v62 =	vmul.f32 v8, v31;
	v51 =	vmul.f32 v48, v31  }
0x341: {  	v33 =	vld [tilespmem:$0x14F90];
	v55 =	vmul.f32 v47, v42;
	v50 =	vmul.f32 v52, v31  }
0x342: {  	v44 =	vmul.f32 v12, v42;
	v54 =	vmul.f32 v47, v15;
	v47 =	vld [tilespmem:s3+$0x4100]  }
0x343: {  	v56 =	vmul.f32 v40, v31;
	v58 =	vmul.f32 v52, v15;
	v39 =	vadd.f32 v29, v11;
	v29 =	vld [tilespmem:$0x14F60]  }
0x344: {  	v21 =	vadd.f32 v30, v21;
	v30 =	vld [tilespmem:$0x14F80];
	v11 =	vadd.f32 v63, v32;
	v63 =	vmul.f32 v48, v42  }
0x345: {  	v38 =	vadd.f32 v60, v24;
	v28 =	vadd.f32 v61, v28;
	v32 =	vld [tilespmem:$0x14FB0];
	v60 =	vmul.f32 v36, v42  }
0x346: {  	v57 =	vmul.f32 v52, v42;
	v24 =	vadd.f32 v62, v35;
	v35 =	vld [tilespmem:$0x14FC0];
	v46 =	vadd.f32 v51, v41  }
0x347: {  	s29 =	simm.s32 $0x10;
	s26 =	simm.s32 $0x40;
	v51 =	vmul.f32 v8, v42;
	v45 =	vadd.f32 v63, v37;
	v37 =	vld [tilespmem:$0x14FD0];
	v41 =	vadd.f32 v60, v59  }
.LBB2_19:
0x348: {  	s28 =	smov.u32 s29  }
0x349: {  	s3 =	sand.u32 $0x70, s29;
	s5 =	sand.u32 $0x3E00, s26;
	v59 =	vmul.f32 v40, v15;
	v13 =	vadd.f32 v56, v13;
	v56 =	vmul.f32 v47, v42;
	s28 =	sadd.s32 $0x10, s29  }
0x34a: {  	p0 =	sne.s32 s29, $0xFF0;
	v48 =	vmul.f32 v48, v34;
	v17 =	vadd.f32 v53, v17;
	v53 =	vmul.f32 v47, v31;
	s3 =	sor.u32 s3, s5  }
0x34b: {  	v18 =	vadd.f32 v55, v18;
	v55 =	vmul.f32 v36, v15;
	v32 =	vadd.f32 v43, v32;
	v60 =	vld [tilespmem:s3+$0x4180]  }
0x34c: {  	v52 =	vmul.f32 v52, v34;
	v27 =	vadd.f32 v58, v27;
	v20 =	vadd.f32 v48, v20;
	v43 =	vld [tilespmem:s3+$0xC180]  }
0x34d: {  	v42 =	vmul.f32 v40, v42;
	v40 =	vmul.f32 v47, v34;
	v37 =	vadd.f32 v51, v37;
	v58 =	vld [tilespmem:s3+$0xC100]  }
0x34e: {  	v31 =	vmul.f32 v36, v31;
	v25 =	vadd.f32 v57, v25;
	v5 =	vadd.f32 v55, v5;
	v51 =	vld [tilespmem:s3+$0x4080]  }
0x34f: {  	v23 =	vadd.f32 v52, v23;
	v6 =	vadd.f32 v40, v6;
	v55 =	vmul.f32 v12, v15;
	v34 =	vld [tilespmem:s3+$0x10180]  }
0x350: {  	v7 =	vadd.f32 v53, v7;
	v29 =	vadd.f32 v31, v29;
	v52 =	vmul.f32 v8, v15;
	v40 =	vld [tilespmem:s3+$0xC080];
	v12 =	vmovc v60  }
0x351: {  	v22 =	vadd.f32 v49, v22;
	v57 =	vmul.f32 v47, v15;
	v14 =	vadd.f32 v42, v14;
	v31 =	vld [tilespmem:s3+$0x10100];
	v8 =	vmovc v43  }
0x352: {  	v19 =	vadd.f32 v54, v19;
	v33 =	vadd.f32 v44, v33;
	v48 =	vld [tilespmem:s3+$0xC000];
	v36 =	vmov v58  }
0x353: {  	v9 =	vadd.f32 v56, v9;
	v35 =	vadd.f32 v52, v35;
	v15 =	vld [tilespmem:s3+$0x10000]  }
0x354: {  	v16 =	vadd.f32 v59, v16;
	v42 =	vld [tilespmem:s3+$0x10080];
	v44 =	vmul.f32 v51, v34;
	v54 =	vmul.f32 v8, v34  }
0x355: {  	v26 =	vadd.f32 v50, v26;
	v49 =	vmul.f32 v36, v34;
	v56 =	vmul.f32 v40, v34;
	v47 =	vld [tilespmem:s3+$0x4100]  }
0x356: {  	v30 =	vadd.f32 v55, v30;
	v43 =	vmul.f32 v12, v34;
	v52 =	vld [tilespmem:s3+$0x4000];
	v50 =	vmul.f32 v12, v31  }
0x357: {  	v53 =	vmul.f32 v51, v31;
	v39 =	vadd.f32 v44, v39;
	v21 =	vadd.f32 v49, v21  }
0x358: {  	v58 =	vmul.f32 v8, v31;
	v11 =	vadd.f32 v54, v11;
	v49 =	vmul.f32 v48, v15  }
0x359: {  	v59 =	vmul.f32 v48, v31;
	v38 =	vadd.f32 v56, v38;
	v54 =	vmul.f32 v48, v42  }
.Ltmp8:
0x35a: {  	v10 =	vadd.f32 v57, v10;
	v28 =	vadd.f32 v50, v28;
	v55 =	vmul.f32 v51, v42;
	(pc) =	sbr.rel @p0 .LBB2_19-.Ltmp8, $4  }
0x35b: {  	v24 =	vadd.f32 v58, v24;
	v44 =	vmul.f32 v12, v42;
	v50 =	vmul.f32 v52, v31  }
0x35c: {  	v56 =	vmul.f32 v40, v31;
	v60 =	vmul.f32 v36, v42;
	v45 =	vadd.f32 v54, v45  }
0x35d: {  	v46 =	vadd.f32 v59, v46;
	v54 =	vmul.f32 v51, v15;
	v51 =	vmul.f32 v8, v42  }
0x35e: {  	s26 =	sadd.s32 $0x40, s26;
	s29 =	smov.u32 s28;
	v58 =	vmul.f32 v52, v15;
	v57 =	vmul.f32 v52, v42;
	v41 =	vadd.f32 v60, v41  }
0x35f: {  	[tilespmem:$0x14E50] =	vst v45  }
0x360: {  	[tilespmem:$0x14E60] =	vst v46  }
0x361: {  	[tilespmem:$0x14EB0] =	vst v39  }
0x362: {  	[tilespmem:$0x14EF0] =	vst v38  }
0x363: {  	[tilespmem:$0x14F70] =	vst v21  }
0x364: {  	[tilespmem:$0x14FA0] =	vst v28  }
0x365: {  	[tilespmem:$0x14FE0] =	vst v24  }
0x366: {  	v26 =	vadd.f32 v50, v26;
	[tilespmem:$0x14FF0] =	vst v11  }
0x367: {  	v22 =	vadd.f32 v49, v22;
	[tilespmem:$0x14F50] =	vst v41  }
0x368: {  	v19 =	vadd.f32 v54, v19;
	[tilespmem:$0x14E20] =	vst v26  }
0x369: {  	v18 =	vadd.f32 v55, v18;
	[tilespmem:$0x14E40] =	vst v22  }
0x36a: {  	v17 =	vadd.f32 v53, v17;
	[tilespmem:$0x14E80] =	vst v19  }
0x36b: {  	v13 =	vadd.f32 v56, v13;
	[tilespmem:$0x14E90] =	vst v18  }
0x36c: {  	v52 =	vmul.f32 v52, v34;
	v27 =	vadd.f32 v58, v27;
	[tilespmem:$0x14EA0] =	vst v17  }
0x36d: {  	v55 =	vmul.f32 v40, v15;
	v25 =	vadd.f32 v57, v25;
	[tilespmem:$0x14EE0] =	vst v13  }
0x36e: {  	v59 =	vmul.f32 v47, v42;
	v23 =	vadd.f32 v52, v23;
	[tilespmem:$0x14E00] =	vst v27  }
0x36f: {  	v60 =	vmul.f32 v47, v31;
	v16 =	vadd.f32 v55, v16;
	[tilespmem:$0x14E10] =	vst v25  }
0x370: {  	v61 =	vmul.f32 v47, v34;
	v9 =	vadd.f32 v59, v9;
	[tilespmem:$0x14E30] =	vst v23  }
0x371: {  	v62 =	vmul.f32 v36, v15;
	v7 =	vadd.f32 v60, v7;
	[tilespmem:$0x14EC0] =	vst v16  }
0x372: {  	v57 =	vmul.f32 v40, v42;
	v6 =	vadd.f32 v61, v6;
	[tilespmem:$0x14F10] =	vst v9  }
0x373: {  	v58 =	vmul.f32 v47, v15;
	v5 =	vadd.f32 v62, v5;
	[tilespmem:$0x14F20] =	vst v7  }
0x374: {  	v52 =	vmul.f32 v48, v34;
	v14 =	vadd.f32 v57, v14;
	[tilespmem:$0x14F30] =	vst v6  }
0x375: {  	v63 =	vmul.f32 v36, v31;
	v10 =	vadd.f32 v58, v10;
	[tilespmem:$0x14F40] =	vst v5  }
0x376: {  	v20 =	vadd.f32 v52, v20;
	v6 =	vmul.f32 v12, v15;
	[tilespmem:$0x14ED0] =	vst v14  }
0x377: {  	v7 =	vadd.f32 v63, v29;
	[tilespmem:$0x14F00] =	vst v10  }
0x378: {  	s25 =	sadd.s32 $0x1, s25;
	[tilespmem:$0x14E70] =	vst v20;
	v5 =	vadd.f32 v6, v30  }
0x379: {  	p0 =	sne.s32 s25, $0x4;
	[tilespmem:$0x14F60] =	vst v7;
	v6 =	vadd.f32 v44, v33;
	v7 =	vmul.f32 v8, v15  }
.Ltmp9:
0x37a: {  	[tilespmem:$0x14F80] =	vst v5;
	v5 =	vadd.f32 v43, v32;
	(pc) =	sbr.rel @p0 .LBB2_4-.Ltmp9, $4  }
0x37b: {  	[tilespmem:$0x14F90] =	vst v6;
	v6 =	vadd.f32 v7, v35  }
0x37c: {  	v7 =	vadd.f32 v51, v37;
	[tilespmem:$0x14FB0] =	vst v5  }
0x37d: {  	[tilespmem:$0x14FC0] =	vst v6  }
0x37e: {  	[tilespmem:$0x14FD0] =	vst v7  }
0x37f: {  	s24 =	simm.s32 $0x14000  }
0x380: {  	v5 =	vld [tilespmem:s24+$0x0];
	_ =	sdelay $0x4  }
0x381: {  	[tilespmem:$0x15100] =	vst v5  }
0x382: {  	v6 =	vld.idx.msk [tilespmem:v1+s21+$0x0], $0xffff;
	_ =	sdelay $0x4  }
0x383: {  	v5 =	vadd.f32 v6, v5;
	_ =	sdelay $0x1  }
0x384: {  	[tilespmem:$0x15100] =	vst v5  }
0x385: {  	v6 =	vld.idx.msk [tilespmem:v2+s21+$0x0], $0xffff;
	_ =	sdelay $0x4  }
0x386: {  	v5 =	vadd.f32 v6, v5;
	_ =	sdelay $0x1  }
0x387: {  	[tilespmem:$0x15100] =	vst v5  }
0x388: {  	v6 =	vld.idx.msk [tilespmem:v3+s21+$0x0], $0xffff;
	_ =	sdelay $0x4  }
0x389: {  	v6 =	vadd.f32 v6, v5;
	_ =	sdelay $0x1  }
0x38a: {  	[tilespmem:$0x15100] =	vst v6  }
0x38b: {  	v7 =	vld.idx.msk [tilespmem:v4+s21+$0x0], $0xffff  }
0x38c: {  	s3 =	simm.s32 $0x0  }
0x38d: {  	v5 =	vmov s3;
	_ =	sdelay $0x2  }
0x38e: {  	s25 =	simm.s32 $0x1;
	v6 =	vadd.f32 v7, v6  }
.LBB2_22:
0x38f: {  	p0 =	sne.s32 s25, $0xFF  }
0x390: {  	s24 =	sadd.s32 $0x10, s24;
	s3 =	smov.u32 s25;
	s25 =	sadd.s32 $0x1, s25;
	[tilespmem:v5+s22+$0x0] =	vst.idx.msk $0x1, v6  }
0x391: {  	v5 =	vld [tilespmem:s24+$0x0];
	_ =	sdelay $0x4  }
0x392: {  	[tilespmem:$0x15100] =	vst v5  }
0x393: {  	v6 =	vld.idx.msk [tilespmem:v1+s21+$0x0], $0xffff;
	_ =	sdelay $0x5  }
0x394: {  	v5 =	vadd.f32 v6, v5;
	_ =	sdelay $0x1  }
0x395: {  	[tilespmem:$0x15100] =	vst v5  }
0x396: {  	v6 =	vld.idx.msk [tilespmem:v2+s21+$0x0], $0xffff;
	_ =	sdelay $0x5  }
0x397: {  	v5 =	vadd.f32 v6, v5;
	_ =	sdelay $0x1  }
0x398: {  	[tilespmem:$0x15100] =	vst v5  }
0x399: {  	v6 =	vld.idx.msk [tilespmem:v3+s21+$0x0], $0xffff;
	_ =	sdelay $0x5  }
0x39a: {  	v6 =	vadd.f32 v6, v5;
	_ =	sdelay $0x1  }
0x39b: {  	[tilespmem:$0x15100] =	vst v6  }
0x39c: {  	v7 =	vld.idx.msk [tilespmem:v4+s21+$0x0], $0xffff;
	_ =	sdelay $0x1  }
.Ltmp10:
0x39d: {  	(pc) =	sbr.rel @p0 .LBB2_22-.Ltmp10, $2  }
0x39e: {  	v5 =	vmov s3;
	_ =	sdelay $0x2  }
0x39f: {  	v6 =	vadd.f32 v7, v6  }
0x3a0: {  	_ =	sdelay $0x1  }
0x3a1: {  	s23 =	sadd.s32 $0x1, s23  }
0x3a2: {  	p0 =	sne.s32 s23, s11  }
.Ltmp11:
0x3a3: {  	[tilespmem:v5+s22+$0x0] =	vst.idx.msk $0x1, v6;
	(pc) =	sbr.rel @p0 .LBB2_1-.Ltmp11, $4  }
0x3a4: {  	[hbm4b:s10+s4] =	stream.linear.scatter [tilespmem:s22], [sflag:$0x3], $0x100, $0x38;
	[tilespmem:$0x15180] =	vst v63  }
0x3a5: {  	_ =	swait.ge [sflag:s13], $0x100  }
0x3a6: {  	[sflag:s13] =	ssyncset.done $0x0  }
0x3a7: {  	[sflag:s13] =	ssyncadd.s32 $0xFFFFFF00  }
0x3a8: {  	_ =	sfence.sel $0x180000  }
0x3a9: {  	[bflag:$0x0] =	sbarrier.arrive $0xFFFF  }
0x3aa: {  	_ =	strace $0x90000047  }
0x3ab: {  	s0 =	stileid.u32;
	[bflag:$0x2] =	sbarrier.arrive $0xFFFF  }
0x3ac: {  	p0 =	sne.s32 s0, $0x0;
	s0 =	rddreg [dreg:$0x4]  }
0x3ad: {  	s0 =	sadd.s32 @!p0 $0x100000, s0  }
0x3ae: {  	[sflag:s0] =	ssyncadd.tile.s32 @!p0 $0x1;
	_ =	shalt  }
.Lfunc_end2:
_tile_overlayer_lowered:
.L_overlay_start_2:
0x3af: {  	(tag) =	ssettag $0x2  }
0x3b0: {  	s0 =	rddreg [dreg:$0x0];
	s2 =	stileid.u32  }
0x3b1: {  	s1 =	rddreg [dreg:$0x1];
	p0 =	sne.s32 s2, $0x0  }
0x3b2: {  	s3 =	rddreg [dreg:$0x2];
	[bflag:$0x3] =	sbarrier.arrive $0xFFFF;
	s2 =	simm.s32 @!p0 $0x1C03  }
0x3b3: {  	[timem:s3], [sflag:s2] =	dma.local @!p0 [hbm:s0], s1  }
0x3b4: {  	s0 =	simm.s32 @!p0 $0x3  }
0x3b5: {  	_ =	swait.ge @!p0 [sflag:s0], s1  }
0x3b6: {  	s1 =	ssub.s32 @!p0 $0x0, s1;
	[sflag:s0] =	ssyncset.done @!p0 $0x0  }
0x3b7: {  	[sflag:s0] =	ssyncadd.s32 @!p0 s1  }
0x3b8: {  	[bflag:$0x3] =	sbarrier.arrive $0xFFFF  }
0x3b9: {  	_ =	shalt  }

</sc_bundles>
